<compile_context>
chip_gen: v7x
topology: tpu7x:2x2x1
jax: 0.10.2.dev20260603
libtpu: 0.0.44.dev20260713+nightly
codegen_flags: <defaults>
</compile_context>

<pallas_src>
import functools

import jax
import jax.numpy as jnp
from jax import lax
from jax.experimental import pallas as pl
from jax.experimental.pallas import tpu as pltpu
from jax.experimental.pallas import tpu_sc as plsc

_H = 512
_W = 512
_R = 1024
_C = 256
_K = 1024
_N = _H * _W



_roll = pltpu.roll


def _dyn_lane_cmpex(s, i, j, desc):
    ln = s.shape[1]
    l = lax.broadcasted_iota(jnp.int32, s.shape, 1)
    is_lo = (l & j) == 0
    ps = jnp.where(is_lo, _roll(s, ln - j, 1), _roll(s, j, 1))
    pi = jnp.where(is_lo, _roll(i, ln - j, 1), _roll(i, j, 1))
    beats = (s > ps) | ((s == ps) & (i < pi))
    keep = is_lo ^ beats ^ desc
    return jnp.where(keep, s, ps), jnp.where(keep, i, pi)


def _sort_rows(s, i):
    r = lax.broadcasted_iota(jnp.int32, s.shape, 0)
    l = lax.broadcasted_iota(jnp.int32, s.shape, 1)
    rowdesc = (r & (s.shape[0] // 2)) == 0

    def stage(g, si):
        p = jnp.int32(1)
        for k in (1, 3, 6, 10, 15, 21, 28, 36, 45):
            p = p + jnp.where(g >= k, 1, 0).astype(jnp.int32)
        start = (p * (p - 1)) // 2
        kk = jnp.left_shift(jnp.int32(1), p)
        j = jnp.left_shift(jnp.int32(1), p - 1 - (g - start))
        desc = ~(((l & kk) == 0) ^ rowdesc)
        return _dyn_lane_cmpex(si[0], si[1], j, desc)

    return lax.fori_loop(0, 55, stage, (s, i), unroll=2)


def _lane_cmpex(s, i, j, desc):
    ln = s.shape[1]
    l = lax.broadcasted_iota(jnp.int32, s.shape, 1)
    is_lo = (l & j) == 0
    ps = jnp.where(is_lo, _roll(s, ln - j, 1), _roll(s, j, 1))
    pi = jnp.where(is_lo, _roll(i, ln - j, 1), _roll(i, j, 1))
    beats = (s > ps) | ((s == ps) & (i < pi))
    keep = is_lo ^ beats ^ desc
    return jnp.where(keep, s, ps), jnp.where(keep, i, pi)


def _merge_tree(s, i):
    while s.shape[0] > 1:
        h = s.shape[0] // 2
        sa, sb = s[:h], s[h:]
        ia, ib = i[:h], i[h:]
        beats = (sa > sb) | ((sa == sb) & (ia < ib))
        s = jnp.where(beats, sa, sb)
        i = jnp.where(beats, ia, ib)
        if h > 1:
            r = lax.broadcasted_iota(jnp.int32, s.shape, 0)
            desc = (r & (h // 2)) == 0
        else:
            desc = lax.broadcasted_iota(jnp.int32, s.shape, 0) >= 0
        j = _R // 2
        while j >= 1:
            s, i = _lane_cmpex(s, i, j, desc)
            j //= 2
    return s, i


def _topk_body(score_ref, scores_ref, idx_ref):
    s = score_ref[0, 0].reshape(_C, _R)
    idx = (lax.broadcasted_iota(jnp.int32, (_C, _R), 0) * _R
           + lax.broadcasted_iota(jnp.int32, (_C, _R), 1))
    s, idx = _sort_rows(s, idx)
    s1, i1 = _merge_tree(s, idx)
    scores_ref[0] = s1.reshape(8, 128)
    idx_ref[0] = i1.reshape(8, 128)


def _run_topk(preds):
    B = preds.shape[0]
    return pl.pallas_call(
        _topk_body,
        grid=(B,),
        in_specs=[pl.BlockSpec((1, 1, _H, _W), lambda b: (b, 0, 0, 0))],
        out_specs=[
            pl.BlockSpec((1, 8, 128), lambda b: (b, 0, 0)),
            pl.BlockSpec((1, 8, 128), lambda b: (b, 0, 0)),
        ],
        out_shape=[
            jax.ShapeDtypeStruct((B, 8, 128), jnp.float32),
            jax.ShapeDtypeStruct((B, 8, 128), jnp.int32),
        ],
    )(preds[:, :1])



_NW = 32
_PER = (8 * _K) // _NW


def _box_body(hw_hbm, idx_hbm, out_hbm, idxv, gh, gw, hv, wv, c0, c1, c2, c3,
              sem):
    wid = lax.axis_index("s") * 2 + lax.axis_index("c")
    b = wid // 4
    q = wid % 4
    base = wid * _PER

    pltpu.sync_copy(idx_hbm.at[pl.ds(base, _PER)], idxv)

    hbase = (b * 2) * _N
    wbase = (b * 2 + 1) * _N
    for k in range(_PER // 16):
        iv = idxv[pl.ds(k * 16, 16)]
        gh[k // 8, pl.ds((k % 8) * 16, 16)] = iv + hbase
        gw[k // 8, pl.ds((k % 8) * 16, 16)] = iv + wbase

    cps = []
    for j in range(2):
        cps.append(pltpu.async_copy(
            hw_hbm.at[gh.at[j]], hv.at[pl.ds(j * 128, 128)], sem))
        cps.append(pltpu.async_copy(
            hw_hbm.at[gw.at[j]], wv.at[pl.ds(j * 128, 128)], sem))
    for cp in cps:
        cp.wait()

    for k in range(_PER // 16):
        sl = pl.ds(k * 16, 16)
        iv = idxv[sl]
        xg = (iv & (_W - 1)).astype(jnp.float32)
        yg = (iv >> 9).astype(jnp.float32)
        hb = jnp.maximum(hv[sl], 1e-6) * _H
        wb = jnp.maximum(wv[sl], 1e-6) * _W
        c0[sl] = xg - wb * 0.5
        c1[sl] = yg - hb * 0.5
        c2[sl] = xg + wb * 0.5
        c3[sl] = yg + hb * 0.5

    obase = b * 4 * _K + q * _PER
    pltpu.sync_copy(c0, out_hbm.at[pl.ds(obase, _PER)])
    pltpu.sync_copy(c1, out_hbm.at[pl.ds(obase + _K, _PER)])
    pltpu.sync_copy(c2, out_hbm.at[pl.ds(obase + 2 * _K, _PER)])
    pltpu.sync_copy(c3, out_hbm.at[pl.ds(obase + 3 * _K, _PER)])


def _run_boxes(preds, idx):
    hw_flat = preds[:, 1:3].reshape(-1)
    idx_flat = idx.reshape(-1)
    mesh = plsc.VectorSubcoreMesh(core_axis_name="c", subcore_axis_name="s")
    f = functools.partial(
        pl.kernel,
        mesh=mesh,
        out_type=jax.ShapeDtypeStruct((8 * 4 * _K,), jnp.float32),
        scratch_types=[
            pltpu.VMEM((_PER,), jnp.int32),
            pltpu.VMEM((2, 128), jnp.int32),
            pltpu.VMEM((2, 128), jnp.int32),
            pltpu.VMEM((_PER,), jnp.float32),
            pltpu.VMEM((_PER,), jnp.float32),
            pltpu.VMEM((_PER,), jnp.float32),
            pltpu.VMEM((_PER,), jnp.float32),
            pltpu.VMEM((_PER,), jnp.float32),
            pltpu.VMEM((_PER,), jnp.float32),
            pltpu.SemaphoreType.DMA,
        ],
    )(_box_body)
    out = f(hw_flat, idx_flat)
    return out.reshape(8, 4, _K).transpose(0, 2, 1)


def kernel(preds):
    B = preds.shape[0]
    scores, idx = _run_topk(preds)
    boxes = _run_boxes(preds, idx)
    return boxes, scores.reshape(B, _K)

# --- scband reference (transcript-rebuilt; emitter-appended) ---
"""Pipeline reference for scband-decoder-v1-18631568130306 (READ-ONLY COPY).

The authoritative reference and input builder live on the scoring server;
editing this copy changes nothing except your own understanding.
"""

import jax, jax.numpy as jnp
import numpy as np

IOU_THRESHOLD = 1.0
SCORE_THRESHOLD = -99999.0
TOPK = 1024


def setup_inputs(seed: int = 0) -> dict:
    key = jax.random.key(seed)
    preds = jax.random.normal(key, (8, 3, 512, 512), dtype=jnp.float32)
    return {"preds": preds}


def _nms_keep(boxes, iou_threshold):
    # Greedy NMS over score-descending boxes; returns keep mask.
    N = boxes.shape[0]
    x1, y1, x2, y2 = boxes[:, 0], boxes[:, 1], boxes[:, 2], boxes[:, 3]
    areas = (x2 - x1) * (y2 - y1)
    order = jnp.arange(N)

    def body(i, keep):
        xx1 = jnp.maximum(x1[i], x1)
        yy1 = jnp.maximum(y1[i], y1)
        xx2 = jnp.minimum(x2[i], x2)
        yy2 = jnp.minimum(y2[i], y2)
        w = jnp.maximum(xx2 - xx1, 0.0)
        h = jnp.maximum(yy2 - yy1, 0.0)
        inter = w * h
        iou = inter / (areas[i] + areas - inter + 1e-12)
        suppress = (iou > iou_threshold) & (order > i) & keep[i]
        return keep & (~suppress)

    return jax.lax.fori_loop(0, N, body, jnp.ones((N,), dtype=bool))


def _decode_one(pred):
    C, H, W = pred.shape
    scores = pred[0].reshape(-1)
    heights = pred[1].reshape(-1)
    widths = pred[2].reshape(-1)
    grid_y, grid_x = jnp.meshgrid(jnp.arange(H), jnp.arange(W), indexing='ij')
    centers = jnp.stack((grid_x.reshape(-1), grid_y.reshape(-1)), axis=1).astype(pred.dtype)
    keep = scores > SCORE_THRESHOLD
    # score_threshold is -99999 so all candidates pass; nonzero(size=) keeps shapes static
    idx = jnp.nonzero(keep, size=H * W, fill_value=0)[0]
    scores = scores[idx]
    heights = heights[idx]
    widths = widths[idx]
    centers = centers[idx]
    heights = jnp.maximum(heights, 1e-06) * H
    widths = jnp.maximum(widths, 1e-06) * W
    half_w = widths * 0.5
    half_h = heights * 0.5
    x1 = centers[:, 0] - half_w
    y1 = centers[:, 1] - half_h
    x2 = centers[:, 0] + half_w
    y2 = centers[:, 1] + half_h
    boxes = jnp.stack((x1, y1, x2, y2), axis=1)
    topk_vals, topk_idx = jax.lax.top_k(scores, TOPK)
    boxes = boxes[topk_idx]
    scores = topk_vals
    keep_mask = _nms_keep(jax.lax.stop_gradient(boxes), IOU_THRESHOLD)
    # iou_threshold == 1.0 -> nothing suppressed, all TOPK boxes kept (sorted by score)
    keep_idx = jnp.nonzero(keep_mask, size=TOPK, fill_value=0)[0]
    return boxes[keep_idx], scores[keep_idx]


def reference(preds):
    B = preds.shape[0]
    boxes_list = []
    scores_list = []
    for b in range(B):
        bx, sc = _decode_one(preds[b])
        boxes_list.append(bx)
        scores_list.append(sc)
    return (jnp.stack(boxes_list, axis=0), jnp.stack(scores_list, axis=0))

if __name__ == "__main__":
    import jax
    _d = setup_inputs()
    print(jax.jit(kernel)(*tuple(_d.values())))

</pallas_src>

<mosaic_0001>
#map = affine_map<(d0, d1) -> (0)>
module attributes {stable_mosaic.version = 14 : i64} {
  func.func @_box_body(%arg0: i32, %arg1: i32, %arg2: memref<4194304xf32, #tpu.memory_space<hbm>>, %arg3: memref<8192xi32, #tpu.memory_space<hbm>>, %arg4: memref<32768xf32, #tpu.memory_space<hbm>>, %arg5: memref<256xi32, #tpu.memory_space<vmem>>, %arg6: memref<2x128xi32, #tpu.memory_space<vmem>>, %arg7: memref<2x128xi32, #tpu.memory_space<vmem>>, %arg8: memref<256xf32, #tpu.memory_space<vmem>>, %arg9: memref<256xf32, #tpu.memory_space<vmem>>, %arg10: memref<256xf32, #tpu.memory_space<vmem>>, %arg11: memref<256xf32, #tpu.memory_space<vmem>>, %arg12: memref<256xf32, #tpu.memory_space<vmem>>, %arg13: memref<256xf32, #tpu.memory_space<vmem>>, %arg14: memref<!tpu.dma_semaphore, #tpu.memory_space<semaphore_mem>>) attributes {dimension_semantics = [#tpu.dimension_semantics<core_parallel>, #tpu.dimension_semantics<subcore_parallel>], iteration_bounds = array<i64: 2, 16>, scalar_prefetch = 0 : i64, scratch_operands = 10 : i64, tpu.core_type = #tpu.core_type<sc_vector_subcore>, window_params = [{transform_indices = #map}, {transform_indices = #map}, {transform_indices = #map}]} {
    %mul3A = arith.constant 2 : i32
    %mul3A_0 = arith.muli %arg1, %mul3A : i32
    %add3A = arith.addi %mul3A_0, %arg0 : i32
    %jit3A = arith.constant 4 : i32
    %div3A = arith.divsi %add3A, %jit3A : i32
    %sign3A = arith.constant 0 : i32
    %sign3A_1 = arith.cmpi sgt, %add3A, %sign3A : i32
    %sign3A_2 = arith.extui %sign3A_1 : i1 to i32
    %sign3A_3 = arith.constant 0 : i32
    %sign3A_4 = arith.cmpi slt, %add3A, %sign3A_3 : i32
    %sign3A_5 = arith.extui %sign3A_4 : i1 to i32
    %sign3A_6 = arith.subi %sign3A_2, %sign3A_5 : i32
    %sign3A_7 = arith.constant 0 : i32
    %sign3A_8 = arith.cmpi sgt, %jit3A, %sign3A_7 : i32
    %sign3A_9 = arith.extui %sign3A_8 : i1 to i32
    %sign3A_10 = arith.constant 0 : i32
    %sign3A_11 = arith.cmpi slt, %jit3A, %sign3A_10 : i32
    %sign3A_12 = arith.extui %sign3A_11 : i1 to i32
    %sign3A_13 = arith.subi %sign3A_9, %sign3A_12 : i32
    %ne3A = arith.cmpi ne, %sign3A_6, %sign3A_13 : i32
    %rem3A = arith.remsi %add3A, %jit3A : i32
    %ne3A_14 = arith.constant 0 : i32
    %ne3A_15 = arith.cmpi ne, %rem3A, %ne3A_14 : i32
    %and3A = arith.andi %ne3A, %ne3A_15 : i1
    %sub3A = arith.constant 1 : i32
    %sub3A_16 = arith.subi %div3A, %sub3A : i32
    %select_n3A = arith.select %and3A, %sub3A_16, %div3A : i32
    %jit3A_17 = arith.constant 4 : i32
    %eq3A = arith.constant 0 : i32
    %eq3A_18 = arith.cmpi eq, %jit3A_17, %eq3A : i32
    %jit3A_19 = arith.constant 1 : i32
    %select_n3A_20 = arith.select %eq3A_18, %jit3A_19, %jit3A_17 : i32
    %rem3A_21 = arith.remsi %add3A, %select_n3A_20 : i32
    %ne3A_22 = arith.constant 0 : i32
    %ne3A_23 = arith.cmpi ne, %rem3A_21, %ne3A_22 : i32
    %lt3A = arith.constant 0 : i32
    %lt3A_24 = arith.cmpi slt, %rem3A_21, %lt3A : i32
    %lt3A_25 = arith.constant 0 : i32
    %lt3A_26 = arith.cmpi slt, %select_n3A_20, %lt3A_25 : i32
    %ne3A_27 = arith.xori %lt3A_24, %lt3A_26 : i1
    %and3A_28 = arith.andi %ne3A_27, %ne3A_23 : i1
    %add3A_29 = arith.addi %rem3A_21, %select_n3A_20 : i32
    %select_n3A_30 = arith.select %and3A_28, %add3A_29, %rem3A_21 : i32
    %mul3A_31 = arith.constant 256 : i32
    %mul3A_32 = arith.muli %add3A, %mul3A_31 : i32
    "tpu.region"() ({
      %run_scoped3A = tpu.sem_alloc : memref<!tpu.dma_semaphore, #tpu.memory_space<semaphore_mem>>
      %dma_start3A_1393 = tpu.memref_slice %arg3[%mul3A_32] : memref<8192xi32, #tpu.memory_space<hbm>> -> memref<256xi32, #tpu.memory_space<hbm>>
      %dma_start3A_1394 = tpu.memref_slice %arg3[%mul3A_32] : memref<8192xi32, #tpu.memory_space<hbm>> -> memref<256xi32, #tpu.memory_space<hbm>>
      tpu.enqueue_dma source(%dma_start3A_1394 : memref<256xi32, #tpu.memory_space<hbm>>) target(%arg5 : memref<256xi32, #tpu.memory_space<vmem>>) target_semaphore(%run_scoped3A : memref<!tpu.dma_semaphore, #tpu.memory_space<semaphore_mem>>)
      %dma_wait3A_1395 = tpu.memref_slice %arg3[%mul3A_32] : memref<8192xi32, #tpu.memory_space<hbm>> -> memref<256xi32, #tpu.memory_space<hbm>>
      %dma_wait3A_1396 = tpu.memref_slice %arg3[%mul3A_32] : memref<8192xi32, #tpu.memory_space<hbm>> -> memref<256xi32, #tpu.memory_space<hbm>>
      tpu.wait_dma2 semaphore(%run_scoped3A : memref<!tpu.dma_semaphore, #tpu.memory_space<semaphore_mem>>) src(%dma_wait3A_1396 : memref<256xi32, #tpu.memory_space<hbm>>) dst(%arg5 : memref<256xi32, #tpu.memory_space<vmem>>)
      tpu.yield
    }) : () -> ()
    %mul3A_33 = arith.constant 2 : i32
    %mul3A_34 = arith.muli %select_n3A, %mul3A_33 : i32
    %mul3A_35 = arith.constant 262144 : i32
    %mul3A_36 = arith.muli %mul3A_34, %mul3A_35 : i32
    %mul3A_37 = arith.constant 2 : i32
    %mul3A_38 = arith.muli %select_n3A, %mul3A_37 : i32
    %add3A_39 = arith.constant 1 : i32
    %add3A_40 = arith.addi %mul3A_38, %add3A_39 : i32
    %mul3A_41 = arith.constant 262144 : i32
    %mul3A_42 = arith.muli %add3A_40, %mul3A_41 : i32
    %get3A = arith.constant 0 : index
    %get3A_43 = tpu.vector_load %arg5[%get3A] {strides = array<i32>} : memref<256xi32, #tpu.memory_space<vmem>>, vector<16xi32>,
    %get3A_44 = vector.shape_cast %get3A_43 : vector<16xi32> to vector<16xi32>
    %add3A_45 = vector.broadcast %mul3A_36 : i32 to vector<16xi32>
    %add3A_46 = arith.addi %get3A_44, %add3A_45 : vector<16xi32>
    %swap3A = arith.constant 0 : i32
    %swap3A_47 = arith.index_cast %swap3A : i32 to index
    %swap3A_48 = arith.constant 0 : index
    %swap3A_49 = tpu.vector_load %arg6[%swap3A_47, %swap3A_48] {strides = array<i32>} : memref<2x128xi32, #tpu.memory_space<vmem>>, vector<1x16xi32>,
    %swap3A_50 = vector.shape_cast %swap3A_49 : vector<1x16xi32> to vector<16xi32>
    %swap3A_51 = vector.shape_cast %add3A_46 : vector<16xi32> to vector<1x16xi32>
    tpu.vector_store %arg6[%swap3A_47, %swap3A_48], %swap3A_51 {strides = array<i32>} : memref<2x128xi32, #tpu.memory_space<vmem>>, vector<1x16xi32>,
    %add3A_52 = vector.broadcast %mul3A_42 : i32 to vector<16xi32>
    %add3A_53 = arith.addi %get3A_44, %add3A_52 : vector<16xi32>
    %swap3A_54 = arith.constant 0 : i32
    %swap3A_55 = arith.index_cast %swap3A_54 : i32 to index
    %swap3A_56 = arith.constant 0 : index
    %swap3A_57 = tpu.vector_load %arg7[%swap3A_55, %swap3A_56] {strides = array<i32>} : memref<2x128xi32, #tpu.memory_space<vmem>>, vector<1x16xi32>,
    %swap3A_58 = vector.shape_cast %swap3A_57 : vector<1x16xi32> to vector<16xi32>
    %swap3A_59 = vector.shape_cast %add3A_53 : vector<16xi32> to vector<1x16xi32>
    tpu.vector_store %arg7[%swap3A_55, %swap3A_56], %swap3A_59 {strides = array<i32>} : memref<2x128xi32, #tpu.memory_space<vmem>>, vector<1x16xi32>,
    %get3A_60 = arith.constant 16 : index
    %get3A_61 = tpu.vector_load %arg5[%get3A_60] {strides = array<i32>} : memref<256xi32, #tpu.memory_space<vmem>>, vector<16xi32>,
    %get3A_62 = vector.shape_cast %get3A_61 : vector<16xi32> to vector<16xi32>
    %add3A_63 = vector.broadcast %mul3A_36 : i32 to vector<16xi32>
    %add3A_64 = arith.addi %get3A_62, %add3A_63 : vector<16xi32>
    %swap3A_65 = arith.constant 0 : i32
    %swap3A_66 = arith.index_cast %swap3A_65 : i32 to index
    %swap3A_67 = arith.constant 16 : index
    %swap3A_68 = tpu.vector_load %arg6[%swap3A_66, %swap3A_67] {strides = array<i32>} : memref<2x128xi32, #tpu.memory_space<vmem>>, vector<1x16xi32>,
    %swap3A_69 = vector.shape_cast %swap3A_68 : vector<1x16xi32> to vector<16xi32>
    %swap3A_70 = vector.shape_cast %add3A_64 : vector<16xi32> to vector<1x16xi32>
    tpu.vector_store %arg6[%swap3A_66, %swap3A_67], %swap3A_70 {strides = array<i32>} : memref<2x128xi32, #tpu.memory_space<vmem>>, vector<1x16xi32>,
    %add3A_71 = vector.broadcast %mul3A_42 : i32 to vector<16xi32>
    %add3A_72 = arith.addi %get3A_62, %add3A_71 : vector<16xi32>
    %swap3A_73 = arith.constant 0 : i32
    %swap3A_74 = arith.index_cast %swap3A_73 : i32 to index
    %swap3A_75 = arith.constant 16 : index
    %swap3A_76 = tpu.vector_load %arg7[%swap3A_74, %swap3A_75] {strides = array<i32>} : memref<2x128xi32, #tpu.memory_space<vmem>>, vector<1x16xi32>,
    %swap3A_77 = vector.shape_cast %swap3A_76 : vector<1x16xi32> to vector<16xi32>
    %swap3A_78 = vector.shape_cast %add3A_72 : vector<16xi32> to vector<1x16xi32>
    tpu.vector_store %arg7[%swap3A_74, %swap3A_75], %swap3A_78 {strides = array<i32>} : memref<2x128xi32, #tpu.memory_space<vmem>>, vector<1x16xi32>,
    %get3A_79 = arith.constant 32 : index
    %get3A_80 = tpu.vector_load %arg5[%get3A_79] {strides = array<i32>} : memref<256xi32, #tpu.memory_space<vmem>>, vector<16xi32>,
    %get3A_81 = vector.shape_cast %get3A_80 : vector<16xi32> to vector<16xi32>
    %add3A_82 = vector.broadcast %mul3A_36 : i32 to vector<16xi32>
    %add3A_83 = arith.addi %get3A_81, %add3A_82 : vector<16xi32>
    %swap3A_84 = arith.constant 0 : i32
    %swap3A_85 = arith.index_cast %swap3A_84 : i32 to index
    %swap3A_86 = arith.constant 32 : index
    %swap3A_87 = tpu.vector_load %arg6[%swap3A_85, %swap3A_86] {strides = array<i32>} : memref<2x128xi32, #tpu.memory_space<vmem>>, vector<1x16xi32>,
    %swap3A_88 = vector.shape_cast %swap3A_87 : vector<1x16xi32> to vector<16xi32>
    %swap3A_89 = vector.shape_cast %add3A_83 : vector<16xi32> to vector<1x16xi32>
    tpu.vector_store %arg6[%swap3A_85, %swap3A_86], %swap3A_89 {strides = array<i32>} : memref<2x128xi32, #tpu.memory_space<vmem>>, vector<1x16xi32>,
    %add3A_90 = vector.broadcast %mul3A_42 : i32 to vector<16xi32>
    %add3A_91 = arith.addi %get3A_81, %add3A_90 : vector<16xi32>
    %swap3A_92 = arith.constant 0 : i32
    %swap3A_93 = arith.index_cast %swap3A_92 : i32 to index
    %swap3A_94 = arith.constant 32 : index
    %swap3A_95 = tpu.vector_load %arg7[%swap3A_93, %swap3A_94] {strides = array<i32>} : memref<2x128xi32, #tpu.memory_space<vmem>>, vector<1x16xi32>,
    %swap3A_96 = vector.shape_cast %swap3A_95 : vector<1x16xi32> to vector<16xi32>
    %swap3A_97 = vector.shape_cast %add3A_91 : vector<16xi32> to vector<1x16xi32>
    tpu.vector_store %arg7[%swap3A_93, %swap3A_94], %swap3A_97 {strides = array<i32>} : memref<2x128xi32, #tpu.memory_space<vmem>>, vector<1x16xi32>,
    %get3A_98 = arith.constant 48 : index
    %get3A_99 = tpu.vector_load %arg5[%get3A_98] {strides = array<i32>} : memref<256xi32, #tpu.memory_space<vmem>>, vector<16xi32>,
    %get3A_100 = vector.shape_cast %get3A_99 : vector<16xi32> to vector<16xi32>
    %add3A_101 = vector.broadcast %mul3A_36 : i32 to vector<16xi32>
    %add3A_102 = arith.addi %get3A_100, %add3A_101 : vector<16xi32>
    %swap3A_103 = arith.constant 0 : i32
    %swap3A_104 = arith.index_cast %swap3A_103 : i32 to index
    %swap3A_105 = arith.constant 48 : index
    %swap3A_106 = tpu.vector_load %arg6[%swap3A_104, %swap3A_105] {strides = array<i32>} : memref<2x128xi32, #tpu.memory_space<vmem>>, vector<1x16xi32>,
    %swap3A_107 = vector.shape_cast %swap3A_106 : vector<1x16xi32> to vector<16xi32>
    %swap3A_108 = vector.shape_cast %add3A_102 : vector<16xi32> to vector<1x16xi32>
    tpu.vector_store %arg6[%swap3A_104, %swap3A_105], %swap3A_108 {strides = array<i32>} : memref<2x128xi32, #tpu.memory_space<vmem>>, vector<1x16xi32>,
    %add3A_109 = vector.broadcast %mul3A_42 : i32 to vector<16xi32>
    %add3A_110 = arith.addi %get3A_100, %add3A_109 : vector<16xi32>
    %swap3A_111 = arith.constant 0 : i32
    %swap3A_112 = arith.index_cast %swap3A_111 : i32 to index
    %swap3A_113 = arith.constant 48 : index
    %swap3A_114 = tpu.vector_load %arg7[%swap3A_112, %swap3A_113] {strides = array<i32>} : memref<2x128xi32, #tpu.memory_space<vmem>>, vector<1x16xi32>,
    %swap3A_115 = vector.shape_cast %swap3A_114 : vector<1x16xi32> to vector<16xi32>
    %swap3A_116 = vector.shape_cast %add3A_110 : vector<16xi32> to vector<1x16xi32>
    tpu.vector_store %arg7[%swap3A_112, %swap3A_113], %swap3A_116 {strides = array<i32>} : memref<2x128xi32, #tpu.memory_space<vmem>>, vector<1x16xi32>,
    %get3A_117 = arith.constant 64 : index
    %get3A_118 = tpu.vector_load %arg5[%get3A_117] {strides = array<i32>} : memref<256xi32, #tpu.memory_space<vmem>>, vector<16xi32>,
    %get3A_119 = vector.shape_cast %get3A_118 : vector<16xi32> to vector<16xi32>
    %add3A_120 = vector.broadcast %mul3A_36 : i32 to vector<16xi32>
    %add3A_121 = arith.addi %get3A_119, %add3A_120 : vector<16xi32>
    %swap3A_122 = arith.constant 0 : i32
    %swap3A_123 = arith.index_cast %swap3A_122 : i32 to index
    %swap3A_124 = arith.constant 64 : index
    %swap3A_125 = tpu.vector_load %arg6[%swap3A_123, %swap3A_124] {strides = array<i32>} : memref<2x128xi32, #tpu.memory_space<vmem>>, vector<1x16xi32>,
    %swap3A_126 = vector.shape_cast %swap3A_125 : vector<1x16xi32> to vector<16xi32>
    %swap3A_127 = vector.shape_cast %add3A_121 : vector<16xi32> to vector<1x16xi32>
    tpu.vector_store %arg6[%swap3A_123, %swap3A_124], %swap3A_127 {strides = array<i32>} : memref<2x128xi32, #tpu.memory_space<vmem>>, vector<1x16xi32>,
    %add3A_128 = vector.broadcast %mul3A_42 : i32 to vector<16xi32>
    %add3A_129 = arith.addi %get3A_119, %add3A_128 : vector<16xi32>
    %swap3A_130 = arith.constant 0 : i32
    %swap3A_131 = arith.index_cast %swap3A_130 : i32 to index
    %swap3A_132 = arith.constant 64 : index
    %swap3A_133 = tpu.vector_load %arg7[%swap3A_131, %swap3A_132] {strides = array<i32>} : memref<2x128xi32, #tpu.memory_space<vmem>>, vector<1x16xi32>,
    %swap3A_134 = vector.shape_cast %swap3A_133 : vector<1x16xi32> to vector<16xi32>
    %swap3A_135 = vector.shape_cast %add3A_129 : vector<16xi32> to vector<1x16xi32>
    tpu.vector_store %arg7[%swap3A_131, %swap3A_132], %swap3A_135 {strides = array<i32>} : memref<2x128xi32, #tpu.memory_space<vmem>>, vector<1x16xi32>,
    %get3A_136 = arith.constant 80 : index
    %get3A_137 = tpu.vector_load %arg5[%get3A_136] {strides = array<i32>} : memref<256xi32, #tpu.memory_space<vmem>>, vector<16xi32>,
    %get3A_138 = vector.shape_cast %get3A_137 : vector<16xi32> to vector<16xi32>
    %add3A_139 = vector.broadcast %mul3A_36 : i32 to vector<16xi32>
    %add3A_140 = arith.addi %get3A_138, %add3A_139 : vector<16xi32>
    %swap3A_141 = arith.constant 0 : i32
    %swap3A_142 = arith.index_cast %swap3A_141 : i32 to index
    %swap3A_143 = arith.constant 80 : index
    %swap3A_144 = tpu.vector_load %arg6[%swap3A_142, %swap3A_143] {strides = array<i32>} : memref<2x128xi32, #tpu.memory_space<vmem>>, vector<1x16xi32>,
    %swap3A_145 = vector.shape_cast %swap3A_144 : vector<1x16xi32> to vector<16xi32>
    %swap3A_146 = vector.shape_cast %add3A_140 : vector<16xi32> to vector<1x16xi32>
    tpu.vector_store %arg6[%swap3A_142, %swap3A_143], %swap3A_146 {strides = array<i32>} : memref<2x128xi32, #tpu.memory_space<vmem>>, vector<1x16xi32>,
    %add3A_147 = vector.broadcast %mul3A_42 : i32 to vector<16xi32>
    %add3A_148 = arith.addi %get3A_138, %add3A_147 : vector<16xi32>
    %swap3A_149 = arith.constant 0 : i32
    %swap3A_150 = arith.index_cast %swap3A_149 : i32 to index
    %swap3A_151 = arith.constant 80 : index
    %swap3A_152 = tpu.vector_load %arg7[%swap3A_150, %swap3A_151] {strides = array<i32>} : memref<2x128xi32, #tpu.memory_space<vmem>>, vector<1x16xi32>,
    %swap3A_153 = vector.shape_cast %swap3A_152 : vector<1x16xi32> to vector<16xi32>
    %swap3A_154 = vector.shape_cast %add3A_148 : vector<16xi32> to vector<1x16xi32>
    tpu.vector_store %arg7[%swap3A_150, %swap3A_151], %swap3A_154 {strides = array<i32>} : memref<2x128xi32, #tpu.memory_space<vmem>>, vector<1x16xi32>,
    %get3A_155 = arith.constant 96 : index
    %get3A_156 = tpu.vector_load %arg5[%get3A_155] {strides = array<i32>} : memref<256xi32, #tpu.memory_space<vmem>>, vector<16xi32>,
    %get3A_157 = vector.shape_cast %get3A_156 : vector<16xi32> to vector<16xi32>
    %add3A_158 = vector.broadcast %mul3A_36 : i32 to vector<16xi32>
    %add3A_159 = arith.addi %get3A_157, %add3A_158 : vector<16xi32>
    %swap3A_160 = arith.constant 0 : i32
    %swap3A_161 = arith.index_cast %swap3A_160 : i32 to index
    %swap3A_162 = arith.constant 96 : index
    %swap3A_163 = tpu.vector_load %arg6[%swap3A_161, %swap3A_162] {strides = array<i32>} : memref<2x128xi32, #tpu.memory_space<vmem>>, vector<1x16xi32>,
    %swap3A_164 = vector.shape_cast %swap3A_163 : vector<1x16xi32> to vector<16xi32>
    %swap3A_165 = vector.shape_cast %add3A_159 : vector<16xi32> to vector<1x16xi32>
    tpu.vector_store %arg6[%swap3A_161, %swap3A_162], %swap3A_165 {strides = array<i32>} : memref<2x128xi32, #tpu.memory_space<vmem>>, vector<1x16xi32>,
    %add3A_166 = vector.broadcast %mul3A_42 : i32 to vector<16xi32>
    %add3A_167 = arith.addi %get3A_157, %add3A_166 : vector<16xi32>
    %swap3A_168 = arith.constant 0 : i32
    %swap3A_169 = arith.index_cast %swap3A_168 : i32 to index
    %swap3A_170 = arith.constant 96 : index
    %swap3A_171 = tpu.vector_load %arg7[%swap3A_169, %swap3A_170] {strides = array<i32>} : memref<2x128xi32, #tpu.memory_space<vmem>>, vector<1x16xi32>,
    %swap3A_172 = vector.shape_cast %swap3A_171 : vector<1x16xi32> to vector<16xi32>
    %swap3A_173 = vector.shape_cast %add3A_167 : vector<16xi32> to vector<1x16xi32>
    tpu.vector_store %arg7[%swap3A_169, %swap3A_170], %swap3A_173 {strides = array<i32>} : memref<2x128xi32, #tpu.memory_space<vmem>>, vector<1x16xi32>,
    %get3A_174 = arith.constant 112 : index
    %get3A_175 = tpu.vector_load %arg5[%get3A_174] {strides = array<i32>} : memref<256xi32, #tpu.memory_space<vmem>>, vector<16xi32>,
    %get3A_176 = vector.shape_cast %get3A_175 : vector<16xi32> to vector<16xi32>
    %add3A_177 = vector.broadcast %mul3A_36 : i32 to vector<16xi32>
    %add3A_178 = arith.addi %get3A_176, %add3A_177 : vector<16xi32>
    %swap3A_179 = arith.constant 0 : i32
    %swap3A_180 = arith.index_cast %swap3A_179 : i32 to index
    %swap3A_181 = arith.constant 112 : index
    %swap3A_182 = tpu.vector_load %arg6[%swap3A_180, %swap3A_181] {strides = array<i32>} : memref<2x128xi32, #tpu.memory_space<vmem>>, vector<1x16xi32>,
    %swap3A_183 = vector.shape_cast %swap3A_182 : vector<1x16xi32> to vector<16xi32>
    %swap3A_184 = vector.shape_cast %add3A_178 : vector<16xi32> to vector<1x16xi32>
    tpu.vector_store %arg6[%swap3A_180, %swap3A_181], %swap3A_184 {strides = array<i32>} : memref<2x128xi32, #tpu.memory_space<vmem>>, vector<1x16xi32>,
    %add3A_185 = vector.broadcast %mul3A_42 : i32 to vector<16xi32>
    %add3A_186 = arith.addi %get3A_176, %add3A_185 : vector<16xi32>
    %swap3A_187 = arith.constant 0 : i32
    %swap3A_188 = arith.index_cast %swap3A_187 : i32 to index
    %swap3A_189 = arith.constant 112 : index
    %swap3A_190 = tpu.vector_load %arg7[%swap3A_188, %swap3A_189] {strides = array<i32>} : memref<2x128xi32, #tpu.memory_space<vmem>>, vector<1x16xi32>,
    %swap3A_191 = vector.shape_cast %swap3A_190 : vector<1x16xi32> to vector<16xi32>
    %swap3A_192 = vector.shape_cast %add3A_186 : vector<16xi32> to vector<1x16xi32>
    tpu.vector_store %arg7[%swap3A_188, %swap3A_189], %swap3A_192 {strides = array<i32>} : memref<2x128xi32, #tpu.memory_space<vmem>>, vector<1x16xi32>,
    %get3A_193 = arith.constant 128 : index
    %get3A_194 = tpu.vector_load %arg5[%get3A_193] {strides = array<i32>} : memref<256xi32, #tpu.memory_space<vmem>>, vector<16xi32>,
    %get3A_195 = vector.shape_cast %get3A_194 : vector<16xi32> to vector<16xi32>
    %add3A_196 = vector.broadcast %mul3A_36 : i32 to vector<16xi32>
    %add3A_197 = arith.addi %get3A_195, %add3A_196 : vector<16xi32>
    %swap3A_198 = arith.constant 1 : i32
    %swap3A_199 = arith.index_cast %swap3A_198 : i32 to index
    %swap3A_200 = arith.constant 0 : index
    %swap3A_201 = tpu.vector_load %arg6[%swap3A_199, %swap3A_200] {strides = array<i32>} : memref<2x128xi32, #tpu.memory_space<vmem>>, vector<1x16xi32>,
    %swap3A_202 = vector.shape_cast %swap3A_201 : vector<1x16xi32> to vector<16xi32>
    %swap3A_203 = vector.shape_cast %add3A_197 : vector<16xi32> to vector<1x16xi32>
    tpu.vector_store %arg6[%swap3A_199, %swap3A_200], %swap3A_203 {strides = array<i32>} : memref<2x128xi32, #tpu.memory_space<vmem>>, vector<1x16xi32>,
    %add3A_204 = vector.broadcast %mul3A_42 : i32 to vector<16xi32>
    %add3A_205 = arith.addi %get3A_195, %add3A_204 : vector<16xi32>
    %swap3A_206 = arith.constant 1 : i32
    %swap3A_207 = arith.index_cast %swap3A_206 : i32 to index
    %swap3A_208 = arith.constant 0 : index
    %swap3A_209 = tpu.vector_load %arg7[%swap3A_207, %swap3A_208] {strides = array<i32>} : memref<2x128xi32, #tpu.memory_space<vmem>>, vector<1x16xi32>,
    %swap3A_210 = vector.shape_cast %swap3A_209 : vector<1x16xi32> to vector<16xi32>
    %swap3A_211 = vector.shape_cast %add3A_205 : vector<16xi32> to vector<1x16xi32>
    tpu.vector_store %arg7[%swap3A_207, %swap3A_208], %swap3A_211 {strides = array<i32>} : memref<2x128xi32, #tpu.memory_space<vmem>>, vector<1x16xi32>,
    %get3A_212 = arith.constant 144 : index
    %get3A_213 = tpu.vector_load %arg5[%get3A_212] {strides = array<i32>} : memref<256xi32, #tpu.memory_space<vmem>>, vector<16xi32>,
    %get3A_214 = vector.shape_cast %get3A_213 : vector<16xi32> to vector<16xi32>
    %add3A_215 = vector.broadcast %mul3A_36 : i32 to vector<16xi32>
    %add3A_216 = arith.addi %get3A_214, %add3A_215 : vector<16xi32>
    %swap3A_217 = arith.constant 1 : i32
    %swap3A_218 = arith.index_cast %swap3A_217 : i32 to index
    %swap3A_219 = arith.constant 16 : index
    %swap3A_220 = tpu.vector_load %arg6[%swap3A_218, %swap3A_219] {strides = array<i32>} : memref<2x128xi32, #tpu.memory_space<vmem>>, vector<1x16xi32>,
    %swap3A_221 = vector.shape_cast %swap3A_220 : vector<1x16xi32> to vector<16xi32>
    %swap3A_222 = vector.shape_cast %add3A_216 : vector<16xi32> to vector<1x16xi32>
    tpu.vector_store %arg6[%swap3A_218, %swap3A_219], %swap3A_222 {strides = array<i32>} : memref<2x128xi32, #tpu.memory_space<vmem>>, vector<1x16xi32>,
    %add3A_223 = vector.broadcast %mul3A_42 : i32 to vector<16xi32>
    %add3A_224 = arith.addi %get3A_214, %add3A_223 : vector<16xi32>
    %swap3A_225 = arith.constant 1 : i32
    %swap3A_226 = arith.index_cast %swap3A_225 : i32 to index
    %swap3A_227 = arith.constant 16 : index
    %swap3A_228 = tpu.vector_load %arg7[%swap3A_226, %swap3A_227] {strides = array<i32>} : memref<2x128xi32, #tpu.memory_space<vmem>>, vector<1x16xi32>,
    %swap3A_229 = vector.shape_cast %swap3A_228 : vector<1x16xi32> to vector<16xi32>
    %swap3A_230 = vector.shape_cast %add3A_224 : vector<16xi32> to vector<1x16xi32>
    tpu.vector_store %arg7[%swap3A_226, %swap3A_227], %swap3A_230 {strides = array<i32>} : memref<2x128xi32, #tpu.memory_space<vmem>>, vector<1x16xi32>,
    %get3A_231 = arith.constant 160 : index
    %get3A_232 = tpu.vector_load %arg5[%get3A_231] {strides = array<i32>} : memref<256xi32, #tpu.memory_space<vmem>>, vector<16xi32>,
    %get3A_233 = vector.shape_cast %get3A_232 : vector<16xi32> to vector<16xi32>
    %add3A_234 = vector.broadcast %mul3A_36 : i32 to vector<16xi32>
    %add3A_235 = arith.addi %get3A_233, %add3A_234 : vector<16xi32>
    %swap3A_236 = arith.constant 1 : i32
    %swap3A_237 = arith.index_cast %swap3A_236 : i32 to index
    %swap3A_238 = arith.constant 32 : index
    %swap3A_239 = tpu.vector_load %arg6[%swap3A_237, %swap3A_238] {strides = array<i32>} : memref<2x128xi32, #tpu.memory_space<vmem>>, vector<1x16xi32>,
    %swap3A_240 = vector.shape_cast %swap3A_239 : vector<1x16xi32> to vector<16xi32>
    %swap3A_241 = vector.shape_cast %add3A_235 : vector<16xi32> to vector<1x16xi32>
    tpu.vector_store %arg6[%swap3A_237, %swap3A_238], %swap3A_241 {strides = array<i32>} : memref<2x128xi32, #tpu.memory_space<vmem>>, vector<1x16xi32>,
    %add3A_242 = vector.broadcast %mul3A_42 : i32 to vector<16xi32>
    %add3A_243 = arith.addi %get3A_233, %add3A_242 : vector<16xi32>
    %swap3A_244 = arith.constant 1 : i32
    %swap3A_245 = arith.index_cast %swap3A_244 : i32 to index
    %swap3A_246 = arith.constant 32 : index
    %swap3A_247 = tpu.vector_load %arg7[%swap3A_245, %swap3A_246] {strides = array<i32>} : memref<2x128xi32, #tpu.memory_space<vmem>>, vector<1x16xi32>,
    %swap3A_248 = vector.shape_cast %swap3A_247 : vector<1x16xi32> to vector<16xi32>
    %swap3A_249 = vector.shape_cast %add3A_243 : vector<16xi32> to vector<1x16xi32>
    tpu.vector_store %arg7[%swap3A_245, %swap3A_246], %swap3A_249 {strides = array<i32>} : memref<2x128xi32, #tpu.memory_space<vmem>>, vector<1x16xi32>,
    %get3A_250 = arith.constant 176 : index
    %get3A_251 = tpu.vector_load %arg5[%get3A_250] {strides = array<i32>} : memref<256xi32, #tpu.memory_space<vmem>>, vector<16xi32>,
    %get3A_252 = vector.shape_cast %get3A_251 : vector<16xi32> to vector<16xi32>
    %add3A_253 = vector.broadcast %mul3A_36 : i32 to vector<16xi32>
    %add3A_254 = arith.addi %get3A_252, %add3A_253 : vector<16xi32>
    %swap3A_255 = arith.constant 1 : i32
    %swap3A_256 = arith.index_cast %swap3A_255 : i32 to index
    %swap3A_257 = arith.constant 48 : index
    %swap3A_258 = tpu.vector_load %arg6[%swap3A_256, %swap3A_257] {strides = array<i32>} : memref<2x128xi32, #tpu.memory_space<vmem>>, vector<1x16xi32>,
    %swap3A_259 = vector.shape_cast %swap3A_258 : vector<1x16xi32> to vector<16xi32>
    %swap3A_260 = vector.shape_cast %add3A_254 : vector<16xi32> to vector<1x16xi32>
    tpu.vector_store %arg6[%swap3A_256, %swap3A_257], %swap3A_260 {strides = array<i32>} : memref<2x128xi32, #tpu.memory_space<vmem>>, vector<1x16xi32>,
    %add3A_261 = vector.broadcast %mul3A_42 : i32 to vector<16xi32>
    %add3A_262 = arith.addi %get3A_252, %add3A_261 : vector<16xi32>
    %swap3A_263 = arith.constant 1 : i32
    %swap3A_264 = arith.index_cast %swap3A_263 : i32 to index
    %swap3A_265 = arith.constant 48 : index
    %swap3A_266 = tpu.vector_load %arg7[%swap3A_264, %swap3A_265] {strides = array<i32>} : memref<2x128xi32, #tpu.memory_space<vmem>>, vector<1x16xi32>,
    %swap3A_267 = vector.shape_cast %swap3A_266 : vector<1x16xi32> to vector<16xi32>
    %swap3A_268 = vector.shape_cast %add3A_262 : vector<16xi32> to vector<1x16xi32>
    tpu.vector_store %arg7[%swap3A_264, %swap3A_265], %swap3A_268 {strides = array<i32>} : memref<2x128xi32, #tpu.memory_space<vmem>>, vector<1x16xi32>,
    %get3A_269 = arith.constant 192 : index
    %get3A_270 = tpu.vector_load %arg5[%get3A_269] {strides = array<i32>} : memref<256xi32, #tpu.memory_space<vmem>>, vector<16xi32>,
    %get3A_271 = vector.shape_cast %get3A_270 : vector<16xi32> to vector<16xi32>
    %add3A_272 = vector.broadcast %mul3A_36 : i32 to vector<16xi32>
    %add3A_273 = arith.addi %get3A_271, %add3A_272 : vector<16xi32>
    %swap3A_274 = arith.constant 1 : i32
    %swap3A_275 = arith.index_cast %swap3A_274 : i32 to index
    %swap3A_276 = arith.constant 64 : index
    %swap3A_277 = tpu.vector_load %arg6[%swap3A_275, %swap3A_276] {strides = array<i32>} : memref<2x128xi32, #tpu.memory_space<vmem>>, vector<1x16xi32>,
    %swap3A_278 = vector.shape_cast %swap3A_277 : vector<1x16xi32> to vector<16xi32>
    %swap3A_279 = vector.shape_cast %add3A_273 : vector<16xi32> to vector<1x16xi32>
    tpu.vector_store %arg6[%swap3A_275, %swap3A_276], %swap3A_279 {strides = array<i32>} : memref<2x128xi32, #tpu.memory_space<vmem>>, vector<1x16xi32>,
    %add3A_280 = vector.broadcast %mul3A_42 : i32 to vector<16xi32>
    %add3A_281 = arith.addi %get3A_271, %add3A_280 : vector<16xi32>
    %swap3A_282 = arith.constant 1 : i32
    %swap3A_283 = arith.index_cast %swap3A_282 : i32 to index
    %swap3A_284 = arith.constant 64 : index
    %swap3A_285 = tpu.vector_load %arg7[%swap3A_283, %swap3A_284] {strides = array<i32>} : memref<2x128xi32, #tpu.memory_space<vmem>>, vector<1x16xi32>,
    %swap3A_286 = vector.shape_cast %swap3A_285 : vector<1x16xi32> to vector<16xi32>
    %swap3A_287 = vector.shape_cast %add3A_281 : vector<16xi32> to vector<1x16xi32>
    tpu.vector_store %arg7[%swap3A_283, %swap3A_284], %swap3A_287 {strides = array<i32>} : memref<2x128xi32, #tpu.memory_space<vmem>>, vector<1x16xi32>,
    %get3A_288 = arith.constant 208 : index
    %get3A_289 = tpu.vector_load %arg5[%get3A_288] {strides = array<i32>} : memref<256xi32, #tpu.memory_space<vmem>>, vector<16xi32>,
    %get3A_290 = vector.shape_cast %get3A_289 : vector<16xi32> to vector<16xi32>
    %add3A_291 = vector.broadcast %mul3A_36 : i32 to vector<16xi32>
    %add3A_292 = arith.addi %get3A_290, %add3A_291 : vector<16xi32>
    %swap3A_293 = arith.constant 1 : i32
    %swap3A_294 = arith.index_cast %swap3A_293 : i32 to index
    %swap3A_295 = arith.constant 80 : index
    %swap3A_296 = tpu.vector_load %arg6[%swap3A_294, %swap3A_295] {strides = array<i32>} : memref<2x128xi32, #tpu.memory_space<vmem>>, vector<1x16xi32>,
    %swap3A_297 = vector.shape_cast %swap3A_296 : vector<1x16xi32> to vector<16xi32>
    %swap3A_298 = vector.shape_cast %add3A_292 : vector<16xi32> to vector<1x16xi32>
    tpu.vector_store %arg6[%swap3A_294, %swap3A_295], %swap3A_298 {strides = array<i32>} : memref<2x128xi32, #tpu.memory_space<vmem>>, vector<1x16xi32>,
    %add3A_299 = vector.broadcast %mul3A_42 : i32 to vector<16xi32>
    %add3A_300 = arith.addi %get3A_290, %add3A_299 : vector<16xi32>
    %swap3A_301 = arith.constant 1 : i32
    %swap3A_302 = arith.index_cast %swap3A_301 : i32 to index
    %swap3A_303 = arith.constant 80 : index
    %swap3A_304 = tpu.vector_load %arg7[%swap3A_302, %swap3A_303] {strides = array<i32>} : memref<2x128xi32, #tpu.memory_space<vmem>>, vector<1x16xi32>,
    %swap3A_305 = vector.shape_cast %swap3A_304 : vector<1x16xi32> to vector<16xi32>
    %swap3A_306 = vector.shape_cast %add3A_300 : vector<16xi32> to vector<1x16xi32>
    tpu.vector_store %arg7[%swap3A_302, %swap3A_303], %swap3A_306 {strides = array<i32>} : memref<2x128xi32, #tpu.memory_space<vmem>>, vector<1x16xi32>,
    %get3A_307 = arith.constant 224 : index
    %get3A_308 = tpu.vector_load %arg5[%get3A_307] {strides = array<i32>} : memref<256xi32, #tpu.memory_space<vmem>>, vector<16xi32>,
    %get3A_309 = vector.shape_cast %get3A_308 : vector<16xi32> to vector<16xi32>
    %add3A_310 = vector.broadcast %mul3A_36 : i32 to vector<16xi32>
    %add3A_311 = arith.addi %get3A_309, %add3A_310 : vector<16xi32>
    %swap3A_312 = arith.constant 1 : i32
    %swap3A_313 = arith.index_cast %swap3A_312 : i32 to index
    %swap3A_314 = arith.constant 96 : index
    %swap3A_315 = tpu.vector_load %arg6[%swap3A_313, %swap3A_314] {strides = array<i32>} : memref<2x128xi32, #tpu.memory_space<vmem>>, vector<1x16xi32>,
    %swap3A_316 = vector.shape_cast %swap3A_315 : vector<1x16xi32> to vector<16xi32>
    %swap3A_317 = vector.shape_cast %add3A_311 : vector<16xi32> to vector<1x16xi32>
    tpu.vector_store %arg6[%swap3A_313, %swap3A_314], %swap3A_317 {strides = array<i32>} : memref<2x128xi32, #tpu.memory_space<vmem>>, vector<1x16xi32>,
    %add3A_318 = vector.broadcast %mul3A_42 : i32 to vector<16xi32>
    %add3A_319 = arith.addi %get3A_309, %add3A_318 : vector<16xi32>
    %swap3A_320 = arith.constant 1 : i32
    %swap3A_321 = arith.index_cast %swap3A_320 : i32 to index
    %swap3A_322 = arith.constant 96 : index
    %swap3A_323 = tpu.vector_load %arg7[%swap3A_321, %swap3A_322] {strides = array<i32>} : memref<2x128xi32, #tpu.memory_space<vmem>>, vector<1x16xi32>,
    %swap3A_324 = vector.shape_cast %swap3A_323 : vector<1x16xi32> to vector<16xi32>
    %swap3A_325 = vector.shape_cast %add3A_319 : vector<16xi32> to vector<1x16xi32>
    tpu.vector_store %arg7[%swap3A_321, %swap3A_322], %swap3A_325 {strides = array<i32>} : memref<2x128xi32, #tpu.memory_space<vmem>>, vector<1x16xi32>,
    %get3A_326 = arith.constant 240 : index
    %get3A_327 = tpu.vector_load %arg5[%get3A_326] {strides = array<i32>} : memref<256xi32, #tpu.memory_space<vmem>>, vector<16xi32>,
    %get3A_328 = vector.shape_cast %get3A_327 : vector<16xi32> to vector<16xi32>
    %add3A_329 = vector.broadcast %mul3A_36 : i32 to vector<16xi32>
    %add3A_330 = arith.addi %get3A_328, %add3A_329 : vector<16xi32>
    %swap3A_331 = arith.constant 1 : i32
    %swap3A_332 = arith.index_cast %swap3A_331 : i32 to index
    %swap3A_333 = arith.constant 112 : index
    %swap3A_334 = tpu.vector_load %arg6[%swap3A_332, %swap3A_333] {strides = array<i32>} : memref<2x128xi32, #tpu.memory_space<vmem>>, vector<1x16xi32>,
    %swap3A_335 = vector.shape_cast %swap3A_334 : vector<1x16xi32> to vector<16xi32>
    %swap3A_336 = vector.shape_cast %add3A_330 : vector<16xi32> to vector<1x16xi32>
    tpu.vector_store %arg6[%swap3A_332, %swap3A_333], %swap3A_336 {strides = array<i32>} : memref<2x128xi32, #tpu.memory_space<vmem>>, vector<1x16xi32>,
    %add3A_337 = vector.broadcast %mul3A_42 : i32 to vector<16xi32>
    %add3A_338 = arith.addi %get3A_328, %add3A_337 : vector<16xi32>
    %swap3A_339 = arith.constant 1 : i32
    %swap3A_340 = arith.index_cast %swap3A_339 : i32 to index
    %swap3A_341 = arith.constant 112 : index
    %swap3A_342 = tpu.vector_load %arg7[%swap3A_340, %swap3A_341] {strides = array<i32>} : memref<2x128xi32, #tpu.memory_space<vmem>>, vector<1x16xi32>,
    %swap3A_343 = vector.shape_cast %swap3A_342 : vector<1x16xi32> to vector<16xi32>
    %swap3A_344 = vector.shape_cast %add3A_338 : vector<16xi32> to vector<1x16xi32>
    tpu.vector_store %arg7[%swap3A_340, %swap3A_341], %swap3A_344 {strides = array<i32>} : memref<2x128xi32, #tpu.memory_space<vmem>>, vector<1x16xi32>,
    %dma_start3A = arith.constant 0 : i32
    %dma_start3A_345 = arith.constant 0 : i32
    %dma_start3A_346 = tpu.memref_slice %arg8[%dma_start3A_345] : memref<256xf32, #tpu.memory_space<vmem>> -> memref<128xf32, #tpu.memory_space<vmem>>
    %dma_start3A_347 = arith.constant 0 : i32
    %dma_start3A_348 = tpu.memref_slice %arg6[%dma_start3A, %dma_start3A_347] : memref<2x128xi32, #tpu.memory_space<vmem>> -> memref<1x128xi32, #tpu.memory_space<vmem>>
    %dma_start3A_349 = tpu.memref_squeeze %dma_start3A_348 : memref<1x128xi32, #tpu.memory_space<vmem>> -> memref<128xi32, #tpu.memory_space<vmem>>
    %dma_start3A_350 = arith.constant 0 : i32
    %dma_start3A_351 = tpu.memref_slice %arg2[%dma_start3A_350] : memref<4194304xf32, #tpu.memory_space<hbm>> -> memref<4194304xf32, #tpu.memory_space<hbm>>
    tpu.enqueue_indirect_dma source(%dma_start3A_351 : memref<4194304xf32, #tpu.memory_space<hbm>>) target(%dma_start3A_346 : memref<128xf32, #tpu.memory_space<vmem>>) offsets(%dma_start3A_349 : memref<128xi32, #tpu.memory_space<vmem>>) semaphore(%arg14 : memref<!tpu.dma_semaphore, #tpu.memory_space<semaphore_mem>>)
    %dma_start3A_352 = arith.constant 0 : i32
    %dma_start3A_353 = arith.constant 0 : i32
    %dma_start3A_354 = tpu.memref_slice %arg9[%dma_start3A_353] : memref<256xf32, #tpu.memory_space<vmem>> -> memref<128xf32, #tpu.memory_space<vmem>>
    %dma_start3A_355 = arith.constant 0 : i32
    %dma_start3A_356 = tpu.memref_slice %arg7[%dma_start3A_352, %dma_start3A_355] : memref<2x128xi32, #tpu.memory_space<vmem>> -> memref<1x128xi32, #tpu.memory_space<vmem>>
    %dma_start3A_357 = tpu.memref_squeeze %dma_start3A_356 : memref<1x128xi32, #tpu.memory_space<vmem>> -> memref<128xi32, #tpu.memory_space<vmem>>
    %dma_start3A_358 = arith.constant 0 : i32
    %dma_start3A_359 = tpu.memref_slice %arg2[%dma_start3A_358] : memref<4194304xf32, #tpu.memory_space<hbm>> -> memref<4194304xf32, #tpu.memory_space<hbm>>
    tpu.enqueue_indirect_dma source(%dma_start3A_359 : memref<4194304xf32, #tpu.memory_space<hbm>>) target(%dma_start3A_354 : memref<128xf32, #tpu.memory_space<vmem>>) offsets(%dma_start3A_357 : memref<128xi32, #tpu.memory_space<vmem>>) semaphore(%arg14 : memref<!tpu.dma_semaphore, #tpu.memory_space<semaphore_mem>>)
    %dma_start3A_360 = arith.constant 1 : i32
    %dma_start3A_361 = arith.constant 128 : i32
    %dma_start3A_362 = tpu.memref_slice %arg8[%dma_start3A_361] : memref<256xf32, #tpu.memory_space<vmem>> -> memref<128xf32, #tpu.memory_space<vmem>>
    %dma_start3A_363 = arith.constant 0 : i32
    %dma_start3A_364 = tpu.memref_slice %arg6[%dma_start3A_360, %dma_start3A_363] : memref<2x128xi32, #tpu.memory_space<vmem>> -> memref<1x128xi32, #tpu.memory_space<vmem>>
    %dma_start3A_365 = tpu.memref_squeeze %dma_start3A_364 : memref<1x128xi32, #tpu.memory_space<vmem>> -> memref<128xi32, #tpu.memory_space<vmem>>
    %dma_start3A_366 = arith.constant 0 : i32
    %dma_start3A_367 = tpu.memref_slice %arg2[%dma_start3A_366] : memref<4194304xf32, #tpu.memory_space<hbm>> -> memref<4194304xf32, #tpu.memory_space<hbm>>
    tpu.enqueue_indirect_dma source(%dma_start3A_367 : memref<4194304xf32, #tpu.memory_space<hbm>>) target(%dma_start3A_362 : memref<128xf32, #tpu.memory_space<vmem>>) offsets(%dma_start3A_365 : memref<128xi32, #tpu.memory_space<vmem>>) semaphore(%arg14 : memref<!tpu.dma_semaphore, #tpu.memory_space<semaphore_mem>>)
    %dma_start3A_368 = arith.constant 1 : i32
    %dma_start3A_369 = arith.constant 128 : i32
    %dma_start3A_370 = tpu.memref_slice %arg9[%dma_start3A_369] : memref<256xf32, #tpu.memory_space<vmem>> -> memref<128xf32, #tpu.memory_space<vmem>>
    %dma_start3A_371 = arith.constant 0 : i32
    %dma_start3A_372 = tpu.memref_slice %arg7[%dma_start3A_368, %dma_start3A_371] : memref<2x128xi32, #tpu.memory_space<vmem>> -> memref<1x128xi32, #tpu.memory_space<vmem>>
    %dma_start3A_373 = tpu.memref_squeeze %dma_start3A_372 : memref<1x128xi32, #tpu.memory_space<vmem>> -> memref<128xi32, #tpu.memory_space<vmem>>
    %dma_start3A_374 = arith.constant 0 : i32
    %dma_start3A_375 = tpu.memref_slice %arg2[%dma_start3A_374] : memref<4194304xf32, #tpu.memory_space<hbm>> -> memref<4194304xf32, #tpu.memory_space<hbm>>
    tpu.enqueue_indirect_dma source(%dma_start3A_375 : memref<4194304xf32, #tpu.memory_space<hbm>>) target(%dma_start3A_370 : memref<128xf32, #tpu.memory_space<vmem>>) offsets(%dma_start3A_373 : memref<128xi32, #tpu.memory_space<vmem>>) semaphore(%arg14 : memref<!tpu.dma_semaphore, #tpu.memory_space<semaphore_mem>>)
    %dma_wait3A = arith.constant 0 : i32
    %dma_wait3A_376 = arith.constant 0 : i32
    %dma_wait3A_377 = tpu.memref_slice %arg8[%dma_wait3A_376] : memref<256xf32, #tpu.memory_space<vmem>> -> memref<128xf32, #tpu.memory_space<vmem>>
    %dma_wait3A_378 = arith.constant 0 : i32
    %dma_wait3A_379 = tpu.memref_slice %arg6[%dma_wait3A, %dma_wait3A_378] : memref<2x128xi32, #tpu.memory_space<vmem>> -> memref<1x128xi32, #tpu.memory_space<vmem>>
    %dma_wait3A_380 = tpu.memref_squeeze %dma_wait3A_379 : memref<1x128xi32, #tpu.memory_space<vmem>> -> memref<128xi32, #tpu.memory_space<vmem>>
    %dma_wait3A_381 = arith.constant 0 : i32
    %dma_wait3A_382 = tpu.memref_slice %arg2[%dma_wait3A_381] : memref<4194304xf32, #tpu.memory_space<hbm>> -> memref<4194304xf32, #tpu.memory_space<hbm>>
    tpu.wait_indirect_dma semaphore(%arg14 : memref<!tpu.dma_semaphore, #tpu.memory_space<semaphore_mem>>) src(%dma_wait3A_382 : memref<4194304xf32, #tpu.memory_space<hbm>>) dst(%dma_wait3A_377 : memref<128xf32, #tpu.memory_space<vmem>>)
    %dma_wait3A_383 = arith.constant 0 : i32
    %dma_wait3A_384 = arith.constant 0 : i32
    %dma_wait3A_385 = tpu.memref_slice %arg9[%dma_wait3A_384] : memref<256xf32, #tpu.memory_space<vmem>> -> memref<128xf32, #tpu.memory_space<vmem>>
    %dma_wait3A_386 = arith.constant 0 : i32
    %dma_wait3A_387 = tpu.memref_slice %arg7[%dma_wait3A_383, %dma_wait3A_386] : memref<2x128xi32, #tpu.memory_space<vmem>> -> memref<1x128xi32, #tpu.memory_space<vmem>>
    %dma_wait3A_388 = tpu.memref_squeeze %dma_wait3A_387 : memref<1x128xi32, #tpu.memory_space<vmem>> -> memref<128xi32, #tpu.memory_space<vmem>>
    %dma_wait3A_389 = arith.constant 0 : i32
    %dma_wait3A_390 = tpu.memref_slice %arg2[%dma_wait3A_389] : memref<4194304xf32, #tpu.memory_space<hbm>> -> memref<4194304xf32, #tpu.memory_space<hbm>>
    tpu.wait_indirect_dma semaphore(%arg14 : memref<!tpu.dma_semaphore, #tpu.memory_space<semaphore_mem>>) src(%dma_wait3A_390 : memref<4194304xf32, #tpu.memory_space<hbm>>) dst(%dma_wait3A_385 : memref<128xf32, #tpu.memory_space<vmem>>)
    %dma_wait3A_391 = arith.constant 1 : i32
    %dma_wait3A_392 = arith.constant 128 : i32
    %dma_wait3A_393 = tpu.memref_slice %arg8[%dma_wait3A_392] : memref<256xf32, #tpu.memory_space<vmem>> -> memref<128xf32, #tpu.memory_space<vmem>>
    %dma_wait3A_394 = arith.constant 0 : i32
    %dma_wait3A_395 = tpu.memref_slice %arg6[%dma_wait3A_391, %dma_wait3A_394] : memref<2x128xi32, #tpu.memory_space<vmem>> -> memref<1x128xi32, #tpu.memory_space<vmem>>
    %dma_wait3A_396 = tpu.memref_squeeze %dma_wait3A_395 : memref<1x128xi32, #tpu.memory_space<vmem>> -> memref<128xi32, #tpu.memory_space<vmem>>
    %dma_wait3A_397 = arith.constant 0 : i32
    %dma_wait3A_398 = tpu.memref_slice %arg2[%dma_wait3A_397] : memref<4194304xf32, #tpu.memory_space<hbm>> -> memref<4194304xf32, #tpu.memory_space<hbm>>
    tpu.wait_indirect_dma semaphore(%arg14 : memref<!tpu.dma_semaphore, #tpu.memory_space<semaphore_mem>>) src(%dma_wait3A_398 : memref<4194304xf32, #tpu.memory_space<hbm>>) dst(%dma_wait3A_393 : memref<128xf32, #tpu.memory_space<vmem>>)
    %dma_wait3A_399 = arith.constant 1 : i32
    %dma_wait3A_400 = arith.constant 128 : i32
    %dma_wait3A_401 = tpu.memref_slice %arg9[%dma_wait3A_400] : memref<256xf32, #tpu.memory_space<vmem>> -> memref<128xf32, #tpu.memory_space<vmem>>
    %dma_wait3A_402 = arith.constant 0 : i32
    %dma_wait3A_403 = tpu.memref_slice %arg7[%dma_wait3A_399, %dma_wait3A_402] : memref<2x128xi32, #tpu.memory_space<vmem>> -> memref<1x128xi32, #tpu.memory_space<vmem>>
    %dma_wait3A_404 = tpu.memref_squeeze %dma_wait3A_403 : memref<1x128xi32, #tpu.memory_space<vmem>> -> memref<128xi32, #tpu.memory_space<vmem>>
    %dma_wait3A_405 = arith.constant 0 : i32
    %dma_wait3A_406 = tpu.memref_slice %arg2[%dma_wait3A_405] : memref<4194304xf32, #tpu.memory_space<hbm>> -> memref<4194304xf32, #tpu.memory_space<hbm>>
    tpu.wait_indirect_dma semaphore(%arg14 : memref<!tpu.dma_semaphore, #tpu.memory_space<semaphore_mem>>) src(%dma_wait3A_406 : memref<4194304xf32, #tpu.memory_space<hbm>>) dst(%dma_wait3A_401 : memref<128xf32, #tpu.memory_space<vmem>>)
    %get3A_407 = arith.constant 0 : index
    %get3A_408 = tpu.vector_load %arg5[%get3A_407] {strides = array<i32>} : memref<256xi32, #tpu.memory_space<vmem>>, vector<16xi32>,
    %get3A_409 = vector.shape_cast %get3A_408 : vector<16xi32> to vector<16xi32>
    %and3A_410 = arith.constant 511 : i32
    %and3A_411 = vector.broadcast %and3A_410 : i32 to vector<16xi32>
    %and3A_412 = arith.andi %get3A_409, %and3A_411 : vector<16xi32>
    %convert_element_type3A = arith.sitofp %and3A_412 : vector<16xi32> to vector<16xf32>
    %shift_right_arithmetic3A = arith.constant 9 : i32
    %shift_right_arithmetic3A_413 = vector.broadcast %shift_right_arithmetic3A : i32 to vector<16xi32>
    %shift_right_arithmetic3A_414 = arith.shrsi %get3A_409, %shift_right_arithmetic3A_413 : vector<16xi32>
    %convert_element_type3A_415 = arith.sitofp %shift_right_arithmetic3A_414 : vector<16xi32> to vector<16xf32>
    %get3A_416 = arith.constant 0 : index
    %get3A_417 = tpu.vector_load %arg8[%get3A_416] {strides = array<i32>} : memref<256xf32, #tpu.memory_space<vmem>>, vector<16xf32>,
    %get3A_418 = vector.shape_cast %get3A_417 : vector<16xf32> to vector<16xf32>
    %max3A = arith.constant 9.99999997E-7 : f32
    %max3A_419 = vector.broadcast %max3A : f32 to vector<16xf32>
    %max3A_420 = arith.maximumf %get3A_418, %max3A_419 : vector<16xf32>
    %mul3A_421 = arith.constant 5.120000e+02 : f32
    %mul3A_422 = vector.broadcast %mul3A_421 : f32 to vector<16xf32>
    %mul3A_423 = arith.mulf %max3A_420, %mul3A_422 : vector<16xf32>
    %get3A_424 = arith.constant 0 : index
    %get3A_425 = tpu.vector_load %arg9[%get3A_424] {strides = array<i32>} : memref<256xf32, #tpu.memory_space<vmem>>, vector<16xf32>,
    %get3A_426 = vector.shape_cast %get3A_425 : vector<16xf32> to vector<16xf32>
    %max3A_427 = arith.constant 9.99999997E-7 : f32
    %max3A_428 = vector.broadcast %max3A_427 : f32 to vector<16xf32>
    %max3A_429 = arith.maximumf %get3A_426, %max3A_428 : vector<16xf32>
    %mul3A_430 = arith.constant 5.120000e+02 : f32
    %mul3A_431 = vector.broadcast %mul3A_430 : f32 to vector<16xf32>
    %mul3A_432 = arith.mulf %max3A_429, %mul3A_431 : vector<16xf32>
    %mul3A_433 = arith.constant 5.000000e-01 : f32
    %mul3A_434 = vector.broadcast %mul3A_433 : f32 to vector<16xf32>
    %mul3A_435 = arith.mulf %mul3A_432, %mul3A_434 : vector<16xf32>
    %sub3A_436 = arith.subf %convert_element_type3A, %mul3A_435 : vector<16xf32>
    %swap3A_437 = arith.constant 0 : index
    %swap3A_438 = tpu.vector_load %arg10[%swap3A_437] {strides = array<i32>} : memref<256xf32, #tpu.memory_space<vmem>>, vector<16xf32>,
    %swap3A_439 = vector.shape_cast %swap3A_438 : vector<16xf32> to vector<16xf32>
    %swap3A_440 = vector.shape_cast %sub3A_436 : vector<16xf32> to vector<16xf32>
    tpu.vector_store %arg10[%swap3A_437], %swap3A_440 {strides = array<i32>} : memref<256xf32, #tpu.memory_space<vmem>>, vector<16xf32>,
    %mul3A_441 = arith.constant 5.000000e-01 : f32
    %mul3A_442 = vector.broadcast %mul3A_441 : f32 to vector<16xf32>
    %mul3A_443 = arith.mulf %mul3A_423, %mul3A_442 : vector<16xf32>
    %sub3A_444 = arith.subf %convert_element_type3A_415, %mul3A_443 : vector<16xf32>
    %swap3A_445 = arith.constant 0 : index
    %swap3A_446 = tpu.vector_load %arg11[%swap3A_445] {strides = array<i32>} : memref<256xf32, #tpu.memory_space<vmem>>, vector<16xf32>,
    %swap3A_447 = vector.shape_cast %swap3A_446 : vector<16xf32> to vector<16xf32>
    %swap3A_448 = vector.shape_cast %sub3A_444 : vector<16xf32> to vector<16xf32>
    tpu.vector_store %arg11[%swap3A_445], %swap3A_448 {strides = array<i32>} : memref<256xf32, #tpu.memory_space<vmem>>, vector<16xf32>,
    %mul3A_449 = arith.constant 5.000000e-01 : f32
    %mul3A_450 = vector.broadcast %mul3A_449 : f32 to vector<16xf32>
    %mul3A_451 = arith.mulf %mul3A_432, %mul3A_450 : vector<16xf32>
    %add3A_452 = arith.addf %convert_element_type3A, %mul3A_451 : vector<16xf32>
    %swap3A_453 = arith.constant 0 : index
    %swap3A_454 = tpu.vector_load %arg12[%swap3A_453] {strides = array<i32>} : memref<256xf32, #tpu.memory_space<vmem>>, vector<16xf32>,
    %swap3A_455 = vector.shape_cast %swap3A_454 : vector<16xf32> to vector<16xf32>
    %swap3A_456 = vector.shape_cast %add3A_452 : vector<16xf32> to vector<16xf32>
    tpu.vector_store %arg12[%swap3A_453], %swap3A_456 {strides = array<i32>} : memref<256xf32, #tpu.memory_space<vmem>>, vector<16xf32>,
    %mul3A_457 = arith.constant 5.000000e-01 : f32
    %mul3A_458 = vector.broadcast %mul3A_457 : f32 to vector<16xf32>
    %mul3A_459 = arith.mulf %mul3A_423, %mul3A_458 : vector<16xf32>
    %add3A_460 = arith.addf %convert_element_type3A_415, %mul3A_459 : vector<16xf32>
    %swap3A_461 = arith.constant 0 : index
    %swap3A_462 = tpu.vector_load %arg13[%swap3A_461] {strides = array<i32>} : memref<256xf32, #tpu.memory_space<vmem>>, vector<16xf32>,
    %swap3A_463 = vector.shape_cast %swap3A_462 : vector<16xf32> to vector<16xf32>
    %swap3A_464 = vector.shape_cast %add3A_460 : vector<16xf32> to vector<16xf32>
    tpu.vector_store %arg13[%swap3A_461], %swap3A_464 {strides = array<i32>} : memref<256xf32, #tpu.memory_space<vmem>>, vector<16xf32>,
    %get3A_465 = arith.constant 16 : index
    %get3A_466 = tpu.vector_load %arg5[%get3A_465] {strides = array<i32>} : memref<256xi32, #tpu.memory_space<vmem>>, vector<16xi32>,
    %get3A_467 = vector.shape_cast %get3A_466 : vector<16xi32> to vector<16xi32>
    %and3A_468 = arith.constant 511 : i32
    %and3A_469 = vector.broadcast %and3A_468 : i32 to vector<16xi32>
    %and3A_470 = arith.andi %get3A_467, %and3A_469 : vector<16xi32>
    %convert_element_type3A_471 = arith.sitofp %and3A_470 : vector<16xi32> to vector<16xf32>
    %shift_right_arithmetic3A_472 = arith.constant 9 : i32
    %shift_right_arithmetic3A_473 = vector.broadcast %shift_right_arithmetic3A_472 : i32 to vector<16xi32>
    %shift_right_arithmetic3A_474 = arith.shrsi %get3A_467, %shift_right_arithmetic3A_473 : vector<16xi32>
    %convert_element_type3A_475 = arith.sitofp %shift_right_arithmetic3A_474 : vector<16xi32> to vector<16xf32>
    %get3A_476 = arith.constant 16 : index
    %get3A_477 = tpu.vector_load %arg8[%get3A_476] {strides = array<i32>} : memref<256xf32, #tpu.memory_space<vmem>>, vector<16xf32>,
    %get3A_478 = vector.shape_cast %get3A_477 : vector<16xf32> to vector<16xf32>
    %max3A_479 = arith.constant 9.99999997E-7 : f32
    %max3A_480 = vector.broadcast %max3A_479 : f32 to vector<16xf32>
    %max3A_481 = arith.maximumf %get3A_478, %max3A_480 : vector<16xf32>
    %mul3A_482 = arith.constant 5.120000e+02 : f32
    %mul3A_483 = vector.broadcast %mul3A_482 : f32 to vector<16xf32>
    %mul3A_484 = arith.mulf %max3A_481, %mul3A_483 : vector<16xf32>
    %get3A_485 = arith.constant 16 : index
    %get3A_486 = tpu.vector_load %arg9[%get3A_485] {strides = array<i32>} : memref<256xf32, #tpu.memory_space<vmem>>, vector<16xf32>,
    %get3A_487 = vector.shape_cast %get3A_486 : vector<16xf32> to vector<16xf32>
    %max3A_488 = arith.constant 9.99999997E-7 : f32
    %max3A_489 = vector.broadcast %max3A_488 : f32 to vector<16xf32>
    %max3A_490 = arith.maximumf %get3A_487, %max3A_489 : vector<16xf32>
    %mul3A_491 = arith.constant 5.120000e+02 : f32
    %mul3A_492 = vector.broadcast %mul3A_491 : f32 to vector<16xf32>
    %mul3A_493 = arith.mulf %max3A_490, %mul3A_492 : vector<16xf32>
    %mul3A_494 = arith.constant 5.000000e-01 : f32
    %mul3A_495 = vector.broadcast %mul3A_494 : f32 to vector<16xf32>
    %mul3A_496 = arith.mulf %mul3A_493, %mul3A_495 : vector<16xf32>
    %sub3A_497 = arith.subf %convert_element_type3A_471, %mul3A_496 : vector<16xf32>
    %swap3A_498 = arith.constant 16 : index
    %swap3A_499 = tpu.vector_load %arg10[%swap3A_498] {strides = array<i32>} : memref<256xf32, #tpu.memory_space<vmem>>, vector<16xf32>,
    %swap3A_500 = vector.shape_cast %swap3A_499 : vector<16xf32> to vector<16xf32>
    %swap3A_501 = vector.shape_cast %sub3A_497 : vector<16xf32> to vector<16xf32>
    tpu.vector_store %arg10[%swap3A_498], %swap3A_501 {strides = array<i32>} : memref<256xf32, #tpu.memory_space<vmem>>, vector<16xf32>,
    %mul3A_502 = arith.constant 5.000000e-01 : f32
    %mul3A_503 = vector.broadcast %mul3A_502 : f32 to vector<16xf32>
    %mul3A_504 = arith.mulf %mul3A_484, %mul3A_503 : vector<16xf32>
    %sub3A_505 = arith.subf %convert_element_type3A_475, %mul3A_504 : vector<16xf32>
    %swap3A_506 = arith.constant 16 : index
    %swap3A_507 = tpu.vector_load %arg11[%swap3A_506] {strides = array<i32>} : memref<256xf32, #tpu.memory_space<vmem>>, vector<16xf32>,
    %swap3A_508 = vector.shape_cast %swap3A_507 : vector<16xf32> to vector<16xf32>
    %swap3A_509 = vector.shape_cast %sub3A_505 : vector<16xf32> to vector<16xf32>
    tpu.vector_store %arg11[%swap3A_506], %swap3A_509 {strides = array<i32>} : memref<256xf32, #tpu.memory_space<vmem>>, vector<16xf32>,
    %mul3A_510 = arith.constant 5.000000e-01 : f32
    %mul3A_511 = vector.broadcast %mul3A_510 : f32 to vector<16xf32>
    %mul3A_512 = arith.mulf %mul3A_493, %mul3A_511 : vector<16xf32>
    %add3A_513 = arith.addf %convert_element_type3A_471, %mul3A_512 : vector<16xf32>
    %swap3A_514 = arith.constant 16 : index
    %swap3A_515 = tpu.vector_load %arg12[%swap3A_514] {strides = array<i32>} : memref<256xf32, #tpu.memory_space<vmem>>, vector<16xf32>,
    %swap3A_516 = vector.shape_cast %swap3A_515 : vector<16xf32> to vector<16xf32>
    %swap3A_517 = vector.shape_cast %add3A_513 : vector<16xf32> to vector<16xf32>
    tpu.vector_store %arg12[%swap3A_514], %swap3A_517 {strides = array<i32>} : memref<256xf32, #tpu.memory_space<vmem>>, vector<16xf32>,
    %mul3A_518 = arith.constant 5.000000e-01 : f32
    %mul3A_519 = vector.broadcast %mul3A_518 : f32 to vector<16xf32>
    %mul3A_520 = arith.mulf %mul3A_484, %mul3A_519 : vector<16xf32>
    %add3A_521 = arith.addf %convert_element_type3A_475, %mul3A_520 : vector<16xf32>
    %swap3A_522 = arith.constant 16 : index
    %swap3A_523 = tpu.vector_load %arg13[%swap3A_522] {strides = array<i32>} : memref<256xf32, #tpu.memory_space<vmem>>, vector<16xf32>,
    %swap3A_524 = vector.shape_cast %swap3A_523 : vector<16xf32> to vector<16xf32>
    %swap3A_525 = vector.shape_cast %add3A_521 : vector<16xf32> to vector<16xf32>
    tpu.vector_store %arg13[%swap3A_522], %swap3A_525 {strides = array<i32>} : memref<256xf32, #tpu.memory_space<vmem>>, vector<16xf32>,
    %get3A_526 = arith.constant 32 : index
    %get3A_527 = tpu.vector_load %arg5[%get3A_526] {strides = array<i32>} : memref<256xi32, #tpu.memory_space<vmem>>, vector<16xi32>,
    %get3A_528 = vector.shape_cast %get3A_527 : vector<16xi32> to vector<16xi32>
    %and3A_529 = arith.constant 511 : i32
    %and3A_530 = vector.broadcast %and3A_529 : i32 to vector<16xi32>
    %and3A_531 = arith.andi %get3A_528, %and3A_530 : vector<16xi32>
    %convert_element_type3A_532 = arith.sitofp %and3A_531 : vector<16xi32> to vector<16xf32>
    %shift_right_arithmetic3A_533 = arith.constant 9 : i32
    %shift_right_arithmetic3A_534 = vector.broadcast %shift_right_arithmetic3A_533 : i32 to vector<16xi32>
    %shift_right_arithmetic3A_535 = arith.shrsi %get3A_528, %shift_right_arithmetic3A_534 : vector<16xi32>
    %convert_element_type3A_536 = arith.sitofp %shift_right_arithmetic3A_535 : vector<16xi32> to vector<16xf32>
    %get3A_537 = arith.constant 32 : index
    %get3A_538 = tpu.vector_load %arg8[%get3A_537] {strides = array<i32>} : memref<256xf32, #tpu.memory_space<vmem>>, vector<16xf32>,
    %get3A_539 = vector.shape_cast %get3A_538 : vector<16xf32> to vector<16xf32>
    %max3A_540 = arith.constant 9.99999997E-7 : f32
    %max3A_541 = vector.broadcast %max3A_540 : f32 to vector<16xf32>
    %max3A_542 = arith.maximumf %get3A_539, %max3A_541 : vector<16xf32>
    %mul3A_543 = arith.constant 5.120000e+02 : f32
    %mul3A_544 = vector.broadcast %mul3A_543 : f32 to vector<16xf32>
    %mul3A_545 = arith.mulf %max3A_542, %mul3A_544 : vector<16xf32>
    %get3A_546 = arith.constant 32 : index
    %get3A_547 = tpu.vector_load %arg9[%get3A_546] {strides = array<i32>} : memref<256xf32, #tpu.memory_space<vmem>>, vector<16xf32>,
    %get3A_548 = vector.shape_cast %get3A_547 : vector<16xf32> to vector<16xf32>
    %max3A_549 = arith.constant 9.99999997E-7 : f32
    %max3A_550 = vector.broadcast %max3A_549 : f32 to vector<16xf32>
    %max3A_551 = arith.maximumf %get3A_548, %max3A_550 : vector<16xf32>
    %mul3A_552 = arith.constant 5.120000e+02 : f32
    %mul3A_553 = vector.broadcast %mul3A_552 : f32 to vector<16xf32>
    %mul3A_554 = arith.mulf %max3A_551, %mul3A_553 : vector<16xf32>
    %mul3A_555 = arith.constant 5.000000e-01 : f32
    %mul3A_556 = vector.broadcast %mul3A_555 : f32 to vector<16xf32>
    %mul3A_557 = arith.mulf %mul3A_554, %mul3A_556 : vector<16xf32>
    %sub3A_558 = arith.subf %convert_element_type3A_532, %mul3A_557 : vector<16xf32>
    %swap3A_559 = arith.constant 32 : index
    %swap3A_560 = tpu.vector_load %arg10[%swap3A_559] {strides = array<i32>} : memref<256xf32, #tpu.memory_space<vmem>>, vector<16xf32>,
    %swap3A_561 = vector.shape_cast %swap3A_560 : vector<16xf32> to vector<16xf32>
    %swap3A_562 = vector.shape_cast %sub3A_558 : vector<16xf32> to vector<16xf32>
    tpu.vector_store %arg10[%swap3A_559], %swap3A_562 {strides = array<i32>} : memref<256xf32, #tpu.memory_space<vmem>>, vector<16xf32>,
    %mul3A_563 = arith.constant 5.000000e-01 : f32
    %mul3A_564 = vector.broadcast %mul3A_563 : f32 to vector<16xf32>
    %mul3A_565 = arith.mulf %mul3A_545, %mul3A_564 : vector<16xf32>
    %sub3A_566 = arith.subf %convert_element_type3A_536, %mul3A_565 : vector<16xf32>
    %swap3A_567 = arith.constant 32 : index
    %swap3A_568 = tpu.vector_load %arg11[%swap3A_567] {strides = array<i32>} : memref<256xf32, #tpu.memory_space<vmem>>, vector<16xf32>,
    %swap3A_569 = vector.shape_cast %swap3A_568 : vector<16xf32> to vector<16xf32>
    %swap3A_570 = vector.shape_cast %sub3A_566 : vector<16xf32> to vector<16xf32>
    tpu.vector_store %arg11[%swap3A_567], %swap3A_570 {strides = array<i32>} : memref<256xf32, #tpu.memory_space<vmem>>, vector<16xf32>,
    %mul3A_571 = arith.constant 5.000000e-01 : f32
    %mul3A_572 = vector.broadcast %mul3A_571 : f32 to vector<16xf32>
    %mul3A_573 = arith.mulf %mul3A_554, %mul3A_572 : vector<16xf32>
    %add3A_574 = arith.addf %convert_element_type3A_532, %mul3A_573 : vector<16xf32>
    %swap3A_575 = arith.constant 32 : index
    %swap3A_576 = tpu.vector_load %arg12[%swap3A_575] {strides = array<i32>} : memref<256xf32, #tpu.memory_space<vmem>>, vector<16xf32>,
    %swap3A_577 = vector.shape_cast %swap3A_576 : vector<16xf32> to vector<16xf32>
    %swap3A_578 = vector.shape_cast %add3A_574 : vector<16xf32> to vector<16xf32>
    tpu.vector_store %arg12[%swap3A_575], %swap3A_578 {strides = array<i32>} : memref<256xf32, #tpu.memory_space<vmem>>, vector<16xf32>,
    %mul3A_579 = arith.constant 5.000000e-01 : f32
    %mul3A_580 = vector.broadcast %mul3A_579 : f32 to vector<16xf32>
    %mul3A_581 = arith.mulf %mul3A_545, %mul3A_580 : vector<16xf32>
    %add3A_582 = arith.addf %convert_element_type3A_536, %mul3A_581 : vector<16xf32>
    %swap3A_583 = arith.constant 32 : index
    %swap3A_584 = tpu.vector_load %arg13[%swap3A_583] {strides = array<i32>} : memref<256xf32, #tpu.memory_space<vmem>>, vector<16xf32>,
    %swap3A_585 = vector.shape_cast %swap3A_584 : vector<16xf32> to vector<16xf32>
    %swap3A_586 = vector.shape_cast %add3A_582 : vector<16xf32> to vector<16xf32>
    tpu.vector_store %arg13[%swap3A_583], %swap3A_586 {strides = array<i32>} : memref<256xf32, #tpu.memory_space<vmem>>, vector<16xf32>,
    %get3A_587 = arith.constant 48 : index
    %get3A_588 = tpu.vector_load %arg5[%get3A_587] {strides = array<i32>} : memref<256xi32, #tpu.memory_space<vmem>>, vector<16xi32>,
    %get3A_589 = vector.shape_cast %get3A_588 : vector<16xi32> to vector<16xi32>
    %and3A_590 = arith.constant 511 : i32
    %and3A_591 = vector.broadcast %and3A_590 : i32 to vector<16xi32>
    %and3A_592 = arith.andi %get3A_589, %and3A_591 : vector<16xi32>
    %convert_element_type3A_593 = arith.sitofp %and3A_592 : vector<16xi32> to vector<16xf32>
    %shift_right_arithmetic3A_594 = arith.constant 9 : i32
    %shift_right_arithmetic3A_595 = vector.broadcast %shift_right_arithmetic3A_594 : i32 to vector<16xi32>
    %shift_right_arithmetic3A_596 = arith.shrsi %get3A_589, %shift_right_arithmetic3A_595 : vector<16xi32>
    %convert_element_type3A_597 = arith.sitofp %shift_right_arithmetic3A_596 : vector<16xi32> to vector<16xf32>
    %get3A_598 = arith.constant 48 : index
    %get3A_599 = tpu.vector_load %arg8[%get3A_598] {strides = array<i32>} : memref<256xf32, #tpu.memory_space<vmem>>, vector<16xf32>,
    %get3A_600 = vector.shape_cast %get3A_599 : vector<16xf32> to vector<16xf32>
    %max3A_601 = arith.constant 9.99999997E-7 : f32
    %max3A_602 = vector.broadcast %max3A_601 : f32 to vector<16xf32>
    %max3A_603 = arith.maximumf %get3A_600, %max3A_602 : vector<16xf32>
    %mul3A_604 = arith.constant 5.120000e+02 : f32
    %mul3A_605 = vector.broadcast %mul3A_604 : f32 to vector<16xf32>
    %mul3A_606 = arith.mulf %max3A_603, %mul3A_605 : vector<16xf32>
    %get3A_607 = arith.constant 48 : index
    %get3A_608 = tpu.vector_load %arg9[%get3A_607] {strides = array<i32>} : memref<256xf32, #tpu.memory_space<vmem>>, vector<16xf32>,
    %get3A_609 = vector.shape_cast %get3A_608 : vector<16xf32> to vector<16xf32>
    %max3A_610 = arith.constant 9.99999997E-7 : f32
    %max3A_611 = vector.broadcast %max3A_610 : f32 to vector<16xf32>
    %max3A_612 = arith.maximumf %get3A_609, %max3A_611 : vector<16xf32>
    %mul3A_613 = arith.constant 5.120000e+02 : f32
    %mul3A_614 = vector.broadcast %mul3A_613 : f32 to vector<16xf32>
    %mul3A_615 = arith.mulf %max3A_612, %mul3A_614 : vector<16xf32>
    %mul3A_616 = arith.constant 5.000000e-01 : f32
    %mul3A_617 = vector.broadcast %mul3A_616 : f32 to vector<16xf32>
    %mul3A_618 = arith.mulf %mul3A_615, %mul3A_617 : vector<16xf32>
    %sub3A_619 = arith.subf %convert_element_type3A_593, %mul3A_618 : vector<16xf32>
    %swap3A_620 = arith.constant 48 : index
    %swap3A_621 = tpu.vector_load %arg10[%swap3A_620] {strides = array<i32>} : memref<256xf32, #tpu.memory_space<vmem>>, vector<16xf32>,
    %swap3A_622 = vector.shape_cast %swap3A_621 : vector<16xf32> to vector<16xf32>
    %swap3A_623 = vector.shape_cast %sub3A_619 : vector<16xf32> to vector<16xf32>
    tpu.vector_store %arg10[%swap3A_620], %swap3A_623 {strides = array<i32>} : memref<256xf32, #tpu.memory_space<vmem>>, vector<16xf32>,
    %mul3A_624 = arith.constant 5.000000e-01 : f32
    %mul3A_625 = vector.broadcast %mul3A_624 : f32 to vector<16xf32>
    %mul3A_626 = arith.mulf %mul3A_606, %mul3A_625 : vector<16xf32>
    %sub3A_627 = arith.subf %convert_element_type3A_597, %mul3A_626 : vector<16xf32>
    %swap3A_628 = arith.constant 48 : index
    %swap3A_629 = tpu.vector_load %arg11[%swap3A_628] {strides = array<i32>} : memref<256xf32, #tpu.memory_space<vmem>>, vector<16xf32>,
    %swap3A_630 = vector.shape_cast %swap3A_629 : vector<16xf32> to vector<16xf32>
    %swap3A_631 = vector.shape_cast %sub3A_627 : vector<16xf32> to vector<16xf32>
    tpu.vector_store %arg11[%swap3A_628], %swap3A_631 {strides = array<i32>} : memref<256xf32, #tpu.memory_space<vmem>>, vector<16xf32>,
    %mul3A_632 = arith.constant 5.000000e-01 : f32
    %mul3A_633 = vector.broadcast %mul3A_632 : f32 to vector<16xf32>
    %mul3A_634 = arith.mulf %mul3A_615, %mul3A_633 : vector<16xf32>
    %add3A_635 = arith.addf %convert_element_type3A_593, %mul3A_634 : vector<16xf32>
    %swap3A_636 = arith.constant 48 : index
    %swap3A_637 = tpu.vector_load %arg12[%swap3A_636] {strides = array<i32>} : memref<256xf32, #tpu.memory_space<vmem>>, vector<16xf32>,
    %swap3A_638 = vector.shape_cast %swap3A_637 : vector<16xf32> to vector<16xf32>
    %swap3A_639 = vector.shape_cast %add3A_635 : vector<16xf32> to vector<16xf32>
    tpu.vector_store %arg12[%swap3A_636], %swap3A_639 {strides = array<i32>} : memref<256xf32, #tpu.memory_space<vmem>>, vector<16xf32>,
    %mul3A_640 = arith.constant 5.000000e-01 : f32
    %mul3A_641 = vector.broadcast %mul3A_640 : f32 to vector<16xf32>
    %mul3A_642 = arith.mulf %mul3A_606, %mul3A_641 : vector<16xf32>
    %add3A_643 = arith.addf %convert_element_type3A_597, %mul3A_642 : vector<16xf32>
    %swap3A_644 = arith.constant 48 : index
    %swap3A_645 = tpu.vector_load %arg13[%swap3A_644] {strides = array<i32>} : memref<256xf32, #tpu.memory_space<vmem>>, vector<16xf32>,
    %swap3A_646 = vector.shape_cast %swap3A_645 : vector<16xf32> to vector<16xf32>
    %swap3A_647 = vector.shape_cast %add3A_643 : vector<16xf32> to vector<16xf32>
    tpu.vector_store %arg13[%swap3A_644], %swap3A_647 {strides = array<i32>} : memref<256xf32, #tpu.memory_space<vmem>>, vector<16xf32>,
    %get3A_648 = arith.constant 64 : index
    %get3A_649 = tpu.vector_load %arg5[%get3A_648] {strides = array<i32>} : memref<256xi32, #tpu.memory_space<vmem>>, vector<16xi32>,
    %get3A_650 = vector.shape_cast %get3A_649 : vector<16xi32> to vector<16xi32>
    %and3A_651 = arith.constant 511 : i32
    %and3A_652 = vector.broadcast %and3A_651 : i32 to vector<16xi32>
    %and3A_653 = arith.andi %get3A_650, %and3A_652 : vector<16xi32>
    %convert_element_type3A_654 = arith.sitofp %and3A_653 : vector<16xi32> to vector<16xf32>
    %shift_right_arithmetic3A_655 = arith.constant 9 : i32
    %shift_right_arithmetic3A_656 = vector.broadcast %shift_right_arithmetic3A_655 : i32 to vector<16xi32>
    %shift_right_arithmetic3A_657 = arith.shrsi %get3A_650, %shift_right_arithmetic3A_656 : vector<16xi32>
    %convert_element_type3A_658 = arith.sitofp %shift_right_arithmetic3A_657 : vector<16xi32> to vector<16xf32>
    %get3A_659 = arith.constant 64 : index
    %get3A_660 = tpu.vector_load %arg8[%get3A_659] {strides = array<i32>} : memref<256xf32, #tpu.memory_space<vmem>>, vector<16xf32>,
    %get3A_661 = vector.shape_cast %get3A_660 : vector<16xf32> to vector<16xf32>
    %max3A_662 = arith.constant 9.99999997E-7 : f32
    %max3A_663 = vector.broadcast %max3A_662 : f32 to vector<16xf32>
    %max3A_664 = arith.maximumf %get3A_661, %max3A_663 : vector<16xf32>
    %mul3A_665 = arith.constant 5.120000e+02 : f32
    %mul3A_666 = vector.broadcast %mul3A_665 : f32 to vector<16xf32>
    %mul3A_667 = arith.mulf %max3A_664, %mul3A_666 : vector<16xf32>
    %get3A_668 = arith.constant 64 : index
    %get3A_669 = tpu.vector_load %arg9[%get3A_668] {strides = array<i32>} : memref<256xf32, #tpu.memory_space<vmem>>, vector<16xf32>,
    %get3A_670 = vector.shape_cast %get3A_669 : vector<16xf32> to vector<16xf32>
    %max3A_671 = arith.constant 9.99999997E-7 : f32
    %max3A_672 = vector.broadcast %max3A_671 : f32 to vector<16xf32>
    %max3A_673 = arith.maximumf %get3A_670, %max3A_672 : vector<16xf32>
    %mul3A_674 = arith.constant 5.120000e+02 : f32
    %mul3A_675 = vector.broadcast %mul3A_674 : f32 to vector<16xf32>
    %mul3A_676 = arith.mulf %max3A_673, %mul3A_675 : vector<16xf32>
    %mul3A_677 = arith.constant 5.000000e-01 : f32
    %mul3A_678 = vector.broadcast %mul3A_677 : f32 to vector<16xf32>
    %mul3A_679 = arith.mulf %mul3A_676, %mul3A_678 : vector<16xf32>
    %sub3A_680 = arith.subf %convert_element_type3A_654, %mul3A_679 : vector<16xf32>
    %swap3A_681 = arith.constant 64 : index
    %swap3A_682 = tpu.vector_load %arg10[%swap3A_681] {strides = array<i32>} : memref<256xf32, #tpu.memory_space<vmem>>, vector<16xf32>,
    %swap3A_683 = vector.shape_cast %swap3A_682 : vector<16xf32> to vector<16xf32>
    %swap3A_684 = vector.shape_cast %sub3A_680 : vector<16xf32> to vector<16xf32>
    tpu.vector_store %arg10[%swap3A_681], %swap3A_684 {strides = array<i32>} : memref<256xf32, #tpu.memory_space<vmem>>, vector<16xf32>,
    %mul3A_685 = arith.constant 5.000000e-01 : f32
    %mul3A_686 = vector.broadcast %mul3A_685 : f32 to vector<16xf32>
    %mul3A_687 = arith.mulf %mul3A_667, %mul3A_686 : vector<16xf32>
    %sub3A_688 = arith.subf %convert_element_type3A_658, %mul3A_687 : vector<16xf32>
    %swap3A_689 = arith.constant 64 : index
    %swap3A_690 = tpu.vector_load %arg11[%swap3A_689] {strides = array<i32>} : memref<256xf32, #tpu.memory_space<vmem>>, vector<16xf32>,
    %swap3A_691 = vector.shape_cast %swap3A_690 : vector<16xf32> to vector<16xf32>
    %swap3A_692 = vector.shape_cast %sub3A_688 : vector<16xf32> to vector<16xf32>
    tpu.vector_store %arg11[%swap3A_689], %swap3A_692 {strides = array<i32>} : memref<256xf32, #tpu.memory_space<vmem>>, vector<16xf32>,
    %mul3A_693 = arith.constant 5.000000e-01 : f32
    %mul3A_694 = vector.broadcast %mul3A_693 : f32 to vector<16xf32>
    %mul3A_695 = arith.mulf %mul3A_676, %mul3A_694 : vector<16xf32>
    %add3A_696 = arith.addf %convert_element_type3A_654, %mul3A_695 : vector<16xf32>
    %swap3A_697 = arith.constant 64 : index
    %swap3A_698 = tpu.vector_load %arg12[%swap3A_697] {strides = array<i32>} : memref<256xf32, #tpu.memory_space<vmem>>, vector<16xf32>,
    %swap3A_699 = vector.shape_cast %swap3A_698 : vector<16xf32> to vector<16xf32>
    %swap3A_700 = vector.shape_cast %add3A_696 : vector<16xf32> to vector<16xf32>
    tpu.vector_store %arg12[%swap3A_697], %swap3A_700 {strides = array<i32>} : memref<256xf32, #tpu.memory_space<vmem>>, vector<16xf32>,
    %mul3A_701 = arith.constant 5.000000e-01 : f32
    %mul3A_702 = vector.broadcast %mul3A_701 : f32 to vector<16xf32>
    %mul3A_703 = arith.mulf %mul3A_667, %mul3A_702 : vector<16xf32>
    %add3A_704 = arith.addf %convert_element_type3A_658, %mul3A_703 : vector<16xf32>
    %swap3A_705 = arith.constant 64 : index
    %swap3A_706 = tpu.vector_load %arg13[%swap3A_705] {strides = array<i32>} : memref<256xf32, #tpu.memory_space<vmem>>, vector<16xf32>,
    %swap3A_707 = vector.shape_cast %swap3A_706 : vector<16xf32> to vector<16xf32>
    %swap3A_708 = vector.shape_cast %add3A_704 : vector<16xf32> to vector<16xf32>
    tpu.vector_store %arg13[%swap3A_705], %swap3A_708 {strides = array<i32>} : memref<256xf32, #tpu.memory_space<vmem>>, vector<16xf32>,
    %get3A_709 = arith.constant 80 : index
    %get3A_710 = tpu.vector_load %arg5[%get3A_709] {strides = array<i32>} : memref<256xi32, #tpu.memory_space<vmem>>, vector<16xi32>,
    %get3A_711 = vector.shape_cast %get3A_710 : vector<16xi32> to vector<16xi32>
    %and3A_712 = arith.constant 511 : i32
    %and3A_713 = vector.broadcast %and3A_712 : i32 to vector<16xi32>
    %and3A_714 = arith.andi %get3A_711, %and3A_713 : vector<16xi32>
    %convert_element_type3A_715 = arith.sitofp %and3A_714 : vector<16xi32> to vector<16xf32>
    %shift_right_arithmetic3A_716 = arith.constant 9 : i32
    %shift_right_arithmetic3A_717 = vector.broadcast %shift_right_arithmetic3A_716 : i32 to vector<16xi32>
    %shift_right_arithmetic3A_718 = arith.shrsi %get3A_711, %shift_right_arithmetic3A_717 : vector<16xi32>
    %convert_element_type3A_719 = arith.sitofp %shift_right_arithmetic3A_718 : vector<16xi32> to vector<16xf32>
    %get3A_720 = arith.constant 80 : index
    %get3A_721 = tpu.vector_load %arg8[%get3A_720] {strides = array<i32>} : memref<256xf32, #tpu.memory_space<vmem>>, vector<16xf32>,
    %get3A_722 = vector.shape_cast %get3A_721 : vector<16xf32> to vector<16xf32>
    %max3A_723 = arith.constant 9.99999997E-7 : f32
    %max3A_724 = vector.broadcast %max3A_723 : f32 to vector<16xf32>
    %max3A_725 = arith.maximumf %get3A_722, %max3A_724 : vector<16xf32>
    %mul3A_726 = arith.constant 5.120000e+02 : f32
    %mul3A_727 = vector.broadcast %mul3A_726 : f32 to vector<16xf32>
    %mul3A_728 = arith.mulf %max3A_725, %mul3A_727 : vector<16xf32>
    %get3A_729 = arith.constant 80 : index
    %get3A_730 = tpu.vector_load %arg9[%get3A_729] {strides = array<i32>} : memref<256xf32, #tpu.memory_space<vmem>>, vector<16xf32>,
    %get3A_731 = vector.shape_cast %get3A_730 : vector<16xf32> to vector<16xf32>
    %max3A_732 = arith.constant 9.99999997E-7 : f32
    %max3A_733 = vector.broadcast %max3A_732 : f32 to vector<16xf32>
    %max3A_734 = arith.maximumf %get3A_731, %max3A_733 : vector<16xf32>
    %mul3A_735 = arith.constant 5.120000e+02 : f32
    %mul3A_736 = vector.broadcast %mul3A_735 : f32 to vector<16xf32>
    %mul3A_737 = arith.mulf %max3A_734, %mul3A_736 : vector<16xf32>
    %mul3A_738 = arith.constant 5.000000e-01 : f32
    %mul3A_739 = vector.broadcast %mul3A_738 : f32 to vector<16xf32>
    %mul3A_740 = arith.mulf %mul3A_737, %mul3A_739 : vector<16xf32>
    %sub3A_741 = arith.subf %convert_element_type3A_715, %mul3A_740 : vector<16xf32>
    %swap3A_742 = arith.constant 80 : index
    %swap3A_743 = tpu.vector_load %arg10[%swap3A_742] {strides = array<i32>} : memref<256xf32, #tpu.memory_space<vmem>>, vector<16xf32>,
    %swap3A_744 = vector.shape_cast %swap3A_743 : vector<16xf32> to vector<16xf32>
    %swap3A_745 = vector.shape_cast %sub3A_741 : vector<16xf32> to vector<16xf32>
    tpu.vector_store %arg10[%swap3A_742], %swap3A_745 {strides = array<i32>} : memref<256xf32, #tpu.memory_space<vmem>>, vector<16xf32>,
    %mul3A_746 = arith.constant 5.000000e-01 : f32
    %mul3A_747 = vector.broadcast %mul3A_746 : f32 to vector<16xf32>
    %mul3A_748 = arith.mulf %mul3A_728, %mul3A_747 : vector<16xf32>
    %sub3A_749 = arith.subf %convert_element_type3A_719, %mul3A_748 : vector<16xf32>
    %swap3A_750 = arith.constant 80 : index
    %swap3A_751 = tpu.vector_load %arg11[%swap3A_750] {strides = array<i32>} : memref<256xf32, #tpu.memory_space<vmem>>, vector<16xf32>,
    %swap3A_752 = vector.shape_cast %swap3A_751 : vector<16xf32> to vector<16xf32>
    %swap3A_753 = vector.shape_cast %sub3A_749 : vector<16xf32> to vector<16xf32>
    tpu.vector_store %arg11[%swap3A_750], %swap3A_753 {strides = array<i32>} : memref<256xf32, #tpu.memory_space<vmem>>, vector<16xf32>,
    %mul3A_754 = arith.constant 5.000000e-01 : f32
    %mul3A_755 = vector.broadcast %mul3A_754 : f32 to vector<16xf32>
    %mul3A_756 = arith.mulf %mul3A_737, %mul3A_755 : vector<16xf32>
    %add3A_757 = arith.addf %convert_element_type3A_715, %mul3A_756 : vector<16xf32>
    %swap3A_758 = arith.constant 80 : index
    %swap3A_759 = tpu.vector_load %arg12[%swap3A_758] {strides = array<i32>} : memref<256xf32, #tpu.memory_space<vmem>>, vector<16xf32>,
    %swap3A_760 = vector.shape_cast %swap3A_759 : vector<16xf32> to vector<16xf32>
    %swap3A_761 = vector.shape_cast %add3A_757 : vector<16xf32> to vector<16xf32>
    tpu.vector_store %arg12[%swap3A_758], %swap3A_761 {strides = array<i32>} : memref<256xf32, #tpu.memory_space<vmem>>, vector<16xf32>,
    %mul3A_762 = arith.constant 5.000000e-01 : f32
    %mul3A_763 = vector.broadcast %mul3A_762 : f32 to vector<16xf32>
    %mul3A_764 = arith.mulf %mul3A_728, %mul3A_763 : vector<16xf32>
    %add3A_765 = arith.addf %convert_element_type3A_719, %mul3A_764 : vector<16xf32>
    %swap3A_766 = arith.constant 80 : index
    %swap3A_767 = tpu.vector_load %arg13[%swap3A_766] {strides = array<i32>} : memref<256xf32, #tpu.memory_space<vmem>>, vector<16xf32>,
    %swap3A_768 = vector.shape_cast %swap3A_767 : vector<16xf32> to vector<16xf32>
    %swap3A_769 = vector.shape_cast %add3A_765 : vector<16xf32> to vector<16xf32>
    tpu.vector_store %arg13[%swap3A_766], %swap3A_769 {strides = array<i32>} : memref<256xf32, #tpu.memory_space<vmem>>, vector<16xf32>,
    %get3A_770 = arith.constant 96 : index
    %get3A_771 = tpu.vector_load %arg5[%get3A_770] {strides = array<i32>} : memref<256xi32, #tpu.memory_space<vmem>>, vector<16xi32>,
    %get3A_772 = vector.shape_cast %get3A_771 : vector<16xi32> to vector<16xi32>
    %and3A_773 = arith.constant 511 : i32
    %and3A_774 = vector.broadcast %and3A_773 : i32 to vector<16xi32>
    %and3A_775 = arith.andi %get3A_772, %and3A_774 : vector<16xi32>
    %convert_element_type3A_776 = arith.sitofp %and3A_775 : vector<16xi32> to vector<16xf32>
    %shift_right_arithmetic3A_777 = arith.constant 9 : i32
    %shift_right_arithmetic3A_778 = vector.broadcast %shift_right_arithmetic3A_777 : i32 to vector<16xi32>
    %shift_right_arithmetic3A_779 = arith.shrsi %get3A_772, %shift_right_arithmetic3A_778 : vector<16xi32>
    %convert_element_type3A_780 = arith.sitofp %shift_right_arithmetic3A_779 : vector<16xi32> to vector<16xf32>
    %get3A_781 = arith.constant 96 : index
    %get3A_782 = tpu.vector_load %arg8[%get3A_781] {strides = array<i32>} : memref<256xf32, #tpu.memory_space<vmem>>, vector<16xf32>,
    %get3A_783 = vector.shape_cast %get3A_782 : vector<16xf32> to vector<16xf32>
    %max3A_784 = arith.constant 9.99999997E-7 : f32
    %max3A_785 = vector.broadcast %max3A_784 : f32 to vector<16xf32>
    %max3A_786 = arith.maximumf %get3A_783, %max3A_785 : vector<16xf32>
    %mul3A_787 = arith.constant 5.120000e+02 : f32
    %mul3A_788 = vector.broadcast %mul3A_787 : f32 to vector<16xf32>
    %mul3A_789 = arith.mulf %max3A_786, %mul3A_788 : vector<16xf32>
    %get3A_790 = arith.constant 96 : index
    %get3A_791 = tpu.vector_load %arg9[%get3A_790] {strides = array<i32>} : memref<256xf32, #tpu.memory_space<vmem>>, vector<16xf32>,
    %get3A_792 = vector.shape_cast %get3A_791 : vector<16xf32> to vector<16xf32>
    %max3A_793 = arith.constant 9.99999997E-7 : f32
    %max3A_794 = vector.broadcast %max3A_793 : f32 to vector<16xf32>
    %max3A_795 = arith.maximumf %get3A_792, %max3A_794 : vector<16xf32>
    %mul3A_796 = arith.constant 5.120000e+02 : f32
    %mul3A_797 = vector.broadcast %mul3A_796 : f32 to vector<16xf32>
    %mul3A_798 = arith.mulf %max3A_795, %mul3A_797 : vector<16xf32>
    %mul3A_799 = arith.constant 5.000000e-01 : f32
    %mul3A_800 = vector.broadcast %mul3A_799 : f32 to vector<16xf32>
    %mul3A_801 = arith.mulf %mul3A_798, %mul3A_800 : vector<16xf32>
    %sub3A_802 = arith.subf %convert_element_type3A_776, %mul3A_801 : vector<16xf32>
    %swap3A_803 = arith.constant 96 : index
    %swap3A_804 = tpu.vector_load %arg10[%swap3A_803] {strides = array<i32>} : memref<256xf32, #tpu.memory_space<vmem>>, vector<16xf32>,
    %swap3A_805 = vector.shape_cast %swap3A_804 : vector<16xf32> to vector<16xf32>
    %swap3A_806 = vector.shape_cast %sub3A_802 : vector<16xf32> to vector<16xf32>
    tpu.vector_store %arg10[%swap3A_803], %swap3A_806 {strides = array<i32>} : memref<256xf32, #tpu.memory_space<vmem>>, vector<16xf32>,
    %mul3A_807 = arith.constant 5.000000e-01 : f32
    %mul3A_808 = vector.broadcast %mul3A_807 : f32 to vector<16xf32>
    %mul3A_809 = arith.mulf %mul3A_789, %mul3A_808 : vector<16xf32>
    %sub3A_810 = arith.subf %convert_element_type3A_780, %mul3A_809 : vector<16xf32>
    %swap3A_811 = arith.constant 96 : index
    %swap3A_812 = tpu.vector_load %arg11[%swap3A_811] {strides = array<i32>} : memref<256xf32, #tpu.memory_space<vmem>>, vector<16xf32>,
    %swap3A_813 = vector.shape_cast %swap3A_812 : vector<16xf32> to vector<16xf32>
    %swap3A_814 = vector.shape_cast %sub3A_810 : vector<16xf32> to vector<16xf32>
    tpu.vector_store %arg11[%swap3A_811], %swap3A_814 {strides = array<i32>} : memref<256xf32, #tpu.memory_space<vmem>>, vector<16xf32>,
    %mul3A_815 = arith.constant 5.000000e-01 : f32
    %mul3A_816 = vector.broadcast %mul3A_815 : f32 to vector<16xf32>
    %mul3A_817 = arith.mulf %mul3A_798, %mul3A_816 : vector<16xf32>
    %add3A_818 = arith.addf %convert_element_type3A_776, %mul3A_817 : vector<16xf32>
    %swap3A_819 = arith.constant 96 : index
    %swap3A_820 = tpu.vector_load %arg12[%swap3A_819] {strides = array<i32>} : memref<256xf32, #tpu.memory_space<vmem>>, vector<16xf32>,
    %swap3A_821 = vector.shape_cast %swap3A_820 : vector<16xf32> to vector<16xf32>
    %swap3A_822 = vector.shape_cast %add3A_818 : vector<16xf32> to vector<16xf32>
    tpu.vector_store %arg12[%swap3A_819], %swap3A_822 {strides = array<i32>} : memref<256xf32, #tpu.memory_space<vmem>>, vector<16xf32>,
    %mul3A_823 = arith.constant 5.000000e-01 : f32
    %mul3A_824 = vector.broadcast %mul3A_823 : f32 to vector<16xf32>
    %mul3A_825 = arith.mulf %mul3A_789, %mul3A_824 : vector<16xf32>
    %add3A_826 = arith.addf %convert_element_type3A_780, %mul3A_825 : vector<16xf32>
    %swap3A_827 = arith.constant 96 : index
    %swap3A_828 = tpu.vector_load %arg13[%swap3A_827] {strides = array<i32>} : memref<256xf32, #tpu.memory_space<vmem>>, vector<16xf32>,
    %swap3A_829 = vector.shape_cast %swap3A_828 : vector<16xf32> to vector<16xf32>
    %swap3A_830 = vector.shape_cast %add3A_826 : vector<16xf32> to vector<16xf32>
    tpu.vector_store %arg13[%swap3A_827], %swap3A_830 {strides = array<i32>} : memref<256xf32, #tpu.memory_space<vmem>>, vector<16xf32>,
    %get3A_831 = arith.constant 112 : index
    %get3A_832 = tpu.vector_load %arg5[%get3A_831] {strides = array<i32>} : memref<256xi32, #tpu.memory_space<vmem>>, vector<16xi32>,
    %get3A_833 = vector.shape_cast %get3A_832 : vector<16xi32> to vector<16xi32>
    %and3A_834 = arith.constant 511 : i32
    %and3A_835 = vector.broadcast %and3A_834 : i32 to vector<16xi32>
    %and3A_836 = arith.andi %get3A_833, %and3A_835 : vector<16xi32>
    %convert_element_type3A_837 = arith.sitofp %and3A_836 : vector<16xi32> to vector<16xf32>
    %shift_right_arithmetic3A_838 = arith.constant 9 : i32
    %shift_right_arithmetic3A_839 = vector.broadcast %shift_right_arithmetic3A_838 : i32 to vector<16xi32>
    %shift_right_arithmetic3A_840 = arith.shrsi %get3A_833, %shift_right_arithmetic3A_839 : vector<16xi32>
    %convert_element_type3A_841 = arith.sitofp %shift_right_arithmetic3A_840 : vector<16xi32> to vector<16xf32>
    %get3A_842 = arith.constant 112 : index
    %get3A_843 = tpu.vector_load %arg8[%get3A_842] {strides = array<i32>} : memref<256xf32, #tpu.memory_space<vmem>>, vector<16xf32>,
    %get3A_844 = vector.shape_cast %get3A_843 : vector<16xf32> to vector<16xf32>
    %max3A_845 = arith.constant 9.99999997E-7 : f32
    %max3A_846 = vector.broadcast %max3A_845 : f32 to vector<16xf32>
    %max3A_847 = arith.maximumf %get3A_844, %max3A_846 : vector<16xf32>
    %mul3A_848 = arith.constant 5.120000e+02 : f32
    %mul3A_849 = vector.broadcast %mul3A_848 : f32 to vector<16xf32>
    %mul3A_850 = arith.mulf %max3A_847, %mul3A_849 : vector<16xf32>
    %get3A_851 = arith.constant 112 : index
    %get3A_852 = tpu.vector_load %arg9[%get3A_851] {strides = array<i32>} : memref<256xf32, #tpu.memory_space<vmem>>, vector<16xf32>,
    %get3A_853 = vector.shape_cast %get3A_852 : vector<16xf32> to vector<16xf32>
    %max3A_854 = arith.constant 9.99999997E-7 : f32
    %max3A_855 = vector.broadcast %max3A_854 : f32 to vector<16xf32>
    %max3A_856 = arith.maximumf %get3A_853, %max3A_855 : vector<16xf32>
    %mul3A_857 = arith.constant 5.120000e+02 : f32
    %mul3A_858 = vector.broadcast %mul3A_857 : f32 to vector<16xf32>
    %mul3A_859 = arith.mulf %max3A_856, %mul3A_858 : vector<16xf32>
    %mul3A_860 = arith.constant 5.000000e-01 : f32
    %mul3A_861 = vector.broadcast %mul3A_860 : f32 to vector<16xf32>
    %mul3A_862 = arith.mulf %mul3A_859, %mul3A_861 : vector<16xf32>
    %sub3A_863 = arith.subf %convert_element_type3A_837, %mul3A_862 : vector<16xf32>
    %swap3A_864 = arith.constant 112 : index
    %swap3A_865 = tpu.vector_load %arg10[%swap3A_864] {strides = array<i32>} : memref<256xf32, #tpu.memory_space<vmem>>, vector<16xf32>,
    %swap3A_866 = vector.shape_cast %swap3A_865 : vector<16xf32> to vector<16xf32>
    %swap3A_867 = vector.shape_cast %sub3A_863 : vector<16xf32> to vector<16xf32>
    tpu.vector_store %arg10[%swap3A_864], %swap3A_867 {strides = array<i32>} : memref<256xf32, #tpu.memory_space<vmem>>, vector<16xf32>,
    %mul3A_868 = arith.constant 5.000000e-01 : f32
    %mul3A_869 = vector.broadcast %mul3A_868 : f32 to vector<16xf32>
    %mul3A_870 = arith.mulf %mul3A_850, %mul3A_869 : vector<16xf32>
    %sub3A_871 = arith.subf %convert_element_type3A_841, %mul3A_870 : vector<16xf32>
    %swap3A_872 = arith.constant 112 : index
    %swap3A_873 = tpu.vector_load %arg11[%swap3A_872] {strides = array<i32>} : memref<256xf32, #tpu.memory_space<vmem>>, vector<16xf32>,
    %swap3A_874 = vector.shape_cast %swap3A_873 : vector<16xf32> to vector<16xf32>
    %swap3A_875 = vector.shape_cast %sub3A_871 : vector<16xf32> to vector<16xf32>
    tpu.vector_store %arg11[%swap3A_872], %swap3A_875 {strides = array<i32>} : memref<256xf32, #tpu.memory_space<vmem>>, vector<16xf32>,
    %mul3A_876 = arith.constant 5.000000e-01 : f32
    %mul3A_877 = vector.broadcast %mul3A_876 : f32 to vector<16xf32>
    %mul3A_878 = arith.mulf %mul3A_859, %mul3A_877 : vector<16xf32>
    %add3A_879 = arith.addf %convert_element_type3A_837, %mul3A_878 : vector<16xf32>
    %swap3A_880 = arith.constant 112 : index
    %swap3A_881 = tpu.vector_load %arg12[%swap3A_880] {strides = array<i32>} : memref<256xf32, #tpu.memory_space<vmem>>, vector<16xf32>,
    %swap3A_882 = vector.shape_cast %swap3A_881 : vector<16xf32> to vector<16xf32>
    %swap3A_883 = vector.shape_cast %add3A_879 : vector<16xf32> to vector<16xf32>
    tpu.vector_store %arg12[%swap3A_880], %swap3A_883 {strides = array<i32>} : memref<256xf32, #tpu.memory_space<vmem>>, vector<16xf32>,
    %mul3A_884 = arith.constant 5.000000e-01 : f32
    %mul3A_885 = vector.broadcast %mul3A_884 : f32 to vector<16xf32>
    %mul3A_886 = arith.mulf %mul3A_850, %mul3A_885 : vector<16xf32>
    %add3A_887 = arith.addf %convert_element_type3A_841, %mul3A_886 : vector<16xf32>
    %swap3A_888 = arith.constant 112 : index
    %swap3A_889 = tpu.vector_load %arg13[%swap3A_888] {strides = array<i32>} : memref<256xf32, #tpu.memory_space<vmem>>, vector<16xf32>,
    %swap3A_890 = vector.shape_cast %swap3A_889 : vector<16xf32> to vector<16xf32>
    %swap3A_891 = vector.shape_cast %add3A_887 : vector<16xf32> to vector<16xf32>
    tpu.vector_store %arg13[%swap3A_888], %swap3A_891 {strides = array<i32>} : memref<256xf32, #tpu.memory_space<vmem>>, vector<16xf32>,
    %get3A_892 = arith.constant 128 : index
    %get3A_893 = tpu.vector_load %arg5[%get3A_892] {strides = array<i32>} : memref<256xi32, #tpu.memory_space<vmem>>, vector<16xi32>,
    %get3A_894 = vector.shape_cast %get3A_893 : vector<16xi32> to vector<16xi32>
    %and3A_895 = arith.constant 511 : i32
    %and3A_896 = vector.broadcast %and3A_895 : i32 to vector<16xi32>
    %and3A_897 = arith.andi %get3A_894, %and3A_896 : vector<16xi32>
    %convert_element_type3A_898 = arith.sitofp %and3A_897 : vector<16xi32> to vector<16xf32>
    %shift_right_arithmetic3A_899 = arith.constant 9 : i32
    %shift_right_arithmetic3A_900 = vector.broadcast %shift_right_arithmetic3A_899 : i32 to vector<16xi32>
    %shift_right_arithmetic3A_901 = arith.shrsi %get3A_894, %shift_right_arithmetic3A_900 : vector<16xi32>
    %convert_element_type3A_902 = arith.sitofp %shift_right_arithmetic3A_901 : vector<16xi32> to vector<16xf32>
    %get3A_903 = arith.constant 128 : index
    %get3A_904 = tpu.vector_load %arg8[%get3A_903] {strides = array<i32>} : memref<256xf32, #tpu.memory_space<vmem>>, vector<16xf32>,
    %get3A_905 = vector.shape_cast %get3A_904 : vector<16xf32> to vector<16xf32>
    %max3A_906 = arith.constant 9.99999997E-7 : f32
    %max3A_907 = vector.broadcast %max3A_906 : f32 to vector<16xf32>
    %max3A_908 = arith.maximumf %get3A_905, %max3A_907 : vector<16xf32>
    %mul3A_909 = arith.constant 5.120000e+02 : f32
    %mul3A_910 = vector.broadcast %mul3A_909 : f32 to vector<16xf32>
    %mul3A_911 = arith.mulf %max3A_908, %mul3A_910 : vector<16xf32>
    %get3A_912 = arith.constant 128 : index
    %get3A_913 = tpu.vector_load %arg9[%get3A_912] {strides = array<i32>} : memref<256xf32, #tpu.memory_space<vmem>>, vector<16xf32>,
    %get3A_914 = vector.shape_cast %get3A_913 : vector<16xf32> to vector<16xf32>
    %max3A_915 = arith.constant 9.99999997E-7 : f32
    %max3A_916 = vector.broadcast %max3A_915 : f32 to vector<16xf32>
    %max3A_917 = arith.maximumf %get3A_914, %max3A_916 : vector<16xf32>
    %mul3A_918 = arith.constant 5.120000e+02 : f32
    %mul3A_919 = vector.broadcast %mul3A_918 : f32 to vector<16xf32>
    %mul3A_920 = arith.mulf %max3A_917, %mul3A_919 : vector<16xf32>
    %mul3A_921 = arith.constant 5.000000e-01 : f32
    %mul3A_922 = vector.broadcast %mul3A_921 : f32 to vector<16xf32>
    %mul3A_923 = arith.mulf %mul3A_920, %mul3A_922 : vector<16xf32>
    %sub3A_924 = arith.subf %convert_element_type3A_898, %mul3A_923 : vector<16xf32>
    %swap3A_925 = arith.constant 128 : index
    %swap3A_926 = tpu.vector_load %arg10[%swap3A_925] {strides = array<i32>} : memref<256xf32, #tpu.memory_space<vmem>>, vector<16xf32>,
    %swap3A_927 = vector.shape_cast %swap3A_926 : vector<16xf32> to vector<16xf32>
    %swap3A_928 = vector.shape_cast %sub3A_924 : vector<16xf32> to vector<16xf32>
    tpu.vector_store %arg10[%swap3A_925], %swap3A_928 {strides = array<i32>} : memref<256xf32, #tpu.memory_space<vmem>>, vector<16xf32>,
    %mul3A_929 = arith.constant 5.000000e-01 : f32
    %mul3A_930 = vector.broadcast %mul3A_929 : f32 to vector<16xf32>
    %mul3A_931 = arith.mulf %mul3A_911, %mul3A_930 : vector<16xf32>
    %sub3A_932 = arith.subf %convert_element_type3A_902, %mul3A_931 : vector<16xf32>
    %swap3A_933 = arith.constant 128 : index
    %swap3A_934 = tpu.vector_load %arg11[%swap3A_933] {strides = array<i32>} : memref<256xf32, #tpu.memory_space<vmem>>, vector<16xf32>,
    %swap3A_935 = vector.shape_cast %swap3A_934 : vector<16xf32> to vector<16xf32>
    %swap3A_936 = vector.shape_cast %sub3A_932 : vector<16xf32> to vector<16xf32>
    tpu.vector_store %arg11[%swap3A_933], %swap3A_936 {strides = array<i32>} : memref<256xf32, #tpu.memory_space<vmem>>, vector<16xf32>,
    %mul3A_937 = arith.constant 5.000000e-01 : f32
    %mul3A_938 = vector.broadcast %mul3A_937 : f32 to vector<16xf32>
    %mul3A_939 = arith.mulf %mul3A_920, %mul3A_938 : vector<16xf32>
    %add3A_940 = arith.addf %convert_element_type3A_898, %mul3A_939 : vector<16xf32>
    %swap3A_941 = arith.constant 128 : index
    %swap3A_942 = tpu.vector_load %arg12[%swap3A_941] {strides = array<i32>} : memref<256xf32, #tpu.memory_space<vmem>>, vector<16xf32>,
    %swap3A_943 = vector.shape_cast %swap3A_942 : vector<16xf32> to vector<16xf32>
    %swap3A_944 = vector.shape_cast %add3A_940 : vector<16xf32> to vector<16xf32>
    tpu.vector_store %arg12[%swap3A_941], %swap3A_944 {strides = array<i32>} : memref<256xf32, #tpu.memory_space<vmem>>, vector<16xf32>,
    %mul3A_945 = arith.constant 5.000000e-01 : f32
    %mul3A_946 = vector.broadcast %mul3A_945 : f32 to vector<16xf32>
    %mul3A_947 = arith.mulf %mul3A_911, %mul3A_946 : vector<16xf32>
    %add3A_948 = arith.addf %convert_element_type3A_902, %mul3A_947 : vector<16xf32>
    %swap3A_949 = arith.constant 128 : index
    %swap3A_950 = tpu.vector_load %arg13[%swap3A_949] {strides = array<i32>} : memref<256xf32, #tpu.memory_space<vmem>>, vector<16xf32>,
    %swap3A_951 = vector.shape_cast %swap3A_950 : vector<16xf32> to vector<16xf32>
    %swap3A_952 = vector.shape_cast %add3A_948 : vector<16xf32> to vector<16xf32>
    tpu.vector_store %arg13[%swap3A_949], %swap3A_952 {strides = array<i32>} : memref<256xf32, #tpu.memory_space<vmem>>, vector<16xf32>,
    %get3A_953 = arith.constant 144 : index
    %get3A_954 = tpu.vector_load %arg5[%get3A_953] {strides = array<i32>} : memref<256xi32, #tpu.memory_space<vmem>>, vector<16xi32>,
    %get3A_955 = vector.shape_cast %get3A_954 : vector<16xi32> to vector<16xi32>
    %and3A_956 = arith.constant 511 : i32
    %and3A_957 = vector.broadcast %and3A_956 : i32 to vector<16xi32>
    %and3A_958 = arith.andi %get3A_955, %and3A_957 : vector<16xi32>
    %convert_element_type3A_959 = arith.sitofp %and3A_958 : vector<16xi32> to vector<16xf32>
    %shift_right_arithmetic3A_960 = arith.constant 9 : i32
    %shift_right_arithmetic3A_961 = vector.broadcast %shift_right_arithmetic3A_960 : i32 to vector<16xi32>
    %shift_right_arithmetic3A_962 = arith.shrsi %get3A_955, %shift_right_arithmetic3A_961 : vector<16xi32>
    %convert_element_type3A_963 = arith.sitofp %shift_right_arithmetic3A_962 : vector<16xi32> to vector<16xf32>
    %get3A_964 = arith.constant 144 : index
    %get3A_965 = tpu.vector_load %arg8[%get3A_964] {strides = array<i32>} : memref<256xf32, #tpu.memory_space<vmem>>, vector<16xf32>,
    %get3A_966 = vector.shape_cast %get3A_965 : vector<16xf32> to vector<16xf32>
    %max3A_967 = arith.constant 9.99999997E-7 : f32
    %max3A_968 = vector.broadcast %max3A_967 : f32 to vector<16xf32>
    %max3A_969 = arith.maximumf %get3A_966, %max3A_968 : vector<16xf32>
    %mul3A_970 = arith.constant 5.120000e+02 : f32
    %mul3A_971 = vector.broadcast %mul3A_970 : f32 to vector<16xf32>
    %mul3A_972 = arith.mulf %max3A_969, %mul3A_971 : vector<16xf32>
    %get3A_973 = arith.constant 144 : index
    %get3A_974 = tpu.vector_load %arg9[%get3A_973] {strides = array<i32>} : memref<256xf32, #tpu.memory_space<vmem>>, vector<16xf32>,
    %get3A_975 = vector.shape_cast %get3A_974 : vector<16xf32> to vector<16xf32>
    %max3A_976 = arith.constant 9.99999997E-7 : f32
    %max3A_977 = vector.broadcast %max3A_976 : f32 to vector<16xf32>
    %max3A_978 = arith.maximumf %get3A_975, %max3A_977 : vector<16xf32>
    %mul3A_979 = arith.constant 5.120000e+02 : f32
    %mul3A_980 = vector.broadcast %mul3A_979 : f32 to vector<16xf32>
    %mul3A_981 = arith.mulf %max3A_978, %mul3A_980 : vector<16xf32>
    %mul3A_982 = arith.constant 5.000000e-01 : f32
    %mul3A_983 = vector.broadcast %mul3A_982 : f32 to vector<16xf32>
    %mul3A_984 = arith.mulf %mul3A_981, %mul3A_983 : vector<16xf32>
    %sub3A_985 = arith.subf %convert_element_type3A_959, %mul3A_984 : vector<16xf32>
    %swap3A_986 = arith.constant 144 : index
    %swap3A_987 = tpu.vector_load %arg10[%swap3A_986] {strides = array<i32>} : memref<256xf32, #tpu.memory_space<vmem>>, vector<16xf32>,
    %swap3A_988 = vector.shape_cast %swap3A_987 : vector<16xf32> to vector<16xf32>
    %swap3A_989 = vector.shape_cast %sub3A_985 : vector<16xf32> to vector<16xf32>
    tpu.vector_store %arg10[%swap3A_986], %swap3A_989 {strides = array<i32>} : memref<256xf32, #tpu.memory_space<vmem>>, vector<16xf32>,
    %mul3A_990 = arith.constant 5.000000e-01 : f32
    %mul3A_991 = vector.broadcast %mul3A_990 : f32 to vector<16xf32>
    %mul3A_992 = arith.mulf %mul3A_972, %mul3A_991 : vector<16xf32>
    %sub3A_993 = arith.subf %convert_element_type3A_963, %mul3A_992 : vector<16xf32>
    %swap3A_994 = arith.constant 144 : index
    %swap3A_995 = tpu.vector_load %arg11[%swap3A_994] {strides = array<i32>} : memref<256xf32, #tpu.memory_space<vmem>>, vector<16xf32>,
    %swap3A_996 = vector.shape_cast %swap3A_995 : vector<16xf32> to vector<16xf32>
    %swap3A_997 = vector.shape_cast %sub3A_993 : vector<16xf32> to vector<16xf32>
    tpu.vector_store %arg11[%swap3A_994], %swap3A_997 {strides = array<i32>} : memref<256xf32, #tpu.memory_space<vmem>>, vector<16xf32>,
    %mul3A_998 = arith.constant 5.000000e-01 : f32
    %mul3A_999 = vector.broadcast %mul3A_998 : f32 to vector<16xf32>
    %mul3A_1000 = arith.mulf %mul3A_981, %mul3A_999 : vector<16xf32>
    %add3A_1001 = arith.addf %convert_element_type3A_959, %mul3A_1000 : vector<16xf32>
    %swap3A_1002 = arith.constant 144 : index
    %swap3A_1003 = tpu.vector_load %arg12[%swap3A_1002] {strides = array<i32>} : memref<256xf32, #tpu.memory_space<vmem>>, vector<16xf32>,
    %swap3A_1004 = vector.shape_cast %swap3A_1003 : vector<16xf32> to vector<16xf32>
    %swap3A_1005 = vector.shape_cast %add3A_1001 : vector<16xf32> to vector<16xf32>
    tpu.vector_store %arg12[%swap3A_1002], %swap3A_1005 {strides = array<i32>} : memref<256xf32, #tpu.memory_space<vmem>>, vector<16xf32>,
    %mul3A_1006 = arith.constant 5.000000e-01 : f32
    %mul3A_1007 = vector.broadcast %mul3A_1006 : f32 to vector<16xf32>
    %mul3A_1008 = arith.mulf %mul3A_972, %mul3A_1007 : vector<16xf32>
    %add3A_1009 = arith.addf %convert_element_type3A_963, %mul3A_1008 : vector<16xf32>
    %swap3A_1010 = arith.constant 144 : index
    %swap3A_1011 = tpu.vector_load %arg13[%swap3A_1010] {strides = array<i32>} : memref<256xf32, #tpu.memory_space<vmem>>, vector<16xf32>,
    %swap3A_1012 = vector.shape_cast %swap3A_1011 : vector<16xf32> to vector<16xf32>
    %swap3A_1013 = vector.shape_cast %add3A_1009 : vector<16xf32> to vector<16xf32>
    tpu.vector_store %arg13[%swap3A_1010], %swap3A_1013 {strides = array<i32>} : memref<256xf32, #tpu.memory_space<vmem>>, vector<16xf32>,
    %get3A_1014 = arith.constant 160 : index
    %get3A_1015 = tpu.vector_load %arg5[%get3A_1014] {strides = array<i32>} : memref<256xi32, #tpu.memory_space<vmem>>, vector<16xi32>,
    %get3A_1016 = vector.shape_cast %get3A_1015 : vector<16xi32> to vector<16xi32>
    %and3A_1017 = arith.constant 511 : i32
    %and3A_1018 = vector.broadcast %and3A_1017 : i32 to vector<16xi32>
    %and3A_1019 = arith.andi %get3A_1016, %and3A_1018 : vector<16xi32>
    %convert_element_type3A_1020 = arith.sitofp %and3A_1019 : vector<16xi32> to vector<16xf32>
    %shift_right_arithmetic3A_1021 = arith.constant 9 : i32
    %shift_right_arithmetic3A_1022 = vector.broadcast %shift_right_arithmetic3A_1021 : i32 to vector<16xi32>
    %shift_right_arithmetic3A_1023 = arith.shrsi %get3A_1016, %shift_right_arithmetic3A_1022 : vector<16xi32>
    %convert_element_type3A_1024 = arith.sitofp %shift_right_arithmetic3A_1023 : vector<16xi32> to vector<16xf32>
    %get3A_1025 = arith.constant 160 : index
    %get3A_1026 = tpu.vector_load %arg8[%get3A_1025] {strides = array<i32>} : memref<256xf32, #tpu.memory_space<vmem>>, vector<16xf32>,
    %get3A_1027 = vector.shape_cast %get3A_1026 : vector<16xf32> to vector<16xf32>
    %max3A_1028 = arith.constant 9.99999997E-7 : f32
    %max3A_1029 = vector.broadcast %max3A_1028 : f32 to vector<16xf32>
    %max3A_1030 = arith.maximumf %get3A_1027, %max3A_1029 : vector<16xf32>
    %mul3A_1031 = arith.constant 5.120000e+02 : f32
    %mul3A_1032 = vector.broadcast %mul3A_1031 : f32 to vector<16xf32>
    %mul3A_1033 = arith.mulf %max3A_1030, %mul3A_1032 : vector<16xf32>
    %get3A_1034 = arith.constant 160 : index
    %get3A_1035 = tpu.vector_load %arg9[%get3A_1034] {strides = array<i32>} : memref<256xf32, #tpu.memory_space<vmem>>, vector<16xf32>,
    %get3A_1036 = vector.shape_cast %get3A_1035 : vector<16xf32> to vector<16xf32>
    %max3A_1037 = arith.constant 9.99999997E-7 : f32
    %max3A_1038 = vector.broadcast %max3A_1037 : f32 to vector<16xf32>
    %max3A_1039 = arith.maximumf %get3A_1036, %max3A_1038 : vector<16xf32>
    %mul3A_1040 = arith.constant 5.120000e+02 : f32
    %mul3A_1041 = vector.broadcast %mul3A_1040 : f32 to vector<16xf32>
    %mul3A_1042 = arith.mulf %max3A_1039, %mul3A_1041 : vector<16xf32>
    %mul3A_1043 = arith.constant 5.000000e-01 : f32
    %mul3A_1044 = vector.broadcast %mul3A_1043 : f32 to vector<16xf32>
    %mul3A_1045 = arith.mulf %mul3A_1042, %mul3A_1044 : vector<16xf32>
    %sub3A_1046 = arith.subf %convert_element_type3A_1020, %mul3A_1045 : vector<16xf32>
    %swap3A_1047 = arith.constant 160 : index
    %swap3A_1048 = tpu.vector_load %arg10[%swap3A_1047] {strides = array<i32>} : memref<256xf32, #tpu.memory_space<vmem>>, vector<16xf32>,
    %swap3A_1049 = vector.shape_cast %swap3A_1048 : vector<16xf32> to vector<16xf32>
    %swap3A_1050 = vector.shape_cast %sub3A_1046 : vector<16xf32> to vector<16xf32>
    tpu.vector_store %arg10[%swap3A_1047], %swap3A_1050 {strides = array<i32>} : memref<256xf32, #tpu.memory_space<vmem>>, vector<16xf32>,
    %mul3A_1051 = arith.constant 5.000000e-01 : f32
    %mul3A_1052 = vector.broadcast %mul3A_1051 : f32 to vector<16xf32>
    %mul3A_1053 = arith.mulf %mul3A_1033, %mul3A_1052 : vector<16xf32>
    %sub3A_1054 = arith.subf %convert_element_type3A_1024, %mul3A_1053 : vector<16xf32>
    %swap3A_1055 = arith.constant 160 : index
    %swap3A_1056 = tpu.vector_load %arg11[%swap3A_1055] {strides = array<i32>} : memref<256xf32, #tpu.memory_space<vmem>>, vector<16xf32>,
    %swap3A_1057 = vector.shape_cast %swap3A_1056 : vector<16xf32> to vector<16xf32>
    %swap3A_1058 = vector.shape_cast %sub3A_1054 : vector<16xf32> to vector<16xf32>
    tpu.vector_store %arg11[%swap3A_1055], %swap3A_1058 {strides = array<i32>} : memref<256xf32, #tpu.memory_space<vmem>>, vector<16xf32>,
    %mul3A_1059 = arith.constant 5.000000e-01 : f32
    %mul3A_1060 = vector.broadcast %mul3A_1059 : f32 to vector<16xf32>
    %mul3A_1061 = arith.mulf %mul3A_1042, %mul3A_1060 : vector<16xf32>
    %add3A_1062 = arith.addf %convert_element_type3A_1020, %mul3A_1061 : vector<16xf32>
    %swap3A_1063 = arith.constant 160 : index
    %swap3A_1064 = tpu.vector_load %arg12[%swap3A_1063] {strides = array<i32>} : memref<256xf32, #tpu.memory_space<vmem>>, vector<16xf32>,
    %swap3A_1065 = vector.shape_cast %swap3A_1064 : vector<16xf32> to vector<16xf32>
    %swap3A_1066 = vector.shape_cast %add3A_1062 : vector<16xf32> to vector<16xf32>
    tpu.vector_store %arg12[%swap3A_1063], %swap3A_1066 {strides = array<i32>} : memref<256xf32, #tpu.memory_space<vmem>>, vector<16xf32>,
    %mul3A_1067 = arith.constant 5.000000e-01 : f32
    %mul3A_1068 = vector.broadcast %mul3A_1067 : f32 to vector<16xf32>
    %mul3A_1069 = arith.mulf %mul3A_1033, %mul3A_1068 : vector<16xf32>
    %add3A_1070 = arith.addf %convert_element_type3A_1024, %mul3A_1069 : vector<16xf32>
    %swap3A_1071 = arith.constant 160 : index
    %swap3A_1072 = tpu.vector_load %arg13[%swap3A_1071] {strides = array<i32>} : memref<256xf32, #tpu.memory_space<vmem>>, vector<16xf32>,
    %swap3A_1073 = vector.shape_cast %swap3A_1072 : vector<16xf32> to vector<16xf32>
    %swap3A_1074 = vector.shape_cast %add3A_1070 : vector<16xf32> to vector<16xf32>
    tpu.vector_store %arg13[%swap3A_1071], %swap3A_1074 {strides = array<i32>} : memref<256xf32, #tpu.memory_space<vmem>>, vector<16xf32>,
    %get3A_1075 = arith.constant 176 : index
    %get3A_1076 = tpu.vector_load %arg5[%get3A_1075] {strides = array<i32>} : memref<256xi32, #tpu.memory_space<vmem>>, vector<16xi32>,
    %get3A_1077 = vector.shape_cast %get3A_1076 : vector<16xi32> to vector<16xi32>
    %and3A_1078 = arith.constant 511 : i32
    %and3A_1079 = vector.broadcast %and3A_1078 : i32 to vector<16xi32>
    %and3A_1080 = arith.andi %get3A_1077, %and3A_1079 : vector<16xi32>
    %convert_element_type3A_1081 = arith.sitofp %and3A_1080 : vector<16xi32> to vector<16xf32>
    %shift_right_arithmetic3A_1082 = arith.constant 9 : i32
    %shift_right_arithmetic3A_1083 = vector.broadcast %shift_right_arithmetic3A_1082 : i32 to vector<16xi32>
    %shift_right_arithmetic3A_1084 = arith.shrsi %get3A_1077, %shift_right_arithmetic3A_1083 : vector<16xi32>
    %convert_element_type3A_1085 = arith.sitofp %shift_right_arithmetic3A_1084 : vector<16xi32> to vector<16xf32>
    %get3A_1086 = arith.constant 176 : index
    %get3A_1087 = tpu.vector_load %arg8[%get3A_1086] {strides = array<i32>} : memref<256xf32, #tpu.memory_space<vmem>>, vector<16xf32>,
    %get3A_1088 = vector.shape_cast %get3A_1087 : vector<16xf32> to vector<16xf32>
    %max3A_1089 = arith.constant 9.99999997E-7 : f32
    %max3A_1090 = vector.broadcast %max3A_1089 : f32 to vector<16xf32>
    %max3A_1091 = arith.maximumf %get3A_1088, %max3A_1090 : vector<16xf32>
    %mul3A_1092 = arith.constant 5.120000e+02 : f32
    %mul3A_1093 = vector.broadcast %mul3A_1092 : f32 to vector<16xf32>
    %mul3A_1094 = arith.mulf %max3A_1091, %mul3A_1093 : vector<16xf32>
    %get3A_1095 = arith.constant 176 : index
    %get3A_1096 = tpu.vector_load %arg9[%get3A_1095] {strides = array<i32>} : memref<256xf32, #tpu.memory_space<vmem>>, vector<16xf32>,
    %get3A_1097 = vector.shape_cast %get3A_1096 : vector<16xf32> to vector<16xf32>
    %max3A_1098 = arith.constant 9.99999997E-7 : f32
    %max3A_1099 = vector.broadcast %max3A_1098 : f32 to vector<16xf32>
    %max3A_1100 = arith.maximumf %get3A_1097, %max3A_1099 : vector<16xf32>
    %mul3A_1101 = arith.constant 5.120000e+02 : f32
    %mul3A_1102 = vector.broadcast %mul3A_1101 : f32 to vector<16xf32>
    %mul3A_1103 = arith.mulf %max3A_1100, %mul3A_1102 : vector<16xf32>
    %mul3A_1104 = arith.constant 5.000000e-01 : f32
    %mul3A_1105 = vector.broadcast %mul3A_1104 : f32 to vector<16xf32>
    %mul3A_1106 = arith.mulf %mul3A_1103, %mul3A_1105 : vector<16xf32>
    %sub3A_1107 = arith.subf %convert_element_type3A_1081, %mul3A_1106 : vector<16xf32>
    %swap3A_1108 = arith.constant 176 : index
    %swap3A_1109 = tpu.vector_load %arg10[%swap3A_1108] {strides = array<i32>} : memref<256xf32, #tpu.memory_space<vmem>>, vector<16xf32>,
    %swap3A_1110 = vector.shape_cast %swap3A_1109 : vector<16xf32> to vector<16xf32>
    %swap3A_1111 = vector.shape_cast %sub3A_1107 : vector<16xf32> to vector<16xf32>
    tpu.vector_store %arg10[%swap3A_1108], %swap3A_1111 {strides = array<i32>} : memref<256xf32, #tpu.memory_space<vmem>>, vector<16xf32>,
    %mul3A_1112 = arith.constant 5.000000e-01 : f32
    %mul3A_1113 = vector.broadcast %mul3A_1112 : f32 to vector<16xf32>
    %mul3A_1114 = arith.mulf %mul3A_1094, %mul3A_1113 : vector<16xf32>
    %sub3A_1115 = arith.subf %convert_element_type3A_1085, %mul3A_1114 : vector<16xf32>
    %swap3A_1116 = arith.constant 176 : index
    %swap3A_1117 = tpu.vector_load %arg11[%swap3A_1116] {strides = array<i32>} : memref<256xf32, #tpu.memory_space<vmem>>, vector<16xf32>,
    %swap3A_1118 = vector.shape_cast %swap3A_1117 : vector<16xf32> to vector<16xf32>
    %swap3A_1119 = vector.shape_cast %sub3A_1115 : vector<16xf32> to vector<16xf32>
    tpu.vector_store %arg11[%swap3A_1116], %swap3A_1119 {strides = array<i32>} : memref<256xf32, #tpu.memory_space<vmem>>, vector<16xf32>,
    %mul3A_1120 = arith.constant 5.000000e-01 : f32
    %mul3A_1121 = vector.broadcast %mul3A_1120 : f32 to vector<16xf32>
    %mul3A_1122 = arith.mulf %mul3A_1103, %mul3A_1121 : vector<16xf32>
    %add3A_1123 = arith.addf %convert_element_type3A_1081, %mul3A_1122 : vector<16xf32>
    %swap3A_1124 = arith.constant 176 : index
    %swap3A_1125 = tpu.vector_load %arg12[%swap3A_1124] {strides = array<i32>} : memref<256xf32, #tpu.memory_space<vmem>>, vector<16xf32>,
    %swap3A_1126 = vector.shape_cast %swap3A_1125 : vector<16xf32> to vector<16xf32>
    %swap3A_1127 = vector.shape_cast %add3A_1123 : vector<16xf32> to vector<16xf32>
    tpu.vector_store %arg12[%swap3A_1124], %swap3A_1127 {strides = array<i32>} : memref<256xf32, #tpu.memory_space<vmem>>, vector<16xf32>,
    %mul3A_1128 = arith.constant 5.000000e-01 : f32
    %mul3A_1129 = vector.broadcast %mul3A_1128 : f32 to vector<16xf32>
    %mul3A_1130 = arith.mulf %mul3A_1094, %mul3A_1129 : vector<16xf32>
    %add3A_1131 = arith.addf %convert_element_type3A_1085, %mul3A_1130 : vector<16xf32>
    %swap3A_1132 = arith.constant 176 : index
    %swap3A_1133 = tpu.vector_load %arg13[%swap3A_1132] {strides = array<i32>} : memref<256xf32, #tpu.memory_space<vmem>>, vector<16xf32>,
    %swap3A_1134 = vector.shape_cast %swap3A_1133 : vector<16xf32> to vector<16xf32>
    %swap3A_1135 = vector.shape_cast %add3A_1131 : vector<16xf32> to vector<16xf32>
    tpu.vector_store %arg13[%swap3A_1132], %swap3A_1135 {strides = array<i32>} : memref<256xf32, #tpu.memory_space<vmem>>, vector<16xf32>,
    %get3A_1136 = arith.constant 192 : index
    %get3A_1137 = tpu.vector_load %arg5[%get3A_1136] {strides = array<i32>} : memref<256xi32, #tpu.memory_space<vmem>>, vector<16xi32>,
    %get3A_1138 = vector.shape_cast %get3A_1137 : vector<16xi32> to vector<16xi32>
    %and3A_1139 = arith.constant 511 : i32
    %and3A_1140 = vector.broadcast %and3A_1139 : i32 to vector<16xi32>
    %and3A_1141 = arith.andi %get3A_1138, %and3A_1140 : vector<16xi32>
    %convert_element_type3A_1142 = arith.sitofp %and3A_1141 : vector<16xi32> to vector<16xf32>
    %shift_right_arithmetic3A_1143 = arith.constant 9 : i32
    %shift_right_arithmetic3A_1144 = vector.broadcast %shift_right_arithmetic3A_1143 : i32 to vector<16xi32>
    %shift_right_arithmetic3A_1145 = arith.shrsi %get3A_1138, %shift_right_arithmetic3A_1144 : vector<16xi32>
    %convert_element_type3A_1146 = arith.sitofp %shift_right_arithmetic3A_1145 : vector<16xi32> to vector<16xf32>
    %get3A_1147 = arith.constant 192 : index
    %get3A_1148 = tpu.vector_load %arg8[%get3A_1147] {strides = array<i32>} : memref<256xf32, #tpu.memory_space<vmem>>, vector<16xf32>,
    %get3A_1149 = vector.shape_cast %get3A_1148 : vector<16xf32> to vector<16xf32>
    %max3A_1150 = arith.constant 9.99999997E-7 : f32
    %max3A_1151 = vector.broadcast %max3A_1150 : f32 to vector<16xf32>
    %max3A_1152 = arith.maximumf %get3A_1149, %max3A_1151 : vector<16xf32>
    %mul3A_1153 = arith.constant 5.120000e+02 : f32
    %mul3A_1154 = vector.broadcast %mul3A_1153 : f32 to vector<16xf32>
    %mul3A_1155 = arith.mulf %max3A_1152, %mul3A_1154 : vector<16xf32>
    %get3A_1156 = arith.constant 192 : index
    %get3A_1157 = tpu.vector_load %arg9[%get3A_1156] {strides = array<i32>} : memref<256xf32, #tpu.memory_space<vmem>>, vector<16xf32>,
    %get3A_1158 = vector.shape_cast %get3A_1157 : vector<16xf32> to vector<16xf32>
    %max3A_1159 = arith.constant 9.99999997E-7 : f32
    %max3A_1160 = vector.broadcast %max3A_1159 : f32 to vector<16xf32>
    %max3A_1161 = arith.maximumf %get3A_1158, %max3A_1160 : vector<16xf32>
    %mul3A_1162 = arith.constant 5.120000e+02 : f32
    %mul3A_1163 = vector.broadcast %mul3A_1162 : f32 to vector<16xf32>
    %mul3A_1164 = arith.mulf %max3A_1161, %mul3A_1163 : vector<16xf32>
    %mul3A_1165 = arith.constant 5.000000e-01 : f32
    %mul3A_1166 = vector.broadcast %mul3A_1165 : f32 to vector<16xf32>
    %mul3A_1167 = arith.mulf %mul3A_1164, %mul3A_1166 : vector<16xf32>
    %sub3A_1168 = arith.subf %convert_element_type3A_1142, %mul3A_1167 : vector<16xf32>
    %swap3A_1169 = arith.constant 192 : index
    %swap3A_1170 = tpu.vector_load %arg10[%swap3A_1169] {strides = array<i32>} : memref<256xf32, #tpu.memory_space<vmem>>, vector<16xf32>,
    %swap3A_1171 = vector.shape_cast %swap3A_1170 : vector<16xf32> to vector<16xf32>
    %swap3A_1172 = vector.shape_cast %sub3A_1168 : vector<16xf32> to vector<16xf32>
    tpu.vector_store %arg10[%swap3A_1169], %swap3A_1172 {strides = array<i32>} : memref<256xf32, #tpu.memory_space<vmem>>, vector<16xf32>,
    %mul3A_1173 = arith.constant 5.000000e-01 : f32
    %mul3A_1174 = vector.broadcast %mul3A_1173 : f32 to vector<16xf32>
    %mul3A_1175 = arith.mulf %mul3A_1155, %mul3A_1174 : vector<16xf32>
    %sub3A_1176 = arith.subf %convert_element_type3A_1146, %mul3A_1175 : vector<16xf32>
    %swap3A_1177 = arith.constant 192 : index
    %swap3A_1178 = tpu.vector_load %arg11[%swap3A_1177] {strides = array<i32>} : memref<256xf32, #tpu.memory_space<vmem>>, vector<16xf32>,
    %swap3A_1179 = vector.shape_cast %swap3A_1178 : vector<16xf32> to vector<16xf32>
    %swap3A_1180 = vector.shape_cast %sub3A_1176 : vector<16xf32> to vector<16xf32>
    tpu.vector_store %arg11[%swap3A_1177], %swap3A_1180 {strides = array<i32>} : memref<256xf32, #tpu.memory_space<vmem>>, vector<16xf32>,
    %mul3A_1181 = arith.constant 5.000000e-01 : f32
    %mul3A_1182 = vector.broadcast %mul3A_1181 : f32 to vector<16xf32>
    %mul3A_1183 = arith.mulf %mul3A_1164, %mul3A_1182 : vector<16xf32>
    %add3A_1184 = arith.addf %convert_element_type3A_1142, %mul3A_1183 : vector<16xf32>
    %swap3A_1185 = arith.constant 192 : index
    %swap3A_1186 = tpu.vector_load %arg12[%swap3A_1185] {strides = array<i32>} : memref<256xf32, #tpu.memory_space<vmem>>, vector<16xf32>,
    %swap3A_1187 = vector.shape_cast %swap3A_1186 : vector<16xf32> to vector<16xf32>
    %swap3A_1188 = vector.shape_cast %add3A_1184 : vector<16xf32> to vector<16xf32>
    tpu.vector_store %arg12[%swap3A_1185], %swap3A_1188 {strides = array<i32>} : memref<256xf32, #tpu.memory_space<vmem>>, vector<16xf32>,
    %mul3A_1189 = arith.constant 5.000000e-01 : f32
    %mul3A_1190 = vector.broadcast %mul3A_1189 : f32 to vector<16xf32>
    %mul3A_1191 = arith.mulf %mul3A_1155, %mul3A_1190 : vector<16xf32>
    %add3A_1192 = arith.addf %convert_element_type3A_1146, %mul3A_1191 : vector<16xf32>
    %swap3A_1193 = arith.constant 192 : index
    %swap3A_1194 = tpu.vector_load %arg13[%swap3A_1193] {strides = array<i32>} : memref<256xf32, #tpu.memory_space<vmem>>, vector<16xf32>,
    %swap3A_1195 = vector.shape_cast %swap3A_1194 : vector<16xf32> to vector<16xf32>
    %swap3A_1196 = vector.shape_cast %add3A_1192 : vector<16xf32> to vector<16xf32>
    tpu.vector_store %arg13[%swap3A_1193], %swap3A_1196 {strides = array<i32>} : memref<256xf32, #tpu.memory_space<vmem>>, vector<16xf32>,
    %get3A_1197 = arith.constant 208 : index
    %get3A_1198 = tpu.vector_load %arg5[%get3A_1197] {strides = array<i32>} : memref<256xi32, #tpu.memory_space<vmem>>, vector<16xi32>,
    %get3A_1199 = vector.shape_cast %get3A_1198 : vector<16xi32> to vector<16xi32>
    %and3A_1200 = arith.constant 511 : i32
    %and3A_1201 = vector.broadcast %and3A_1200 : i32 to vector<16xi32>
    %and3A_1202 = arith.andi %get3A_1199, %and3A_1201 : vector<16xi32>
    %convert_element_type3A_1203 = arith.sitofp %and3A_1202 : vector<16xi32> to vector<16xf32>
    %shift_right_arithmetic3A_1204 = arith.constant 9 : i32
    %shift_right_arithmetic3A_1205 = vector.broadcast %shift_right_arithmetic3A_1204 : i32 to vector<16xi32>
    %shift_right_arithmetic3A_1206 = arith.shrsi %get3A_1199, %shift_right_arithmetic3A_1205 : vector<16xi32>
    %convert_element_type3A_1207 = arith.sitofp %shift_right_arithmetic3A_1206 : vector<16xi32> to vector<16xf32>
    %get3A_1208 = arith.constant 208 : index
    %get3A_1209 = tpu.vector_load %arg8[%get3A_1208] {strides = array<i32>} : memref<256xf32, #tpu.memory_space<vmem>>, vector<16xf32>,
    %get3A_1210 = vector.shape_cast %get3A_1209 : vector<16xf32> to vector<16xf32>
    %max3A_1211 = arith.constant 9.99999997E-7 : f32
    %max3A_1212 = vector.broadcast %max3A_1211 : f32 to vector<16xf32>
    %max3A_1213 = arith.maximumf %get3A_1210, %max3A_1212 : vector<16xf32>
    %mul3A_1214 = arith.constant 5.120000e+02 : f32
    %mul3A_1215 = vector.broadcast %mul3A_1214 : f32 to vector<16xf32>
    %mul3A_1216 = arith.mulf %max3A_1213, %mul3A_1215 : vector<16xf32>
    %get3A_1217 = arith.constant 208 : index
    %get3A_1218 = tpu.vector_load %arg9[%get3A_1217] {strides = array<i32>} : memref<256xf32, #tpu.memory_space<vmem>>, vector<16xf32>,
    %get3A_1219 = vector.shape_cast %get3A_1218 : vector<16xf32> to vector<16xf32>
    %max3A_1220 = arith.constant 9.99999997E-7 : f32
    %max3A_1221 = vector.broadcast %max3A_1220 : f32 to vector<16xf32>
    %max3A_1222 = arith.maximumf %get3A_1219, %max3A_1221 : vector<16xf32>
    %mul3A_1223 = arith.constant 5.120000e+02 : f32
    %mul3A_1224 = vector.broadcast %mul3A_1223 : f32 to vector<16xf32>
    %mul3A_1225 = arith.mulf %max3A_1222, %mul3A_1224 : vector<16xf32>
    %mul3A_1226 = arith.constant 5.000000e-01 : f32
    %mul3A_1227 = vector.broadcast %mul3A_1226 : f32 to vector<16xf32>
    %mul3A_1228 = arith.mulf %mul3A_1225, %mul3A_1227 : vector<16xf32>
    %sub3A_1229 = arith.subf %convert_element_type3A_1203, %mul3A_1228 : vector<16xf32>
    %swap3A_1230 = arith.constant 208 : index
    %swap3A_1231 = tpu.vector_load %arg10[%swap3A_1230] {strides = array<i32>} : memref<256xf32, #tpu.memory_space<vmem>>, vector<16xf32>,
    %swap3A_1232 = vector.shape_cast %swap3A_1231 : vector<16xf32> to vector<16xf32>
    %swap3A_1233 = vector.shape_cast %sub3A_1229 : vector<16xf32> to vector<16xf32>
    tpu.vector_store %arg10[%swap3A_1230], %swap3A_1233 {strides = array<i32>} : memref<256xf32, #tpu.memory_space<vmem>>, vector<16xf32>,
    %mul3A_1234 = arith.constant 5.000000e-01 : f32
    %mul3A_1235 = vector.broadcast %mul3A_1234 : f32 to vector<16xf32>
    %mul3A_1236 = arith.mulf %mul3A_1216, %mul3A_1235 : vector<16xf32>
    %sub3A_1237 = arith.subf %convert_element_type3A_1207, %mul3A_1236 : vector<16xf32>
    %swap3A_1238 = arith.constant 208 : index
    %swap3A_1239 = tpu.vector_load %arg11[%swap3A_1238] {strides = array<i32>} : memref<256xf32, #tpu.memory_space<vmem>>, vector<16xf32>,
    %swap3A_1240 = vector.shape_cast %swap3A_1239 : vector<16xf32> to vector<16xf32>
    %swap3A_1241 = vector.shape_cast %sub3A_1237 : vector<16xf32> to vector<16xf32>
    tpu.vector_store %arg11[%swap3A_1238], %swap3A_1241 {strides = array<i32>} : memref<256xf32, #tpu.memory_space<vmem>>, vector<16xf32>,
    %mul3A_1242 = arith.constant 5.000000e-01 : f32
    %mul3A_1243 = vector.broadcast %mul3A_1242 : f32 to vector<16xf32>
    %mul3A_1244 = arith.mulf %mul3A_1225, %mul3A_1243 : vector<16xf32>
    %add3A_1245 = arith.addf %convert_element_type3A_1203, %mul3A_1244 : vector<16xf32>
    %swap3A_1246 = arith.constant 208 : index
    %swap3A_1247 = tpu.vector_load %arg12[%swap3A_1246] {strides = array<i32>} : memref<256xf32, #tpu.memory_space<vmem>>, vector<16xf32>,
    %swap3A_1248 = vector.shape_cast %swap3A_1247 : vector<16xf32> to vector<16xf32>
    %swap3A_1249 = vector.shape_cast %add3A_1245 : vector<16xf32> to vector<16xf32>
    tpu.vector_store %arg12[%swap3A_1246], %swap3A_1249 {strides = array<i32>} : memref<256xf32, #tpu.memory_space<vmem>>, vector<16xf32>,
    %mul3A_1250 = arith.constant 5.000000e-01 : f32
    %mul3A_1251 = vector.broadcast %mul3A_1250 : f32 to vector<16xf32>
    %mul3A_1252 = arith.mulf %mul3A_1216, %mul3A_1251 : vector<16xf32>
    %add3A_1253 = arith.addf %convert_element_type3A_1207, %mul3A_1252 : vector<16xf32>
    %swap3A_1254 = arith.constant 208 : index
    %swap3A_1255 = tpu.vector_load %arg13[%swap3A_1254] {strides = array<i32>} : memref<256xf32, #tpu.memory_space<vmem>>, vector<16xf32>,
    %swap3A_1256 = vector.shape_cast %swap3A_1255 : vector<16xf32> to vector<16xf32>
    %swap3A_1257 = vector.shape_cast %add3A_1253 : vector<16xf32> to vector<16xf32>
    tpu.vector_store %arg13[%swap3A_1254], %swap3A_1257 {strides = array<i32>} : memref<256xf32, #tpu.memory_space<vmem>>, vector<16xf32>,
    %get3A_1258 = arith.constant 224 : index
    %get3A_1259 = tpu.vector_load %arg5[%get3A_1258] {strides = array<i32>} : memref<256xi32, #tpu.memory_space<vmem>>, vector<16xi32>,
    %get3A_1260 = vector.shape_cast %get3A_1259 : vector<16xi32> to vector<16xi32>
    %and3A_1261 = arith.constant 511 : i32
    %and3A_1262 = vector.broadcast %and3A_1261 : i32 to vector<16xi32>
    %and3A_1263 = arith.andi %get3A_1260, %and3A_1262 : vector<16xi32>
    %convert_element_type3A_1264 = arith.sitofp %and3A_1263 : vector<16xi32> to vector<16xf32>
    %shift_right_arithmetic3A_1265 = arith.constant 9 : i32
    %shift_right_arithmetic3A_1266 = vector.broadcast %shift_right_arithmetic3A_1265 : i32 to vector<16xi32>
    %shift_right_arithmetic3A_1267 = arith.shrsi %get3A_1260, %shift_right_arithmetic3A_1266 : vector<16xi32>
    %convert_element_type3A_1268 = arith.sitofp %shift_right_arithmetic3A_1267 : vector<16xi32> to vector<16xf32>
    %get3A_1269 = arith.constant 224 : index
    %get3A_1270 = tpu.vector_load %arg8[%get3A_1269] {strides = array<i32>} : memref<256xf32, #tpu.memory_space<vmem>>, vector<16xf32>,
    %get3A_1271 = vector.shape_cast %get3A_1270 : vector<16xf32> to vector<16xf32>
    %max3A_1272 = arith.constant 9.99999997E-7 : f32
    %max3A_1273 = vector.broadcast %max3A_1272 : f32 to vector<16xf32>
    %max3A_1274 = arith.maximumf %get3A_1271, %max3A_1273 : vector<16xf32>
    %mul3A_1275 = arith.constant 5.120000e+02 : f32
    %mul3A_1276 = vector.broadcast %mul3A_1275 : f32 to vector<16xf32>
    %mul3A_1277 = arith.mulf %max3A_1274, %mul3A_1276 : vector<16xf32>
    %get3A_1278 = arith.constant 224 : index
    %get3A_1279 = tpu.vector_load %arg9[%get3A_1278] {strides = array<i32>} : memref<256xf32, #tpu.memory_space<vmem>>, vector<16xf32>,
    %get3A_1280 = vector.shape_cast %get3A_1279 : vector<16xf32> to vector<16xf32>
    %max3A_1281 = arith.constant 9.99999997E-7 : f32
    %max3A_1282 = vector.broadcast %max3A_1281 : f32 to vector<16xf32>
    %max3A_1283 = arith.maximumf %get3A_1280, %max3A_1282 : vector<16xf32>
    %mul3A_1284 = arith.constant 5.120000e+02 : f32
    %mul3A_1285 = vector.broadcast %mul3A_1284 : f32 to vector<16xf32>
    %mul3A_1286 = arith.mulf %max3A_1283, %mul3A_1285 : vector<16xf32>
    %mul3A_1287 = arith.constant 5.000000e-01 : f32
    %mul3A_1288 = vector.broadcast %mul3A_1287 : f32 to vector<16xf32>
    %mul3A_1289 = arith.mulf %mul3A_1286, %mul3A_1288 : vector<16xf32>
    %sub3A_1290 = arith.subf %convert_element_type3A_1264, %mul3A_1289 : vector<16xf32>
    %swap3A_1291 = arith.constant 224 : index
    %swap3A_1292 = tpu.vector_load %arg10[%swap3A_1291] {strides = array<i32>} : memref<256xf32, #tpu.memory_space<vmem>>, vector<16xf32>,
    %swap3A_1293 = vector.shape_cast %swap3A_1292 : vector<16xf32> to vector<16xf32>
    %swap3A_1294 = vector.shape_cast %sub3A_1290 : vector<16xf32> to vector<16xf32>
    tpu.vector_store %arg10[%swap3A_1291], %swap3A_1294 {strides = array<i32>} : memref<256xf32, #tpu.memory_space<vmem>>, vector<16xf32>,
    %mul3A_1295 = arith.constant 5.000000e-01 : f32
    %mul3A_1296 = vector.broadcast %mul3A_1295 : f32 to vector<16xf32>
    %mul3A_1297 = arith.mulf %mul3A_1277, %mul3A_1296 : vector<16xf32>
    %sub3A_1298 = arith.subf %convert_element_type3A_1268, %mul3A_1297 : vector<16xf32>
    %swap3A_1299 = arith.constant 224 : index
    %swap3A_1300 = tpu.vector_load %arg11[%swap3A_1299] {strides = array<i32>} : memref<256xf32, #tpu.memory_space<vmem>>, vector<16xf32>,
    %swap3A_1301 = vector.shape_cast %swap3A_1300 : vector<16xf32> to vector<16xf32>
    %swap3A_1302 = vector.shape_cast %sub3A_1298 : vector<16xf32> to vector<16xf32>
    tpu.vector_store %arg11[%swap3A_1299], %swap3A_1302 {strides = array<i32>} : memref<256xf32, #tpu.memory_space<vmem>>, vector<16xf32>,
    %mul3A_1303 = arith.constant 5.000000e-01 : f32
    %mul3A_1304 = vector.broadcast %mul3A_1303 : f32 to vector<16xf32>
    %mul3A_1305 = arith.mulf %mul3A_1286, %mul3A_1304 : vector<16xf32>
    %add3A_1306 = arith.addf %convert_element_type3A_1264, %mul3A_1305 : vector<16xf32>
    %swap3A_1307 = arith.constant 224 : index
    %swap3A_1308 = tpu.vector_load %arg12[%swap3A_1307] {strides = array<i32>} : memref<256xf32, #tpu.memory_space<vmem>>, vector<16xf32>,
    %swap3A_1309 = vector.shape_cast %swap3A_1308 : vector<16xf32> to vector<16xf32>
    %swap3A_1310 = vector.shape_cast %add3A_1306 : vector<16xf32> to vector<16xf32>
    tpu.vector_store %arg12[%swap3A_1307], %swap3A_1310 {strides = array<i32>} : memref<256xf32, #tpu.memory_space<vmem>>, vector<16xf32>,
    %mul3A_1311 = arith.constant 5.000000e-01 : f32
    %mul3A_1312 = vector.broadcast %mul3A_1311 : f32 to vector<16xf32>
    %mul3A_1313 = arith.mulf %mul3A_1277, %mul3A_1312 : vector<16xf32>
    %add3A_1314 = arith.addf %convert_element_type3A_1268, %mul3A_1313 : vector<16xf32>
    %swap3A_1315 = arith.constant 224 : index
    %swap3A_1316 = tpu.vector_load %arg13[%swap3A_1315] {strides = array<i32>} : memref<256xf32, #tpu.memory_space<vmem>>, vector<16xf32>,
    %swap3A_1317 = vector.shape_cast %swap3A_1316 : vector<16xf32> to vector<16xf32>
    %swap3A_1318 = vector.shape_cast %add3A_1314 : vector<16xf32> to vector<16xf32>
    tpu.vector_store %arg13[%swap3A_1315], %swap3A_1318 {strides = array<i32>} : memref<256xf32, #tpu.memory_space<vmem>>, vector<16xf32>,
    %get3A_1319 = arith.constant 240 : index
    %get3A_1320 = tpu.vector_load %arg5[%get3A_1319] {strides = array<i32>} : memref<256xi32, #tpu.memory_space<vmem>>, vector<16xi32>,
    %get3A_1321 = vector.shape_cast %get3A_1320 : vector<16xi32> to vector<16xi32>
    %and3A_1322 = arith.constant 511 : i32
    %and3A_1323 = vector.broadcast %and3A_1322 : i32 to vector<16xi32>
    %and3A_1324 = arith.andi %get3A_1321, %and3A_1323 : vector<16xi32>
    %convert_element_type3A_1325 = arith.sitofp %and3A_1324 : vector<16xi32> to vector<16xf32>
    %shift_right_arithmetic3A_1326 = arith.constant 9 : i32
    %shift_right_arithmetic3A_1327 = vector.broadcast %shift_right_arithmetic3A_1326 : i32 to vector<16xi32>
    %shift_right_arithmetic3A_1328 = arith.shrsi %get3A_1321, %shift_right_arithmetic3A_1327 : vector<16xi32>
    %convert_element_type3A_1329 = arith.sitofp %shift_right_arithmetic3A_1328 : vector<16xi32> to vector<16xf32>
    %get3A_1330 = arith.constant 240 : index
    %get3A_1331 = tpu.vector_load %arg8[%get3A_1330] {strides = array<i32>} : memref<256xf32, #tpu.memory_space<vmem>>, vector<16xf32>,
    %get3A_1332 = vector.shape_cast %get3A_1331 : vector<16xf32> to vector<16xf32>
    %max3A_1333 = arith.constant 9.99999997E-7 : f32
    %max3A_1334 = vector.broadcast %max3A_1333 : f32 to vector<16xf32>
    %max3A_1335 = arith.maximumf %get3A_1332, %max3A_1334 : vector<16xf32>
    %mul3A_1336 = arith.constant 5.120000e+02 : f32
    %mul3A_1337 = vector.broadcast %mul3A_1336 : f32 to vector<16xf32>
    %mul3A_1338 = arith.mulf %max3A_1335, %mul3A_1337 : vector<16xf32>
    %get3A_1339 = arith.constant 240 : index
    %get3A_1340 = tpu.vector_load %arg9[%get3A_1339] {strides = array<i32>} : memref<256xf32, #tpu.memory_space<vmem>>, vector<16xf32>,
    %get3A_1341 = vector.shape_cast %get3A_1340 : vector<16xf32> to vector<16xf32>
    %max3A_1342 = arith.constant 9.99999997E-7 : f32
    %max3A_1343 = vector.broadcast %max3A_1342 : f32 to vector<16xf32>
    %max3A_1344 = arith.maximumf %get3A_1341, %max3A_1343 : vector<16xf32>
    %mul3A_1345 = arith.constant 5.120000e+02 : f32
    %mul3A_1346 = vector.broadcast %mul3A_1345 : f32 to vector<16xf32>
    %mul3A_1347 = arith.mulf %max3A_1344, %mul3A_1346 : vector<16xf32>
    %mul3A_1348 = arith.constant 5.000000e-01 : f32
    %mul3A_1349 = vector.broadcast %mul3A_1348 : f32 to vector<16xf32>
    %mul3A_1350 = arith.mulf %mul3A_1347, %mul3A_1349 : vector<16xf32>
    %sub3A_1351 = arith.subf %convert_element_type3A_1325, %mul3A_1350 : vector<16xf32>
    %swap3A_1352 = arith.constant 240 : index
    %swap3A_1353 = tpu.vector_load %arg10[%swap3A_1352] {strides = array<i32>} : memref<256xf32, #tpu.memory_space<vmem>>, vector<16xf32>,
    %swap3A_1354 = vector.shape_cast %swap3A_1353 : vector<16xf32> to vector<16xf32>
    %swap3A_1355 = vector.shape_cast %sub3A_1351 : vector<16xf32> to vector<16xf32>
    tpu.vector_store %arg10[%swap3A_1352], %swap3A_1355 {strides = array<i32>} : memref<256xf32, #tpu.memory_space<vmem>>, vector<16xf32>,
    %mul3A_1356 = arith.constant 5.000000e-01 : f32
    %mul3A_1357 = vector.broadcast %mul3A_1356 : f32 to vector<16xf32>
    %mul3A_1358 = arith.mulf %mul3A_1338, %mul3A_1357 : vector<16xf32>
    %sub3A_1359 = arith.subf %convert_element_type3A_1329, %mul3A_1358 : vector<16xf32>
    %swap3A_1360 = arith.constant 240 : index
    %swap3A_1361 = tpu.vector_load %arg11[%swap3A_1360] {strides = array<i32>} : memref<256xf32, #tpu.memory_space<vmem>>, vector<16xf32>,
    %swap3A_1362 = vector.shape_cast %swap3A_1361 : vector<16xf32> to vector<16xf32>
    %swap3A_1363 = vector.shape_cast %sub3A_1359 : vector<16xf32> to vector<16xf32>
    tpu.vector_store %arg11[%swap3A_1360], %swap3A_1363 {strides = array<i32>} : memref<256xf32, #tpu.memory_space<vmem>>, vector<16xf32>,
    %mul3A_1364 = arith.constant 5.000000e-01 : f32
    %mul3A_1365 = vector.broadcast %mul3A_1364 : f32 to vector<16xf32>
    %mul3A_1366 = arith.mulf %mul3A_1347, %mul3A_1365 : vector<16xf32>
    %add3A_1367 = arith.addf %convert_element_type3A_1325, %mul3A_1366 : vector<16xf32>
    %swap3A_1368 = arith.constant 240 : index
    %swap3A_1369 = tpu.vector_load %arg12[%swap3A_1368] {strides = array<i32>} : memref<256xf32, #tpu.memory_space<vmem>>, vector<16xf32>,
    %swap3A_1370 = vector.shape_cast %swap3A_1369 : vector<16xf32> to vector<16xf32>
    %swap3A_1371 = vector.shape_cast %add3A_1367 : vector<16xf32> to vector<16xf32>
    tpu.vector_store %arg12[%swap3A_1368], %swap3A_1371 {strides = array<i32>} : memref<256xf32, #tpu.memory_space<vmem>>, vector<16xf32>,
    %mul3A_1372 = arith.constant 5.000000e-01 : f32
    %mul3A_1373 = vector.broadcast %mul3A_1372 : f32 to vector<16xf32>
    %mul3A_1374 = arith.mulf %mul3A_1338, %mul3A_1373 : vector<16xf32>
    %add3A_1375 = arith.addf %convert_element_type3A_1329, %mul3A_1374 : vector<16xf32>
    %swap3A_1376 = arith.constant 240 : index
    %swap3A_1377 = tpu.vector_load %arg13[%swap3A_1376] {strides = array<i32>} : memref<256xf32, #tpu.memory_space<vmem>>, vector<16xf32>,
    %swap3A_1378 = vector.shape_cast %swap3A_1377 : vector<16xf32> to vector<16xf32>
    %swap3A_1379 = vector.shape_cast %add3A_1375 : vector<16xf32> to vector<16xf32>
    tpu.vector_store %arg13[%swap3A_1376], %swap3A_1379 {strides = array<i32>} : memref<256xf32, #tpu.memory_space<vmem>>, vector<16xf32>,
    %mul3A_1380 = arith.constant 4 : i32
    %mul3A_1381 = arith.muli %select_n3A, %mul3A_1380 : i32
    %mul3A_1382 = arith.constant 1024 : i32
    %mul3A_1383 = arith.muli %mul3A_1381, %mul3A_1382 : i32
    %mul3A_1384 = arith.constant 256 : i32
    %mul3A_1385 = arith.muli %select_n3A_30, %mul3A_1384 : i32
    %add3A_1386 = arith.addi %mul3A_1383, %mul3A_1385 : i32
    "tpu.region"() ({
      %run_scoped3A = tpu.sem_alloc : memref<!tpu.dma_semaphore, #tpu.memory_space<semaphore_mem>>
      %dma_start3A_1393 = tpu.memref_slice %arg4[%add3A_1386] : memref<32768xf32, #tpu.memory_space<hbm>> -> memref<256xf32, #tpu.memory_space<hbm>>
      %dma_start3A_1394 = tpu.memref_slice %arg4[%add3A_1386] : memref<32768xf32, #tpu.memory_space<hbm>> -> memref<256xf32, #tpu.memory_space<hbm>>
      tpu.enqueue_dma source(%arg10 : memref<256xf32, #tpu.memory_space<vmem>>) target(%dma_start3A_1394 : memref<256xf32, #tpu.memory_space<hbm>>) target_semaphore(%run_scoped3A : memref<!tpu.dma_semaphore, #tpu.memory_space<semaphore_mem>>)
      %dma_wait3A_1395 = tpu.memref_slice %arg4[%add3A_1386] : memref<32768xf32, #tpu.memory_space<hbm>> -> memref<256xf32, #tpu.memory_space<hbm>>
      %dma_wait3A_1396 = tpu.memref_slice %arg4[%add3A_1386] : memref<32768xf32, #tpu.memory_space<hbm>> -> memref<256xf32, #tpu.memory_space<hbm>>
      tpu.wait_dma2 semaphore(%run_scoped3A : memref<!tpu.dma_semaphore, #tpu.memory_space<semaphore_mem>>) src(%arg10 : memref<256xf32, #tpu.memory_space<vmem>>) dst(%dma_wait3A_1396 : memref<256xf32, #tpu.memory_space<hbm>>)
      tpu.yield
    }) : () -> ()
    %add3A_1387 = arith.constant 1024 : i32
    %add3A_1388 = arith.addi %add3A_1386, %add3A_1387 : i32
    "tpu.region"() ({
      %run_scoped3A = tpu.sem_alloc : memref<!tpu.dma_semaphore, #tpu.memory_space<semaphore_mem>>
      %dma_start3A_1393 = tpu.memref_slice %arg4[%add3A_1388] : memref<32768xf32, #tpu.memory_space<hbm>> -> memref<256xf32, #tpu.memory_space<hbm>>
      %dma_start3A_1394 = tpu.memref_slice %arg4[%add3A_1388] : memref<32768xf32, #tpu.memory_space<hbm>> -> memref<256xf32, #tpu.memory_space<hbm>>
      tpu.enqueue_dma source(%arg11 : memref<256xf32, #tpu.memory_space<vmem>>) target(%dma_start3A_1394 : memref<256xf32, #tpu.memory_space<hbm>>) target_semaphore(%run_scoped3A : memref<!tpu.dma_semaphore, #tpu.memory_space<semaphore_mem>>)
      %dma_wait3A_1395 = tpu.memref_slice %arg4[%add3A_1388] : memref<32768xf32, #tpu.memory_space<hbm>> -> memref<256xf32, #tpu.memory_space<hbm>>
      %dma_wait3A_1396 = tpu.memref_slice %arg4[%add3A_1388] : memref<32768xf32, #tpu.memory_space<hbm>> -> memref<256xf32, #tpu.memory_space<hbm>>
      tpu.wait_dma2 semaphore(%run_scoped3A : memref<!tpu.dma_semaphore, #tpu.memory_space<semaphore_mem>>) src(%arg11 : memref<256xf32, #tpu.memory_space<vmem>>) dst(%dma_wait3A_1396 : memref<256xf32, #tpu.memory_space<hbm>>)
      tpu.yield
    }) : () -> ()
    %add3A_1389 = arith.constant 2048 : i32
    %add3A_1390 = arith.addi %add3A_1386, %add3A_1389 : i32
    "tpu.region"() ({
      %run_scoped3A = tpu.sem_alloc : memref<!tpu.dma_semaphore, #tpu.memory_space<semaphore_mem>>
      %dma_start3A_1393 = tpu.memref_slice %arg4[%add3A_1390] : memref<32768xf32, #tpu.memory_space<hbm>> -> memref<256xf32, #tpu.memory_space<hbm>>
      %dma_start3A_1394 = tpu.memref_slice %arg4[%add3A_1390] : memref<32768xf32, #tpu.memory_space<hbm>> -> memref<256xf32, #tpu.memory_space<hbm>>
      tpu.enqueue_dma source(%arg12 : memref<256xf32, #tpu.memory_space<vmem>>) target(%dma_start3A_1394 : memref<256xf32, #tpu.memory_space<hbm>>) target_semaphore(%run_scoped3A : memref<!tpu.dma_semaphore, #tpu.memory_space<semaphore_mem>>)
      %dma_wait3A_1395 = tpu.memref_slice %arg4[%add3A_1390] : memref<32768xf32, #tpu.memory_space<hbm>> -> memref<256xf32, #tpu.memory_space<hbm>>
      %dma_wait3A_1396 = tpu.memref_slice %arg4[%add3A_1390] : memref<32768xf32, #tpu.memory_space<hbm>> -> memref<256xf32, #tpu.memory_space<hbm>>
      tpu.wait_dma2 semaphore(%run_scoped3A : memref<!tpu.dma_semaphore, #tpu.memory_space<semaphore_mem>>) src(%arg12 : memref<256xf32, #tpu.memory_space<vmem>>) dst(%dma_wait3A_1396 : memref<256xf32, #tpu.memory_space<hbm>>)
      tpu.yield
    }) : () -> ()
    %add3A_1391 = arith.constant 3072 : i32
    %add3A_1392 = arith.addi %add3A_1386, %add3A_1391 : i32
    "tpu.region"() ({
      %run_scoped3A = tpu.sem_alloc : memref<!tpu.dma_semaphore, #tpu.memory_space<semaphore_mem>>
      %dma_start3A_1393 = tpu.memref_slice %arg4[%add3A_1392] : memref<32768xf32, #tpu.memory_space<hbm>> -> memref<256xf32, #tpu.memory_space<hbm>>
      %dma_start3A_1394 = tpu.memref_slice %arg4[%add3A_1392] : memref<32768xf32, #tpu.memory_space<hbm>> -> memref<256xf32, #tpu.memory_space<hbm>>
      tpu.enqueue_dma source(%arg13 : memref<256xf32, #tpu.memory_space<vmem>>) target(%dma_start3A_1394 : memref<256xf32, #tpu.memory_space<hbm>>) target_semaphore(%run_scoped3A : memref<!tpu.dma_semaphore, #tpu.memory_space<semaphore_mem>>)
      %dma_wait3A_1395 = tpu.memref_slice %arg4[%add3A_1392] : memref<32768xf32, #tpu.memory_space<hbm>> -> memref<256xf32, #tpu.memory_space<hbm>>
      %dma_wait3A_1396 = tpu.memref_slice %arg4[%add3A_1392] : memref<32768xf32, #tpu.memory_space<hbm>> -> memref<256xf32, #tpu.memory_space<hbm>>
      tpu.wait_dma2 semaphore(%run_scoped3A : memref<!tpu.dma_semaphore, #tpu.memory_space<semaphore_mem>>) src(%arg13 : memref<256xf32, #tpu.memory_space<vmem>>) dst(%dma_wait3A_1396 : memref<256xf32, #tpu.memory_space<hbm>>)
      tpu.yield
    }) : () -> ()
    return
  }
}

module attributes {stable_mosaic.version = 14 : i64} {
  func.func @_topk_body(%arg0: i32, %arg1: memref<1x1x512x512xf32, #tpu.memory_space<vmem>>, %arg2: memref<1x8x128xf32, #tpu.memory_space<vmem>>, %arg3: memref<1x8x128xi32, #tpu.memory_space<vmem>>) attributes {dimension_semantics = [#tpu.dimension_semantics<arbitrary>], iteration_bounds = array<i64: 8>, scalar_prefetch = 0 : i64, scratch_operands = 0 : i64, tpu.core_type = #tpu.core_type<tc>, window_params = [{transform_indices = @transform_0, window_bounds = array<i64: 1, 1, 512, 512>}, {transform_indices = @transform_1, window_bounds = array<i64: 1, 8, 128>}, {transform_indices = @transform_2, window_bounds = array<i64: 1, 8, 128>}]} {
    %get3A = arith.constant 0 : index
    %get3A_0 = arith.constant 0 : index
    %get3A_1 = arith.constant 0 : index
    %get3A_2 = arith.constant 0 : index
    %get3A_3 = vector.load %arg1[%get3A, %get3A_0, %get3A_1, %get3A_2] : memref<1x1x512x512xf32, #tpu.memory_space<vmem>>, vector<1x1x512x512xf32>
    %get3A_4 = vector.shape_cast %get3A_3 : vector<1x1x512x512xf32> to vector<512x512xf32>
    %reshape3A = vector.shape_cast %get3A_4 : vector<512x512xf32> to vector<256x1024xf32>
    %iota3A = tpu.iota {dimensions = array<i32: 0>} : vector<256x1024xi32>
    %mul3A = arith.constant 1024 : i32
    %mul3A_5 = vector.broadcast %mul3A : i32 to vector<256x1024xi32>
    %mul3A_6 = arith.muli %iota3A, %mul3A_5 : vector<256x1024xi32>
    %iota3A_7 = tpu.iota {dimensions = array<i32: 1>} : vector<256x1024xi32>
    %add3A = arith.addi %mul3A_6, %iota3A_7 : vector<256x1024xi32>
    %iota3A_8 = tpu.iota {dimensions = array<i32: 0>} : vector<256x1024xi32>
    %iota3A_9 = tpu.iota {dimensions = array<i32: 1>} : vector<256x1024xi32>
    %and3A = arith.constant 128 : i32
    %and3A_10 = vector.broadcast %and3A : i32 to vector<256x1024xi32>
    %and3A_11 = arith.andi %iota3A_8, %and3A_10 : vector<256x1024xi32>
    %eq3A = arith.constant 0 : i32
    %eq3A_12 = vector.broadcast %eq3A : i32 to vector<256x1024xi32>
    %eq3A_13 = arith.cmpi eq, %and3A_11, %eq3A_12 : vector<256x1024xi32>
    %scan3A = arith.constant 0 : i32
    %scan3A_14 = arith.constant 54 : i32
    %scan3A_15 = arith.addi %scan3A, %scan3A_14 : i32
    %scan3A_16 = arith.constant 2 : i32
    %scan3A_17:2 = scf.for %scan3A_2362 = %scan3A to %scan3A_15 step %scan3A_16 iter_args(%scan3A_2363 = %reshape3A, %scan3A_2364 = %add3A) -> (vector<256x1024xf32>, vector<256x1024xi32>)  : i32 {
      %ge3A_2365 = arith.constant 1 : i32
      %ge3A_2366 = arith.cmpi sge, %scan3A_2362, %ge3A_2365 : i32
      %jit3A_2367 = arith.constant 1 : i32
      %jit3A_2368 = arith.constant 0 : i32
      %select_n3A_2369 = arith.select %ge3A_2366, %jit3A_2367, %jit3A_2368 : i32
      %add3A_2370 = arith.constant 1 : i32
      %add3A_2371 = arith.addi %add3A_2370, %select_n3A_2369 : i32
      %ge3A_2372 = arith.constant 3 : i32
      %ge3A_2373 = arith.cmpi sge, %scan3A_2362, %ge3A_2372 : i32
      %jit3A_2374 = arith.constant 1 : i32
      %jit3A_2375 = arith.constant 0 : i32
      %select_n3A_2376 = arith.select %ge3A_2373, %jit3A_2374, %jit3A_2375 : i32
      %add3A_2377 = arith.addi %add3A_2371, %select_n3A_2376 : i32
      %ge3A_2378 = arith.constant 6 : i32
      %ge3A_2379 = arith.cmpi sge, %scan3A_2362, %ge3A_2378 : i32
      %jit3A_2380 = arith.constant 1 : i32
      %jit3A_2381 = arith.constant 0 : i32
      %select_n3A_2382 = arith.select %ge3A_2379, %jit3A_2380, %jit3A_2381 : i32
      %add3A_2383 = arith.addi %add3A_2377, %select_n3A_2382 : i32
      %ge3A_2384 = arith.constant 10 : i32
      %ge3A_2385 = arith.cmpi sge, %scan3A_2362, %ge3A_2384 : i32
      %jit3A_2386 = arith.constant 1 : i32
      %jit3A_2387 = arith.constant 0 : i32
      %select_n3A_2388 = arith.select %ge3A_2385, %jit3A_2386, %jit3A_2387 : i32
      %add3A_2389 = arith.addi %add3A_2383, %select_n3A_2388 : i32
      %ge3A_2390 = arith.constant 15 : i32
      %ge3A_2391 = arith.cmpi sge, %scan3A_2362, %ge3A_2390 : i32
      %jit3A_2392 = arith.constant 1 : i32
      %jit3A_2393 = arith.constant 0 : i32
      %select_n3A_2394 = arith.select %ge3A_2391, %jit3A_2392, %jit3A_2393 : i32
      %add3A_2395 = arith.addi %add3A_2389, %select_n3A_2394 : i32
      %ge3A_2396 = arith.constant 21 : i32
      %ge3A_2397 = arith.cmpi sge, %scan3A_2362, %ge3A_2396 : i32
      %jit3A_2398 = arith.constant 1 : i32
      %jit3A_2399 = arith.constant 0 : i32
      %select_n3A_2400 = arith.select %ge3A_2397, %jit3A_2398, %jit3A_2399 : i32
      %add3A_2401 = arith.addi %add3A_2395, %select_n3A_2400 : i32
      %ge3A_2402 = arith.constant 28 : i32
      %ge3A_2403 = arith.cmpi sge, %scan3A_2362, %ge3A_2402 : i32
      %jit3A_2404 = arith.constant 1 : i32
      %jit3A_2405 = arith.constant 0 : i32
      %select_n3A_2406 = arith.select %ge3A_2403, %jit3A_2404, %jit3A_2405 : i32
      %add3A_2407 = arith.addi %add3A_2401, %select_n3A_2406 : i32
      %ge3A_2408 = arith.constant 36 : i32
      %ge3A_2409 = arith.cmpi sge, %scan3A_2362, %ge3A_2408 : i32
      %jit3A_2410 = arith.constant 1 : i32
      %jit3A_2411 = arith.constant 0 : i32
      %select_n3A_2412 = arith.select %ge3A_2409, %jit3A_2410, %jit3A_2411 : i32
      %add3A_2413 = arith.addi %add3A_2407, %select_n3A_2412 : i32
      %ge3A_2414 = arith.constant 45 : i32
      %ge3A_2415 = arith.cmpi sge, %scan3A_2362, %ge3A_2414 : i32
      %jit3A_2416 = arith.constant 1 : i32
      %jit3A_2417 = arith.constant 0 : i32
      %select_n3A_2418 = arith.select %ge3A_2415, %jit3A_2416, %jit3A_2417 : i32
      %add3A_2419 = arith.addi %add3A_2413, %select_n3A_2418 : i32
      %sub3A_2420 = arith.constant 1 : i32
      %sub3A_2421 = arith.subi %add3A_2419, %sub3A_2420 : i32
      %mul3A_2422 = arith.muli %add3A_2419, %sub3A_2421 : i32
      %jit3A_2423 = arith.constant 2 : i32
      %div3A_2424 = arith.divsi %mul3A_2422, %jit3A_2423 : i32
      %sign3A_2425 = arith.constant 0 : i32
      %sign3A_2426 = arith.cmpi sgt, %mul3A_2422, %sign3A_2425 : i32
      %sign3A_2427 = arith.extui %sign3A_2426 : i1 to i32
      %sign3A_2428 = arith.constant 0 : i32
      %sign3A_2429 = arith.cmpi slt, %mul3A_2422, %sign3A_2428 : i32
      %sign3A_2430 = arith.extui %sign3A_2429 : i1 to i32
      %sign3A_2431 = arith.subi %sign3A_2427, %sign3A_2430 : i32
      %sign3A_2432 = arith.constant 0 : i32
      %sign3A_2433 = arith.cmpi sgt, %jit3A_2423, %sign3A_2432 : i32
      %sign3A_2434 = arith.extui %sign3A_2433 : i1 to i32
      %sign3A_2435 = arith.constant 0 : i32
      %sign3A_2436 = arith.cmpi slt, %jit3A_2423, %sign3A_2435 : i32
      %sign3A_2437 = arith.extui %sign3A_2436 : i1 to i32
      %sign3A_2438 = arith.subi %sign3A_2434, %sign3A_2437 : i32
      %ne3A_2439 = arith.cmpi ne, %sign3A_2431, %sign3A_2438 : i32
      %rem3A_2440 = arith.remsi %mul3A_2422, %jit3A_2423 : i32
      %ne3A_2441 = arith.constant 0 : i32
      %ne3A_2442 = arith.cmpi ne, %rem3A_2440, %ne3A_2441 : i32
      %and3A_2443 = arith.andi %ne3A_2439, %ne3A_2442 : i1
      %sub3A_2444 = arith.constant 1 : i32
      %sub3A_2445 = arith.subi %div3A_2424, %sub3A_2444 : i32
      %select_n3A_2446 = arith.select %and3A_2443, %sub3A_2445, %div3A_2424 : i32
      %shift_left3A_2447 = arith.constant 1 : i32
      %shift_left3A_2448 = arith.shli %shift_left3A_2447, %add3A_2419 : i32
      %sub3A_2449 = arith.constant 1 : i32
      %sub3A_2450 = arith.subi %add3A_2419, %sub3A_2449 : i32
      %sub3A_2451 = arith.subi %scan3A_2362, %select_n3A_2446 : i32
      %sub3A_2452 = arith.subi %sub3A_2450, %sub3A_2451 : i32
      %shift_left3A_2453 = arith.constant 1 : i32
      %shift_left3A_2454 = arith.shli %shift_left3A_2453, %sub3A_2452 : i32
      %and3A_2455 = vector.broadcast %shift_left3A_2448 : i32 to vector<256x1024xi32>
      %and3A_2456 = arith.andi %iota3A_9, %and3A_2455 : vector<256x1024xi32>
      %eq3A_2457 = arith.constant 0 : i32
      %eq3A_2458 = vector.broadcast %eq3A_2457 : i32 to vector<256x1024xi32>
      %eq3A_2459 = arith.cmpi eq, %and3A_2456, %eq3A_2458 : vector<256x1024xi32>
      %xor3A_2460 = arith.xori %eq3A_2459, %eq3A_13 : vector<256x1024xi1>
      %not3A_2461 = arith.constant dense<true> : vector<256x1024xi1>
      %not3A_2462 = arith.xori %xor3A_2460, %not3A_2461 : vector<256x1024xi1>
      %iota3A_2463 = tpu.iota {dimensions = array<i32: 1>} : vector<256x1024xi32>
      %and3A_2464 = vector.broadcast %shift_left3A_2454 : i32 to vector<256x1024xi32>
      %and3A_2465 = arith.andi %iota3A_2463, %and3A_2464 : vector<256x1024xi32>
      %eq3A_2466 = arith.constant 0 : i32
      %eq3A_2467 = vector.broadcast %eq3A_2466 : i32 to vector<256x1024xi32>
      %eq3A_2468 = arith.cmpi eq, %and3A_2465, %eq3A_2467 : vector<256x1024xi32>
      %sub3A_2469 = arith.constant 1024 : i32
      %sub3A_2470 = arith.subi %sub3A_2469, %shift_left3A_2454 : i32
      %roll3A_2471 = tpu.dynamic_rotate %scan3A_2363 by %sub3A_2470 dim 1 : vector<256x1024xf32>, i32 -> vector<256x1024xf32>
      %roll3A_2472 = tpu.dynamic_rotate %scan3A_2363 by %shift_left3A_2454 dim 1 : vector<256x1024xf32>, i32 -> vector<256x1024xf32>
      %select_n3A_2473 = arith.select %eq3A_2468, %roll3A_2471, %roll3A_2472 : vector<256x1024xi1>, vector<256x1024xf32>
      %sub3A_2474 = arith.constant 1024 : i32
      %sub3A_2475 = arith.subi %sub3A_2474, %shift_left3A_2454 : i32
      %roll3A_2476 = tpu.dynamic_rotate %scan3A_2364 by %sub3A_2475 dim 1 : vector<256x1024xi32>, i32 -> vector<256x1024xi32>
      %roll3A_2477 = tpu.dynamic_rotate %scan3A_2364 by %shift_left3A_2454 dim 1 : vector<256x1024xi32>, i32 -> vector<256x1024xi32>
      %select_n3A_2478 = arith.select %eq3A_2468, %roll3A_2476, %roll3A_2477 : vector<256x1024xi1>, vector<256x1024xi32>
      %gt3A_2479 = arith.cmpf ogt, %scan3A_2363, %select_n3A_2473 : vector<256x1024xf32>
      %eq3A_2480 = arith.cmpf oeq, %scan3A_2363, %select_n3A_2473 : vector<256x1024xf32>
      %lt3A_2481 = arith.cmpi slt, %scan3A_2364, %select_n3A_2478 : vector<256x1024xi32>
      %and3A_2482 = arith.andi %eq3A_2480, %lt3A_2481 : vector<256x1024xi1>
      %or3A_2483 = arith.ori %gt3A_2479, %and3A_2482 : vector<256x1024xi1>
      %xor3A_2484 = arith.xori %eq3A_2468, %or3A_2483 : vector<256x1024xi1>
      %xor3A_2485 = arith.xori %xor3A_2484, %not3A_2462 : vector<256x1024xi1>
      %select_n3A_2486 = arith.select %xor3A_2485, %scan3A_2363, %select_n3A_2473 : vector<256x1024xi1>, vector<256x1024xf32>
      %select_n3A_2487 = arith.select %xor3A_2485, %scan3A_2364, %select_n3A_2478 : vector<256x1024xi1>, vector<256x1024xi32>
      %scan3A_2488 = arith.constant 1 : i32
      %scan3A_2489 = arith.addi %scan3A_2362, %scan3A_2488 : i32
      %ge3A_2490 = arith.constant 1 : i32
      %ge3A_2491 = arith.cmpi sge, %scan3A_2489, %ge3A_2490 : i32
      %jit3A_2492 = arith.constant 1 : i32
      %jit3A_2493 = arith.constant 0 : i32
      %select_n3A_2494 = arith.select %ge3A_2491, %jit3A_2492, %jit3A_2493 : i32
      %add3A_2495 = arith.constant 1 : i32
      %add3A_2496 = arith.addi %add3A_2495, %select_n3A_2494 : i32
      %ge3A_2497 = arith.constant 3 : i32
      %ge3A_2498 = arith.cmpi sge, %scan3A_2489, %ge3A_2497 : i32
      %jit3A_2499 = arith.constant 1 : i32
      %jit3A_2500 = arith.constant 0 : i32
      %select_n3A_2501 = arith.select %ge3A_2498, %jit3A_2499, %jit3A_2500 : i32
      %add3A_2502 = arith.addi %add3A_2496, %select_n3A_2501 : i32
      %ge3A_2503 = arith.constant 6 : i32
      %ge3A_2504 = arith.cmpi sge, %scan3A_2489, %ge3A_2503 : i32
      %jit3A_2505 = arith.constant 1 : i32
      %jit3A_2506 = arith.constant 0 : i32
      %select_n3A_2507 = arith.select %ge3A_2504, %jit3A_2505, %jit3A_2506 : i32
      %add3A_2508 = arith.addi %add3A_2502, %select_n3A_2507 : i32
      %ge3A_2509 = arith.constant 10 : i32
      %ge3A_2510 = arith.cmpi sge, %scan3A_2489, %ge3A_2509 : i32
      %jit3A_2511 = arith.constant 1 : i32
      %jit3A_2512 = arith.constant 0 : i32
      %select_n3A_2513 = arith.select %ge3A_2510, %jit3A_2511, %jit3A_2512 : i32
      %add3A_2514 = arith.addi %add3A_2508, %select_n3A_2513 : i32
      %ge3A_2515 = arith.constant 15 : i32
      %ge3A_2516 = arith.cmpi sge, %scan3A_2489, %ge3A_2515 : i32
      %jit3A_2517 = arith.constant 1 : i32
      %jit3A_2518 = arith.constant 0 : i32
      %select_n3A_2519 = arith.select %ge3A_2516, %jit3A_2517, %jit3A_2518 : i32
      %add3A_2520 = arith.addi %add3A_2514, %select_n3A_2519 : i32
      %ge3A_2521 = arith.constant 21 : i32
      %ge3A_2522 = arith.cmpi sge, %scan3A_2489, %ge3A_2521 : i32
      %jit3A_2523 = arith.constant 1 : i32
      %jit3A_2524 = arith.constant 0 : i32
      %select_n3A_2525 = arith.select %ge3A_2522, %jit3A_2523, %jit3A_2524 : i32
      %add3A_2526 = arith.addi %add3A_2520, %select_n3A_2525 : i32
      %ge3A_2527 = arith.constant 28 : i32
      %ge3A_2528 = arith.cmpi sge, %scan3A_2489, %ge3A_2527 : i32
      %jit3A_2529 = arith.constant 1 : i32
      %jit3A_2530 = arith.constant 0 : i32
      %select_n3A_2531 = arith.select %ge3A_2528, %jit3A_2529, %jit3A_2530 : i32
      %add3A_2532 = arith.addi %add3A_2526, %select_n3A_2531 : i32
      %ge3A_2533 = arith.constant 36 : i32
      %ge3A_2534 = arith.cmpi sge, %scan3A_2489, %ge3A_2533 : i32
      %jit3A_2535 = arith.constant 1 : i32
      %jit3A_2536 = arith.constant 0 : i32
      %select_n3A_2537 = arith.select %ge3A_2534, %jit3A_2535, %jit3A_2536 : i32
      %add3A_2538 = arith.addi %add3A_2532, %select_n3A_2537 : i32
      %ge3A_2539 = arith.constant 45 : i32
      %ge3A_2540 = arith.cmpi sge, %scan3A_2489, %ge3A_2539 : i32
      %jit3A_2541 = arith.constant 1 : i32
      %jit3A_2542 = arith.constant 0 : i32
      %select_n3A_2543 = arith.select %ge3A_2540, %jit3A_2541, %jit3A_2542 : i32
      %add3A_2544 = arith.addi %add3A_2538, %select_n3A_2543 : i32
      %sub3A_2545 = arith.constant 1 : i32
      %sub3A_2546 = arith.subi %add3A_2544, %sub3A_2545 : i32
      %mul3A_2547 = arith.muli %add3A_2544, %sub3A_2546 : i32
      %jit3A_2548 = arith.constant 2 : i32
      %div3A_2549 = arith.divsi %mul3A_2547, %jit3A_2548 : i32
      %sign3A_2550 = arith.constant 0 : i32
      %sign3A_2551 = arith.cmpi sgt, %mul3A_2547, %sign3A_2550 : i32
      %sign3A_2552 = arith.extui %sign3A_2551 : i1 to i32
      %sign3A_2553 = arith.constant 0 : i32
      %sign3A_2554 = arith.cmpi slt, %mul3A_2547, %sign3A_2553 : i32
      %sign3A_2555 = arith.extui %sign3A_2554 : i1 to i32
      %sign3A_2556 = arith.subi %sign3A_2552, %sign3A_2555 : i32
      %sign3A_2557 = arith.constant 0 : i32
      %sign3A_2558 = arith.cmpi sgt, %jit3A_2548, %sign3A_2557 : i32
      %sign3A_2559 = arith.extui %sign3A_2558 : i1 to i32
      %sign3A_2560 = arith.constant 0 : i32
      %sign3A_2561 = arith.cmpi slt, %jit3A_2548, %sign3A_2560 : i32
      %sign3A_2562 = arith.extui %sign3A_2561 : i1 to i32
      %sign3A_2563 = arith.subi %sign3A_2559, %sign3A_2562 : i32
      %ne3A_2564 = arith.cmpi ne, %sign3A_2556, %sign3A_2563 : i32
      %rem3A_2565 = arith.remsi %mul3A_2547, %jit3A_2548 : i32
      %ne3A_2566 = arith.constant 0 : i32
      %ne3A_2567 = arith.cmpi ne, %rem3A_2565, %ne3A_2566 : i32
      %and3A_2568 = arith.andi %ne3A_2564, %ne3A_2567 : i1
      %sub3A_2569 = arith.constant 1 : i32
      %sub3A_2570 = arith.subi %div3A_2549, %sub3A_2569 : i32
      %select_n3A_2571 = arith.select %and3A_2568, %sub3A_2570, %div3A_2549 : i32
      %shift_left3A_2572 = arith.constant 1 : i32
      %shift_left3A_2573 = arith.shli %shift_left3A_2572, %add3A_2544 : i32
      %sub3A_2574 = arith.constant 1 : i32
      %sub3A_2575 = arith.subi %add3A_2544, %sub3A_2574 : i32
      %sub3A_2576 = arith.subi %scan3A_2489, %select_n3A_2571 : i32
      %sub3A_2577 = arith.subi %sub3A_2575, %sub3A_2576 : i32
      %shift_left3A_2578 = arith.constant 1 : i32
      %shift_left3A_2579 = arith.shli %shift_left3A_2578, %sub3A_2577 : i32
      %and3A_2580 = vector.broadcast %shift_left3A_2573 : i32 to vector<256x1024xi32>
      %and3A_2581 = arith.andi %iota3A_9, %and3A_2580 : vector<256x1024xi32>
      %eq3A_2582 = arith.constant 0 : i32
      %eq3A_2583 = vector.broadcast %eq3A_2582 : i32 to vector<256x1024xi32>
      %eq3A_2584 = arith.cmpi eq, %and3A_2581, %eq3A_2583 : vector<256x1024xi32>
      %xor3A_2585 = arith.xori %eq3A_2584, %eq3A_13 : vector<256x1024xi1>
      %not3A_2586 = arith.constant dense<true> : vector<256x1024xi1>
      %not3A_2587 = arith.xori %xor3A_2585, %not3A_2586 : vector<256x1024xi1>
      %iota3A_2588 = tpu.iota {dimensions = array<i32: 1>} : vector<256x1024xi32>
      %and3A_2589 = vector.broadcast %shift_left3A_2579 : i32 to vector<256x1024xi32>
      %and3A_2590 = arith.andi %iota3A_2588, %and3A_2589 : vector<256x1024xi32>
      %eq3A_2591 = arith.constant 0 : i32
      %eq3A_2592 = vector.broadcast %eq3A_2591 : i32 to vector<256x1024xi32>
      %eq3A_2593 = arith.cmpi eq, %and3A_2590, %eq3A_2592 : vector<256x1024xi32>
      %sub3A_2594 = arith.constant 1024 : i32
      %sub3A_2595 = arith.subi %sub3A_2594, %shift_left3A_2579 : i32
      %roll3A_2596 = tpu.dynamic_rotate %select_n3A_2486 by %sub3A_2595 dim 1 : vector<256x1024xf32>, i32 -> vector<256x1024xf32>
      %roll3A_2597 = tpu.dynamic_rotate %select_n3A_2486 by %shift_left3A_2579 dim 1 : vector<256x1024xf32>, i32 -> vector<256x1024xf32>
      %select_n3A_2598 = arith.select %eq3A_2593, %roll3A_2596, %roll3A_2597 : vector<256x1024xi1>, vector<256x1024xf32>
      %sub3A_2599 = arith.constant 1024 : i32
      %sub3A_2600 = arith.subi %sub3A_2599, %shift_left3A_2579 : i32
      %roll3A_2601 = tpu.dynamic_rotate %select_n3A_2487 by %sub3A_2600 dim 1 : vector<256x1024xi32>, i32 -> vector<256x1024xi32>
      %roll3A_2602 = tpu.dynamic_rotate %select_n3A_2487 by %shift_left3A_2579 dim 1 : vector<256x1024xi32>, i32 -> vector<256x1024xi32>
      %select_n3A_2603 = arith.select %eq3A_2593, %roll3A_2601, %roll3A_2602 : vector<256x1024xi1>, vector<256x1024xi32>
      %gt3A_2604 = arith.cmpf ogt, %select_n3A_2486, %select_n3A_2598 : vector<256x1024xf32>
      %eq3A_2605 = arith.cmpf oeq, %select_n3A_2486, %select_n3A_2598 : vector<256x1024xf32>
      %lt3A_2606 = arith.cmpi slt, %select_n3A_2487, %select_n3A_2603 : vector<256x1024xi32>
      %and3A_2607 = arith.andi %eq3A_2605, %lt3A_2606 : vector<256x1024xi1>
      %or3A_2608 = arith.ori %gt3A_2604, %and3A_2607 : vector<256x1024xi1>
      %xor3A_2609 = arith.xori %eq3A_2593, %or3A_2608 : vector<256x1024xi1>
      %xor3A_2610 = arith.xori %xor3A_2609, %not3A_2587 : vector<256x1024xi1>
      %select_n3A_2611 = arith.select %xor3A_2610, %select_n3A_2486, %select_n3A_2598 : vector<256x1024xi1>, vector<256x1024xf32>
      %select_n3A_2612 = arith.select %xor3A_2610, %select_n3A_2487, %select_n3A_2603 : vector<256x1024xi1>, vector<256x1024xi32>
      scf.yield %select_n3A_2611, %select_n3A_2612 : vector<256x1024xf32>, vector<256x1024xi32>
    }
    %scan3A_18 = arith.constant 54 : i32
    %scan3A_19 = arith.addi %scan3A, %scan3A_18 : i32
    %ge3A = arith.constant 1 : i32
    %ge3A_20 = arith.cmpi sge, %scan3A_19, %ge3A : i32
    %jit3A = arith.constant 1 : i32
    %jit3A_21 = arith.constant 0 : i32
    %select_n3A = arith.select %ge3A_20, %jit3A, %jit3A_21 : i32
    %add3A_22 = arith.constant 1 : i32
    %add3A_23 = arith.addi %add3A_22, %select_n3A : i32
    %ge3A_24 = arith.constant 3 : i32
    %ge3A_25 = arith.cmpi sge, %scan3A_19, %ge3A_24 : i32
    %jit3A_26 = arith.constant 1 : i32
    %jit3A_27 = arith.constant 0 : i32
    %select_n3A_28 = arith.select %ge3A_25, %jit3A_26, %jit3A_27 : i32
    %add3A_29 = arith.addi %add3A_23, %select_n3A_28 : i32
    %ge3A_30 = arith.constant 6 : i32
    %ge3A_31 = arith.cmpi sge, %scan3A_19, %ge3A_30 : i32
    %jit3A_32 = arith.constant 1 : i32
    %jit3A_33 = arith.constant 0 : i32
    %select_n3A_34 = arith.select %ge3A_31, %jit3A_32, %jit3A_33 : i32
    %add3A_35 = arith.addi %add3A_29, %select_n3A_34 : i32
    %ge3A_36 = arith.constant 10 : i32
    %ge3A_37 = arith.cmpi sge, %scan3A_19, %ge3A_36 : i32
    %jit3A_38 = arith.constant 1 : i32
    %jit3A_39 = arith.constant 0 : i32
    %select_n3A_40 = arith.select %ge3A_37, %jit3A_38, %jit3A_39 : i32
    %add3A_41 = arith.addi %add3A_35, %select_n3A_40 : i32
    %ge3A_42 = arith.constant 15 : i32
    %ge3A_43 = arith.cmpi sge, %scan3A_19, %ge3A_42 : i32
    %jit3A_44 = arith.constant 1 : i32
    %jit3A_45 = arith.constant 0 : i32
    %select_n3A_46 = arith.select %ge3A_43, %jit3A_44, %jit3A_45 : i32
    %add3A_47 = arith.addi %add3A_41, %select_n3A_46 : i32
    %ge3A_48 = arith.constant 21 : i32
    %ge3A_49 = arith.cmpi sge, %scan3A_19, %ge3A_48 : i32
    %jit3A_50 = arith.constant 1 : i32
    %jit3A_51 = arith.constant 0 : i32
    %select_n3A_52 = arith.select %ge3A_49, %jit3A_50, %jit3A_51 : i32
    %add3A_53 = arith.addi %add3A_47, %select_n3A_52 : i32
    %ge3A_54 = arith.constant 28 : i32
    %ge3A_55 = arith.cmpi sge, %scan3A_19, %ge3A_54 : i32
    %jit3A_56 = arith.constant 1 : i32
    %jit3A_57 = arith.constant 0 : i32
    %select_n3A_58 = arith.select %ge3A_55, %jit3A_56, %jit3A_57 : i32
    %add3A_59 = arith.addi %add3A_53, %select_n3A_58 : i32
    %ge3A_60 = arith.constant 36 : i32
    %ge3A_61 = arith.cmpi sge, %scan3A_19, %ge3A_60 : i32
    %jit3A_62 = arith.constant 1 : i32
    %jit3A_63 = arith.constant 0 : i32
    %select_n3A_64 = arith.select %ge3A_61, %jit3A_62, %jit3A_63 : i32
    %add3A_65 = arith.addi %add3A_59, %select_n3A_64 : i32
    %ge3A_66 = arith.constant 45 : i32
    %ge3A_67 = arith.cmpi sge, %scan3A_19, %ge3A_66 : i32
    %jit3A_68 = arith.constant 1 : i32
    %jit3A_69 = arith.constant 0 : i32
    %select_n3A_70 = arith.select %ge3A_67, %jit3A_68, %jit3A_69 : i32
    %add3A_71 = arith.addi %add3A_65, %select_n3A_70 : i32
    %sub3A = arith.constant 1 : i32
    %sub3A_72 = arith.subi %add3A_71, %sub3A : i32
    %mul3A_73 = arith.muli %add3A_71, %sub3A_72 : i32
    %jit3A_74 = arith.constant 2 : i32
    %div3A = arith.divsi %mul3A_73, %jit3A_74 : i32
    %sign3A = arith.constant 0 : i32
    %sign3A_75 = arith.cmpi sgt, %mul3A_73, %sign3A : i32
    %sign3A_76 = arith.extui %sign3A_75 : i1 to i32
    %sign3A_77 = arith.constant 0 : i32
    %sign3A_78 = arith.cmpi slt, %mul3A_73, %sign3A_77 : i32
    %sign3A_79 = arith.extui %sign3A_78 : i1 to i32
    %sign3A_80 = arith.subi %sign3A_76, %sign3A_79 : i32
    %sign3A_81 = arith.constant 0 : i32
    %sign3A_82 = arith.cmpi sgt, %jit3A_74, %sign3A_81 : i32
    %sign3A_83 = arith.extui %sign3A_82 : i1 to i32
    %sign3A_84 = arith.constant 0 : i32
    %sign3A_85 = arith.cmpi slt, %jit3A_74, %sign3A_84 : i32
    %sign3A_86 = arith.extui %sign3A_85 : i1 to i32
    %sign3A_87 = arith.subi %sign3A_83, %sign3A_86 : i32
    %ne3A = arith.cmpi ne, %sign3A_80, %sign3A_87 : i32
    %rem3A = arith.remsi %mul3A_73, %jit3A_74 : i32
    %ne3A_88 = arith.constant 0 : i32
    %ne3A_89 = arith.cmpi ne, %rem3A, %ne3A_88 : i32
    %and3A_90 = arith.andi %ne3A, %ne3A_89 : i1
    %sub3A_91 = arith.constant 1 : i32
    %sub3A_92 = arith.subi %div3A, %sub3A_91 : i32
    %select_n3A_93 = arith.select %and3A_90, %sub3A_92, %div3A : i32
    %shift_left3A = arith.constant 1 : i32
    %shift_left3A_94 = arith.shli %shift_left3A, %add3A_71 : i32
    %sub3A_95 = arith.constant 1 : i32
    %sub3A_96 = arith.subi %add3A_71, %sub3A_95 : i32
    %sub3A_97 = arith.subi %scan3A_19, %select_n3A_93 : i32
    %sub3A_98 = arith.subi %sub3A_96, %sub3A_97 : i32
    %shift_left3A_99 = arith.constant 1 : i32
    %shift_left3A_100 = arith.shli %shift_left3A_99, %sub3A_98 : i32
    %and3A_101 = vector.broadcast %shift_left3A_94 : i32 to vector<256x1024xi32>
    %and3A_102 = arith.andi %iota3A_9, %and3A_101 : vector<256x1024xi32>
    %eq3A_103 = arith.constant 0 : i32
    %eq3A_104 = vector.broadcast %eq3A_103 : i32 to vector<256x1024xi32>
    %eq3A_105 = arith.cmpi eq, %and3A_102, %eq3A_104 : vector<256x1024xi32>
    %xor3A = arith.xori %eq3A_105, %eq3A_13 : vector<256x1024xi1>
    %not3A = arith.constant dense<true> : vector<256x1024xi1>
    %not3A_106 = arith.xori %xor3A, %not3A : vector<256x1024xi1>
    %iota3A_107 = tpu.iota {dimensions = array<i32: 1>} : vector<256x1024xi32>
    %and3A_108 = vector.broadcast %shift_left3A_100 : i32 to vector<256x1024xi32>
    %and3A_109 = arith.andi %iota3A_107, %and3A_108 : vector<256x1024xi32>
    %eq3A_110 = arith.constant 0 : i32
    %eq3A_111 = vector.broadcast %eq3A_110 : i32 to vector<256x1024xi32>
    %eq3A_112 = arith.cmpi eq, %and3A_109, %eq3A_111 : vector<256x1024xi32>
    %sub3A_113 = arith.constant 1024 : i32
    %sub3A_114 = arith.subi %sub3A_113, %shift_left3A_100 : i32
    %roll3A = tpu.dynamic_rotate %scan3A_17#0 by %sub3A_114 dim 1 : vector<256x1024xf32>, i32 -> vector<256x1024xf32>
    %roll3A_115 = tpu.dynamic_rotate %scan3A_17#0 by %shift_left3A_100 dim 1 : vector<256x1024xf32>, i32 -> vector<256x1024xf32>
    %select_n3A_116 = arith.select %eq3A_112, %roll3A, %roll3A_115 : vector<256x1024xi1>, vector<256x1024xf32>
    %sub3A_117 = arith.constant 1024 : i32
    %sub3A_118 = arith.subi %sub3A_117, %shift_left3A_100 : i32
    %roll3A_119 = tpu.dynamic_rotate %scan3A_17#1 by %sub3A_118 dim 1 : vector<256x1024xi32>, i32 -> vector<256x1024xi32>
    %roll3A_120 = tpu.dynamic_rotate %scan3A_17#1 by %shift_left3A_100 dim 1 : vector<256x1024xi32>, i32 -> vector<256x1024xi32>
    %select_n3A_121 = arith.select %eq3A_112, %roll3A_119, %roll3A_120 : vector<256x1024xi1>, vector<256x1024xi32>
    %gt3A = arith.cmpf ogt, %scan3A_17#0, %select_n3A_116 : vector<256x1024xf32>
    %eq3A_122 = arith.cmpf oeq, %scan3A_17#0, %select_n3A_116 : vector<256x1024xf32>
    %lt3A = arith.cmpi slt, %scan3A_17#1, %select_n3A_121 : vector<256x1024xi32>
    %and3A_123 = arith.andi %eq3A_122, %lt3A : vector<256x1024xi1>
    %or3A = arith.ori %gt3A, %and3A_123 : vector<256x1024xi1>
    %xor3A_124 = arith.xori %eq3A_112, %or3A : vector<256x1024xi1>
    %xor3A_125 = arith.xori %xor3A_124, %not3A_106 : vector<256x1024xi1>
    %select_n3A_126 = arith.select %xor3A_125, %scan3A_17#0, %select_n3A_116 : vector<256x1024xi1>, vector<256x1024xf32>
    %select_n3A_127 = arith.select %xor3A_125, %scan3A_17#1, %select_n3A_121 : vector<256x1024xi1>, vector<256x1024xi32>
    %scan3A_128 = arith.constant 55 : i32
    %slice3A = vector.extract_strided_slice %select_n3A_126 {offsets = [0, 0], sizes = [128, 1024], strides = [1, 1]} : vector<256x1024xf32> to vector<128x1024xf32>
    %slice3A_129 = vector.extract_strided_slice %select_n3A_126 {offsets = [128, 0], sizes = [128, 1024], strides = [1, 1]} : vector<256x1024xf32> to vector<128x1024xf32>
    %slice3A_130 = vector.extract_strided_slice %select_n3A_127 {offsets = [0, 0], sizes = [128, 1024], strides = [1, 1]} : vector<256x1024xi32> to vector<128x1024xi32>
    %slice3A_131 = vector.extract_strided_slice %select_n3A_127 {offsets = [128, 0], sizes = [128, 1024], strides = [1, 1]} : vector<256x1024xi32> to vector<128x1024xi32>
    %gt3A_132 = arith.cmpf ogt, %slice3A, %slice3A_129 : vector<128x1024xf32>
    %eq3A_133 = arith.cmpf oeq, %slice3A, %slice3A_129 : vector<128x1024xf32>
    %lt3A_134 = arith.cmpi slt, %slice3A_130, %slice3A_131 : vector<128x1024xi32>
    %and3A_135 = arith.andi %eq3A_133, %lt3A_134 : vector<128x1024xi1>
    %or3A_136 = arith.ori %gt3A_132, %and3A_135 : vector<128x1024xi1>
    %select_n3A_137 = arith.select %or3A_136, %slice3A, %slice3A_129 : vector<128x1024xi1>, vector<128x1024xf32>
    %select_n3A_138 = arith.select %or3A_136, %slice3A_130, %slice3A_131 : vector<128x1024xi1>, vector<128x1024xi32>
    %iota3A_139 = tpu.iota {dimensions = array<i32: 0>} : vector<128x1024xi32>
    %and3A_140 = arith.constant 64 : i32
    %and3A_141 = vector.broadcast %and3A_140 : i32 to vector<128x1024xi32>
    %and3A_142 = arith.andi %iota3A_139, %and3A_141 : vector<128x1024xi32>
    %eq3A_143 = arith.constant 0 : i32
    %eq3A_144 = vector.broadcast %eq3A_143 : i32 to vector<128x1024xi32>
    %eq3A_145 = arith.cmpi eq, %and3A_142, %eq3A_144 : vector<128x1024xi32>
    %iota3A_146 = tpu.iota {dimensions = array<i32: 1>} : vector<128x1024xi32>
    %and3A_147 = arith.constant 512 : i32
    %and3A_148 = vector.broadcast %and3A_147 : i32 to vector<128x1024xi32>
    %and3A_149 = arith.andi %iota3A_146, %and3A_148 : vector<128x1024xi32>
    %eq3A_150 = arith.constant 0 : i32
    %eq3A_151 = vector.broadcast %eq3A_150 : i32 to vector<128x1024xi32>
    %eq3A_152 = arith.cmpi eq, %and3A_149, %eq3A_151 : vector<128x1024xi32>
    %roll3A_153 = arith.constant 512 : i32
    %roll3A_154 = tpu.dynamic_rotate %select_n3A_137 by %roll3A_153 dim 1 : vector<128x1024xf32>, i32 -> vector<128x1024xf32>
    %roll3A_155 = arith.constant 512 : i32
    %roll3A_156 = tpu.dynamic_rotate %select_n3A_137 by %roll3A_155 dim 1 : vector<128x1024xf32>, i32 -> vector<128x1024xf32>
    %select_n3A_157 = arith.select %eq3A_152, %roll3A_154, %roll3A_156 : vector<128x1024xi1>, vector<128x1024xf32>
    %roll3A_158 = arith.constant 512 : i32
    %roll3A_159 = tpu.dynamic_rotate %select_n3A_138 by %roll3A_158 dim 1 : vector<128x1024xi32>, i32 -> vector<128x1024xi32>
    %roll3A_160 = arith.constant 512 : i32
    %roll3A_161 = tpu.dynamic_rotate %select_n3A_138 by %roll3A_160 dim 1 : vector<128x1024xi32>, i32 -> vector<128x1024xi32>
    %select_n3A_162 = arith.select %eq3A_152, %roll3A_159, %roll3A_161 : vector<128x1024xi1>, vector<128x1024xi32>
    %gt3A_163 = arith.cmpf ogt, %select_n3A_137, %select_n3A_157 : vector<128x1024xf32>
    %eq3A_164 = arith.cmpf oeq, %select_n3A_137, %select_n3A_157 : vector<128x1024xf32>
    %lt3A_165 = arith.cmpi slt, %select_n3A_138, %select_n3A_162 : vector<128x1024xi32>
    %and3A_166 = arith.andi %eq3A_164, %lt3A_165 : vector<128x1024xi1>
    %or3A_167 = arith.ori %gt3A_163, %and3A_166 : vector<128x1024xi1>
    %xor3A_168 = arith.xori %eq3A_152, %or3A_167 : vector<128x1024xi1>
    %xor3A_169 = arith.xori %xor3A_168, %eq3A_145 : vector<128x1024xi1>
    %select_n3A_170 = arith.select %xor3A_169, %select_n3A_137, %select_n3A_157 : vector<128x1024xi1>, vector<128x1024xf32>
    %select_n3A_171 = arith.select %xor3A_169, %select_n3A_138, %select_n3A_162 : vector<128x1024xi1>, vector<128x1024xi32>
    %iota3A_172 = tpu.iota {dimensions = array<i32: 1>} : vector<128x1024xi32>
    %and3A_173 = arith.constant 256 : i32
    %and3A_174 = vector.broadcast %and3A_173 : i32 to vector<128x1024xi32>
    %and3A_175 = arith.andi %iota3A_172, %and3A_174 : vector<128x1024xi32>
    %eq3A_176 = arith.constant 0 : i32
    %eq3A_177 = vector.broadcast %eq3A_176 : i32 to vector<128x1024xi32>
    %eq3A_178 = arith.cmpi eq, %and3A_175, %eq3A_177 : vector<128x1024xi32>
    %roll3A_179 = arith.constant 768 : i32
    %roll3A_180 = tpu.dynamic_rotate %select_n3A_170 by %roll3A_179 dim 1 : vector<128x1024xf32>, i32 -> vector<128x1024xf32>
    %roll3A_181 = arith.constant 256 : i32
    %roll3A_182 = tpu.dynamic_rotate %select_n3A_170 by %roll3A_181 dim 1 : vector<128x1024xf32>, i32 -> vector<128x1024xf32>
    %select_n3A_183 = arith.select %eq3A_178, %roll3A_180, %roll3A_182 : vector<128x1024xi1>, vector<128x1024xf32>
    %roll3A_184 = arith.constant 768 : i32
    %roll3A_185 = tpu.dynamic_rotate %select_n3A_171 by %roll3A_184 dim 1 : vector<128x1024xi32>, i32 -> vector<128x1024xi32>
    %roll3A_186 = arith.constant 256 : i32
    %roll3A_187 = tpu.dynamic_rotate %select_n3A_171 by %roll3A_186 dim 1 : vector<128x1024xi32>, i32 -> vector<128x1024xi32>
    %select_n3A_188 = arith.select %eq3A_178, %roll3A_185, %roll3A_187 : vector<128x1024xi1>, vector<128x1024xi32>
    %gt3A_189 = arith.cmpf ogt, %select_n3A_170, %select_n3A_183 : vector<128x1024xf32>
    %eq3A_190 = arith.cmpf oeq, %select_n3A_170, %select_n3A_183 : vector<128x1024xf32>
    %lt3A_191 = arith.cmpi slt, %select_n3A_171, %select_n3A_188 : vector<128x1024xi32>
    %and3A_192 = arith.andi %eq3A_190, %lt3A_191 : vector<128x1024xi1>
    %or3A_193 = arith.ori %gt3A_189, %and3A_192 : vector<128x1024xi1>
    %xor3A_194 = arith.xori %eq3A_178, %or3A_193 : vector<128x1024xi1>
    %xor3A_195 = arith.xori %xor3A_194, %eq3A_145 : vector<128x1024xi1>
    %select_n3A_196 = arith.select %xor3A_195, %select_n3A_170, %select_n3A_183 : vector<128x1024xi1>, vector<128x1024xf32>
    %select_n3A_197 = arith.select %xor3A_195, %select_n3A_171, %select_n3A_188 : vector<128x1024xi1>, vector<128x1024xi32>
    %iota3A_198 = tpu.iota {dimensions = array<i32: 1>} : vector<128x1024xi32>
    %and3A_199 = arith.constant 128 : i32
    %and3A_200 = vector.broadcast %and3A_199 : i32 to vector<128x1024xi32>
    %and3A_201 = arith.andi %iota3A_198, %and3A_200 : vector<128x1024xi32>
    %eq3A_202 = arith.constant 0 : i32
    %eq3A_203 = vector.broadcast %eq3A_202 : i32 to vector<128x1024xi32>
    %eq3A_204 = arith.cmpi eq, %and3A_201, %eq3A_203 : vector<128x1024xi32>
    %roll3A_205 = arith.constant 896 : i32
    %roll3A_206 = tpu.dynamic_rotate %select_n3A_196 by %roll3A_205 dim 1 : vector<128x1024xf32>, i32 -> vector<128x1024xf32>
    %roll3A_207 = arith.constant 128 : i32
    %roll3A_208 = tpu.dynamic_rotate %select_n3A_196 by %roll3A_207 dim 1 : vector<128x1024xf32>, i32 -> vector<128x1024xf32>
    %select_n3A_209 = arith.select %eq3A_204, %roll3A_206, %roll3A_208 : vector<128x1024xi1>, vector<128x1024xf32>
    %roll3A_210 = arith.constant 896 : i32
    %roll3A_211 = tpu.dynamic_rotate %select_n3A_197 by %roll3A_210 dim 1 : vector<128x1024xi32>, i32 -> vector<128x1024xi32>
    %roll3A_212 = arith.constant 128 : i32
    %roll3A_213 = tpu.dynamic_rotate %select_n3A_197 by %roll3A_212 dim 1 : vector<128x1024xi32>, i32 -> vector<128x1024xi32>
    %select_n3A_214 = arith.select %eq3A_204, %roll3A_211, %roll3A_213 : vector<128x1024xi1>, vector<128x1024xi32>
    %gt3A_215 = arith.cmpf ogt, %select_n3A_196, %select_n3A_209 : vector<128x1024xf32>
    %eq3A_216 = arith.cmpf oeq, %select_n3A_196, %select_n3A_209 : vector<128x1024xf32>
    %lt3A_217 = arith.cmpi slt, %select_n3A_197, %select_n3A_214 : vector<128x1024xi32>
    %and3A_218 = arith.andi %eq3A_216, %lt3A_217 : vector<128x1024xi1>
    %or3A_219 = arith.ori %gt3A_215, %and3A_218 : vector<128x1024xi1>
    %xor3A_220 = arith.xori %eq3A_204, %or3A_219 : vector<128x1024xi1>
    %xor3A_221 = arith.xori %xor3A_220, %eq3A_145 : vector<128x1024xi1>
    %select_n3A_222 = arith.select %xor3A_221, %select_n3A_196, %select_n3A_209 : vector<128x1024xi1>, vector<128x1024xf32>
    %select_n3A_223 = arith.select %xor3A_221, %select_n3A_197, %select_n3A_214 : vector<128x1024xi1>, vector<128x1024xi32>
    %iota3A_224 = tpu.iota {dimensions = array<i32: 1>} : vector<128x1024xi32>
    %and3A_225 = arith.constant 64 : i32
    %and3A_226 = vector.broadcast %and3A_225 : i32 to vector<128x1024xi32>
    %and3A_227 = arith.andi %iota3A_224, %and3A_226 : vector<128x1024xi32>
    %eq3A_228 = arith.constant 0 : i32
    %eq3A_229 = vector.broadcast %eq3A_228 : i32 to vector<128x1024xi32>
    %eq3A_230 = arith.cmpi eq, %and3A_227, %eq3A_229 : vector<128x1024xi32>
    %roll3A_231 = arith.constant 960 : i32
    %roll3A_232 = tpu.dynamic_rotate %select_n3A_222 by %roll3A_231 dim 1 : vector<128x1024xf32>, i32 -> vector<128x1024xf32>
    %roll3A_233 = arith.constant 64 : i32
    %roll3A_234 = tpu.dynamic_rotate %select_n3A_222 by %roll3A_233 dim 1 : vector<128x1024xf32>, i32 -> vector<128x1024xf32>
    %select_n3A_235 = arith.select %eq3A_230, %roll3A_232, %roll3A_234 : vector<128x1024xi1>, vector<128x1024xf32>
    %roll3A_236 = arith.constant 960 : i32
    %roll3A_237 = tpu.dynamic_rotate %select_n3A_223 by %roll3A_236 dim 1 : vector<128x1024xi32>, i32 -> vector<128x1024xi32>
    %roll3A_238 = arith.constant 64 : i32
    %roll3A_239 = tpu.dynamic_rotate %select_n3A_223 by %roll3A_238 dim 1 : vector<128x1024xi32>, i32 -> vector<128x1024xi32>
    %select_n3A_240 = arith.select %eq3A_230, %roll3A_237, %roll3A_239 : vector<128x1024xi1>, vector<128x1024xi32>
    %gt3A_241 = arith.cmpf ogt, %select_n3A_222, %select_n3A_235 : vector<128x1024xf32>
    %eq3A_242 = arith.cmpf oeq, %select_n3A_222, %select_n3A_235 : vector<128x1024xf32>
    %lt3A_243 = arith.cmpi slt, %select_n3A_223, %select_n3A_240 : vector<128x1024xi32>
    %and3A_244 = arith.andi %eq3A_242, %lt3A_243 : vector<128x1024xi1>
    %or3A_245 = arith.ori %gt3A_241, %and3A_244 : vector<128x1024xi1>
    %xor3A_246 = arith.xori %eq3A_230, %or3A_245 : vector<128x1024xi1>
    %xor3A_247 = arith.xori %xor3A_246, %eq3A_145 : vector<128x1024xi1>
    %select_n3A_248 = arith.select %xor3A_247, %select_n3A_222, %select_n3A_235 : vector<128x1024xi1>, vector<128x1024xf32>
    %select_n3A_249 = arith.select %xor3A_247, %select_n3A_223, %select_n3A_240 : vector<128x1024xi1>, vector<128x1024xi32>
    %iota3A_250 = tpu.iota {dimensions = array<i32: 1>} : vector<128x1024xi32>
    %and3A_251 = arith.constant 32 : i32
    %and3A_252 = vector.broadcast %and3A_251 : i32 to vector<128x1024xi32>
    %and3A_253 = arith.andi %iota3A_250, %and3A_252 : vector<128x1024xi32>
    %eq3A_254 = arith.constant 0 : i32
    %eq3A_255 = vector.broadcast %eq3A_254 : i32 to vector<128x1024xi32>
    %eq3A_256 = arith.cmpi eq, %and3A_253, %eq3A_255 : vector<128x1024xi32>
    %roll3A_257 = arith.constant 992 : i32
    %roll3A_258 = tpu.dynamic_rotate %select_n3A_248 by %roll3A_257 dim 1 : vector<128x1024xf32>, i32 -> vector<128x1024xf32>
    %roll3A_259 = arith.constant 32 : i32
    %roll3A_260 = tpu.dynamic_rotate %select_n3A_248 by %roll3A_259 dim 1 : vector<128x1024xf32>, i32 -> vector<128x1024xf32>
    %select_n3A_261 = arith.select %eq3A_256, %roll3A_258, %roll3A_260 : vector<128x1024xi1>, vector<128x1024xf32>
    %roll3A_262 = arith.constant 992 : i32
    %roll3A_263 = tpu.dynamic_rotate %select_n3A_249 by %roll3A_262 dim 1 : vector<128x1024xi32>, i32 -> vector<128x1024xi32>
    %roll3A_264 = arith.constant 32 : i32
    %roll3A_265 = tpu.dynamic_rotate %select_n3A_249 by %roll3A_264 dim 1 : vector<128x1024xi32>, i32 -> vector<128x1024xi32>
    %select_n3A_266 = arith.select %eq3A_256, %roll3A_263, %roll3A_265 : vector<128x1024xi1>, vector<128x1024xi32>
    %gt3A_267 = arith.cmpf ogt, %select_n3A_248, %select_n3A_261 : vector<128x1024xf32>
    %eq3A_268 = arith.cmpf oeq, %select_n3A_248, %select_n3A_261 : vector<128x1024xf32>
    %lt3A_269 = arith.cmpi slt, %select_n3A_249, %select_n3A_266 : vector<128x1024xi32>
    %and3A_270 = arith.andi %eq3A_268, %lt3A_269 : vector<128x1024xi1>
    %or3A_271 = arith.ori %gt3A_267, %and3A_270 : vector<128x1024xi1>
    %xor3A_272 = arith.xori %eq3A_256, %or3A_271 : vector<128x1024xi1>
    %xor3A_273 = arith.xori %xor3A_272, %eq3A_145 : vector<128x1024xi1>
    %select_n3A_274 = arith.select %xor3A_273, %select_n3A_248, %select_n3A_261 : vector<128x1024xi1>, vector<128x1024xf32>
    %select_n3A_275 = arith.select %xor3A_273, %select_n3A_249, %select_n3A_266 : vector<128x1024xi1>, vector<128x1024xi32>
    %iota3A_276 = tpu.iota {dimensions = array<i32: 1>} : vector<128x1024xi32>
    %and3A_277 = arith.constant 16 : i32
    %and3A_278 = vector.broadcast %and3A_277 : i32 to vector<128x1024xi32>
    %and3A_279 = arith.andi %iota3A_276, %and3A_278 : vector<128x1024xi32>
    %eq3A_280 = arith.constant 0 : i32
    %eq3A_281 = vector.broadcast %eq3A_280 : i32 to vector<128x1024xi32>
    %eq3A_282 = arith.cmpi eq, %and3A_279, %eq3A_281 : vector<128x1024xi32>
    %roll3A_283 = arith.constant 1008 : i32
    %roll3A_284 = tpu.dynamic_rotate %select_n3A_274 by %roll3A_283 dim 1 : vector<128x1024xf32>, i32 -> vector<128x1024xf32>
    %roll3A_285 = arith.constant 16 : i32
    %roll3A_286 = tpu.dynamic_rotate %select_n3A_274 by %roll3A_285 dim 1 : vector<128x1024xf32>, i32 -> vector<128x1024xf32>
    %select_n3A_287 = arith.select %eq3A_282, %roll3A_284, %roll3A_286 : vector<128x1024xi1>, vector<128x1024xf32>
    %roll3A_288 = arith.constant 1008 : i32
    %roll3A_289 = tpu.dynamic_rotate %select_n3A_275 by %roll3A_288 dim 1 : vector<128x1024xi32>, i32 -> vector<128x1024xi32>
    %roll3A_290 = arith.constant 16 : i32
    %roll3A_291 = tpu.dynamic_rotate %select_n3A_275 by %roll3A_290 dim 1 : vector<128x1024xi32>, i32 -> vector<128x1024xi32>
    %select_n3A_292 = arith.select %eq3A_282, %roll3A_289, %roll3A_291 : vector<128x1024xi1>, vector<128x1024xi32>
    %gt3A_293 = arith.cmpf ogt, %select_n3A_274, %select_n3A_287 : vector<128x1024xf32>
    %eq3A_294 = arith.cmpf oeq, %select_n3A_274, %select_n3A_287 : vector<128x1024xf32>
    %lt3A_295 = arith.cmpi slt, %select_n3A_275, %select_n3A_292 : vector<128x1024xi32>
    %and3A_296 = arith.andi %eq3A_294, %lt3A_295 : vector<128x1024xi1>
    %or3A_297 = arith.ori %gt3A_293, %and3A_296 : vector<128x1024xi1>
    %xor3A_298 = arith.xori %eq3A_282, %or3A_297 : vector<128x1024xi1>
    %xor3A_299 = arith.xori %xor3A_298, %eq3A_145 : vector<128x1024xi1>
    %select_n3A_300 = arith.select %xor3A_299, %select_n3A_274, %select_n3A_287 : vector<128x1024xi1>, vector<128x1024xf32>
    %select_n3A_301 = arith.select %xor3A_299, %select_n3A_275, %select_n3A_292 : vector<128x1024xi1>, vector<128x1024xi32>
    %iota3A_302 = tpu.iota {dimensions = array<i32: 1>} : vector<128x1024xi32>
    %and3A_303 = arith.constant 8 : i32
    %and3A_304 = vector.broadcast %and3A_303 : i32 to vector<128x1024xi32>
    %and3A_305 = arith.andi %iota3A_302, %and3A_304 : vector<128x1024xi32>
    %eq3A_306 = arith.constant 0 : i32
    %eq3A_307 = vector.broadcast %eq3A_306 : i32 to vector<128x1024xi32>
    %eq3A_308 = arith.cmpi eq, %and3A_305, %eq3A_307 : vector<128x1024xi32>
    %roll3A_309 = arith.constant 1016 : i32
    %roll3A_310 = tpu.dynamic_rotate %select_n3A_300 by %roll3A_309 dim 1 : vector<128x1024xf32>, i32 -> vector<128x1024xf32>
    %roll3A_311 = arith.constant 8 : i32
    %roll3A_312 = tpu.dynamic_rotate %select_n3A_300 by %roll3A_311 dim 1 : vector<128x1024xf32>, i32 -> vector<128x1024xf32>
    %select_n3A_313 = arith.select %eq3A_308, %roll3A_310, %roll3A_312 : vector<128x1024xi1>, vector<128x1024xf32>
    %roll3A_314 = arith.constant 1016 : i32
    %roll3A_315 = tpu.dynamic_rotate %select_n3A_301 by %roll3A_314 dim 1 : vector<128x1024xi32>, i32 -> vector<128x1024xi32>
    %roll3A_316 = arith.constant 8 : i32
    %roll3A_317 = tpu.dynamic_rotate %select_n3A_301 by %roll3A_316 dim 1 : vector<128x1024xi32>, i32 -> vector<128x1024xi32>
    %select_n3A_318 = arith.select %eq3A_308, %roll3A_315, %roll3A_317 : vector<128x1024xi1>, vector<128x1024xi32>
    %gt3A_319 = arith.cmpf ogt, %select_n3A_300, %select_n3A_313 : vector<128x1024xf32>
    %eq3A_320 = arith.cmpf oeq, %select_n3A_300, %select_n3A_313 : vector<128x1024xf32>
    %lt3A_321 = arith.cmpi slt, %select_n3A_301, %select_n3A_318 : vector<128x1024xi32>
    %and3A_322 = arith.andi %eq3A_320, %lt3A_321 : vector<128x1024xi1>
    %or3A_323 = arith.ori %gt3A_319, %and3A_322 : vector<128x1024xi1>
    %xor3A_324 = arith.xori %eq3A_308, %or3A_323 : vector<128x1024xi1>
    %xor3A_325 = arith.xori %xor3A_324, %eq3A_145 : vector<128x1024xi1>
    %select_n3A_326 = arith.select %xor3A_325, %select_n3A_300, %select_n3A_313 : vector<128x1024xi1>, vector<128x1024xf32>
    %select_n3A_327 = arith.select %xor3A_325, %select_n3A_301, %select_n3A_318 : vector<128x1024xi1>, vector<128x1024xi32>
    %iota3A_328 = tpu.iota {dimensions = array<i32: 1>} : vector<128x1024xi32>
    %and3A_329 = arith.constant 4 : i32
    %and3A_330 = vector.broadcast %and3A_329 : i32 to vector<128x1024xi32>
    %and3A_331 = arith.andi %iota3A_328, %and3A_330 : vector<128x1024xi32>
    %eq3A_332 = arith.constant 0 : i32
    %eq3A_333 = vector.broadcast %eq3A_332 : i32 to vector<128x1024xi32>
    %eq3A_334 = arith.cmpi eq, %and3A_331, %eq3A_333 : vector<128x1024xi32>
    %roll3A_335 = arith.constant 1020 : i32
    %roll3A_336 = tpu.dynamic_rotate %select_n3A_326 by %roll3A_335 dim 1 : vector<128x1024xf32>, i32 -> vector<128x1024xf32>
    %roll3A_337 = arith.constant 4 : i32
    %roll3A_338 = tpu.dynamic_rotate %select_n3A_326 by %roll3A_337 dim 1 : vector<128x1024xf32>, i32 -> vector<128x1024xf32>
    %select_n3A_339 = arith.select %eq3A_334, %roll3A_336, %roll3A_338 : vector<128x1024xi1>, vector<128x1024xf32>
    %roll3A_340 = arith.constant 1020 : i32
    %roll3A_341 = tpu.dynamic_rotate %select_n3A_327 by %roll3A_340 dim 1 : vector<128x1024xi32>, i32 -> vector<128x1024xi32>
    %roll3A_342 = arith.constant 4 : i32
    %roll3A_343 = tpu.dynamic_rotate %select_n3A_327 by %roll3A_342 dim 1 : vector<128x1024xi32>, i32 -> vector<128x1024xi32>
    %select_n3A_344 = arith.select %eq3A_334, %roll3A_341, %roll3A_343 : vector<128x1024xi1>, vector<128x1024xi32>
    %gt3A_345 = arith.cmpf ogt, %select_n3A_326, %select_n3A_339 : vector<128x1024xf32>
    %eq3A_346 = arith.cmpf oeq, %select_n3A_326, %select_n3A_339 : vector<128x1024xf32>
    %lt3A_347 = arith.cmpi slt, %select_n3A_327, %select_n3A_344 : vector<128x1024xi32>
    %and3A_348 = arith.andi %eq3A_346, %lt3A_347 : vector<128x1024xi1>
    %or3A_349 = arith.ori %gt3A_345, %and3A_348 : vector<128x1024xi1>
    %xor3A_350 = arith.xori %eq3A_334, %or3A_349 : vector<128x1024xi1>
    %xor3A_351 = arith.xori %xor3A_350, %eq3A_145 : vector<128x1024xi1>
    %select_n3A_352 = arith.select %xor3A_351, %select_n3A_326, %select_n3A_339 : vector<128x1024xi1>, vector<128x1024xf32>
    %select_n3A_353 = arith.select %xor3A_351, %select_n3A_327, %select_n3A_344 : vector<128x1024xi1>, vector<128x1024xi32>
    %iota3A_354 = tpu.iota {dimensions = array<i32: 1>} : vector<128x1024xi32>
    %and3A_355 = arith.constant 2 : i32
    %and3A_356 = vector.broadcast %and3A_355 : i32 to vector<128x1024xi32>
    %and3A_357 = arith.andi %iota3A_354, %and3A_356 : vector<128x1024xi32>
    %eq3A_358 = arith.constant 0 : i32
    %eq3A_359 = vector.broadcast %eq3A_358 : i32 to vector<128x1024xi32>
    %eq3A_360 = arith.cmpi eq, %and3A_357, %eq3A_359 : vector<128x1024xi32>
    %roll3A_361 = arith.constant 1022 : i32
    %roll3A_362 = tpu.dynamic_rotate %select_n3A_352 by %roll3A_361 dim 1 : vector<128x1024xf32>, i32 -> vector<128x1024xf32>
    %roll3A_363 = arith.constant 2 : i32
    %roll3A_364 = tpu.dynamic_rotate %select_n3A_352 by %roll3A_363 dim 1 : vector<128x1024xf32>, i32 -> vector<128x1024xf32>
    %select_n3A_365 = arith.select %eq3A_360, %roll3A_362, %roll3A_364 : vector<128x1024xi1>, vector<128x1024xf32>
    %roll3A_366 = arith.constant 1022 : i32
    %roll3A_367 = tpu.dynamic_rotate %select_n3A_353 by %roll3A_366 dim 1 : vector<128x1024xi32>, i32 -> vector<128x1024xi32>
    %roll3A_368 = arith.constant 2 : i32
    %roll3A_369 = tpu.dynamic_rotate %select_n3A_353 by %roll3A_368 dim 1 : vector<128x1024xi32>, i32 -> vector<128x1024xi32>
    %select_n3A_370 = arith.select %eq3A_360, %roll3A_367, %roll3A_369 : vector<128x1024xi1>, vector<128x1024xi32>
    %gt3A_371 = arith.cmpf ogt, %select_n3A_352, %select_n3A_365 : vector<128x1024xf32>
    %eq3A_372 = arith.cmpf oeq, %select_n3A_352, %select_n3A_365 : vector<128x1024xf32>
    %lt3A_373 = arith.cmpi slt, %select_n3A_353, %select_n3A_370 : vector<128x1024xi32>
    %and3A_374 = arith.andi %eq3A_372, %lt3A_373 : vector<128x1024xi1>
    %or3A_375 = arith.ori %gt3A_371, %and3A_374 : vector<128x1024xi1>
    %xor3A_376 = arith.xori %eq3A_360, %or3A_375 : vector<128x1024xi1>
    %xor3A_377 = arith.xori %xor3A_376, %eq3A_145 : vector<128x1024xi1>
    %select_n3A_378 = arith.select %xor3A_377, %select_n3A_352, %select_n3A_365 : vector<128x1024xi1>, vector<128x1024xf32>
    %select_n3A_379 = arith.select %xor3A_377, %select_n3A_353, %select_n3A_370 : vector<128x1024xi1>, vector<128x1024xi32>
    %iota3A_380 = tpu.iota {dimensions = array<i32: 1>} : vector<128x1024xi32>
    %and3A_381 = arith.constant 1 : i32
    %and3A_382 = vector.broadcast %and3A_381 : i32 to vector<128x1024xi32>
    %and3A_383 = arith.andi %iota3A_380, %and3A_382 : vector<128x1024xi32>
    %eq3A_384 = arith.constant 0 : i32
    %eq3A_385 = vector.broadcast %eq3A_384 : i32 to vector<128x1024xi32>
    %eq3A_386 = arith.cmpi eq, %and3A_383, %eq3A_385 : vector<128x1024xi32>
    %roll3A_387 = arith.constant 1023 : i32
    %roll3A_388 = tpu.dynamic_rotate %select_n3A_378 by %roll3A_387 dim 1 : vector<128x1024xf32>, i32 -> vector<128x1024xf32>
    %roll3A_389 = arith.constant 1 : i32
    %roll3A_390 = tpu.dynamic_rotate %select_n3A_378 by %roll3A_389 dim 1 : vector<128x1024xf32>, i32 -> vector<128x1024xf32>
    %select_n3A_391 = arith.select %eq3A_386, %roll3A_388, %roll3A_390 : vector<128x1024xi1>, vector<128x1024xf32>
    %roll3A_392 = arith.constant 1023 : i32
    %roll3A_393 = tpu.dynamic_rotate %select_n3A_379 by %roll3A_392 dim 1 : vector<128x1024xi32>, i32 -> vector<128x1024xi32>
    %roll3A_394 = arith.constant 1 : i32
    %roll3A_395 = tpu.dynamic_rotate %select_n3A_379 by %roll3A_394 dim 1 : vector<128x1024xi32>, i32 -> vector<128x1024xi32>
    %select_n3A_396 = arith.select %eq3A_386, %roll3A_393, %roll3A_395 : vector<128x1024xi1>, vector<128x1024xi32>
    %gt3A_397 = arith.cmpf ogt, %select_n3A_378, %select_n3A_391 : vector<128x1024xf32>
    %eq3A_398 = arith.cmpf oeq, %select_n3A_378, %select_n3A_391 : vector<128x1024xf32>
    %lt3A_399 = arith.cmpi slt, %select_n3A_379, %select_n3A_396 : vector<128x1024xi32>
    %and3A_400 = arith.andi %eq3A_398, %lt3A_399 : vector<128x1024xi1>
    %or3A_401 = arith.ori %gt3A_397, %and3A_400 : vector<128x1024xi1>
    %xor3A_402 = arith.xori %eq3A_386, %or3A_401 : vector<128x1024xi1>
    %xor3A_403 = arith.xori %xor3A_402, %eq3A_145 : vector<128x1024xi1>
    %select_n3A_404 = arith.select %xor3A_403, %select_n3A_378, %select_n3A_391 : vector<128x1024xi1>, vector<128x1024xf32>
    %select_n3A_405 = arith.select %xor3A_403, %select_n3A_379, %select_n3A_396 : vector<128x1024xi1>, vector<128x1024xi32>
    %slice3A_406 = vector.extract_strided_slice %select_n3A_404 {offsets = [0, 0], sizes = [64, 1024], strides = [1, 1]} : vector<128x1024xf32> to vector<64x1024xf32>
    %slice3A_407 = vector.extract_strided_slice %select_n3A_404 {offsets = [64, 0], sizes = [64, 1024], strides = [1, 1]} : vector<128x1024xf32> to vector<64x1024xf32>
    %slice3A_408 = vector.extract_strided_slice %select_n3A_405 {offsets = [0, 0], sizes = [64, 1024], strides = [1, 1]} : vector<128x1024xi32> to vector<64x1024xi32>
    %slice3A_409 = vector.extract_strided_slice %select_n3A_405 {offsets = [64, 0], sizes = [64, 1024], strides = [1, 1]} : vector<128x1024xi32> to vector<64x1024xi32>
    %gt3A_410 = arith.cmpf ogt, %slice3A_406, %slice3A_407 : vector<64x1024xf32>
    %eq3A_411 = arith.cmpf oeq, %slice3A_406, %slice3A_407 : vector<64x1024xf32>
    %lt3A_412 = arith.cmpi slt, %slice3A_408, %slice3A_409 : vector<64x1024xi32>
    %and3A_413 = arith.andi %eq3A_411, %lt3A_412 : vector<64x1024xi1>
    %or3A_414 = arith.ori %gt3A_410, %and3A_413 : vector<64x1024xi1>
    %select_n3A_415 = arith.select %or3A_414, %slice3A_406, %slice3A_407 : vector<64x1024xi1>, vector<64x1024xf32>
    %select_n3A_416 = arith.select %or3A_414, %slice3A_408, %slice3A_409 : vector<64x1024xi1>, vector<64x1024xi32>
    %iota3A_417 = tpu.iota {dimensions = array<i32: 0>} : vector<64x1024xi32>
    %and3A_418 = arith.constant 32 : i32
    %and3A_419 = vector.broadcast %and3A_418 : i32 to vector<64x1024xi32>
    %and3A_420 = arith.andi %iota3A_417, %and3A_419 : vector<64x1024xi32>
    %eq3A_421 = arith.constant 0 : i32
    %eq3A_422 = vector.broadcast %eq3A_421 : i32 to vector<64x1024xi32>
    %eq3A_423 = arith.cmpi eq, %and3A_420, %eq3A_422 : vector<64x1024xi32>
    %iota3A_424 = tpu.iota {dimensions = array<i32: 1>} : vector<64x1024xi32>
    %and3A_425 = arith.constant 512 : i32
    %and3A_426 = vector.broadcast %and3A_425 : i32 to vector<64x1024xi32>
    %and3A_427 = arith.andi %iota3A_424, %and3A_426 : vector<64x1024xi32>
    %eq3A_428 = arith.constant 0 : i32
    %eq3A_429 = vector.broadcast %eq3A_428 : i32 to vector<64x1024xi32>
    %eq3A_430 = arith.cmpi eq, %and3A_427, %eq3A_429 : vector<64x1024xi32>
    %roll3A_431 = arith.constant 512 : i32
    %roll3A_432 = tpu.dynamic_rotate %select_n3A_415 by %roll3A_431 dim 1 : vector<64x1024xf32>, i32 -> vector<64x1024xf32>
    %roll3A_433 = arith.constant 512 : i32
    %roll3A_434 = tpu.dynamic_rotate %select_n3A_415 by %roll3A_433 dim 1 : vector<64x1024xf32>, i32 -> vector<64x1024xf32>
    %select_n3A_435 = arith.select %eq3A_430, %roll3A_432, %roll3A_434 : vector<64x1024xi1>, vector<64x1024xf32>
    %roll3A_436 = arith.constant 512 : i32
    %roll3A_437 = tpu.dynamic_rotate %select_n3A_416 by %roll3A_436 dim 1 : vector<64x1024xi32>, i32 -> vector<64x1024xi32>
    %roll3A_438 = arith.constant 512 : i32
    %roll3A_439 = tpu.dynamic_rotate %select_n3A_416 by %roll3A_438 dim 1 : vector<64x1024xi32>, i32 -> vector<64x1024xi32>
    %select_n3A_440 = arith.select %eq3A_430, %roll3A_437, %roll3A_439 : vector<64x1024xi1>, vector<64x1024xi32>
    %gt3A_441 = arith.cmpf ogt, %select_n3A_415, %select_n3A_435 : vector<64x1024xf32>
    %eq3A_442 = arith.cmpf oeq, %select_n3A_415, %select_n3A_435 : vector<64x1024xf32>
    %lt3A_443 = arith.cmpi slt, %select_n3A_416, %select_n3A_440 : vector<64x1024xi32>
    %and3A_444 = arith.andi %eq3A_442, %lt3A_443 : vector<64x1024xi1>
    %or3A_445 = arith.ori %gt3A_441, %and3A_444 : vector<64x1024xi1>
    %xor3A_446 = arith.xori %eq3A_430, %or3A_445 : vector<64x1024xi1>
    %xor3A_447 = arith.xori %xor3A_446, %eq3A_423 : vector<64x1024xi1>
    %select_n3A_448 = arith.select %xor3A_447, %select_n3A_415, %select_n3A_435 : vector<64x1024xi1>, vector<64x1024xf32>
    %select_n3A_449 = arith.select %xor3A_447, %select_n3A_416, %select_n3A_440 : vector<64x1024xi1>, vector<64x1024xi32>
    %iota3A_450 = tpu.iota {dimensions = array<i32: 1>} : vector<64x1024xi32>
    %and3A_451 = arith.constant 256 : i32
    %and3A_452 = vector.broadcast %and3A_451 : i32 to vector<64x1024xi32>
    %and3A_453 = arith.andi %iota3A_450, %and3A_452 : vector<64x1024xi32>
    %eq3A_454 = arith.constant 0 : i32
    %eq3A_455 = vector.broadcast %eq3A_454 : i32 to vector<64x1024xi32>
    %eq3A_456 = arith.cmpi eq, %and3A_453, %eq3A_455 : vector<64x1024xi32>
    %roll3A_457 = arith.constant 768 : i32
    %roll3A_458 = tpu.dynamic_rotate %select_n3A_448 by %roll3A_457 dim 1 : vector<64x1024xf32>, i32 -> vector<64x1024xf32>
    %roll3A_459 = arith.constant 256 : i32
    %roll3A_460 = tpu.dynamic_rotate %select_n3A_448 by %roll3A_459 dim 1 : vector<64x1024xf32>, i32 -> vector<64x1024xf32>
    %select_n3A_461 = arith.select %eq3A_456, %roll3A_458, %roll3A_460 : vector<64x1024xi1>, vector<64x1024xf32>
    %roll3A_462 = arith.constant 768 : i32
    %roll3A_463 = tpu.dynamic_rotate %select_n3A_449 by %roll3A_462 dim 1 : vector<64x1024xi32>, i32 -> vector<64x1024xi32>
    %roll3A_464 = arith.constant 256 : i32
    %roll3A_465 = tpu.dynamic_rotate %select_n3A_449 by %roll3A_464 dim 1 : vector<64x1024xi32>, i32 -> vector<64x1024xi32>
    %select_n3A_466 = arith.select %eq3A_456, %roll3A_463, %roll3A_465 : vector<64x1024xi1>, vector<64x1024xi32>
    %gt3A_467 = arith.cmpf ogt, %select_n3A_448, %select_n3A_461 : vector<64x1024xf32>
    %eq3A_468 = arith.cmpf oeq, %select_n3A_448, %select_n3A_461 : vector<64x1024xf32>
    %lt3A_469 = arith.cmpi slt, %select_n3A_449, %select_n3A_466 : vector<64x1024xi32>
    %and3A_470 = arith.andi %eq3A_468, %lt3A_469 : vector<64x1024xi1>
    %or3A_471 = arith.ori %gt3A_467, %and3A_470 : vector<64x1024xi1>
    %xor3A_472 = arith.xori %eq3A_456, %or3A_471 : vector<64x1024xi1>
    %xor3A_473 = arith.xori %xor3A_472, %eq3A_423 : vector<64x1024xi1>
    %select_n3A_474 = arith.select %xor3A_473, %select_n3A_448, %select_n3A_461 : vector<64x1024xi1>, vector<64x1024xf32>
    %select_n3A_475 = arith.select %xor3A_473, %select_n3A_449, %select_n3A_466 : vector<64x1024xi1>, vector<64x1024xi32>
    %iota3A_476 = tpu.iota {dimensions = array<i32: 1>} : vector<64x1024xi32>
    %and3A_477 = arith.constant 128 : i32
    %and3A_478 = vector.broadcast %and3A_477 : i32 to vector<64x1024xi32>
    %and3A_479 = arith.andi %iota3A_476, %and3A_478 : vector<64x1024xi32>
    %eq3A_480 = arith.constant 0 : i32
    %eq3A_481 = vector.broadcast %eq3A_480 : i32 to vector<64x1024xi32>
    %eq3A_482 = arith.cmpi eq, %and3A_479, %eq3A_481 : vector<64x1024xi32>
    %roll3A_483 = arith.constant 896 : i32
    %roll3A_484 = tpu.dynamic_rotate %select_n3A_474 by %roll3A_483 dim 1 : vector<64x1024xf32>, i32 -> vector<64x1024xf32>
    %roll3A_485 = arith.constant 128 : i32
    %roll3A_486 = tpu.dynamic_rotate %select_n3A_474 by %roll3A_485 dim 1 : vector<64x1024xf32>, i32 -> vector<64x1024xf32>
    %select_n3A_487 = arith.select %eq3A_482, %roll3A_484, %roll3A_486 : vector<64x1024xi1>, vector<64x1024xf32>
    %roll3A_488 = arith.constant 896 : i32
    %roll3A_489 = tpu.dynamic_rotate %select_n3A_475 by %roll3A_488 dim 1 : vector<64x1024xi32>, i32 -> vector<64x1024xi32>
    %roll3A_490 = arith.constant 128 : i32
    %roll3A_491 = tpu.dynamic_rotate %select_n3A_475 by %roll3A_490 dim 1 : vector<64x1024xi32>, i32 -> vector<64x1024xi32>
    %select_n3A_492 = arith.select %eq3A_482, %roll3A_489, %roll3A_491 : vector<64x1024xi1>, vector<64x1024xi32>
    %gt3A_493 = arith.cmpf ogt, %select_n3A_474, %select_n3A_487 : vector<64x1024xf32>
    %eq3A_494 = arith.cmpf oeq, %select_n3A_474, %select_n3A_487 : vector<64x1024xf32>
    %lt3A_495 = arith.cmpi slt, %select_n3A_475, %select_n3A_492 : vector<64x1024xi32>
    %and3A_496 = arith.andi %eq3A_494, %lt3A_495 : vector<64x1024xi1>
    %or3A_497 = arith.ori %gt3A_493, %and3A_496 : vector<64x1024xi1>
    %xor3A_498 = arith.xori %eq3A_482, %or3A_497 : vector<64x1024xi1>
    %xor3A_499 = arith.xori %xor3A_498, %eq3A_423 : vector<64x1024xi1>
    %select_n3A_500 = arith.select %xor3A_499, %select_n3A_474, %select_n3A_487 : vector<64x1024xi1>, vector<64x1024xf32>
    %select_n3A_501 = arith.select %xor3A_499, %select_n3A_475, %select_n3A_492 : vector<64x1024xi1>, vector<64x1024xi32>
    %iota3A_502 = tpu.iota {dimensions = array<i32: 1>} : vector<64x1024xi32>
    %and3A_503 = arith.constant 64 : i32
    %and3A_504 = vector.broadcast %and3A_503 : i32 to vector<64x1024xi32>
    %and3A_505 = arith.andi %iota3A_502, %and3A_504 : vector<64x1024xi32>
    %eq3A_506 = arith.constant 0 : i32
    %eq3A_507 = vector.broadcast %eq3A_506 : i32 to vector<64x1024xi32>
    %eq3A_508 = arith.cmpi eq, %and3A_505, %eq3A_507 : vector<64x1024xi32>
    %roll3A_509 = arith.constant 960 : i32
    %roll3A_510 = tpu.dynamic_rotate %select_n3A_500 by %roll3A_509 dim 1 : vector<64x1024xf32>, i32 -> vector<64x1024xf32>
    %roll3A_511 = arith.constant 64 : i32
    %roll3A_512 = tpu.dynamic_rotate %select_n3A_500 by %roll3A_511 dim 1 : vector<64x1024xf32>, i32 -> vector<64x1024xf32>
    %select_n3A_513 = arith.select %eq3A_508, %roll3A_510, %roll3A_512 : vector<64x1024xi1>, vector<64x1024xf32>
    %roll3A_514 = arith.constant 960 : i32
    %roll3A_515 = tpu.dynamic_rotate %select_n3A_501 by %roll3A_514 dim 1 : vector<64x1024xi32>, i32 -> vector<64x1024xi32>
    %roll3A_516 = arith.constant 64 : i32
    %roll3A_517 = tpu.dynamic_rotate %select_n3A_501 by %roll3A_516 dim 1 : vector<64x1024xi32>, i32 -> vector<64x1024xi32>
    %select_n3A_518 = arith.select %eq3A_508, %roll3A_515, %roll3A_517 : vector<64x1024xi1>, vector<64x1024xi32>
    %gt3A_519 = arith.cmpf ogt, %select_n3A_500, %select_n3A_513 : vector<64x1024xf32>
    %eq3A_520 = arith.cmpf oeq, %select_n3A_500, %select_n3A_513 : vector<64x1024xf32>
    %lt3A_521 = arith.cmpi slt, %select_n3A_501, %select_n3A_518 : vector<64x1024xi32>
    %and3A_522 = arith.andi %eq3A_520, %lt3A_521 : vector<64x1024xi1>
    %or3A_523 = arith.ori %gt3A_519, %and3A_522 : vector<64x1024xi1>
    %xor3A_524 = arith.xori %eq3A_508, %or3A_523 : vector<64x1024xi1>
    %xor3A_525 = arith.xori %xor3A_524, %eq3A_423 : vector<64x1024xi1>
    %select_n3A_526 = arith.select %xor3A_525, %select_n3A_500, %select_n3A_513 : vector<64x1024xi1>, vector<64x1024xf32>
    %select_n3A_527 = arith.select %xor3A_525, %select_n3A_501, %select_n3A_518 : vector<64x1024xi1>, vector<64x1024xi32>
    %iota3A_528 = tpu.iota {dimensions = array<i32: 1>} : vector<64x1024xi32>
    %and3A_529 = arith.constant 32 : i32
    %and3A_530 = vector.broadcast %and3A_529 : i32 to vector<64x1024xi32>
    %and3A_531 = arith.andi %iota3A_528, %and3A_530 : vector<64x1024xi32>
    %eq3A_532 = arith.constant 0 : i32
    %eq3A_533 = vector.broadcast %eq3A_532 : i32 to vector<64x1024xi32>
    %eq3A_534 = arith.cmpi eq, %and3A_531, %eq3A_533 : vector<64x1024xi32>
    %roll3A_535 = arith.constant 992 : i32
    %roll3A_536 = tpu.dynamic_rotate %select_n3A_526 by %roll3A_535 dim 1 : vector<64x1024xf32>, i32 -> vector<64x1024xf32>
    %roll3A_537 = arith.constant 32 : i32
    %roll3A_538 = tpu.dynamic_rotate %select_n3A_526 by %roll3A_537 dim 1 : vector<64x1024xf32>, i32 -> vector<64x1024xf32>
    %select_n3A_539 = arith.select %eq3A_534, %roll3A_536, %roll3A_538 : vector<64x1024xi1>, vector<64x1024xf32>
    %roll3A_540 = arith.constant 992 : i32
    %roll3A_541 = tpu.dynamic_rotate %select_n3A_527 by %roll3A_540 dim 1 : vector<64x1024xi32>, i32 -> vector<64x1024xi32>
    %roll3A_542 = arith.constant 32 : i32
    %roll3A_543 = tpu.dynamic_rotate %select_n3A_527 by %roll3A_542 dim 1 : vector<64x1024xi32>, i32 -> vector<64x1024xi32>
    %select_n3A_544 = arith.select %eq3A_534, %roll3A_541, %roll3A_543 : vector<64x1024xi1>, vector<64x1024xi32>
    %gt3A_545 = arith.cmpf ogt, %select_n3A_526, %select_n3A_539 : vector<64x1024xf32>
    %eq3A_546 = arith.cmpf oeq, %select_n3A_526, %select_n3A_539 : vector<64x1024xf32>
    %lt3A_547 = arith.cmpi slt, %select_n3A_527, %select_n3A_544 : vector<64x1024xi32>
    %and3A_548 = arith.andi %eq3A_546, %lt3A_547 : vector<64x1024xi1>
    %or3A_549 = arith.ori %gt3A_545, %and3A_548 : vector<64x1024xi1>
    %xor3A_550 = arith.xori %eq3A_534, %or3A_549 : vector<64x1024xi1>
    %xor3A_551 = arith.xori %xor3A_550, %eq3A_423 : vector<64x1024xi1>
    %select_n3A_552 = arith.select %xor3A_551, %select_n3A_526, %select_n3A_539 : vector<64x1024xi1>, vector<64x1024xf32>
    %select_n3A_553 = arith.select %xor3A_551, %select_n3A_527, %select_n3A_544 : vector<64x1024xi1>, vector<64x1024xi32>
    %iota3A_554 = tpu.iota {dimensions = array<i32: 1>} : vector<64x1024xi32>
    %and3A_555 = arith.constant 16 : i32
    %and3A_556 = vector.broadcast %and3A_555 : i32 to vector<64x1024xi32>
    %and3A_557 = arith.andi %iota3A_554, %and3A_556 : vector<64x1024xi32>
    %eq3A_558 = arith.constant 0 : i32
    %eq3A_559 = vector.broadcast %eq3A_558 : i32 to vector<64x1024xi32>
    %eq3A_560 = arith.cmpi eq, %and3A_557, %eq3A_559 : vector<64x1024xi32>
    %roll3A_561 = arith.constant 1008 : i32
    %roll3A_562 = tpu.dynamic_rotate %select_n3A_552 by %roll3A_561 dim 1 : vector<64x1024xf32>, i32 -> vector<64x1024xf32>
    %roll3A_563 = arith.constant 16 : i32
    %roll3A_564 = tpu.dynamic_rotate %select_n3A_552 by %roll3A_563 dim 1 : vector<64x1024xf32>, i32 -> vector<64x1024xf32>
    %select_n3A_565 = arith.select %eq3A_560, %roll3A_562, %roll3A_564 : vector<64x1024xi1>, vector<64x1024xf32>
    %roll3A_566 = arith.constant 1008 : i32
    %roll3A_567 = tpu.dynamic_rotate %select_n3A_553 by %roll3A_566 dim 1 : vector<64x1024xi32>, i32 -> vector<64x1024xi32>
    %roll3A_568 = arith.constant 16 : i32
    %roll3A_569 = tpu.dynamic_rotate %select_n3A_553 by %roll3A_568 dim 1 : vector<64x1024xi32>, i32 -> vector<64x1024xi32>
    %select_n3A_570 = arith.select %eq3A_560, %roll3A_567, %roll3A_569 : vector<64x1024xi1>, vector<64x1024xi32>
    %gt3A_571 = arith.cmpf ogt, %select_n3A_552, %select_n3A_565 : vector<64x1024xf32>
    %eq3A_572 = arith.cmpf oeq, %select_n3A_552, %select_n3A_565 : vector<64x1024xf32>
    %lt3A_573 = arith.cmpi slt, %select_n3A_553, %select_n3A_570 : vector<64x1024xi32>
    %and3A_574 = arith.andi %eq3A_572, %lt3A_573 : vector<64x1024xi1>
    %or3A_575 = arith.ori %gt3A_571, %and3A_574 : vector<64x1024xi1>
    %xor3A_576 = arith.xori %eq3A_560, %or3A_575 : vector<64x1024xi1>
    %xor3A_577 = arith.xori %xor3A_576, %eq3A_423 : vector<64x1024xi1>
    %select_n3A_578 = arith.select %xor3A_577, %select_n3A_552, %select_n3A_565 : vector<64x1024xi1>, vector<64x1024xf32>
    %select_n3A_579 = arith.select %xor3A_577, %select_n3A_553, %select_n3A_570 : vector<64x1024xi1>, vector<64x1024xi32>
    %iota3A_580 = tpu.iota {dimensions = array<i32: 1>} : vector<64x1024xi32>
    %and3A_581 = arith.constant 8 : i32
    %and3A_582 = vector.broadcast %and3A_581 : i32 to vector<64x1024xi32>
    %and3A_583 = arith.andi %iota3A_580, %and3A_582 : vector<64x1024xi32>
    %eq3A_584 = arith.constant 0 : i32
    %eq3A_585 = vector.broadcast %eq3A_584 : i32 to vector<64x1024xi32>
    %eq3A_586 = arith.cmpi eq, %and3A_583, %eq3A_585 : vector<64x1024xi32>
    %roll3A_587 = arith.constant 1016 : i32
    %roll3A_588 = tpu.dynamic_rotate %select_n3A_578 by %roll3A_587 dim 1 : vector<64x1024xf32>, i32 -> vector<64x1024xf32>
    %roll3A_589 = arith.constant 8 : i32
    %roll3A_590 = tpu.dynamic_rotate %select_n3A_578 by %roll3A_589 dim 1 : vector<64x1024xf32>, i32 -> vector<64x1024xf32>
    %select_n3A_591 = arith.select %eq3A_586, %roll3A_588, %roll3A_590 : vector<64x1024xi1>, vector<64x1024xf32>
    %roll3A_592 = arith.constant 1016 : i32
    %roll3A_593 = tpu.dynamic_rotate %select_n3A_579 by %roll3A_592 dim 1 : vector<64x1024xi32>, i32 -> vector<64x1024xi32>
    %roll3A_594 = arith.constant 8 : i32
    %roll3A_595 = tpu.dynamic_rotate %select_n3A_579 by %roll3A_594 dim 1 : vector<64x1024xi32>, i32 -> vector<64x1024xi32>
    %select_n3A_596 = arith.select %eq3A_586, %roll3A_593, %roll3A_595 : vector<64x1024xi1>, vector<64x1024xi32>
    %gt3A_597 = arith.cmpf ogt, %select_n3A_578, %select_n3A_591 : vector<64x1024xf32>
    %eq3A_598 = arith.cmpf oeq, %select_n3A_578, %select_n3A_591 : vector<64x1024xf32>
    %lt3A_599 = arith.cmpi slt, %select_n3A_579, %select_n3A_596 : vector<64x1024xi32>
    %and3A_600 = arith.andi %eq3A_598, %lt3A_599 : vector<64x1024xi1>
    %or3A_601 = arith.ori %gt3A_597, %and3A_600 : vector<64x1024xi1>
    %xor3A_602 = arith.xori %eq3A_586, %or3A_601 : vector<64x1024xi1>
    %xor3A_603 = arith.xori %xor3A_602, %eq3A_423 : vector<64x1024xi1>
    %select_n3A_604 = arith.select %xor3A_603, %select_n3A_578, %select_n3A_591 : vector<64x1024xi1>, vector<64x1024xf32>
    %select_n3A_605 = arith.select %xor3A_603, %select_n3A_579, %select_n3A_596 : vector<64x1024xi1>, vector<64x1024xi32>
    %iota3A_606 = tpu.iota {dimensions = array<i32: 1>} : vector<64x1024xi32>
    %and3A_607 = arith.constant 4 : i32
    %and3A_608 = vector.broadcast %and3A_607 : i32 to vector<64x1024xi32>
    %and3A_609 = arith.andi %iota3A_606, %and3A_608 : vector<64x1024xi32>
    %eq3A_610 = arith.constant 0 : i32
    %eq3A_611 = vector.broadcast %eq3A_610 : i32 to vector<64x1024xi32>
    %eq3A_612 = arith.cmpi eq, %and3A_609, %eq3A_611 : vector<64x1024xi32>
    %roll3A_613 = arith.constant 1020 : i32
    %roll3A_614 = tpu.dynamic_rotate %select_n3A_604 by %roll3A_613 dim 1 : vector<64x1024xf32>, i32 -> vector<64x1024xf32>
    %roll3A_615 = arith.constant 4 : i32
    %roll3A_616 = tpu.dynamic_rotate %select_n3A_604 by %roll3A_615 dim 1 : vector<64x1024xf32>, i32 -> vector<64x1024xf32>
    %select_n3A_617 = arith.select %eq3A_612, %roll3A_614, %roll3A_616 : vector<64x1024xi1>, vector<64x1024xf32>
    %roll3A_618 = arith.constant 1020 : i32
    %roll3A_619 = tpu.dynamic_rotate %select_n3A_605 by %roll3A_618 dim 1 : vector<64x1024xi32>, i32 -> vector<64x1024xi32>
    %roll3A_620 = arith.constant 4 : i32
    %roll3A_621 = tpu.dynamic_rotate %select_n3A_605 by %roll3A_620 dim 1 : vector<64x1024xi32>, i32 -> vector<64x1024xi32>
    %select_n3A_622 = arith.select %eq3A_612, %roll3A_619, %roll3A_621 : vector<64x1024xi1>, vector<64x1024xi32>
    %gt3A_623 = arith.cmpf ogt, %select_n3A_604, %select_n3A_617 : vector<64x1024xf32>
    %eq3A_624 = arith.cmpf oeq, %select_n3A_604, %select_n3A_617 : vector<64x1024xf32>
    %lt3A_625 = arith.cmpi slt, %select_n3A_605, %select_n3A_622 : vector<64x1024xi32>
    %and3A_626 = arith.andi %eq3A_624, %lt3A_625 : vector<64x1024xi1>
    %or3A_627 = arith.ori %gt3A_623, %and3A_626 : vector<64x1024xi1>
    %xor3A_628 = arith.xori %eq3A_612, %or3A_627 : vector<64x1024xi1>
    %xor3A_629 = arith.xori %xor3A_628, %eq3A_423 : vector<64x1024xi1>
    %select_n3A_630 = arith.select %xor3A_629, %select_n3A_604, %select_n3A_617 : vector<64x1024xi1>, vector<64x1024xf32>
    %select_n3A_631 = arith.select %xor3A_629, %select_n3A_605, %select_n3A_622 : vector<64x1024xi1>, vector<64x1024xi32>
    %iota3A_632 = tpu.iota {dimensions = array<i32: 1>} : vector<64x1024xi32>
    %and3A_633 = arith.constant 2 : i32
    %and3A_634 = vector.broadcast %and3A_633 : i32 to vector<64x1024xi32>
    %and3A_635 = arith.andi %iota3A_632, %and3A_634 : vector<64x1024xi32>
    %eq3A_636 = arith.constant 0 : i32
    %eq3A_637 = vector.broadcast %eq3A_636 : i32 to vector<64x1024xi32>
    %eq3A_638 = arith.cmpi eq, %and3A_635, %eq3A_637 : vector<64x1024xi32>
    %roll3A_639 = arith.constant 1022 : i32
    %roll3A_640 = tpu.dynamic_rotate %select_n3A_630 by %roll3A_639 dim 1 : vector<64x1024xf32>, i32 -> vector<64x1024xf32>
    %roll3A_641 = arith.constant 2 : i32
    %roll3A_642 = tpu.dynamic_rotate %select_n3A_630 by %roll3A_641 dim 1 : vector<64x1024xf32>, i32 -> vector<64x1024xf32>
    %select_n3A_643 = arith.select %eq3A_638, %roll3A_640, %roll3A_642 : vector<64x1024xi1>, vector<64x1024xf32>
    %roll3A_644 = arith.constant 1022 : i32
    %roll3A_645 = tpu.dynamic_rotate %select_n3A_631 by %roll3A_644 dim 1 : vector<64x1024xi32>, i32 -> vector<64x1024xi32>
    %roll3A_646 = arith.constant 2 : i32
    %roll3A_647 = tpu.dynamic_rotate %select_n3A_631 by %roll3A_646 dim 1 : vector<64x1024xi32>, i32 -> vector<64x1024xi32>
    %select_n3A_648 = arith.select %eq3A_638, %roll3A_645, %roll3A_647 : vector<64x1024xi1>, vector<64x1024xi32>
    %gt3A_649 = arith.cmpf ogt, %select_n3A_630, %select_n3A_643 : vector<64x1024xf32>
    %eq3A_650 = arith.cmpf oeq, %select_n3A_630, %select_n3A_643 : vector<64x1024xf32>
    %lt3A_651 = arith.cmpi slt, %select_n3A_631, %select_n3A_648 : vector<64x1024xi32>
    %and3A_652 = arith.andi %eq3A_650, %lt3A_651 : vector<64x1024xi1>
    %or3A_653 = arith.ori %gt3A_649, %and3A_652 : vector<64x1024xi1>
    %xor3A_654 = arith.xori %eq3A_638, %or3A_653 : vector<64x1024xi1>
    %xor3A_655 = arith.xori %xor3A_654, %eq3A_423 : vector<64x1024xi1>
    %select_n3A_656 = arith.select %xor3A_655, %select_n3A_630, %select_n3A_643 : vector<64x1024xi1>, vector<64x1024xf32>
    %select_n3A_657 = arith.select %xor3A_655, %select_n3A_631, %select_n3A_648 : vector<64x1024xi1>, vector<64x1024xi32>
    %iota3A_658 = tpu.iota {dimensions = array<i32: 1>} : vector<64x1024xi32>
    %and3A_659 = arith.constant 1 : i32
    %and3A_660 = vector.broadcast %and3A_659 : i32 to vector<64x1024xi32>
    %and3A_661 = arith.andi %iota3A_658, %and3A_660 : vector<64x1024xi32>
    %eq3A_662 = arith.constant 0 : i32
    %eq3A_663 = vector.broadcast %eq3A_662 : i32 to vector<64x1024xi32>
    %eq3A_664 = arith.cmpi eq, %and3A_661, %eq3A_663 : vector<64x1024xi32>
    %roll3A_665 = arith.constant 1023 : i32
    %roll3A_666 = tpu.dynamic_rotate %select_n3A_656 by %roll3A_665 dim 1 : vector<64x1024xf32>, i32 -> vector<64x1024xf32>
    %roll3A_667 = arith.constant 1 : i32
    %roll3A_668 = tpu.dynamic_rotate %select_n3A_656 by %roll3A_667 dim 1 : vector<64x1024xf32>, i32 -> vector<64x1024xf32>
    %select_n3A_669 = arith.select %eq3A_664, %roll3A_666, %roll3A_668 : vector<64x1024xi1>, vector<64x1024xf32>
    %roll3A_670 = arith.constant 1023 : i32
    %roll3A_671 = tpu.dynamic_rotate %select_n3A_657 by %roll3A_670 dim 1 : vector<64x1024xi32>, i32 -> vector<64x1024xi32>
    %roll3A_672 = arith.constant 1 : i32
    %roll3A_673 = tpu.dynamic_rotate %select_n3A_657 by %roll3A_672 dim 1 : vector<64x1024xi32>, i32 -> vector<64x1024xi32>
    %select_n3A_674 = arith.select %eq3A_664, %roll3A_671, %roll3A_673 : vector<64x1024xi1>, vector<64x1024xi32>
    %gt3A_675 = arith.cmpf ogt, %select_n3A_656, %select_n3A_669 : vector<64x1024xf32>
    %eq3A_676 = arith.cmpf oeq, %select_n3A_656, %select_n3A_669 : vector<64x1024xf32>
    %lt3A_677 = arith.cmpi slt, %select_n3A_657, %select_n3A_674 : vector<64x1024xi32>
    %and3A_678 = arith.andi %eq3A_676, %lt3A_677 : vector<64x1024xi1>
    %or3A_679 = arith.ori %gt3A_675, %and3A_678 : vector<64x1024xi1>
    %xor3A_680 = arith.xori %eq3A_664, %or3A_679 : vector<64x1024xi1>
    %xor3A_681 = arith.xori %xor3A_680, %eq3A_423 : vector<64x1024xi1>
    %select_n3A_682 = arith.select %xor3A_681, %select_n3A_656, %select_n3A_669 : vector<64x1024xi1>, vector<64x1024xf32>
    %select_n3A_683 = arith.select %xor3A_681, %select_n3A_657, %select_n3A_674 : vector<64x1024xi1>, vector<64x1024xi32>
    %slice3A_684 = vector.extract_strided_slice %select_n3A_682 {offsets = [0, 0], sizes = [32, 1024], strides = [1, 1]} : vector<64x1024xf32> to vector<32x1024xf32>
    %slice3A_685 = vector.extract_strided_slice %select_n3A_682 {offsets = [32, 0], sizes = [32, 1024], strides = [1, 1]} : vector<64x1024xf32> to vector<32x1024xf32>
    %slice3A_686 = vector.extract_strided_slice %select_n3A_683 {offsets = [0, 0], sizes = [32, 1024], strides = [1, 1]} : vector<64x1024xi32> to vector<32x1024xi32>
    %slice3A_687 = vector.extract_strided_slice %select_n3A_683 {offsets = [32, 0], sizes = [32, 1024], strides = [1, 1]} : vector<64x1024xi32> to vector<32x1024xi32>
    %gt3A_688 = arith.cmpf ogt, %slice3A_684, %slice3A_685 : vector<32x1024xf32>
    %eq3A_689 = arith.cmpf oeq, %slice3A_684, %slice3A_685 : vector<32x1024xf32>
    %lt3A_690 = arith.cmpi slt, %slice3A_686, %slice3A_687 : vector<32x1024xi32>
    %and3A_691 = arith.andi %eq3A_689, %lt3A_690 : vector<32x1024xi1>
    %or3A_692 = arith.ori %gt3A_688, %and3A_691 : vector<32x1024xi1>
    %select_n3A_693 = arith.select %or3A_692, %slice3A_684, %slice3A_685 : vector<32x1024xi1>, vector<32x1024xf32>
    %select_n3A_694 = arith.select %or3A_692, %slice3A_686, %slice3A_687 : vector<32x1024xi1>, vector<32x1024xi32>
    %iota3A_695 = tpu.iota {dimensions = array<i32: 0>} : vector<32x1024xi32>
    %and3A_696 = arith.constant 16 : i32
    %and3A_697 = vector.broadcast %and3A_696 : i32 to vector<32x1024xi32>
    %and3A_698 = arith.andi %iota3A_695, %and3A_697 : vector<32x1024xi32>
    %eq3A_699 = arith.constant 0 : i32
    %eq3A_700 = vector.broadcast %eq3A_699 : i32 to vector<32x1024xi32>
    %eq3A_701 = arith.cmpi eq, %and3A_698, %eq3A_700 : vector<32x1024xi32>
    %iota3A_702 = tpu.iota {dimensions = array<i32: 1>} : vector<32x1024xi32>
    %and3A_703 = arith.constant 512 : i32
    %and3A_704 = vector.broadcast %and3A_703 : i32 to vector<32x1024xi32>
    %and3A_705 = arith.andi %iota3A_702, %and3A_704 : vector<32x1024xi32>
    %eq3A_706 = arith.constant 0 : i32
    %eq3A_707 = vector.broadcast %eq3A_706 : i32 to vector<32x1024xi32>
    %eq3A_708 = arith.cmpi eq, %and3A_705, %eq3A_707 : vector<32x1024xi32>
    %roll3A_709 = arith.constant 512 : i32
    %roll3A_710 = tpu.dynamic_rotate %select_n3A_693 by %roll3A_709 dim 1 : vector<32x1024xf32>, i32 -> vector<32x1024xf32>
    %roll3A_711 = arith.constant 512 : i32
    %roll3A_712 = tpu.dynamic_rotate %select_n3A_693 by %roll3A_711 dim 1 : vector<32x1024xf32>, i32 -> vector<32x1024xf32>
    %select_n3A_713 = arith.select %eq3A_708, %roll3A_710, %roll3A_712 : vector<32x1024xi1>, vector<32x1024xf32>
    %roll3A_714 = arith.constant 512 : i32
    %roll3A_715 = tpu.dynamic_rotate %select_n3A_694 by %roll3A_714 dim 1 : vector<32x1024xi32>, i32 -> vector<32x1024xi32>
    %roll3A_716 = arith.constant 512 : i32
    %roll3A_717 = tpu.dynamic_rotate %select_n3A_694 by %roll3A_716 dim 1 : vector<32x1024xi32>, i32 -> vector<32x1024xi32>
    %select_n3A_718 = arith.select %eq3A_708, %roll3A_715, %roll3A_717 : vector<32x1024xi1>, vector<32x1024xi32>
    %gt3A_719 = arith.cmpf ogt, %select_n3A_693, %select_n3A_713 : vector<32x1024xf32>
    %eq3A_720 = arith.cmpf oeq, %select_n3A_693, %select_n3A_713 : vector<32x1024xf32>
    %lt3A_721 = arith.cmpi slt, %select_n3A_694, %select_n3A_718 : vector<32x1024xi32>
    %and3A_722 = arith.andi %eq3A_720, %lt3A_721 : vector<32x1024xi1>
    %or3A_723 = arith.ori %gt3A_719, %and3A_722 : vector<32x1024xi1>
    %xor3A_724 = arith.xori %eq3A_708, %or3A_723 : vector<32x1024xi1>
    %xor3A_725 = arith.xori %xor3A_724, %eq3A_701 : vector<32x1024xi1>
    %select_n3A_726 = arith.select %xor3A_725, %select_n3A_693, %select_n3A_713 : vector<32x1024xi1>, vector<32x1024xf32>
    %select_n3A_727 = arith.select %xor3A_725, %select_n3A_694, %select_n3A_718 : vector<32x1024xi1>, vector<32x1024xi32>
    %iota3A_728 = tpu.iota {dimensions = array<i32: 1>} : vector<32x1024xi32>
    %and3A_729 = arith.constant 256 : i32
    %and3A_730 = vector.broadcast %and3A_729 : i32 to vector<32x1024xi32>
    %and3A_731 = arith.andi %iota3A_728, %and3A_730 : vector<32x1024xi32>
    %eq3A_732 = arith.constant 0 : i32
    %eq3A_733 = vector.broadcast %eq3A_732 : i32 to vector<32x1024xi32>
    %eq3A_734 = arith.cmpi eq, %and3A_731, %eq3A_733 : vector<32x1024xi32>
    %roll3A_735 = arith.constant 768 : i32
    %roll3A_736 = tpu.dynamic_rotate %select_n3A_726 by %roll3A_735 dim 1 : vector<32x1024xf32>, i32 -> vector<32x1024xf32>
    %roll3A_737 = arith.constant 256 : i32
    %roll3A_738 = tpu.dynamic_rotate %select_n3A_726 by %roll3A_737 dim 1 : vector<32x1024xf32>, i32 -> vector<32x1024xf32>
    %select_n3A_739 = arith.select %eq3A_734, %roll3A_736, %roll3A_738 : vector<32x1024xi1>, vector<32x1024xf32>
    %roll3A_740 = arith.constant 768 : i32
    %roll3A_741 = tpu.dynamic_rotate %select_n3A_727 by %roll3A_740 dim 1 : vector<32x1024xi32>, i32 -> vector<32x1024xi32>
    %roll3A_742 = arith.constant 256 : i32
    %roll3A_743 = tpu.dynamic_rotate %select_n3A_727 by %roll3A_742 dim 1 : vector<32x1024xi32>, i32 -> vector<32x1024xi32>
    %select_n3A_744 = arith.select %eq3A_734, %roll3A_741, %roll3A_743 : vector<32x1024xi1>, vector<32x1024xi32>
    %gt3A_745 = arith.cmpf ogt, %select_n3A_726, %select_n3A_739 : vector<32x1024xf32>
    %eq3A_746 = arith.cmpf oeq, %select_n3A_726, %select_n3A_739 : vector<32x1024xf32>
    %lt3A_747 = arith.cmpi slt, %select_n3A_727, %select_n3A_744 : vector<32x1024xi32>
    %and3A_748 = arith.andi %eq3A_746, %lt3A_747 : vector<32x1024xi1>
    %or3A_749 = arith.ori %gt3A_745, %and3A_748 : vector<32x1024xi1>
    %xor3A_750 = arith.xori %eq3A_734, %or3A_749 : vector<32x1024xi1>
    %xor3A_751 = arith.xori %xor3A_750, %eq3A_701 : vector<32x1024xi1>
    %select_n3A_752 = arith.select %xor3A_751, %select_n3A_726, %select_n3A_739 : vector<32x1024xi1>, vector<32x1024xf32>
    %select_n3A_753 = arith.select %xor3A_751, %select_n3A_727, %select_n3A_744 : vector<32x1024xi1>, vector<32x1024xi32>
    %iota3A_754 = tpu.iota {dimensions = array<i32: 1>} : vector<32x1024xi32>
    %and3A_755 = arith.constant 128 : i32
    %and3A_756 = vector.broadcast %and3A_755 : i32 to vector<32x1024xi32>
    %and3A_757 = arith.andi %iota3A_754, %and3A_756 : vector<32x1024xi32>
    %eq3A_758 = arith.constant 0 : i32
    %eq3A_759 = vector.broadcast %eq3A_758 : i32 to vector<32x1024xi32>
    %eq3A_760 = arith.cmpi eq, %and3A_757, %eq3A_759 : vector<32x1024xi32>
    %roll3A_761 = arith.constant 896 : i32
    %roll3A_762 = tpu.dynamic_rotate %select_n3A_752 by %roll3A_761 dim 1 : vector<32x1024xf32>, i32 -> vector<32x1024xf32>
    %roll3A_763 = arith.constant 128 : i32
    %roll3A_764 = tpu.dynamic_rotate %select_n3A_752 by %roll3A_763 dim 1 : vector<32x1024xf32>, i32 -> vector<32x1024xf32>
    %select_n3A_765 = arith.select %eq3A_760, %roll3A_762, %roll3A_764 : vector<32x1024xi1>, vector<32x1024xf32>
    %roll3A_766 = arith.constant 896 : i32
    %roll3A_767 = tpu.dynamic_rotate %select_n3A_753 by %roll3A_766 dim 1 : vector<32x1024xi32>, i32 -> vector<32x1024xi32>
    %roll3A_768 = arith.constant 128 : i32
    %roll3A_769 = tpu.dynamic_rotate %select_n3A_753 by %roll3A_768 dim 1 : vector<32x1024xi32>, i32 -> vector<32x1024xi32>
    %select_n3A_770 = arith.select %eq3A_760, %roll3A_767, %roll3A_769 : vector<32x1024xi1>, vector<32x1024xi32>
    %gt3A_771 = arith.cmpf ogt, %select_n3A_752, %select_n3A_765 : vector<32x1024xf32>
    %eq3A_772 = arith.cmpf oeq, %select_n3A_752, %select_n3A_765 : vector<32x1024xf32>
    %lt3A_773 = arith.cmpi slt, %select_n3A_753, %select_n3A_770 : vector<32x1024xi32>
    %and3A_774 = arith.andi %eq3A_772, %lt3A_773 : vector<32x1024xi1>
    %or3A_775 = arith.ori %gt3A_771, %and3A_774 : vector<32x1024xi1>
    %xor3A_776 = arith.xori %eq3A_760, %or3A_775 : vector<32x1024xi1>
    %xor3A_777 = arith.xori %xor3A_776, %eq3A_701 : vector<32x1024xi1>
    %select_n3A_778 = arith.select %xor3A_777, %select_n3A_752, %select_n3A_765 : vector<32x1024xi1>, vector<32x1024xf32>
    %select_n3A_779 = arith.select %xor3A_777, %select_n3A_753, %select_n3A_770 : vector<32x1024xi1>, vector<32x1024xi32>
    %iota3A_780 = tpu.iota {dimensions = array<i32: 1>} : vector<32x1024xi32>
    %and3A_781 = arith.constant 64 : i32
    %and3A_782 = vector.broadcast %and3A_781 : i32 to vector<32x1024xi32>
    %and3A_783 = arith.andi %iota3A_780, %and3A_782 : vector<32x1024xi32>
    %eq3A_784 = arith.constant 0 : i32
    %eq3A_785 = vector.broadcast %eq3A_784 : i32 to vector<32x1024xi32>
    %eq3A_786 = arith.cmpi eq, %and3A_783, %eq3A_785 : vector<32x1024xi32>
    %roll3A_787 = arith.constant 960 : i32
    %roll3A_788 = tpu.dynamic_rotate %select_n3A_778 by %roll3A_787 dim 1 : vector<32x1024xf32>, i32 -> vector<32x1024xf32>
    %roll3A_789 = arith.constant 64 : i32
    %roll3A_790 = tpu.dynamic_rotate %select_n3A_778 by %roll3A_789 dim 1 : vector<32x1024xf32>, i32 -> vector<32x1024xf32>
    %select_n3A_791 = arith.select %eq3A_786, %roll3A_788, %roll3A_790 : vector<32x1024xi1>, vector<32x1024xf32>
    %roll3A_792 = arith.constant 960 : i32
    %roll3A_793 = tpu.dynamic_rotate %select_n3A_779 by %roll3A_792 dim 1 : vector<32x1024xi32>, i32 -> vector<32x1024xi32>
    %roll3A_794 = arith.constant 64 : i32
    %roll3A_795 = tpu.dynamic_rotate %select_n3A_779 by %roll3A_794 dim 1 : vector<32x1024xi32>, i32 -> vector<32x1024xi32>
    %select_n3A_796 = arith.select %eq3A_786, %roll3A_793, %roll3A_795 : vector<32x1024xi1>, vector<32x1024xi32>
    %gt3A_797 = arith.cmpf ogt, %select_n3A_778, %select_n3A_791 : vector<32x1024xf32>
    %eq3A_798 = arith.cmpf oeq, %select_n3A_778, %select_n3A_791 : vector<32x1024xf32>
    %lt3A_799 = arith.cmpi slt, %select_n3A_779, %select_n3A_796 : vector<32x1024xi32>
    %and3A_800 = arith.andi %eq3A_798, %lt3A_799 : vector<32x1024xi1>
    %or3A_801 = arith.ori %gt3A_797, %and3A_800 : vector<32x1024xi1>
    %xor3A_802 = arith.xori %eq3A_786, %or3A_801 : vector<32x1024xi1>
    %xor3A_803 = arith.xori %xor3A_802, %eq3A_701 : vector<32x1024xi1>
    %select_n3A_804 = arith.select %xor3A_803, %select_n3A_778, %select_n3A_791 : vector<32x1024xi1>, vector<32x1024xf32>
    %select_n3A_805 = arith.select %xor3A_803, %select_n3A_779, %select_n3A_796 : vector<32x1024xi1>, vector<32x1024xi32>
    %iota3A_806 = tpu.iota {dimensions = array<i32: 1>} : vector<32x1024xi32>
    %and3A_807 = arith.constant 32 : i32
    %and3A_808 = vector.broadcast %and3A_807 : i32 to vector<32x1024xi32>
    %and3A_809 = arith.andi %iota3A_806, %and3A_808 : vector<32x1024xi32>
    %eq3A_810 = arith.constant 0 : i32
    %eq3A_811 = vector.broadcast %eq3A_810 : i32 to vector<32x1024xi32>
    %eq3A_812 = arith.cmpi eq, %and3A_809, %eq3A_811 : vector<32x1024xi32>
    %roll3A_813 = arith.constant 992 : i32
    %roll3A_814 = tpu.dynamic_rotate %select_n3A_804 by %roll3A_813 dim 1 : vector<32x1024xf32>, i32 -> vector<32x1024xf32>
    %roll3A_815 = arith.constant 32 : i32
    %roll3A_816 = tpu.dynamic_rotate %select_n3A_804 by %roll3A_815 dim 1 : vector<32x1024xf32>, i32 -> vector<32x1024xf32>
    %select_n3A_817 = arith.select %eq3A_812, %roll3A_814, %roll3A_816 : vector<32x1024xi1>, vector<32x1024xf32>
    %roll3A_818 = arith.constant 992 : i32
    %roll3A_819 = tpu.dynamic_rotate %select_n3A_805 by %roll3A_818 dim 1 : vector<32x1024xi32>, i32 -> vector<32x1024xi32>
    %roll3A_820 = arith.constant 32 : i32
    %roll3A_821 = tpu.dynamic_rotate %select_n3A_805 by %roll3A_820 dim 1 : vector<32x1024xi32>, i32 -> vector<32x1024xi32>
    %select_n3A_822 = arith.select %eq3A_812, %roll3A_819, %roll3A_821 : vector<32x1024xi1>, vector<32x1024xi32>
    %gt3A_823 = arith.cmpf ogt, %select_n3A_804, %select_n3A_817 : vector<32x1024xf32>
    %eq3A_824 = arith.cmpf oeq, %select_n3A_804, %select_n3A_817 : vector<32x1024xf32>
    %lt3A_825 = arith.cmpi slt, %select_n3A_805, %select_n3A_822 : vector<32x1024xi32>
    %and3A_826 = arith.andi %eq3A_824, %lt3A_825 : vector<32x1024xi1>
    %or3A_827 = arith.ori %gt3A_823, %and3A_826 : vector<32x1024xi1>
    %xor3A_828 = arith.xori %eq3A_812, %or3A_827 : vector<32x1024xi1>
    %xor3A_829 = arith.xori %xor3A_828, %eq3A_701 : vector<32x1024xi1>
    %select_n3A_830 = arith.select %xor3A_829, %select_n3A_804, %select_n3A_817 : vector<32x1024xi1>, vector<32x1024xf32>
    %select_n3A_831 = arith.select %xor3A_829, %select_n3A_805, %select_n3A_822 : vector<32x1024xi1>, vector<32x1024xi32>
    %iota3A_832 = tpu.iota {dimensions = array<i32: 1>} : vector<32x1024xi32>
    %and3A_833 = arith.constant 16 : i32
    %and3A_834 = vector.broadcast %and3A_833 : i32 to vector<32x1024xi32>
    %and3A_835 = arith.andi %iota3A_832, %and3A_834 : vector<32x1024xi32>
    %eq3A_836 = arith.constant 0 : i32
    %eq3A_837 = vector.broadcast %eq3A_836 : i32 to vector<32x1024xi32>
    %eq3A_838 = arith.cmpi eq, %and3A_835, %eq3A_837 : vector<32x1024xi32>
    %roll3A_839 = arith.constant 1008 : i32
    %roll3A_840 = tpu.dynamic_rotate %select_n3A_830 by %roll3A_839 dim 1 : vector<32x1024xf32>, i32 -> vector<32x1024xf32>
    %roll3A_841 = arith.constant 16 : i32
    %roll3A_842 = tpu.dynamic_rotate %select_n3A_830 by %roll3A_841 dim 1 : vector<32x1024xf32>, i32 -> vector<32x1024xf32>
    %select_n3A_843 = arith.select %eq3A_838, %roll3A_840, %roll3A_842 : vector<32x1024xi1>, vector<32x1024xf32>
    %roll3A_844 = arith.constant 1008 : i32
    %roll3A_845 = tpu.dynamic_rotate %select_n3A_831 by %roll3A_844 dim 1 : vector<32x1024xi32>, i32 -> vector<32x1024xi32>
    %roll3A_846 = arith.constant 16 : i32
    %roll3A_847 = tpu.dynamic_rotate %select_n3A_831 by %roll3A_846 dim 1 : vector<32x1024xi32>, i32 -> vector<32x1024xi32>
    %select_n3A_848 = arith.select %eq3A_838, %roll3A_845, %roll3A_847 : vector<32x1024xi1>, vector<32x1024xi32>
    %gt3A_849 = arith.cmpf ogt, %select_n3A_830, %select_n3A_843 : vector<32x1024xf32>
    %eq3A_850 = arith.cmpf oeq, %select_n3A_830, %select_n3A_843 : vector<32x1024xf32>
    %lt3A_851 = arith.cmpi slt, %select_n3A_831, %select_n3A_848 : vector<32x1024xi32>
    %and3A_852 = arith.andi %eq3A_850, %lt3A_851 : vector<32x1024xi1>
    %or3A_853 = arith.ori %gt3A_849, %and3A_852 : vector<32x1024xi1>
    %xor3A_854 = arith.xori %eq3A_838, %or3A_853 : vector<32x1024xi1>
    %xor3A_855 = arith.xori %xor3A_854, %eq3A_701 : vector<32x1024xi1>
    %select_n3A_856 = arith.select %xor3A_855, %select_n3A_830, %select_n3A_843 : vector<32x1024xi1>, vector<32x1024xf32>
    %select_n3A_857 = arith.select %xor3A_855, %select_n3A_831, %select_n3A_848 : vector<32x1024xi1>, vector<32x1024xi32>
    %iota3A_858 = tpu.iota {dimensions = array<i32: 1>} : vector<32x1024xi32>
    %and3A_859 = arith.constant 8 : i32
    %and3A_860 = vector.broadcast %and3A_859 : i32 to vector<32x1024xi32>
    %and3A_861 = arith.andi %iota3A_858, %and3A_860 : vector<32x1024xi32>
    %eq3A_862 = arith.constant 0 : i32
    %eq3A_863 = vector.broadcast %eq3A_862 : i32 to vector<32x1024xi32>
    %eq3A_864 = arith.cmpi eq, %and3A_861, %eq3A_863 : vector<32x1024xi32>
    %roll3A_865 = arith.constant 1016 : i32
    %roll3A_866 = tpu.dynamic_rotate %select_n3A_856 by %roll3A_865 dim 1 : vector<32x1024xf32>, i32 -> vector<32x1024xf32>
    %roll3A_867 = arith.constant 8 : i32
    %roll3A_868 = tpu.dynamic_rotate %select_n3A_856 by %roll3A_867 dim 1 : vector<32x1024xf32>, i32 -> vector<32x1024xf32>
    %select_n3A_869 = arith.select %eq3A_864, %roll3A_866, %roll3A_868 : vector<32x1024xi1>, vector<32x1024xf32>
    %roll3A_870 = arith.constant 1016 : i32
    %roll3A_871 = tpu.dynamic_rotate %select_n3A_857 by %roll3A_870 dim 1 : vector<32x1024xi32>, i32 -> vector<32x1024xi32>
    %roll3A_872 = arith.constant 8 : i32
    %roll3A_873 = tpu.dynamic_rotate %select_n3A_857 by %roll3A_872 dim 1 : vector<32x1024xi32>, i32 -> vector<32x1024xi32>
    %select_n3A_874 = arith.select %eq3A_864, %roll3A_871, %roll3A_873 : vector<32x1024xi1>, vector<32x1024xi32>
    %gt3A_875 = arith.cmpf ogt, %select_n3A_856, %select_n3A_869 : vector<32x1024xf32>
    %eq3A_876 = arith.cmpf oeq, %select_n3A_856, %select_n3A_869 : vector<32x1024xf32>
    %lt3A_877 = arith.cmpi slt, %select_n3A_857, %select_n3A_874 : vector<32x1024xi32>
    %and3A_878 = arith.andi %eq3A_876, %lt3A_877 : vector<32x1024xi1>
    %or3A_879 = arith.ori %gt3A_875, %and3A_878 : vector<32x1024xi1>
    %xor3A_880 = arith.xori %eq3A_864, %or3A_879 : vector<32x1024xi1>
    %xor3A_881 = arith.xori %xor3A_880, %eq3A_701 : vector<32x1024xi1>
    %select_n3A_882 = arith.select %xor3A_881, %select_n3A_856, %select_n3A_869 : vector<32x1024xi1>, vector<32x1024xf32>
    %select_n3A_883 = arith.select %xor3A_881, %select_n3A_857, %select_n3A_874 : vector<32x1024xi1>, vector<32x1024xi32>
    %iota3A_884 = tpu.iota {dimensions = array<i32: 1>} : vector<32x1024xi32>
    %and3A_885 = arith.constant 4 : i32
    %and3A_886 = vector.broadcast %and3A_885 : i32 to vector<32x1024xi32>
    %and3A_887 = arith.andi %iota3A_884, %and3A_886 : vector<32x1024xi32>
    %eq3A_888 = arith.constant 0 : i32
    %eq3A_889 = vector.broadcast %eq3A_888 : i32 to vector<32x1024xi32>
    %eq3A_890 = arith.cmpi eq, %and3A_887, %eq3A_889 : vector<32x1024xi32>
    %roll3A_891 = arith.constant 1020 : i32
    %roll3A_892 = tpu.dynamic_rotate %select_n3A_882 by %roll3A_891 dim 1 : vector<32x1024xf32>, i32 -> vector<32x1024xf32>
    %roll3A_893 = arith.constant 4 : i32
    %roll3A_894 = tpu.dynamic_rotate %select_n3A_882 by %roll3A_893 dim 1 : vector<32x1024xf32>, i32 -> vector<32x1024xf32>
    %select_n3A_895 = arith.select %eq3A_890, %roll3A_892, %roll3A_894 : vector<32x1024xi1>, vector<32x1024xf32>
    %roll3A_896 = arith.constant 1020 : i32
    %roll3A_897 = tpu.dynamic_rotate %select_n3A_883 by %roll3A_896 dim 1 : vector<32x1024xi32>, i32 -> vector<32x1024xi32>
    %roll3A_898 = arith.constant 4 : i32
    %roll3A_899 = tpu.dynamic_rotate %select_n3A_883 by %roll3A_898 dim 1 : vector<32x1024xi32>, i32 -> vector<32x1024xi32>
    %select_n3A_900 = arith.select %eq3A_890, %roll3A_897, %roll3A_899 : vector<32x1024xi1>, vector<32x1024xi32>
    %gt3A_901 = arith.cmpf ogt, %select_n3A_882, %select_n3A_895 : vector<32x1024xf32>
    %eq3A_902 = arith.cmpf oeq, %select_n3A_882, %select_n3A_895 : vector<32x1024xf32>
    %lt3A_903 = arith.cmpi slt, %select_n3A_883, %select_n3A_900 : vector<32x1024xi32>
    %and3A_904 = arith.andi %eq3A_902, %lt3A_903 : vector<32x1024xi1>
    %or3A_905 = arith.ori %gt3A_901, %and3A_904 : vector<32x1024xi1>
    %xor3A_906 = arith.xori %eq3A_890, %or3A_905 : vector<32x1024xi1>
    %xor3A_907 = arith.xori %xor3A_906, %eq3A_701 : vector<32x1024xi1>
    %select_n3A_908 = arith.select %xor3A_907, %select_n3A_882, %select_n3A_895 : vector<32x1024xi1>, vector<32x1024xf32>
    %select_n3A_909 = arith.select %xor3A_907, %select_n3A_883, %select_n3A_900 : vector<32x1024xi1>, vector<32x1024xi32>
    %iota3A_910 = tpu.iota {dimensions = array<i32: 1>} : vector<32x1024xi32>
    %and3A_911 = arith.constant 2 : i32
    %and3A_912 = vector.broadcast %and3A_911 : i32 to vector<32x1024xi32>
    %and3A_913 = arith.andi %iota3A_910, %and3A_912 : vector<32x1024xi32>
    %eq3A_914 = arith.constant 0 : i32
    %eq3A_915 = vector.broadcast %eq3A_914 : i32 to vector<32x1024xi32>
    %eq3A_916 = arith.cmpi eq, %and3A_913, %eq3A_915 : vector<32x1024xi32>
    %roll3A_917 = arith.constant 1022 : i32
    %roll3A_918 = tpu.dynamic_rotate %select_n3A_908 by %roll3A_917 dim 1 : vector<32x1024xf32>, i32 -> vector<32x1024xf32>
    %roll3A_919 = arith.constant 2 : i32
    %roll3A_920 = tpu.dynamic_rotate %select_n3A_908 by %roll3A_919 dim 1 : vector<32x1024xf32>, i32 -> vector<32x1024xf32>
    %select_n3A_921 = arith.select %eq3A_916, %roll3A_918, %roll3A_920 : vector<32x1024xi1>, vector<32x1024xf32>
    %roll3A_922 = arith.constant 1022 : i32
    %roll3A_923 = tpu.dynamic_rotate %select_n3A_909 by %roll3A_922 dim 1 : vector<32x1024xi32>, i32 -> vector<32x1024xi32>
    %roll3A_924 = arith.constant 2 : i32
    %roll3A_925 = tpu.dynamic_rotate %select_n3A_909 by %roll3A_924 dim 1 : vector<32x1024xi32>, i32 -> vector<32x1024xi32>
    %select_n3A_926 = arith.select %eq3A_916, %roll3A_923, %roll3A_925 : vector<32x1024xi1>, vector<32x1024xi32>
    %gt3A_927 = arith.cmpf ogt, %select_n3A_908, %select_n3A_921 : vector<32x1024xf32>
    %eq3A_928 = arith.cmpf oeq, %select_n3A_908, %select_n3A_921 : vector<32x1024xf32>
    %lt3A_929 = arith.cmpi slt, %select_n3A_909, %select_n3A_926 : vector<32x1024xi32>
    %and3A_930 = arith.andi %eq3A_928, %lt3A_929 : vector<32x1024xi1>
    %or3A_931 = arith.ori %gt3A_927, %and3A_930 : vector<32x1024xi1>
    %xor3A_932 = arith.xori %eq3A_916, %or3A_931 : vector<32x1024xi1>
    %xor3A_933 = arith.xori %xor3A_932, %eq3A_701 : vector<32x1024xi1>
    %select_n3A_934 = arith.select %xor3A_933, %select_n3A_908, %select_n3A_921 : vector<32x1024xi1>, vector<32x1024xf32>
    %select_n3A_935 = arith.select %xor3A_933, %select_n3A_909, %select_n3A_926 : vector<32x1024xi1>, vector<32x1024xi32>
    %iota3A_936 = tpu.iota {dimensions = array<i32: 1>} : vector<32x1024xi32>
    %and3A_937 = arith.constant 1 : i32
    %and3A_938 = vector.broadcast %and3A_937 : i32 to vector<32x1024xi32>
    %and3A_939 = arith.andi %iota3A_936, %and3A_938 : vector<32x1024xi32>
    %eq3A_940 = arith.constant 0 : i32
    %eq3A_941 = vector.broadcast %eq3A_940 : i32 to vector<32x1024xi32>
    %eq3A_942 = arith.cmpi eq, %and3A_939, %eq3A_941 : vector<32x1024xi32>
    %roll3A_943 = arith.constant 1023 : i32
    %roll3A_944 = tpu.dynamic_rotate %select_n3A_934 by %roll3A_943 dim 1 : vector<32x1024xf32>, i32 -> vector<32x1024xf32>
    %roll3A_945 = arith.constant 1 : i32
    %roll3A_946 = tpu.dynamic_rotate %select_n3A_934 by %roll3A_945 dim 1 : vector<32x1024xf32>, i32 -> vector<32x1024xf32>
    %select_n3A_947 = arith.select %eq3A_942, %roll3A_944, %roll3A_946 : vector<32x1024xi1>, vector<32x1024xf32>
    %roll3A_948 = arith.constant 1023 : i32
    %roll3A_949 = tpu.dynamic_rotate %select_n3A_935 by %roll3A_948 dim 1 : vector<32x1024xi32>, i32 -> vector<32x1024xi32>
    %roll3A_950 = arith.constant 1 : i32
    %roll3A_951 = tpu.dynamic_rotate %select_n3A_935 by %roll3A_950 dim 1 : vector<32x1024xi32>, i32 -> vector<32x1024xi32>
    %select_n3A_952 = arith.select %eq3A_942, %roll3A_949, %roll3A_951 : vector<32x1024xi1>, vector<32x1024xi32>
    %gt3A_953 = arith.cmpf ogt, %select_n3A_934, %select_n3A_947 : vector<32x1024xf32>
    %eq3A_954 = arith.cmpf oeq, %select_n3A_934, %select_n3A_947 : vector<32x1024xf32>
    %lt3A_955 = arith.cmpi slt, %select_n3A_935, %select_n3A_952 : vector<32x1024xi32>
    %and3A_956 = arith.andi %eq3A_954, %lt3A_955 : vector<32x1024xi1>
    %or3A_957 = arith.ori %gt3A_953, %and3A_956 : vector<32x1024xi1>
    %xor3A_958 = arith.xori %eq3A_942, %or3A_957 : vector<32x1024xi1>
    %xor3A_959 = arith.xori %xor3A_958, %eq3A_701 : vector<32x1024xi1>
    %select_n3A_960 = arith.select %xor3A_959, %select_n3A_934, %select_n3A_947 : vector<32x1024xi1>, vector<32x1024xf32>
    %select_n3A_961 = arith.select %xor3A_959, %select_n3A_935, %select_n3A_952 : vector<32x1024xi1>, vector<32x1024xi32>
    %slice3A_962 = vector.extract_strided_slice %select_n3A_960 {offsets = [0, 0], sizes = [16, 1024], strides = [1, 1]} : vector<32x1024xf32> to vector<16x1024xf32>
    %slice3A_963 = vector.extract_strided_slice %select_n3A_960 {offsets = [16, 0], sizes = [16, 1024], strides = [1, 1]} : vector<32x1024xf32> to vector<16x1024xf32>
    %slice3A_964 = vector.extract_strided_slice %select_n3A_961 {offsets = [0, 0], sizes = [16, 1024], strides = [1, 1]} : vector<32x1024xi32> to vector<16x1024xi32>
    %slice3A_965 = vector.extract_strided_slice %select_n3A_961 {offsets = [16, 0], sizes = [16, 1024], strides = [1, 1]} : vector<32x1024xi32> to vector<16x1024xi32>
    %gt3A_966 = arith.cmpf ogt, %slice3A_962, %slice3A_963 : vector<16x1024xf32>
    %eq3A_967 = arith.cmpf oeq, %slice3A_962, %slice3A_963 : vector<16x1024xf32>
    %lt3A_968 = arith.cmpi slt, %slice3A_964, %slice3A_965 : vector<16x1024xi32>
    %and3A_969 = arith.andi %eq3A_967, %lt3A_968 : vector<16x1024xi1>
    %or3A_970 = arith.ori %gt3A_966, %and3A_969 : vector<16x1024xi1>
    %select_n3A_971 = arith.select %or3A_970, %slice3A_962, %slice3A_963 : vector<16x1024xi1>, vector<16x1024xf32>
    %select_n3A_972 = arith.select %or3A_970, %slice3A_964, %slice3A_965 : vector<16x1024xi1>, vector<16x1024xi32>
    %iota3A_973 = tpu.iota {dimensions = array<i32: 0>} : vector<16x1024xi32>
    %and3A_974 = arith.constant 8 : i32
    %and3A_975 = vector.broadcast %and3A_974 : i32 to vector<16x1024xi32>
    %and3A_976 = arith.andi %iota3A_973, %and3A_975 : vector<16x1024xi32>
    %eq3A_977 = arith.constant 0 : i32
    %eq3A_978 = vector.broadcast %eq3A_977 : i32 to vector<16x1024xi32>
    %eq3A_979 = arith.cmpi eq, %and3A_976, %eq3A_978 : vector<16x1024xi32>
    %iota3A_980 = tpu.iota {dimensions = array<i32: 1>} : vector<16x1024xi32>
    %and3A_981 = arith.constant 512 : i32
    %and3A_982 = vector.broadcast %and3A_981 : i32 to vector<16x1024xi32>
    %and3A_983 = arith.andi %iota3A_980, %and3A_982 : vector<16x1024xi32>
    %eq3A_984 = arith.constant 0 : i32
    %eq3A_985 = vector.broadcast %eq3A_984 : i32 to vector<16x1024xi32>
    %eq3A_986 = arith.cmpi eq, %and3A_983, %eq3A_985 : vector<16x1024xi32>
    %roll3A_987 = arith.constant 512 : i32
    %roll3A_988 = tpu.dynamic_rotate %select_n3A_971 by %roll3A_987 dim 1 : vector<16x1024xf32>, i32 -> vector<16x1024xf32>
    %roll3A_989 = arith.constant 512 : i32
    %roll3A_990 = tpu.dynamic_rotate %select_n3A_971 by %roll3A_989 dim 1 : vector<16x1024xf32>, i32 -> vector<16x1024xf32>
    %select_n3A_991 = arith.select %eq3A_986, %roll3A_988, %roll3A_990 : vector<16x1024xi1>, vector<16x1024xf32>
    %roll3A_992 = arith.constant 512 : i32
    %roll3A_993 = tpu.dynamic_rotate %select_n3A_972 by %roll3A_992 dim 1 : vector<16x1024xi32>, i32 -> vector<16x1024xi32>
    %roll3A_994 = arith.constant 512 : i32
    %roll3A_995 = tpu.dynamic_rotate %select_n3A_972 by %roll3A_994 dim 1 : vector<16x1024xi32>, i32 -> vector<16x1024xi32>
    %select_n3A_996 = arith.select %eq3A_986, %roll3A_993, %roll3A_995 : vector<16x1024xi1>, vector<16x1024xi32>
    %gt3A_997 = arith.cmpf ogt, %select_n3A_971, %select_n3A_991 : vector<16x1024xf32>
    %eq3A_998 = arith.cmpf oeq, %select_n3A_971, %select_n3A_991 : vector<16x1024xf32>
    %lt3A_999 = arith.cmpi slt, %select_n3A_972, %select_n3A_996 : vector<16x1024xi32>
    %and3A_1000 = arith.andi %eq3A_998, %lt3A_999 : vector<16x1024xi1>
    %or3A_1001 = arith.ori %gt3A_997, %and3A_1000 : vector<16x1024xi1>
    %xor3A_1002 = arith.xori %eq3A_986, %or3A_1001 : vector<16x1024xi1>
    %xor3A_1003 = arith.xori %xor3A_1002, %eq3A_979 : vector<16x1024xi1>
    %select_n3A_1004 = arith.select %xor3A_1003, %select_n3A_971, %select_n3A_991 : vector<16x1024xi1>, vector<16x1024xf32>
    %select_n3A_1005 = arith.select %xor3A_1003, %select_n3A_972, %select_n3A_996 : vector<16x1024xi1>, vector<16x1024xi32>
    %iota3A_1006 = tpu.iota {dimensions = array<i32: 1>} : vector<16x1024xi32>
    %and3A_1007 = arith.constant 256 : i32
    %and3A_1008 = vector.broadcast %and3A_1007 : i32 to vector<16x1024xi32>
    %and3A_1009 = arith.andi %iota3A_1006, %and3A_1008 : vector<16x1024xi32>
    %eq3A_1010 = arith.constant 0 : i32
    %eq3A_1011 = vector.broadcast %eq3A_1010 : i32 to vector<16x1024xi32>
    %eq3A_1012 = arith.cmpi eq, %and3A_1009, %eq3A_1011 : vector<16x1024xi32>
    %roll3A_1013 = arith.constant 768 : i32
    %roll3A_1014 = tpu.dynamic_rotate %select_n3A_1004 by %roll3A_1013 dim 1 : vector<16x1024xf32>, i32 -> vector<16x1024xf32>
    %roll3A_1015 = arith.constant 256 : i32
    %roll3A_1016 = tpu.dynamic_rotate %select_n3A_1004 by %roll3A_1015 dim 1 : vector<16x1024xf32>, i32 -> vector<16x1024xf32>
    %select_n3A_1017 = arith.select %eq3A_1012, %roll3A_1014, %roll3A_1016 : vector<16x1024xi1>, vector<16x1024xf32>
    %roll3A_1018 = arith.constant 768 : i32
    %roll3A_1019 = tpu.dynamic_rotate %select_n3A_1005 by %roll3A_1018 dim 1 : vector<16x1024xi32>, i32 -> vector<16x1024xi32>
    %roll3A_1020 = arith.constant 256 : i32
    %roll3A_1021 = tpu.dynamic_rotate %select_n3A_1005 by %roll3A_1020 dim 1 : vector<16x1024xi32>, i32 -> vector<16x1024xi32>
    %select_n3A_1022 = arith.select %eq3A_1012, %roll3A_1019, %roll3A_1021 : vector<16x1024xi1>, vector<16x1024xi32>
    %gt3A_1023 = arith.cmpf ogt, %select_n3A_1004, %select_n3A_1017 : vector<16x1024xf32>
    %eq3A_1024 = arith.cmpf oeq, %select_n3A_1004, %select_n3A_1017 : vector<16x1024xf32>
    %lt3A_1025 = arith.cmpi slt, %select_n3A_1005, %select_n3A_1022 : vector<16x1024xi32>
    %and3A_1026 = arith.andi %eq3A_1024, %lt3A_1025 : vector<16x1024xi1>
    %or3A_1027 = arith.ori %gt3A_1023, %and3A_1026 : vector<16x1024xi1>
    %xor3A_1028 = arith.xori %eq3A_1012, %or3A_1027 : vector<16x1024xi1>
    %xor3A_1029 = arith.xori %xor3A_1028, %eq3A_979 : vector<16x1024xi1>
    %select_n3A_1030 = arith.select %xor3A_1029, %select_n3A_1004, %select_n3A_1017 : vector<16x1024xi1>, vector<16x1024xf32>
    %select_n3A_1031 = arith.select %xor3A_1029, %select_n3A_1005, %select_n3A_1022 : vector<16x1024xi1>, vector<16x1024xi32>
    %iota3A_1032 = tpu.iota {dimensions = array<i32: 1>} : vector<16x1024xi32>
    %and3A_1033 = arith.constant 128 : i32
    %and3A_1034 = vector.broadcast %and3A_1033 : i32 to vector<16x1024xi32>
    %and3A_1035 = arith.andi %iota3A_1032, %and3A_1034 : vector<16x1024xi32>
    %eq3A_1036 = arith.constant 0 : i32
    %eq3A_1037 = vector.broadcast %eq3A_1036 : i32 to vector<16x1024xi32>
    %eq3A_1038 = arith.cmpi eq, %and3A_1035, %eq3A_1037 : vector<16x1024xi32>
    %roll3A_1039 = arith.constant 896 : i32
    %roll3A_1040 = tpu.dynamic_rotate %select_n3A_1030 by %roll3A_1039 dim 1 : vector<16x1024xf32>, i32 -> vector<16x1024xf32>
    %roll3A_1041 = arith.constant 128 : i32
    %roll3A_1042 = tpu.dynamic_rotate %select_n3A_1030 by %roll3A_1041 dim 1 : vector<16x1024xf32>, i32 -> vector<16x1024xf32>
    %select_n3A_1043 = arith.select %eq3A_1038, %roll3A_1040, %roll3A_1042 : vector<16x1024xi1>, vector<16x1024xf32>
    %roll3A_1044 = arith.constant 896 : i32
    %roll3A_1045 = tpu.dynamic_rotate %select_n3A_1031 by %roll3A_1044 dim 1 : vector<16x1024xi32>, i32 -> vector<16x1024xi32>
    %roll3A_1046 = arith.constant 128 : i32
    %roll3A_1047 = tpu.dynamic_rotate %select_n3A_1031 by %roll3A_1046 dim 1 : vector<16x1024xi32>, i32 -> vector<16x1024xi32>
    %select_n3A_1048 = arith.select %eq3A_1038, %roll3A_1045, %roll3A_1047 : vector<16x1024xi1>, vector<16x1024xi32>
    %gt3A_1049 = arith.cmpf ogt, %select_n3A_1030, %select_n3A_1043 : vector<16x1024xf32>
    %eq3A_1050 = arith.cmpf oeq, %select_n3A_1030, %select_n3A_1043 : vector<16x1024xf32>
    %lt3A_1051 = arith.cmpi slt, %select_n3A_1031, %select_n3A_1048 : vector<16x1024xi32>
    %and3A_1052 = arith.andi %eq3A_1050, %lt3A_1051 : vector<16x1024xi1>
    %or3A_1053 = arith.ori %gt3A_1049, %and3A_1052 : vector<16x1024xi1>
    %xor3A_1054 = arith.xori %eq3A_1038, %or3A_1053 : vector<16x1024xi1>
    %xor3A_1055 = arith.xori %xor3A_1054, %eq3A_979 : vector<16x1024xi1>
    %select_n3A_1056 = arith.select %xor3A_1055, %select_n3A_1030, %select_n3A_1043 : vector<16x1024xi1>, vector<16x1024xf32>
    %select_n3A_1057 = arith.select %xor3A_1055, %select_n3A_1031, %select_n3A_1048 : vector<16x1024xi1>, vector<16x1024xi32>
    %iota3A_1058 = tpu.iota {dimensions = array<i32: 1>} : vector<16x1024xi32>
    %and3A_1059 = arith.constant 64 : i32
    %and3A_1060 = vector.broadcast %and3A_1059 : i32 to vector<16x1024xi32>
    %and3A_1061 = arith.andi %iota3A_1058, %and3A_1060 : vector<16x1024xi32>
    %eq3A_1062 = arith.constant 0 : i32
    %eq3A_1063 = vector.broadcast %eq3A_1062 : i32 to vector<16x1024xi32>
    %eq3A_1064 = arith.cmpi eq, %and3A_1061, %eq3A_1063 : vector<16x1024xi32>
    %roll3A_1065 = arith.constant 960 : i32
    %roll3A_1066 = tpu.dynamic_rotate %select_n3A_1056 by %roll3A_1065 dim 1 : vector<16x1024xf32>, i32 -> vector<16x1024xf32>
    %roll3A_1067 = arith.constant 64 : i32
    %roll3A_1068 = tpu.dynamic_rotate %select_n3A_1056 by %roll3A_1067 dim 1 : vector<16x1024xf32>, i32 -> vector<16x1024xf32>
    %select_n3A_1069 = arith.select %eq3A_1064, %roll3A_1066, %roll3A_1068 : vector<16x1024xi1>, vector<16x1024xf32>
    %roll3A_1070 = arith.constant 960 : i32
    %roll3A_1071 = tpu.dynamic_rotate %select_n3A_1057 by %roll3A_1070 dim 1 : vector<16x1024xi32>, i32 -> vector<16x1024xi32>
    %roll3A_1072 = arith.constant 64 : i32
    %roll3A_1073 = tpu.dynamic_rotate %select_n3A_1057 by %roll3A_1072 dim 1 : vector<16x1024xi32>, i32 -> vector<16x1024xi32>
    %select_n3A_1074 = arith.select %eq3A_1064, %roll3A_1071, %roll3A_1073 : vector<16x1024xi1>, vector<16x1024xi32>
    %gt3A_1075 = arith.cmpf ogt, %select_n3A_1056, %select_n3A_1069 : vector<16x1024xf32>
    %eq3A_1076 = arith.cmpf oeq, %select_n3A_1056, %select_n3A_1069 : vector<16x1024xf32>
    %lt3A_1077 = arith.cmpi slt, %select_n3A_1057, %select_n3A_1074 : vector<16x1024xi32>
    %and3A_1078 = arith.andi %eq3A_1076, %lt3A_1077 : vector<16x1024xi1>
    %or3A_1079 = arith.ori %gt3A_1075, %and3A_1078 : vector<16x1024xi1>
    %xor3A_1080 = arith.xori %eq3A_1064, %or3A_1079 : vector<16x1024xi1>
    %xor3A_1081 = arith.xori %xor3A_1080, %eq3A_979 : vector<16x1024xi1>
    %select_n3A_1082 = arith.select %xor3A_1081, %select_n3A_1056, %select_n3A_1069 : vector<16x1024xi1>, vector<16x1024xf32>
    %select_n3A_1083 = arith.select %xor3A_1081, %select_n3A_1057, %select_n3A_1074 : vector<16x1024xi1>, vector<16x1024xi32>
    %iota3A_1084 = tpu.iota {dimensions = array<i32: 1>} : vector<16x1024xi32>
    %and3A_1085 = arith.constant 32 : i32
    %and3A_1086 = vector.broadcast %and3A_1085 : i32 to vector<16x1024xi32>
    %and3A_1087 = arith.andi %iota3A_1084, %and3A_1086 : vector<16x1024xi32>
    %eq3A_1088 = arith.constant 0 : i32
    %eq3A_1089 = vector.broadcast %eq3A_1088 : i32 to vector<16x1024xi32>
    %eq3A_1090 = arith.cmpi eq, %and3A_1087, %eq3A_1089 : vector<16x1024xi32>
    %roll3A_1091 = arith.constant 992 : i32
    %roll3A_1092 = tpu.dynamic_rotate %select_n3A_1082 by %roll3A_1091 dim 1 : vector<16x1024xf32>, i32 -> vector<16x1024xf32>
    %roll3A_1093 = arith.constant 32 : i32
    %roll3A_1094 = tpu.dynamic_rotate %select_n3A_1082 by %roll3A_1093 dim 1 : vector<16x1024xf32>, i32 -> vector<16x1024xf32>
    %select_n3A_1095 = arith.select %eq3A_1090, %roll3A_1092, %roll3A_1094 : vector<16x1024xi1>, vector<16x1024xf32>
    %roll3A_1096 = arith.constant 992 : i32
    %roll3A_1097 = tpu.dynamic_rotate %select_n3A_1083 by %roll3A_1096 dim 1 : vector<16x1024xi32>, i32 -> vector<16x1024xi32>
    %roll3A_1098 = arith.constant 32 : i32
    %roll3A_1099 = tpu.dynamic_rotate %select_n3A_1083 by %roll3A_1098 dim 1 : vector<16x1024xi32>, i32 -> vector<16x1024xi32>
    %select_n3A_1100 = arith.select %eq3A_1090, %roll3A_1097, %roll3A_1099 : vector<16x1024xi1>, vector<16x1024xi32>
    %gt3A_1101 = arith.cmpf ogt, %select_n3A_1082, %select_n3A_1095 : vector<16x1024xf32>
    %eq3A_1102 = arith.cmpf oeq, %select_n3A_1082, %select_n3A_1095 : vector<16x1024xf32>
    %lt3A_1103 = arith.cmpi slt, %select_n3A_1083, %select_n3A_1100 : vector<16x1024xi32>
    %and3A_1104 = arith.andi %eq3A_1102, %lt3A_1103 : vector<16x1024xi1>
    %or3A_1105 = arith.ori %gt3A_1101, %and3A_1104 : vector<16x1024xi1>
    %xor3A_1106 = arith.xori %eq3A_1090, %or3A_1105 : vector<16x1024xi1>
    %xor3A_1107 = arith.xori %xor3A_1106, %eq3A_979 : vector<16x1024xi1>
    %select_n3A_1108 = arith.select %xor3A_1107, %select_n3A_1082, %select_n3A_1095 : vector<16x1024xi1>, vector<16x1024xf32>
    %select_n3A_1109 = arith.select %xor3A_1107, %select_n3A_1083, %select_n3A_1100 : vector<16x1024xi1>, vector<16x1024xi32>
    %iota3A_1110 = tpu.iota {dimensions = array<i32: 1>} : vector<16x1024xi32>
    %and3A_1111 = arith.constant 16 : i32
    %and3A_1112 = vector.broadcast %and3A_1111 : i32 to vector<16x1024xi32>
    %and3A_1113 = arith.andi %iota3A_1110, %and3A_1112 : vector<16x1024xi32>
    %eq3A_1114 = arith.constant 0 : i32
    %eq3A_1115 = vector.broadcast %eq3A_1114 : i32 to vector<16x1024xi32>
    %eq3A_1116 = arith.cmpi eq, %and3A_1113, %eq3A_1115 : vector<16x1024xi32>
    %roll3A_1117 = arith.constant 1008 : i32
    %roll3A_1118 = tpu.dynamic_rotate %select_n3A_1108 by %roll3A_1117 dim 1 : vector<16x1024xf32>, i32 -> vector<16x1024xf32>
    %roll3A_1119 = arith.constant 16 : i32
    %roll3A_1120 = tpu.dynamic_rotate %select_n3A_1108 by %roll3A_1119 dim 1 : vector<16x1024xf32>, i32 -> vector<16x1024xf32>
    %select_n3A_1121 = arith.select %eq3A_1116, %roll3A_1118, %roll3A_1120 : vector<16x1024xi1>, vector<16x1024xf32>
    %roll3A_1122 = arith.constant 1008 : i32
    %roll3A_1123 = tpu.dynamic_rotate %select_n3A_1109 by %roll3A_1122 dim 1 : vector<16x1024xi32>, i32 -> vector<16x1024xi32>
    %roll3A_1124 = arith.constant 16 : i32
    %roll3A_1125 = tpu.dynamic_rotate %select_n3A_1109 by %roll3A_1124 dim 1 : vector<16x1024xi32>, i32 -> vector<16x1024xi32>
    %select_n3A_1126 = arith.select %eq3A_1116, %roll3A_1123, %roll3A_1125 : vector<16x1024xi1>, vector<16x1024xi32>
    %gt3A_1127 = arith.cmpf ogt, %select_n3A_1108, %select_n3A_1121 : vector<16x1024xf32>
    %eq3A_1128 = arith.cmpf oeq, %select_n3A_1108, %select_n3A_1121 : vector<16x1024xf32>
    %lt3A_1129 = arith.cmpi slt, %select_n3A_1109, %select_n3A_1126 : vector<16x1024xi32>
    %and3A_1130 = arith.andi %eq3A_1128, %lt3A_1129 : vector<16x1024xi1>
    %or3A_1131 = arith.ori %gt3A_1127, %and3A_1130 : vector<16x1024xi1>
    %xor3A_1132 = arith.xori %eq3A_1116, %or3A_1131 : vector<16x1024xi1>
    %xor3A_1133 = arith.xori %xor3A_1132, %eq3A_979 : vector<16x1024xi1>
    %select_n3A_1134 = arith.select %xor3A_1133, %select_n3A_1108, %select_n3A_1121 : vector<16x1024xi1>, vector<16x1024xf32>
    %select_n3A_1135 = arith.select %xor3A_1133, %select_n3A_1109, %select_n3A_1126 : vector<16x1024xi1>, vector<16x1024xi32>
    %iota3A_1136 = tpu.iota {dimensions = array<i32: 1>} : vector<16x1024xi32>
    %and3A_1137 = arith.constant 8 : i32
    %and3A_1138 = vector.broadcast %and3A_1137 : i32 to vector<16x1024xi32>
    %and3A_1139 = arith.andi %iota3A_1136, %and3A_1138 : vector<16x1024xi32>
    %eq3A_1140 = arith.constant 0 : i32
    %eq3A_1141 = vector.broadcast %eq3A_1140 : i32 to vector<16x1024xi32>
    %eq3A_1142 = arith.cmpi eq, %and3A_1139, %eq3A_1141 : vector<16x1024xi32>
    %roll3A_1143 = arith.constant 1016 : i32
    %roll3A_1144 = tpu.dynamic_rotate %select_n3A_1134 by %roll3A_1143 dim 1 : vector<16x1024xf32>, i32 -> vector<16x1024xf32>
    %roll3A_1145 = arith.constant 8 : i32
    %roll3A_1146 = tpu.dynamic_rotate %select_n3A_1134 by %roll3A_1145 dim 1 : vector<16x1024xf32>, i32 -> vector<16x1024xf32>
    %select_n3A_1147 = arith.select %eq3A_1142, %roll3A_1144, %roll3A_1146 : vector<16x1024xi1>, vector<16x1024xf32>
    %roll3A_1148 = arith.constant 1016 : i32
    %roll3A_1149 = tpu.dynamic_rotate %select_n3A_1135 by %roll3A_1148 dim 1 : vector<16x1024xi32>, i32 -> vector<16x1024xi32>
    %roll3A_1150 = arith.constant 8 : i32
    %roll3A_1151 = tpu.dynamic_rotate %select_n3A_1135 by %roll3A_1150 dim 1 : vector<16x1024xi32>, i32 -> vector<16x1024xi32>
    %select_n3A_1152 = arith.select %eq3A_1142, %roll3A_1149, %roll3A_1151 : vector<16x1024xi1>, vector<16x1024xi32>
    %gt3A_1153 = arith.cmpf ogt, %select_n3A_1134, %select_n3A_1147 : vector<16x1024xf32>
    %eq3A_1154 = arith.cmpf oeq, %select_n3A_1134, %select_n3A_1147 : vector<16x1024xf32>
    %lt3A_1155 = arith.cmpi slt, %select_n3A_1135, %select_n3A_1152 : vector<16x1024xi32>
    %and3A_1156 = arith.andi %eq3A_1154, %lt3A_1155 : vector<16x1024xi1>
    %or3A_1157 = arith.ori %gt3A_1153, %and3A_1156 : vector<16x1024xi1>
    %xor3A_1158 = arith.xori %eq3A_1142, %or3A_1157 : vector<16x1024xi1>
    %xor3A_1159 = arith.xori %xor3A_1158, %eq3A_979 : vector<16x1024xi1>
    %select_n3A_1160 = arith.select %xor3A_1159, %select_n3A_1134, %select_n3A_1147 : vector<16x1024xi1>, vector<16x1024xf32>
    %select_n3A_1161 = arith.select %xor3A_1159, %select_n3A_1135, %select_n3A_1152 : vector<16x1024xi1>, vector<16x1024xi32>
    %iota3A_1162 = tpu.iota {dimensions = array<i32: 1>} : vector<16x1024xi32>
    %and3A_1163 = arith.constant 4 : i32
    %and3A_1164 = vector.broadcast %and3A_1163 : i32 to vector<16x1024xi32>
    %and3A_1165 = arith.andi %iota3A_1162, %and3A_1164 : vector<16x1024xi32>
    %eq3A_1166 = arith.constant 0 : i32
    %eq3A_1167 = vector.broadcast %eq3A_1166 : i32 to vector<16x1024xi32>
    %eq3A_1168 = arith.cmpi eq, %and3A_1165, %eq3A_1167 : vector<16x1024xi32>
    %roll3A_1169 = arith.constant 1020 : i32
    %roll3A_1170 = tpu.dynamic_rotate %select_n3A_1160 by %roll3A_1169 dim 1 : vector<16x1024xf32>, i32 -> vector<16x1024xf32>
    %roll3A_1171 = arith.constant 4 : i32
    %roll3A_1172 = tpu.dynamic_rotate %select_n3A_1160 by %roll3A_1171 dim 1 : vector<16x1024xf32>, i32 -> vector<16x1024xf32>
    %select_n3A_1173 = arith.select %eq3A_1168, %roll3A_1170, %roll3A_1172 : vector<16x1024xi1>, vector<16x1024xf32>
    %roll3A_1174 = arith.constant 1020 : i32
    %roll3A_1175 = tpu.dynamic_rotate %select_n3A_1161 by %roll3A_1174 dim 1 : vector<16x1024xi32>, i32 -> vector<16x1024xi32>
    %roll3A_1176 = arith.constant 4 : i32
    %roll3A_1177 = tpu.dynamic_rotate %select_n3A_1161 by %roll3A_1176 dim 1 : vector<16x1024xi32>, i32 -> vector<16x1024xi32>
    %select_n3A_1178 = arith.select %eq3A_1168, %roll3A_1175, %roll3A_1177 : vector<16x1024xi1>, vector<16x1024xi32>
    %gt3A_1179 = arith.cmpf ogt, %select_n3A_1160, %select_n3A_1173 : vector<16x1024xf32>
    %eq3A_1180 = arith.cmpf oeq, %select_n3A_1160, %select_n3A_1173 : vector<16x1024xf32>
    %lt3A_1181 = arith.cmpi slt, %select_n3A_1161, %select_n3A_1178 : vector<16x1024xi32>
    %and3A_1182 = arith.andi %eq3A_1180, %lt3A_1181 : vector<16x1024xi1>
    %or3A_1183 = arith.ori %gt3A_1179, %and3A_1182 : vector<16x1024xi1>
    %xor3A_1184 = arith.xori %eq3A_1168, %or3A_1183 : vector<16x1024xi1>
    %xor3A_1185 = arith.xori %xor3A_1184, %eq3A_979 : vector<16x1024xi1>
    %select_n3A_1186 = arith.select %xor3A_1185, %select_n3A_1160, %select_n3A_1173 : vector<16x1024xi1>, vector<16x1024xf32>
    %select_n3A_1187 = arith.select %xor3A_1185, %select_n3A_1161, %select_n3A_1178 : vector<16x1024xi1>, vector<16x1024xi32>
    %iota3A_1188 = tpu.iota {dimensions = array<i32: 1>} : vector<16x1024xi32>
    %and3A_1189 = arith.constant 2 : i32
    %and3A_1190 = vector.broadcast %and3A_1189 : i32 to vector<16x1024xi32>
    %and3A_1191 = arith.andi %iota3A_1188, %and3A_1190 : vector<16x1024xi32>
    %eq3A_1192 = arith.constant 0 : i32
    %eq3A_1193 = vector.broadcast %eq3A_1192 : i32 to vector<16x1024xi32>
    %eq3A_1194 = arith.cmpi eq, %and3A_1191, %eq3A_1193 : vector<16x1024xi32>
    %roll3A_1195 = arith.constant 1022 : i32
    %roll3A_1196 = tpu.dynamic_rotate %select_n3A_1186 by %roll3A_1195 dim 1 : vector<16x1024xf32>, i32 -> vector<16x1024xf32>
    %roll3A_1197 = arith.constant 2 : i32
    %roll3A_1198 = tpu.dynamic_rotate %select_n3A_1186 by %roll3A_1197 dim 1 : vector<16x1024xf32>, i32 -> vector<16x1024xf32>
    %select_n3A_1199 = arith.select %eq3A_1194, %roll3A_1196, %roll3A_1198 : vector<16x1024xi1>, vector<16x1024xf32>
    %roll3A_1200 = arith.constant 1022 : i32
    %roll3A_1201 = tpu.dynamic_rotate %select_n3A_1187 by %roll3A_1200 dim 1 : vector<16x1024xi32>, i32 -> vector<16x1024xi32>
    %roll3A_1202 = arith.constant 2 : i32
    %roll3A_1203 = tpu.dynamic_rotate %select_n3A_1187 by %roll3A_1202 dim 1 : vector<16x1024xi32>, i32 -> vector<16x1024xi32>
    %select_n3A_1204 = arith.select %eq3A_1194, %roll3A_1201, %roll3A_1203 : vector<16x1024xi1>, vector<16x1024xi32>
    %gt3A_1205 = arith.cmpf ogt, %select_n3A_1186, %select_n3A_1199 : vector<16x1024xf32>
    %eq3A_1206 = arith.cmpf oeq, %select_n3A_1186, %select_n3A_1199 : vector<16x1024xf32>
    %lt3A_1207 = arith.cmpi slt, %select_n3A_1187, %select_n3A_1204 : vector<16x1024xi32>
    %and3A_1208 = arith.andi %eq3A_1206, %lt3A_1207 : vector<16x1024xi1>
    %or3A_1209 = arith.ori %gt3A_1205, %and3A_1208 : vector<16x1024xi1>
    %xor3A_1210 = arith.xori %eq3A_1194, %or3A_1209 : vector<16x1024xi1>
    %xor3A_1211 = arith.xori %xor3A_1210, %eq3A_979 : vector<16x1024xi1>
    %select_n3A_1212 = arith.select %xor3A_1211, %select_n3A_1186, %select_n3A_1199 : vector<16x1024xi1>, vector<16x1024xf32>
    %select_n3A_1213 = arith.select %xor3A_1211, %select_n3A_1187, %select_n3A_1204 : vector<16x1024xi1>, vector<16x1024xi32>
    %iota3A_1214 = tpu.iota {dimensions = array<i32: 1>} : vector<16x1024xi32>
    %and3A_1215 = arith.constant 1 : i32
    %and3A_1216 = vector.broadcast %and3A_1215 : i32 to vector<16x1024xi32>
    %and3A_1217 = arith.andi %iota3A_1214, %and3A_1216 : vector<16x1024xi32>
    %eq3A_1218 = arith.constant 0 : i32
    %eq3A_1219 = vector.broadcast %eq3A_1218 : i32 to vector<16x1024xi32>
    %eq3A_1220 = arith.cmpi eq, %and3A_1217, %eq3A_1219 : vector<16x1024xi32>
    %roll3A_1221 = arith.constant 1023 : i32
    %roll3A_1222 = tpu.dynamic_rotate %select_n3A_1212 by %roll3A_1221 dim 1 : vector<16x1024xf32>, i32 -> vector<16x1024xf32>
    %roll3A_1223 = arith.constant 1 : i32
    %roll3A_1224 = tpu.dynamic_rotate %select_n3A_1212 by %roll3A_1223 dim 1 : vector<16x1024xf32>, i32 -> vector<16x1024xf32>
    %select_n3A_1225 = arith.select %eq3A_1220, %roll3A_1222, %roll3A_1224 : vector<16x1024xi1>, vector<16x1024xf32>
    %roll3A_1226 = arith.constant 1023 : i32
    %roll3A_1227 = tpu.dynamic_rotate %select_n3A_1213 by %roll3A_1226 dim 1 : vector<16x1024xi32>, i32 -> vector<16x1024xi32>
    %roll3A_1228 = arith.constant 1 : i32
    %roll3A_1229 = tpu.dynamic_rotate %select_n3A_1213 by %roll3A_1228 dim 1 : vector<16x1024xi32>, i32 -> vector<16x1024xi32>
    %select_n3A_1230 = arith.select %eq3A_1220, %roll3A_1227, %roll3A_1229 : vector<16x1024xi1>, vector<16x1024xi32>
    %gt3A_1231 = arith.cmpf ogt, %select_n3A_1212, %select_n3A_1225 : vector<16x1024xf32>
    %eq3A_1232 = arith.cmpf oeq, %select_n3A_1212, %select_n3A_1225 : vector<16x1024xf32>
    %lt3A_1233 = arith.cmpi slt, %select_n3A_1213, %select_n3A_1230 : vector<16x1024xi32>
    %and3A_1234 = arith.andi %eq3A_1232, %lt3A_1233 : vector<16x1024xi1>
    %or3A_1235 = arith.ori %gt3A_1231, %and3A_1234 : vector<16x1024xi1>
    %xor3A_1236 = arith.xori %eq3A_1220, %or3A_1235 : vector<16x1024xi1>
    %xor3A_1237 = arith.xori %xor3A_1236, %eq3A_979 : vector<16x1024xi1>
    %select_n3A_1238 = arith.select %xor3A_1237, %select_n3A_1212, %select_n3A_1225 : vector<16x1024xi1>, vector<16x1024xf32>
    %select_n3A_1239 = arith.select %xor3A_1237, %select_n3A_1213, %select_n3A_1230 : vector<16x1024xi1>, vector<16x1024xi32>
    %slice3A_1240 = vector.extract_strided_slice %select_n3A_1238 {offsets = [0, 0], sizes = [8, 1024], strides = [1, 1]} : vector<16x1024xf32> to vector<8x1024xf32>
    %slice3A_1241 = vector.extract_strided_slice %select_n3A_1238 {offsets = [8, 0], sizes = [8, 1024], strides = [1, 1]} : vector<16x1024xf32> to vector<8x1024xf32>
    %slice3A_1242 = vector.extract_strided_slice %select_n3A_1239 {offsets = [0, 0], sizes = [8, 1024], strides = [1, 1]} : vector<16x1024xi32> to vector<8x1024xi32>
    %slice3A_1243 = vector.extract_strided_slice %select_n3A_1239 {offsets = [8, 0], sizes = [8, 1024], strides = [1, 1]} : vector<16x1024xi32> to vector<8x1024xi32>
    %gt3A_1244 = arith.cmpf ogt, %slice3A_1240, %slice3A_1241 : vector<8x1024xf32>
    %eq3A_1245 = arith.cmpf oeq, %slice3A_1240, %slice3A_1241 : vector<8x1024xf32>
    %lt3A_1246 = arith.cmpi slt, %slice3A_1242, %slice3A_1243 : vector<8x1024xi32>
    %and3A_1247 = arith.andi %eq3A_1245, %lt3A_1246 : vector<8x1024xi1>
    %or3A_1248 = arith.ori %gt3A_1244, %and3A_1247 : vector<8x1024xi1>
    %select_n3A_1249 = arith.select %or3A_1248, %slice3A_1240, %slice3A_1241 : vector<8x1024xi1>, vector<8x1024xf32>
    %select_n3A_1250 = arith.select %or3A_1248, %slice3A_1242, %slice3A_1243 : vector<8x1024xi1>, vector<8x1024xi32>
    %iota3A_1251 = tpu.iota {dimensions = array<i32: 0>} : vector<8x1024xi32>
    %and3A_1252 = arith.constant 4 : i32
    %and3A_1253 = vector.broadcast %and3A_1252 : i32 to vector<8x1024xi32>
    %and3A_1254 = arith.andi %iota3A_1251, %and3A_1253 : vector<8x1024xi32>
    %eq3A_1255 = arith.constant 0 : i32
    %eq3A_1256 = vector.broadcast %eq3A_1255 : i32 to vector<8x1024xi32>
    %eq3A_1257 = arith.cmpi eq, %and3A_1254, %eq3A_1256 : vector<8x1024xi32>
    %iota3A_1258 = tpu.iota {dimensions = array<i32: 1>} : vector<8x1024xi32>
    %and3A_1259 = arith.constant 512 : i32
    %and3A_1260 = vector.broadcast %and3A_1259 : i32 to vector<8x1024xi32>
    %and3A_1261 = arith.andi %iota3A_1258, %and3A_1260 : vector<8x1024xi32>
    %eq3A_1262 = arith.constant 0 : i32
    %eq3A_1263 = vector.broadcast %eq3A_1262 : i32 to vector<8x1024xi32>
    %eq3A_1264 = arith.cmpi eq, %and3A_1261, %eq3A_1263 : vector<8x1024xi32>
    %roll3A_1265 = arith.constant 512 : i32
    %roll3A_1266 = tpu.dynamic_rotate %select_n3A_1249 by %roll3A_1265 dim 1 : vector<8x1024xf32>, i32 -> vector<8x1024xf32>
    %roll3A_1267 = arith.constant 512 : i32
    %roll3A_1268 = tpu.dynamic_rotate %select_n3A_1249 by %roll3A_1267 dim 1 : vector<8x1024xf32>, i32 -> vector<8x1024xf32>
    %select_n3A_1269 = arith.select %eq3A_1264, %roll3A_1266, %roll3A_1268 : vector<8x1024xi1>, vector<8x1024xf32>
    %roll3A_1270 = arith.constant 512 : i32
    %roll3A_1271 = tpu.dynamic_rotate %select_n3A_1250 by %roll3A_1270 dim 1 : vector<8x1024xi32>, i32 -> vector<8x1024xi32>
    %roll3A_1272 = arith.constant 512 : i32
    %roll3A_1273 = tpu.dynamic_rotate %select_n3A_1250 by %roll3A_1272 dim 1 : vector<8x1024xi32>, i32 -> vector<8x1024xi32>
    %select_n3A_1274 = arith.select %eq3A_1264, %roll3A_1271, %roll3A_1273 : vector<8x1024xi1>, vector<8x1024xi32>
    %gt3A_1275 = arith.cmpf ogt, %select_n3A_1249, %select_n3A_1269 : vector<8x1024xf32>
    %eq3A_1276 = arith.cmpf oeq, %select_n3A_1249, %select_n3A_1269 : vector<8x1024xf32>
    %lt3A_1277 = arith.cmpi slt, %select_n3A_1250, %select_n3A_1274 : vector<8x1024xi32>
    %and3A_1278 = arith.andi %eq3A_1276, %lt3A_1277 : vector<8x1024xi1>
    %or3A_1279 = arith.ori %gt3A_1275, %and3A_1278 : vector<8x1024xi1>
    %xor3A_1280 = arith.xori %eq3A_1264, %or3A_1279 : vector<8x1024xi1>
    %xor3A_1281 = arith.xori %xor3A_1280, %eq3A_1257 : vector<8x1024xi1>
    %select_n3A_1282 = arith.select %xor3A_1281, %select_n3A_1249, %select_n3A_1269 : vector<8x1024xi1>, vector<8x1024xf32>
    %select_n3A_1283 = arith.select %xor3A_1281, %select_n3A_1250, %select_n3A_1274 : vector<8x1024xi1>, vector<8x1024xi32>
    %iota3A_1284 = tpu.iota {dimensions = array<i32: 1>} : vector<8x1024xi32>
    %and3A_1285 = arith.constant 256 : i32
    %and3A_1286 = vector.broadcast %and3A_1285 : i32 to vector<8x1024xi32>
    %and3A_1287 = arith.andi %iota3A_1284, %and3A_1286 : vector<8x1024xi32>
    %eq3A_1288 = arith.constant 0 : i32
    %eq3A_1289 = vector.broadcast %eq3A_1288 : i32 to vector<8x1024xi32>
    %eq3A_1290 = arith.cmpi eq, %and3A_1287, %eq3A_1289 : vector<8x1024xi32>
    %roll3A_1291 = arith.constant 768 : i32
    %roll3A_1292 = tpu.dynamic_rotate %select_n3A_1282 by %roll3A_1291 dim 1 : vector<8x1024xf32>, i32 -> vector<8x1024xf32>
    %roll3A_1293 = arith.constant 256 : i32
    %roll3A_1294 = tpu.dynamic_rotate %select_n3A_1282 by %roll3A_1293 dim 1 : vector<8x1024xf32>, i32 -> vector<8x1024xf32>
    %select_n3A_1295 = arith.select %eq3A_1290, %roll3A_1292, %roll3A_1294 : vector<8x1024xi1>, vector<8x1024xf32>
    %roll3A_1296 = arith.constant 768 : i32
    %roll3A_1297 = tpu.dynamic_rotate %select_n3A_1283 by %roll3A_1296 dim 1 : vector<8x1024xi32>, i32 -> vector<8x1024xi32>
    %roll3A_1298 = arith.constant 256 : i32
    %roll3A_1299 = tpu.dynamic_rotate %select_n3A_1283 by %roll3A_1298 dim 1 : vector<8x1024xi32>, i32 -> vector<8x1024xi32>
    %select_n3A_1300 = arith.select %eq3A_1290, %roll3A_1297, %roll3A_1299 : vector<8x1024xi1>, vector<8x1024xi32>
    %gt3A_1301 = arith.cmpf ogt, %select_n3A_1282, %select_n3A_1295 : vector<8x1024xf32>
    %eq3A_1302 = arith.cmpf oeq, %select_n3A_1282, %select_n3A_1295 : vector<8x1024xf32>
    %lt3A_1303 = arith.cmpi slt, %select_n3A_1283, %select_n3A_1300 : vector<8x1024xi32>
    %and3A_1304 = arith.andi %eq3A_1302, %lt3A_1303 : vector<8x1024xi1>
    %or3A_1305 = arith.ori %gt3A_1301, %and3A_1304 : vector<8x1024xi1>
    %xor3A_1306 = arith.xori %eq3A_1290, %or3A_1305 : vector<8x1024xi1>
    %xor3A_1307 = arith.xori %xor3A_1306, %eq3A_1257 : vector<8x1024xi1>
    %select_n3A_1308 = arith.select %xor3A_1307, %select_n3A_1282, %select_n3A_1295 : vector<8x1024xi1>, vector<8x1024xf32>
    %select_n3A_1309 = arith.select %xor3A_1307, %select_n3A_1283, %select_n3A_1300 : vector<8x1024xi1>, vector<8x1024xi32>
    %iota3A_1310 = tpu.iota {dimensions = array<i32: 1>} : vector<8x1024xi32>
    %and3A_1311 = arith.constant 128 : i32
    %and3A_1312 = vector.broadcast %and3A_1311 : i32 to vector<8x1024xi32>
    %and3A_1313 = arith.andi %iota3A_1310, %and3A_1312 : vector<8x1024xi32>
    %eq3A_1314 = arith.constant 0 : i32
    %eq3A_1315 = vector.broadcast %eq3A_1314 : i32 to vector<8x1024xi32>
    %eq3A_1316 = arith.cmpi eq, %and3A_1313, %eq3A_1315 : vector<8x1024xi32>
    %roll3A_1317 = arith.constant 896 : i32
    %roll3A_1318 = tpu.dynamic_rotate %select_n3A_1308 by %roll3A_1317 dim 1 : vector<8x1024xf32>, i32 -> vector<8x1024xf32>
    %roll3A_1319 = arith.constant 128 : i32
    %roll3A_1320 = tpu.dynamic_rotate %select_n3A_1308 by %roll3A_1319 dim 1 : vector<8x1024xf32>, i32 -> vector<8x1024xf32>
    %select_n3A_1321 = arith.select %eq3A_1316, %roll3A_1318, %roll3A_1320 : vector<8x1024xi1>, vector<8x1024xf32>
    %roll3A_1322 = arith.constant 896 : i32
    %roll3A_1323 = tpu.dynamic_rotate %select_n3A_1309 by %roll3A_1322 dim 1 : vector<8x1024xi32>, i32 -> vector<8x1024xi32>
    %roll3A_1324 = arith.constant 128 : i32
    %roll3A_1325 = tpu.dynamic_rotate %select_n3A_1309 by %roll3A_1324 dim 1 : vector<8x1024xi32>, i32 -> vector<8x1024xi32>
    %select_n3A_1326 = arith.select %eq3A_1316, %roll3A_1323, %roll3A_1325 : vector<8x1024xi1>, vector<8x1024xi32>
    %gt3A_1327 = arith.cmpf ogt, %select_n3A_1308, %select_n3A_1321 : vector<8x1024xf32>
    %eq3A_1328 = arith.cmpf oeq, %select_n3A_1308, %select_n3A_1321 : vector<8x1024xf32>
    %lt3A_1329 = arith.cmpi slt, %select_n3A_1309, %select_n3A_1326 : vector<8x1024xi32>
    %and3A_1330 = arith.andi %eq3A_1328, %lt3A_1329 : vector<8x1024xi1>
    %or3A_1331 = arith.ori %gt3A_1327, %and3A_1330 : vector<8x1024xi1>
    %xor3A_1332 = arith.xori %eq3A_1316, %or3A_1331 : vector<8x1024xi1>
    %xor3A_1333 = arith.xori %xor3A_1332, %eq3A_1257 : vector<8x1024xi1>
    %select_n3A_1334 = arith.select %xor3A_1333, %select_n3A_1308, %select_n3A_1321 : vector<8x1024xi1>, vector<8x1024xf32>
    %select_n3A_1335 = arith.select %xor3A_1333, %select_n3A_1309, %select_n3A_1326 : vector<8x1024xi1>, vector<8x1024xi32>
    %iota3A_1336 = tpu.iota {dimensions = array<i32: 1>} : vector<8x1024xi32>
    %and3A_1337 = arith.constant 64 : i32
    %and3A_1338 = vector.broadcast %and3A_1337 : i32 to vector<8x1024xi32>
    %and3A_1339 = arith.andi %iota3A_1336, %and3A_1338 : vector<8x1024xi32>
    %eq3A_1340 = arith.constant 0 : i32
    %eq3A_1341 = vector.broadcast %eq3A_1340 : i32 to vector<8x1024xi32>
    %eq3A_1342 = arith.cmpi eq, %and3A_1339, %eq3A_1341 : vector<8x1024xi32>
    %roll3A_1343 = arith.constant 960 : i32
    %roll3A_1344 = tpu.dynamic_rotate %select_n3A_1334 by %roll3A_1343 dim 1 : vector<8x1024xf32>, i32 -> vector<8x1024xf32>
    %roll3A_1345 = arith.constant 64 : i32
    %roll3A_1346 = tpu.dynamic_rotate %select_n3A_1334 by %roll3A_1345 dim 1 : vector<8x1024xf32>, i32 -> vector<8x1024xf32>
    %select_n3A_1347 = arith.select %eq3A_1342, %roll3A_1344, %roll3A_1346 : vector<8x1024xi1>, vector<8x1024xf32>
    %roll3A_1348 = arith.constant 960 : i32
    %roll3A_1349 = tpu.dynamic_rotate %select_n3A_1335 by %roll3A_1348 dim 1 : vector<8x1024xi32>, i32 -> vector<8x1024xi32>
    %roll3A_1350 = arith.constant 64 : i32
    %roll3A_1351 = tpu.dynamic_rotate %select_n3A_1335 by %roll3A_1350 dim 1 : vector<8x1024xi32>, i32 -> vector<8x1024xi32>
    %select_n3A_1352 = arith.select %eq3A_1342, %roll3A_1349, %roll3A_1351 : vector<8x1024xi1>, vector<8x1024xi32>
    %gt3A_1353 = arith.cmpf ogt, %select_n3A_1334, %select_n3A_1347 : vector<8x1024xf32>
    %eq3A_1354 = arith.cmpf oeq, %select_n3A_1334, %select_n3A_1347 : vector<8x1024xf32>
    %lt3A_1355 = arith.cmpi slt, %select_n3A_1335, %select_n3A_1352 : vector<8x1024xi32>
    %and3A_1356 = arith.andi %eq3A_1354, %lt3A_1355 : vector<8x1024xi1>
    %or3A_1357 = arith.ori %gt3A_1353, %and3A_1356 : vector<8x1024xi1>
    %xor3A_1358 = arith.xori %eq3A_1342, %or3A_1357 : vector<8x1024xi1>
    %xor3A_1359 = arith.xori %xor3A_1358, %eq3A_1257 : vector<8x1024xi1>
    %select_n3A_1360 = arith.select %xor3A_1359, %select_n3A_1334, %select_n3A_1347 : vector<8x1024xi1>, vector<8x1024xf32>
    %select_n3A_1361 = arith.select %xor3A_1359, %select_n3A_1335, %select_n3A_1352 : vector<8x1024xi1>, vector<8x1024xi32>
    %iota3A_1362 = tpu.iota {dimensions = array<i32: 1>} : vector<8x1024xi32>
    %and3A_1363 = arith.constant 32 : i32
    %and3A_1364 = vector.broadcast %and3A_1363 : i32 to vector<8x1024xi32>
    %and3A_1365 = arith.andi %iota3A_1362, %and3A_1364 : vector<8x1024xi32>
    %eq3A_1366 = arith.constant 0 : i32
    %eq3A_1367 = vector.broadcast %eq3A_1366 : i32 to vector<8x1024xi32>
    %eq3A_1368 = arith.cmpi eq, %and3A_1365, %eq3A_1367 : vector<8x1024xi32>
    %roll3A_1369 = arith.constant 992 : i32
    %roll3A_1370 = tpu.dynamic_rotate %select_n3A_1360 by %roll3A_1369 dim 1 : vector<8x1024xf32>, i32 -> vector<8x1024xf32>
    %roll3A_1371 = arith.constant 32 : i32
    %roll3A_1372 = tpu.dynamic_rotate %select_n3A_1360 by %roll3A_1371 dim 1 : vector<8x1024xf32>, i32 -> vector<8x1024xf32>
    %select_n3A_1373 = arith.select %eq3A_1368, %roll3A_1370, %roll3A_1372 : vector<8x1024xi1>, vector<8x1024xf32>
    %roll3A_1374 = arith.constant 992 : i32
    %roll3A_1375 = tpu.dynamic_rotate %select_n3A_1361 by %roll3A_1374 dim 1 : vector<8x1024xi32>, i32 -> vector<8x1024xi32>
    %roll3A_1376 = arith.constant 32 : i32
    %roll3A_1377 = tpu.dynamic_rotate %select_n3A_1361 by %roll3A_1376 dim 1 : vector<8x1024xi32>, i32 -> vector<8x1024xi32>
    %select_n3A_1378 = arith.select %eq3A_1368, %roll3A_1375, %roll3A_1377 : vector<8x1024xi1>, vector<8x1024xi32>
    %gt3A_1379 = arith.cmpf ogt, %select_n3A_1360, %select_n3A_1373 : vector<8x1024xf32>
    %eq3A_1380 = arith.cmpf oeq, %select_n3A_1360, %select_n3A_1373 : vector<8x1024xf32>
    %lt3A_1381 = arith.cmpi slt, %select_n3A_1361, %select_n3A_1378 : vector<8x1024xi32>
    %and3A_1382 = arith.andi %eq3A_1380, %lt3A_1381 : vector<8x1024xi1>
    %or3A_1383 = arith.ori %gt3A_1379, %and3A_1382 : vector<8x1024xi1>
    %xor3A_1384 = arith.xori %eq3A_1368, %or3A_1383 : vector<8x1024xi1>
    %xor3A_1385 = arith.xori %xor3A_1384, %eq3A_1257 : vector<8x1024xi1>
    %select_n3A_1386 = arith.select %xor3A_1385, %select_n3A_1360, %select_n3A_1373 : vector<8x1024xi1>, vector<8x1024xf32>
    %select_n3A_1387 = arith.select %xor3A_1385, %select_n3A_1361, %select_n3A_1378 : vector<8x1024xi1>, vector<8x1024xi32>
    %iota3A_1388 = tpu.iota {dimensions = array<i32: 1>} : vector<8x1024xi32>
    %and3A_1389 = arith.constant 16 : i32
    %and3A_1390 = vector.broadcast %and3A_1389 : i32 to vector<8x1024xi32>
    %and3A_1391 = arith.andi %iota3A_1388, %and3A_1390 : vector<8x1024xi32>
    %eq3A_1392 = arith.constant 0 : i32
    %eq3A_1393 = vector.broadcast %eq3A_1392 : i32 to vector<8x1024xi32>
    %eq3A_1394 = arith.cmpi eq, %and3A_1391, %eq3A_1393 : vector<8x1024xi32>
    %roll3A_1395 = arith.constant 1008 : i32
    %roll3A_1396 = tpu.dynamic_rotate %select_n3A_1386 by %roll3A_1395 dim 1 : vector<8x1024xf32>, i32 -> vector<8x1024xf32>
    %roll3A_1397 = arith.constant 16 : i32
    %roll3A_1398 = tpu.dynamic_rotate %select_n3A_1386 by %roll3A_1397 dim 1 : vector<8x1024xf32>, i32 -> vector<8x1024xf32>
    %select_n3A_1399 = arith.select %eq3A_1394, %roll3A_1396, %roll3A_1398 : vector<8x1024xi1>, vector<8x1024xf32>
    %roll3A_1400 = arith.constant 1008 : i32
    %roll3A_1401 = tpu.dynamic_rotate %select_n3A_1387 by %roll3A_1400 dim 1 : vector<8x1024xi32>, i32 -> vector<8x1024xi32>
    %roll3A_1402 = arith.constant 16 : i32
    %roll3A_1403 = tpu.dynamic_rotate %select_n3A_1387 by %roll3A_1402 dim 1 : vector<8x1024xi32>, i32 -> vector<8x1024xi32>
    %select_n3A_1404 = arith.select %eq3A_1394, %roll3A_1401, %roll3A_1403 : vector<8x1024xi1>, vector<8x1024xi32>
    %gt3A_1405 = arith.cmpf ogt, %select_n3A_1386, %select_n3A_1399 : vector<8x1024xf32>
    %eq3A_1406 = arith.cmpf oeq, %select_n3A_1386, %select_n3A_1399 : vector<8x1024xf32>
    %lt3A_1407 = arith.cmpi slt, %select_n3A_1387, %select_n3A_1404 : vector<8x1024xi32>
    %and3A_1408 = arith.andi %eq3A_1406, %lt3A_1407 : vector<8x1024xi1>
    %or3A_1409 = arith.ori %gt3A_1405, %and3A_1408 : vector<8x1024xi1>
    %xor3A_1410 = arith.xori %eq3A_1394, %or3A_1409 : vector<8x1024xi1>
    %xor3A_1411 = arith.xori %xor3A_1410, %eq3A_1257 : vector<8x1024xi1>
    %select_n3A_1412 = arith.select %xor3A_1411, %select_n3A_1386, %select_n3A_1399 : vector<8x1024xi1>, vector<8x1024xf32>
    %select_n3A_1413 = arith.select %xor3A_1411, %select_n3A_1387, %select_n3A_1404 : vector<8x1024xi1>, vector<8x1024xi32>
    %iota3A_1414 = tpu.iota {dimensions = array<i32: 1>} : vector<8x1024xi32>
    %and3A_1415 = arith.constant 8 : i32
    %and3A_1416 = vector.broadcast %and3A_1415 : i32 to vector<8x1024xi32>
    %and3A_1417 = arith.andi %iota3A_1414, %and3A_1416 : vector<8x1024xi32>
    %eq3A_1418 = arith.constant 0 : i32
    %eq3A_1419 = vector.broadcast %eq3A_1418 : i32 to vector<8x1024xi32>
    %eq3A_1420 = arith.cmpi eq, %and3A_1417, %eq3A_1419 : vector<8x1024xi32>
    %roll3A_1421 = arith.constant 1016 : i32
    %roll3A_1422 = tpu.dynamic_rotate %select_n3A_1412 by %roll3A_1421 dim 1 : vector<8x1024xf32>, i32 -> vector<8x1024xf32>
    %roll3A_1423 = arith.constant 8 : i32
    %roll3A_1424 = tpu.dynamic_rotate %select_n3A_1412 by %roll3A_1423 dim 1 : vector<8x1024xf32>, i32 -> vector<8x1024xf32>
    %select_n3A_1425 = arith.select %eq3A_1420, %roll3A_1422, %roll3A_1424 : vector<8x1024xi1>, vector<8x1024xf32>
    %roll3A_1426 = arith.constant 1016 : i32
    %roll3A_1427 = tpu.dynamic_rotate %select_n3A_1413 by %roll3A_1426 dim 1 : vector<8x1024xi32>, i32 -> vector<8x1024xi32>
    %roll3A_1428 = arith.constant 8 : i32
    %roll3A_1429 = tpu.dynamic_rotate %select_n3A_1413 by %roll3A_1428 dim 1 : vector<8x1024xi32>, i32 -> vector<8x1024xi32>
    %select_n3A_1430 = arith.select %eq3A_1420, %roll3A_1427, %roll3A_1429 : vector<8x1024xi1>, vector<8x1024xi32>
    %gt3A_1431 = arith.cmpf ogt, %select_n3A_1412, %select_n3A_1425 : vector<8x1024xf32>
    %eq3A_1432 = arith.cmpf oeq, %select_n3A_1412, %select_n3A_1425 : vector<8x1024xf32>
    %lt3A_1433 = arith.cmpi slt, %select_n3A_1413, %select_n3A_1430 : vector<8x1024xi32>
    %and3A_1434 = arith.andi %eq3A_1432, %lt3A_1433 : vector<8x1024xi1>
    %or3A_1435 = arith.ori %gt3A_1431, %and3A_1434 : vector<8x1024xi1>
    %xor3A_1436 = arith.xori %eq3A_1420, %or3A_1435 : vector<8x1024xi1>
    %xor3A_1437 = arith.xori %xor3A_1436, %eq3A_1257 : vector<8x1024xi1>
    %select_n3A_1438 = arith.select %xor3A_1437, %select_n3A_1412, %select_n3A_1425 : vector<8x1024xi1>, vector<8x1024xf32>
    %select_n3A_1439 = arith.select %xor3A_1437, %select_n3A_1413, %select_n3A_1430 : vector<8x1024xi1>, vector<8x1024xi32>
    %iota3A_1440 = tpu.iota {dimensions = array<i32: 1>} : vector<8x1024xi32>
    %and3A_1441 = arith.constant 4 : i32
    %and3A_1442 = vector.broadcast %and3A_1441 : i32 to vector<8x1024xi32>
    %and3A_1443 = arith.andi %iota3A_1440, %and3A_1442 : vector<8x1024xi32>
    %eq3A_1444 = arith.constant 0 : i32
    %eq3A_1445 = vector.broadcast %eq3A_1444 : i32 to vector<8x1024xi32>
    %eq3A_1446 = arith.cmpi eq, %and3A_1443, %eq3A_1445 : vector<8x1024xi32>
    %roll3A_1447 = arith.constant 1020 : i32
    %roll3A_1448 = tpu.dynamic_rotate %select_n3A_1438 by %roll3A_1447 dim 1 : vector<8x1024xf32>, i32 -> vector<8x1024xf32>
    %roll3A_1449 = arith.constant 4 : i32
    %roll3A_1450 = tpu.dynamic_rotate %select_n3A_1438 by %roll3A_1449 dim 1 : vector<8x1024xf32>, i32 -> vector<8x1024xf32>
    %select_n3A_1451 = arith.select %eq3A_1446, %roll3A_1448, %roll3A_1450 : vector<8x1024xi1>, vector<8x1024xf32>
    %roll3A_1452 = arith.constant 1020 : i32
    %roll3A_1453 = tpu.dynamic_rotate %select_n3A_1439 by %roll3A_1452 dim 1 : vector<8x1024xi32>, i32 -> vector<8x1024xi32>
    %roll3A_1454 = arith.constant 4 : i32
    %roll3A_1455 = tpu.dynamic_rotate %select_n3A_1439 by %roll3A_1454 dim 1 : vector<8x1024xi32>, i32 -> vector<8x1024xi32>
    %select_n3A_1456 = arith.select %eq3A_1446, %roll3A_1453, %roll3A_1455 : vector<8x1024xi1>, vector<8x1024xi32>
    %gt3A_1457 = arith.cmpf ogt, %select_n3A_1438, %select_n3A_1451 : vector<8x1024xf32>
    %eq3A_1458 = arith.cmpf oeq, %select_n3A_1438, %select_n3A_1451 : vector<8x1024xf32>
    %lt3A_1459 = arith.cmpi slt, %select_n3A_1439, %select_n3A_1456 : vector<8x1024xi32>
    %and3A_1460 = arith.andi %eq3A_1458, %lt3A_1459 : vector<8x1024xi1>
    %or3A_1461 = arith.ori %gt3A_1457, %and3A_1460 : vector<8x1024xi1>
    %xor3A_1462 = arith.xori %eq3A_1446, %or3A_1461 : vector<8x1024xi1>
    %xor3A_1463 = arith.xori %xor3A_1462, %eq3A_1257 : vector<8x1024xi1>
    %select_n3A_1464 = arith.select %xor3A_1463, %select_n3A_1438, %select_n3A_1451 : vector<8x1024xi1>, vector<8x1024xf32>
    %select_n3A_1465 = arith.select %xor3A_1463, %select_n3A_1439, %select_n3A_1456 : vector<8x1024xi1>, vector<8x1024xi32>
    %iota3A_1466 = tpu.iota {dimensions = array<i32: 1>} : vector<8x1024xi32>
    %and3A_1467 = arith.constant 2 : i32
    %and3A_1468 = vector.broadcast %and3A_1467 : i32 to vector<8x1024xi32>
    %and3A_1469 = arith.andi %iota3A_1466, %and3A_1468 : vector<8x1024xi32>
    %eq3A_1470 = arith.constant 0 : i32
    %eq3A_1471 = vector.broadcast %eq3A_1470 : i32 to vector<8x1024xi32>
    %eq3A_1472 = arith.cmpi eq, %and3A_1469, %eq3A_1471 : vector<8x1024xi32>
    %roll3A_1473 = arith.constant 1022 : i32
    %roll3A_1474 = tpu.dynamic_rotate %select_n3A_1464 by %roll3A_1473 dim 1 : vector<8x1024xf32>, i32 -> vector<8x1024xf32>
    %roll3A_1475 = arith.constant 2 : i32
    %roll3A_1476 = tpu.dynamic_rotate %select_n3A_1464 by %roll3A_1475 dim 1 : vector<8x1024xf32>, i32 -> vector<8x1024xf32>
    %select_n3A_1477 = arith.select %eq3A_1472, %roll3A_1474, %roll3A_1476 : vector<8x1024xi1>, vector<8x1024xf32>
    %roll3A_1478 = arith.constant 1022 : i32
    %roll3A_1479 = tpu.dynamic_rotate %select_n3A_1465 by %roll3A_1478 dim 1 : vector<8x1024xi32>, i32 -> vector<8x1024xi32>
    %roll3A_1480 = arith.constant 2 : i32
    %roll3A_1481 = tpu.dynamic_rotate %select_n3A_1465 by %roll3A_1480 dim 1 : vector<8x1024xi32>, i32 -> vector<8x1024xi32>
    %select_n3A_1482 = arith.select %eq3A_1472, %roll3A_1479, %roll3A_1481 : vector<8x1024xi1>, vector<8x1024xi32>
    %gt3A_1483 = arith.cmpf ogt, %select_n3A_1464, %select_n3A_1477 : vector<8x1024xf32>
    %eq3A_1484 = arith.cmpf oeq, %select_n3A_1464, %select_n3A_1477 : vector<8x1024xf32>
    %lt3A_1485 = arith.cmpi slt, %select_n3A_1465, %select_n3A_1482 : vector<8x1024xi32>
    %and3A_1486 = arith.andi %eq3A_1484, %lt3A_1485 : vector<8x1024xi1>
    %or3A_1487 = arith.ori %gt3A_1483, %and3A_1486 : vector<8x1024xi1>
    %xor3A_1488 = arith.xori %eq3A_1472, %or3A_1487 : vector<8x1024xi1>
    %xor3A_1489 = arith.xori %xor3A_1488, %eq3A_1257 : vector<8x1024xi1>
    %select_n3A_1490 = arith.select %xor3A_1489, %select_n3A_1464, %select_n3A_1477 : vector<8x1024xi1>, vector<8x1024xf32>
    %select_n3A_1491 = arith.select %xor3A_1489, %select_n3A_1465, %select_n3A_1482 : vector<8x1024xi1>, vector<8x1024xi32>
    %iota3A_1492 = tpu.iota {dimensions = array<i32: 1>} : vector<8x1024xi32>
    %and3A_1493 = arith.constant 1 : i32
    %and3A_1494 = vector.broadcast %and3A_1493 : i32 to vector<8x1024xi32>
    %and3A_1495 = arith.andi %iota3A_1492, %and3A_1494 : vector<8x1024xi32>
    %eq3A_1496 = arith.constant 0 : i32
    %eq3A_1497 = vector.broadcast %eq3A_1496 : i32 to vector<8x1024xi32>
    %eq3A_1498 = arith.cmpi eq, %and3A_1495, %eq3A_1497 : vector<8x1024xi32>
    %roll3A_1499 = arith.constant 1023 : i32
    %roll3A_1500 = tpu.dynamic_rotate %select_n3A_1490 by %roll3A_1499 dim 1 : vector<8x1024xf32>, i32 -> vector<8x1024xf32>
    %roll3A_1501 = arith.constant 1 : i32
    %roll3A_1502 = tpu.dynamic_rotate %select_n3A_1490 by %roll3A_1501 dim 1 : vector<8x1024xf32>, i32 -> vector<8x1024xf32>
    %select_n3A_1503 = arith.select %eq3A_1498, %roll3A_1500, %roll3A_1502 : vector<8x1024xi1>, vector<8x1024xf32>
    %roll3A_1504 = arith.constant 1023 : i32
    %roll3A_1505 = tpu.dynamic_rotate %select_n3A_1491 by %roll3A_1504 dim 1 : vector<8x1024xi32>, i32 -> vector<8x1024xi32>
    %roll3A_1506 = arith.constant 1 : i32
    %roll3A_1507 = tpu.dynamic_rotate %select_n3A_1491 by %roll3A_1506 dim 1 : vector<8x1024xi32>, i32 -> vector<8x1024xi32>
    %select_n3A_1508 = arith.select %eq3A_1498, %roll3A_1505, %roll3A_1507 : vector<8x1024xi1>, vector<8x1024xi32>
    %gt3A_1509 = arith.cmpf ogt, %select_n3A_1490, %select_n3A_1503 : vector<8x1024xf32>
    %eq3A_1510 = arith.cmpf oeq, %select_n3A_1490, %select_n3A_1503 : vector<8x1024xf32>
    %lt3A_1511 = arith.cmpi slt, %select_n3A_1491, %select_n3A_1508 : vector<8x1024xi32>
    %and3A_1512 = arith.andi %eq3A_1510, %lt3A_1511 : vector<8x1024xi1>
    %or3A_1513 = arith.ori %gt3A_1509, %and3A_1512 : vector<8x1024xi1>
    %xor3A_1514 = arith.xori %eq3A_1498, %or3A_1513 : vector<8x1024xi1>
    %xor3A_1515 = arith.xori %xor3A_1514, %eq3A_1257 : vector<8x1024xi1>
    %select_n3A_1516 = arith.select %xor3A_1515, %select_n3A_1490, %select_n3A_1503 : vector<8x1024xi1>, vector<8x1024xf32>
    %select_n3A_1517 = arith.select %xor3A_1515, %select_n3A_1491, %select_n3A_1508 : vector<8x1024xi1>, vector<8x1024xi32>
    %slice3A_1518 = vector.extract_strided_slice %select_n3A_1516 {offsets = [0, 0], sizes = [4, 1024], strides = [1, 1]} : vector<8x1024xf32> to vector<4x1024xf32>
    %slice3A_1519 = vector.extract_strided_slice %select_n3A_1516 {offsets = [4, 0], sizes = [4, 1024], strides = [1, 1]} : vector<8x1024xf32> to vector<4x1024xf32>
    %slice3A_1520 = vector.extract_strided_slice %select_n3A_1517 {offsets = [0, 0], sizes = [4, 1024], strides = [1, 1]} : vector<8x1024xi32> to vector<4x1024xi32>
    %slice3A_1521 = vector.extract_strided_slice %select_n3A_1517 {offsets = [4, 0], sizes = [4, 1024], strides = [1, 1]} : vector<8x1024xi32> to vector<4x1024xi32>
    %gt3A_1522 = arith.cmpf ogt, %slice3A_1518, %slice3A_1519 : vector<4x1024xf32>
    %eq3A_1523 = arith.cmpf oeq, %slice3A_1518, %slice3A_1519 : vector<4x1024xf32>
    %lt3A_1524 = arith.cmpi slt, %slice3A_1520, %slice3A_1521 : vector<4x1024xi32>
    %and3A_1525 = arith.andi %eq3A_1523, %lt3A_1524 : vector<4x1024xi1>
    %or3A_1526 = arith.ori %gt3A_1522, %and3A_1525 : vector<4x1024xi1>
    %select_n3A_1527 = arith.select %or3A_1526, %slice3A_1518, %slice3A_1519 : vector<4x1024xi1>, vector<4x1024xf32>
    %select_n3A_1528 = arith.select %or3A_1526, %slice3A_1520, %slice3A_1521 : vector<4x1024xi1>, vector<4x1024xi32>
    %iota3A_1529 = tpu.iota {dimensions = array<i32: 0>} : vector<4x1024xi32>
    %and3A_1530 = arith.constant 2 : i32
    %and3A_1531 = vector.broadcast %and3A_1530 : i32 to vector<4x1024xi32>
    %and3A_1532 = arith.andi %iota3A_1529, %and3A_1531 : vector<4x1024xi32>
    %eq3A_1533 = arith.constant 0 : i32
    %eq3A_1534 = vector.broadcast %eq3A_1533 : i32 to vector<4x1024xi32>
    %eq3A_1535 = arith.cmpi eq, %and3A_1532, %eq3A_1534 : vector<4x1024xi32>
    %iota3A_1536 = tpu.iota {dimensions = array<i32: 1>} : vector<4x1024xi32>
    %and3A_1537 = arith.constant 512 : i32
    %and3A_1538 = vector.broadcast %and3A_1537 : i32 to vector<4x1024xi32>
    %and3A_1539 = arith.andi %iota3A_1536, %and3A_1538 : vector<4x1024xi32>
    %eq3A_1540 = arith.constant 0 : i32
    %eq3A_1541 = vector.broadcast %eq3A_1540 : i32 to vector<4x1024xi32>
    %eq3A_1542 = arith.cmpi eq, %and3A_1539, %eq3A_1541 : vector<4x1024xi32>
    %roll3A_1543 = arith.constant 512 : i32
    %roll3A_1544 = tpu.dynamic_rotate %select_n3A_1527 by %roll3A_1543 dim 1 : vector<4x1024xf32>, i32 -> vector<4x1024xf32>
    %roll3A_1545 = arith.constant 512 : i32
    %roll3A_1546 = tpu.dynamic_rotate %select_n3A_1527 by %roll3A_1545 dim 1 : vector<4x1024xf32>, i32 -> vector<4x1024xf32>
    %select_n3A_1547 = arith.select %eq3A_1542, %roll3A_1544, %roll3A_1546 : vector<4x1024xi1>, vector<4x1024xf32>
    %roll3A_1548 = arith.constant 512 : i32
    %roll3A_1549 = tpu.dynamic_rotate %select_n3A_1528 by %roll3A_1548 dim 1 : vector<4x1024xi32>, i32 -> vector<4x1024xi32>
    %roll3A_1550 = arith.constant 512 : i32
    %roll3A_1551 = tpu.dynamic_rotate %select_n3A_1528 by %roll3A_1550 dim 1 : vector<4x1024xi32>, i32 -> vector<4x1024xi32>
    %select_n3A_1552 = arith.select %eq3A_1542, %roll3A_1549, %roll3A_1551 : vector<4x1024xi1>, vector<4x1024xi32>
    %gt3A_1553 = arith.cmpf ogt, %select_n3A_1527, %select_n3A_1547 : vector<4x1024xf32>
    %eq3A_1554 = arith.cmpf oeq, %select_n3A_1527, %select_n3A_1547 : vector<4x1024xf32>
    %lt3A_1555 = arith.cmpi slt, %select_n3A_1528, %select_n3A_1552 : vector<4x1024xi32>
    %and3A_1556 = arith.andi %eq3A_1554, %lt3A_1555 : vector<4x1024xi1>
    %or3A_1557 = arith.ori %gt3A_1553, %and3A_1556 : vector<4x1024xi1>
    %xor3A_1558 = arith.xori %eq3A_1542, %or3A_1557 : vector<4x1024xi1>
    %xor3A_1559 = arith.xori %xor3A_1558, %eq3A_1535 : vector<4x1024xi1>
    %select_n3A_1560 = arith.select %xor3A_1559, %select_n3A_1527, %select_n3A_1547 : vector<4x1024xi1>, vector<4x1024xf32>
    %select_n3A_1561 = arith.select %xor3A_1559, %select_n3A_1528, %select_n3A_1552 : vector<4x1024xi1>, vector<4x1024xi32>
    %iota3A_1562 = tpu.iota {dimensions = array<i32: 1>} : vector<4x1024xi32>
    %and3A_1563 = arith.constant 256 : i32
    %and3A_1564 = vector.broadcast %and3A_1563 : i32 to vector<4x1024xi32>
    %and3A_1565 = arith.andi %iota3A_1562, %and3A_1564 : vector<4x1024xi32>
    %eq3A_1566 = arith.constant 0 : i32
    %eq3A_1567 = vector.broadcast %eq3A_1566 : i32 to vector<4x1024xi32>
    %eq3A_1568 = arith.cmpi eq, %and3A_1565, %eq3A_1567 : vector<4x1024xi32>
    %roll3A_1569 = arith.constant 768 : i32
    %roll3A_1570 = tpu.dynamic_rotate %select_n3A_1560 by %roll3A_1569 dim 1 : vector<4x1024xf32>, i32 -> vector<4x1024xf32>
    %roll3A_1571 = arith.constant 256 : i32
    %roll3A_1572 = tpu.dynamic_rotate %select_n3A_1560 by %roll3A_1571 dim 1 : vector<4x1024xf32>, i32 -> vector<4x1024xf32>
    %select_n3A_1573 = arith.select %eq3A_1568, %roll3A_1570, %roll3A_1572 : vector<4x1024xi1>, vector<4x1024xf32>
    %roll3A_1574 = arith.constant 768 : i32
    %roll3A_1575 = tpu.dynamic_rotate %select_n3A_1561 by %roll3A_1574 dim 1 : vector<4x1024xi32>, i32 -> vector<4x1024xi32>
    %roll3A_1576 = arith.constant 256 : i32
    %roll3A_1577 = tpu.dynamic_rotate %select_n3A_1561 by %roll3A_1576 dim 1 : vector<4x1024xi32>, i32 -> vector<4x1024xi32>
    %select_n3A_1578 = arith.select %eq3A_1568, %roll3A_1575, %roll3A_1577 : vector<4x1024xi1>, vector<4x1024xi32>
    %gt3A_1579 = arith.cmpf ogt, %select_n3A_1560, %select_n3A_1573 : vector<4x1024xf32>
    %eq3A_1580 = arith.cmpf oeq, %select_n3A_1560, %select_n3A_1573 : vector<4x1024xf32>
    %lt3A_1581 = arith.cmpi slt, %select_n3A_1561, %select_n3A_1578 : vector<4x1024xi32>
    %and3A_1582 = arith.andi %eq3A_1580, %lt3A_1581 : vector<4x1024xi1>
    %or3A_1583 = arith.ori %gt3A_1579, %and3A_1582 : vector<4x1024xi1>
    %xor3A_1584 = arith.xori %eq3A_1568, %or3A_1583 : vector<4x1024xi1>
    %xor3A_1585 = arith.xori %xor3A_1584, %eq3A_1535 : vector<4x1024xi1>
    %select_n3A_1586 = arith.select %xor3A_1585, %select_n3A_1560, %select_n3A_1573 : vector<4x1024xi1>, vector<4x1024xf32>
    %select_n3A_1587 = arith.select %xor3A_1585, %select_n3A_1561, %select_n3A_1578 : vector<4x1024xi1>, vector<4x1024xi32>
    %iota3A_1588 = tpu.iota {dimensions = array<i32: 1>} : vector<4x1024xi32>
    %and3A_1589 = arith.constant 128 : i32
    %and3A_1590 = vector.broadcast %and3A_1589 : i32 to vector<4x1024xi32>
    %and3A_1591 = arith.andi %iota3A_1588, %and3A_1590 : vector<4x1024xi32>
    %eq3A_1592 = arith.constant 0 : i32
    %eq3A_1593 = vector.broadcast %eq3A_1592 : i32 to vector<4x1024xi32>
    %eq3A_1594 = arith.cmpi eq, %and3A_1591, %eq3A_1593 : vector<4x1024xi32>
    %roll3A_1595 = arith.constant 896 : i32
    %roll3A_1596 = tpu.dynamic_rotate %select_n3A_1586 by %roll3A_1595 dim 1 : vector<4x1024xf32>, i32 -> vector<4x1024xf32>
    %roll3A_1597 = arith.constant 128 : i32
    %roll3A_1598 = tpu.dynamic_rotate %select_n3A_1586 by %roll3A_1597 dim 1 : vector<4x1024xf32>, i32 -> vector<4x1024xf32>
    %select_n3A_1599 = arith.select %eq3A_1594, %roll3A_1596, %roll3A_1598 : vector<4x1024xi1>, vector<4x1024xf32>
    %roll3A_1600 = arith.constant 896 : i32
    %roll3A_1601 = tpu.dynamic_rotate %select_n3A_1587 by %roll3A_1600 dim 1 : vector<4x1024xi32>, i32 -> vector<4x1024xi32>
    %roll3A_1602 = arith.constant 128 : i32
    %roll3A_1603 = tpu.dynamic_rotate %select_n3A_1587 by %roll3A_1602 dim 1 : vector<4x1024xi32>, i32 -> vector<4x1024xi32>
    %select_n3A_1604 = arith.select %eq3A_1594, %roll3A_1601, %roll3A_1603 : vector<4x1024xi1>, vector<4x1024xi32>
    %gt3A_1605 = arith.cmpf ogt, %select_n3A_1586, %select_n3A_1599 : vector<4x1024xf32>
    %eq3A_1606 = arith.cmpf oeq, %select_n3A_1586, %select_n3A_1599 : vector<4x1024xf32>
    %lt3A_1607 = arith.cmpi slt, %select_n3A_1587, %select_n3A_1604 : vector<4x1024xi32>
    %and3A_1608 = arith.andi %eq3A_1606, %lt3A_1607 : vector<4x1024xi1>
    %or3A_1609 = arith.ori %gt3A_1605, %and3A_1608 : vector<4x1024xi1>
    %xor3A_1610 = arith.xori %eq3A_1594, %or3A_1609 : vector<4x1024xi1>
    %xor3A_1611 = arith.xori %xor3A_1610, %eq3A_1535 : vector<4x1024xi1>
    %select_n3A_1612 = arith.select %xor3A_1611, %select_n3A_1586, %select_n3A_1599 : vector<4x1024xi1>, vector<4x1024xf32>
    %select_n3A_1613 = arith.select %xor3A_1611, %select_n3A_1587, %select_n3A_1604 : vector<4x1024xi1>, vector<4x1024xi32>
    %iota3A_1614 = tpu.iota {dimensions = array<i32: 1>} : vector<4x1024xi32>
    %and3A_1615 = arith.constant 64 : i32
    %and3A_1616 = vector.broadcast %and3A_1615 : i32 to vector<4x1024xi32>
    %and3A_1617 = arith.andi %iota3A_1614, %and3A_1616 : vector<4x1024xi32>
    %eq3A_1618 = arith.constant 0 : i32
    %eq3A_1619 = vector.broadcast %eq3A_1618 : i32 to vector<4x1024xi32>
    %eq3A_1620 = arith.cmpi eq, %and3A_1617, %eq3A_1619 : vector<4x1024xi32>
    %roll3A_1621 = arith.constant 960 : i32
    %roll3A_1622 = tpu.dynamic_rotate %select_n3A_1612 by %roll3A_1621 dim 1 : vector<4x1024xf32>, i32 -> vector<4x1024xf32>
    %roll3A_1623 = arith.constant 64 : i32
    %roll3A_1624 = tpu.dynamic_rotate %select_n3A_1612 by %roll3A_1623 dim 1 : vector<4x1024xf32>, i32 -> vector<4x1024xf32>
    %select_n3A_1625 = arith.select %eq3A_1620, %roll3A_1622, %roll3A_1624 : vector<4x1024xi1>, vector<4x1024xf32>
    %roll3A_1626 = arith.constant 960 : i32
    %roll3A_1627 = tpu.dynamic_rotate %select_n3A_1613 by %roll3A_1626 dim 1 : vector<4x1024xi32>, i32 -> vector<4x1024xi32>
    %roll3A_1628 = arith.constant 64 : i32
    %roll3A_1629 = tpu.dynamic_rotate %select_n3A_1613 by %roll3A_1628 dim 1 : vector<4x1024xi32>, i32 -> vector<4x1024xi32>
    %select_n3A_1630 = arith.select %eq3A_1620, %roll3A_1627, %roll3A_1629 : vector<4x1024xi1>, vector<4x1024xi32>
    %gt3A_1631 = arith.cmpf ogt, %select_n3A_1612, %select_n3A_1625 : vector<4x1024xf32>
    %eq3A_1632 = arith.cmpf oeq, %select_n3A_1612, %select_n3A_1625 : vector<4x1024xf32>
    %lt3A_1633 = arith.cmpi slt, %select_n3A_1613, %select_n3A_1630 : vector<4x1024xi32>
    %and3A_1634 = arith.andi %eq3A_1632, %lt3A_1633 : vector<4x1024xi1>
    %or3A_1635 = arith.ori %gt3A_1631, %and3A_1634 : vector<4x1024xi1>
    %xor3A_1636 = arith.xori %eq3A_1620, %or3A_1635 : vector<4x1024xi1>
    %xor3A_1637 = arith.xori %xor3A_1636, %eq3A_1535 : vector<4x1024xi1>
    %select_n3A_1638 = arith.select %xor3A_1637, %select_n3A_1612, %select_n3A_1625 : vector<4x1024xi1>, vector<4x1024xf32>
    %select_n3A_1639 = arith.select %xor3A_1637, %select_n3A_1613, %select_n3A_1630 : vector<4x1024xi1>, vector<4x1024xi32>
    %iota3A_1640 = tpu.iota {dimensions = array<i32: 1>} : vector<4x1024xi32>
    %and3A_1641 = arith.constant 32 : i32
    %and3A_1642 = vector.broadcast %and3A_1641 : i32 to vector<4x1024xi32>
    %and3A_1643 = arith.andi %iota3A_1640, %and3A_1642 : vector<4x1024xi32>
    %eq3A_1644 = arith.constant 0 : i32
    %eq3A_1645 = vector.broadcast %eq3A_1644 : i32 to vector<4x1024xi32>
    %eq3A_1646 = arith.cmpi eq, %and3A_1643, %eq3A_1645 : vector<4x1024xi32>
    %roll3A_1647 = arith.constant 992 : i32
    %roll3A_1648 = tpu.dynamic_rotate %select_n3A_1638 by %roll3A_1647 dim 1 : vector<4x1024xf32>, i32 -> vector<4x1024xf32>
    %roll3A_1649 = arith.constant 32 : i32
    %roll3A_1650 = tpu.dynamic_rotate %select_n3A_1638 by %roll3A_1649 dim 1 : vector<4x1024xf32>, i32 -> vector<4x1024xf32>
    %select_n3A_1651 = arith.select %eq3A_1646, %roll3A_1648, %roll3A_1650 : vector<4x1024xi1>, vector<4x1024xf32>
    %roll3A_1652 = arith.constant 992 : i32
    %roll3A_1653 = tpu.dynamic_rotate %select_n3A_1639 by %roll3A_1652 dim 1 : vector<4x1024xi32>, i32 -> vector<4x1024xi32>
    %roll3A_1654 = arith.constant 32 : i32
    %roll3A_1655 = tpu.dynamic_rotate %select_n3A_1639 by %roll3A_1654 dim 1 : vector<4x1024xi32>, i32 -> vector<4x1024xi32>
    %select_n3A_1656 = arith.select %eq3A_1646, %roll3A_1653, %roll3A_1655 : vector<4x1024xi1>, vector<4x1024xi32>
    %gt3A_1657 = arith.cmpf ogt, %select_n3A_1638, %select_n3A_1651 : vector<4x1024xf32>
    %eq3A_1658 = arith.cmpf oeq, %select_n3A_1638, %select_n3A_1651 : vector<4x1024xf32>
    %lt3A_1659 = arith.cmpi slt, %select_n3A_1639, %select_n3A_1656 : vector<4x1024xi32>
    %and3A_1660 = arith.andi %eq3A_1658, %lt3A_1659 : vector<4x1024xi1>
    %or3A_1661 = arith.ori %gt3A_1657, %and3A_1660 : vector<4x1024xi1>
    %xor3A_1662 = arith.xori %eq3A_1646, %or3A_1661 : vector<4x1024xi1>
    %xor3A_1663 = arith.xori %xor3A_1662, %eq3A_1535 : vector<4x1024xi1>
    %select_n3A_1664 = arith.select %xor3A_1663, %select_n3A_1638, %select_n3A_1651 : vector<4x1024xi1>, vector<4x1024xf32>
    %select_n3A_1665 = arith.select %xor3A_1663, %select_n3A_1639, %select_n3A_1656 : vector<4x1024xi1>, vector<4x1024xi32>
    %iota3A_1666 = tpu.iota {dimensions = array<i32: 1>} : vector<4x1024xi32>
    %and3A_1667 = arith.constant 16 : i32
    %and3A_1668 = vector.broadcast %and3A_1667 : i32 to vector<4x1024xi32>
    %and3A_1669 = arith.andi %iota3A_1666, %and3A_1668 : vector<4x1024xi32>
    %eq3A_1670 = arith.constant 0 : i32
    %eq3A_1671 = vector.broadcast %eq3A_1670 : i32 to vector<4x1024xi32>
    %eq3A_1672 = arith.cmpi eq, %and3A_1669, %eq3A_1671 : vector<4x1024xi32>
    %roll3A_1673 = arith.constant 1008 : i32
    %roll3A_1674 = tpu.dynamic_rotate %select_n3A_1664 by %roll3A_1673 dim 1 : vector<4x1024xf32>, i32 -> vector<4x1024xf32>
    %roll3A_1675 = arith.constant 16 : i32
    %roll3A_1676 = tpu.dynamic_rotate %select_n3A_1664 by %roll3A_1675 dim 1 : vector<4x1024xf32>, i32 -> vector<4x1024xf32>
    %select_n3A_1677 = arith.select %eq3A_1672, %roll3A_1674, %roll3A_1676 : vector<4x1024xi1>, vector<4x1024xf32>
    %roll3A_1678 = arith.constant 1008 : i32
    %roll3A_1679 = tpu.dynamic_rotate %select_n3A_1665 by %roll3A_1678 dim 1 : vector<4x1024xi32>, i32 -> vector<4x1024xi32>
    %roll3A_1680 = arith.constant 16 : i32
    %roll3A_1681 = tpu.dynamic_rotate %select_n3A_1665 by %roll3A_1680 dim 1 : vector<4x1024xi32>, i32 -> vector<4x1024xi32>
    %select_n3A_1682 = arith.select %eq3A_1672, %roll3A_1679, %roll3A_1681 : vector<4x1024xi1>, vector<4x1024xi32>
    %gt3A_1683 = arith.cmpf ogt, %select_n3A_1664, %select_n3A_1677 : vector<4x1024xf32>
    %eq3A_1684 = arith.cmpf oeq, %select_n3A_1664, %select_n3A_1677 : vector<4x1024xf32>
    %lt3A_1685 = arith.cmpi slt, %select_n3A_1665, %select_n3A_1682 : vector<4x1024xi32>
    %and3A_1686 = arith.andi %eq3A_1684, %lt3A_1685 : vector<4x1024xi1>
    %or3A_1687 = arith.ori %gt3A_1683, %and3A_1686 : vector<4x1024xi1>
    %xor3A_1688 = arith.xori %eq3A_1672, %or3A_1687 : vector<4x1024xi1>
    %xor3A_1689 = arith.xori %xor3A_1688, %eq3A_1535 : vector<4x1024xi1>
    %select_n3A_1690 = arith.select %xor3A_1689, %select_n3A_1664, %select_n3A_1677 : vector<4x1024xi1>, vector<4x1024xf32>
    %select_n3A_1691 = arith.select %xor3A_1689, %select_n3A_1665, %select_n3A_1682 : vector<4x1024xi1>, vector<4x1024xi32>
    %iota3A_1692 = tpu.iota {dimensions = array<i32: 1>} : vector<4x1024xi32>
    %and3A_1693 = arith.constant 8 : i32
    %and3A_1694 = vector.broadcast %and3A_1693 : i32 to vector<4x1024xi32>
    %and3A_1695 = arith.andi %iota3A_1692, %and3A_1694 : vector<4x1024xi32>
    %eq3A_1696 = arith.constant 0 : i32
    %eq3A_1697 = vector.broadcast %eq3A_1696 : i32 to vector<4x1024xi32>
    %eq3A_1698 = arith.cmpi eq, %and3A_1695, %eq3A_1697 : vector<4x1024xi32>
    %roll3A_1699 = arith.constant 1016 : i32
    %roll3A_1700 = tpu.dynamic_rotate %select_n3A_1690 by %roll3A_1699 dim 1 : vector<4x1024xf32>, i32 -> vector<4x1024xf32>
    %roll3A_1701 = arith.constant 8 : i32
    %roll3A_1702 = tpu.dynamic_rotate %select_n3A_1690 by %roll3A_1701 dim 1 : vector<4x1024xf32>, i32 -> vector<4x1024xf32>
    %select_n3A_1703 = arith.select %eq3A_1698, %roll3A_1700, %roll3A_1702 : vector<4x1024xi1>, vector<4x1024xf32>
    %roll3A_1704 = arith.constant 1016 : i32
    %roll3A_1705 = tpu.dynamic_rotate %select_n3A_1691 by %roll3A_1704 dim 1 : vector<4x1024xi32>, i32 -> vector<4x1024xi32>
    %roll3A_1706 = arith.constant 8 : i32
    %roll3A_1707 = tpu.dynamic_rotate %select_n3A_1691 by %roll3A_1706 dim 1 : vector<4x1024xi32>, i32 -> vector<4x1024xi32>
    %select_n3A_1708 = arith.select %eq3A_1698, %roll3A_1705, %roll3A_1707 : vector<4x1024xi1>, vector<4x1024xi32>
    %gt3A_1709 = arith.cmpf ogt, %select_n3A_1690, %select_n3A_1703 : vector<4x1024xf32>
    %eq3A_1710 = arith.cmpf oeq, %select_n3A_1690, %select_n3A_1703 : vector<4x1024xf32>
    %lt3A_1711 = arith.cmpi slt, %select_n3A_1691, %select_n3A_1708 : vector<4x1024xi32>
    %and3A_1712 = arith.andi %eq3A_1710, %lt3A_1711 : vector<4x1024xi1>
    %or3A_1713 = arith.ori %gt3A_1709, %and3A_1712 : vector<4x1024xi1>
    %xor3A_1714 = arith.xori %eq3A_1698, %or3A_1713 : vector<4x1024xi1>
    %xor3A_1715 = arith.xori %xor3A_1714, %eq3A_1535 : vector<4x1024xi1>
    %select_n3A_1716 = arith.select %xor3A_1715, %select_n3A_1690, %select_n3A_1703 : vector<4x1024xi1>, vector<4x1024xf32>
    %select_n3A_1717 = arith.select %xor3A_1715, %select_n3A_1691, %select_n3A_1708 : vector<4x1024xi1>, vector<4x1024xi32>
    %iota3A_1718 = tpu.iota {dimensions = array<i32: 1>} : vector<4x1024xi32>
    %and3A_1719 = arith.constant 4 : i32
    %and3A_1720 = vector.broadcast %and3A_1719 : i32 to vector<4x1024xi32>
    %and3A_1721 = arith.andi %iota3A_1718, %and3A_1720 : vector<4x1024xi32>
    %eq3A_1722 = arith.constant 0 : i32
    %eq3A_1723 = vector.broadcast %eq3A_1722 : i32 to vector<4x1024xi32>
    %eq3A_1724 = arith.cmpi eq, %and3A_1721, %eq3A_1723 : vector<4x1024xi32>
    %roll3A_1725 = arith.constant 1020 : i32
    %roll3A_1726 = tpu.dynamic_rotate %select_n3A_1716 by %roll3A_1725 dim 1 : vector<4x1024xf32>, i32 -> vector<4x1024xf32>
    %roll3A_1727 = arith.constant 4 : i32
    %roll3A_1728 = tpu.dynamic_rotate %select_n3A_1716 by %roll3A_1727 dim 1 : vector<4x1024xf32>, i32 -> vector<4x1024xf32>
    %select_n3A_1729 = arith.select %eq3A_1724, %roll3A_1726, %roll3A_1728 : vector<4x1024xi1>, vector<4x1024xf32>
    %roll3A_1730 = arith.constant 1020 : i32
    %roll3A_1731 = tpu.dynamic_rotate %select_n3A_1717 by %roll3A_1730 dim 1 : vector<4x1024xi32>, i32 -> vector<4x1024xi32>
    %roll3A_1732 = arith.constant 4 : i32
    %roll3A_1733 = tpu.dynamic_rotate %select_n3A_1717 by %roll3A_1732 dim 1 : vector<4x1024xi32>, i32 -> vector<4x1024xi32>
    %select_n3A_1734 = arith.select %eq3A_1724, %roll3A_1731, %roll3A_1733 : vector<4x1024xi1>, vector<4x1024xi32>
    %gt3A_1735 = arith.cmpf ogt, %select_n3A_1716, %select_n3A_1729 : vector<4x1024xf32>
    %eq3A_1736 = arith.cmpf oeq, %select_n3A_1716, %select_n3A_1729 : vector<4x1024xf32>
    %lt3A_1737 = arith.cmpi slt, %select_n3A_1717, %select_n3A_1734 : vector<4x1024xi32>
    %and3A_1738 = arith.andi %eq3A_1736, %lt3A_1737 : vector<4x1024xi1>
    %or3A_1739 = arith.ori %gt3A_1735, %and3A_1738 : vector<4x1024xi1>
    %xor3A_1740 = arith.xori %eq3A_1724, %or3A_1739 : vector<4x1024xi1>
    %xor3A_1741 = arith.xori %xor3A_1740, %eq3A_1535 : vector<4x1024xi1>
    %select_n3A_1742 = arith.select %xor3A_1741, %select_n3A_1716, %select_n3A_1729 : vector<4x1024xi1>, vector<4x1024xf32>
    %select_n3A_1743 = arith.select %xor3A_1741, %select_n3A_1717, %select_n3A_1734 : vector<4x1024xi1>, vector<4x1024xi32>
    %iota3A_1744 = tpu.iota {dimensions = array<i32: 1>} : vector<4x1024xi32>
    %and3A_1745 = arith.constant 2 : i32
    %and3A_1746 = vector.broadcast %and3A_1745 : i32 to vector<4x1024xi32>
    %and3A_1747 = arith.andi %iota3A_1744, %and3A_1746 : vector<4x1024xi32>
    %eq3A_1748 = arith.constant 0 : i32
    %eq3A_1749 = vector.broadcast %eq3A_1748 : i32 to vector<4x1024xi32>
    %eq3A_1750 = arith.cmpi eq, %and3A_1747, %eq3A_1749 : vector<4x1024xi32>
    %roll3A_1751 = arith.constant 1022 : i32
    %roll3A_1752 = tpu.dynamic_rotate %select_n3A_1742 by %roll3A_1751 dim 1 : vector<4x1024xf32>, i32 -> vector<4x1024xf32>
    %roll3A_1753 = arith.constant 2 : i32
    %roll3A_1754 = tpu.dynamic_rotate %select_n3A_1742 by %roll3A_1753 dim 1 : vector<4x1024xf32>, i32 -> vector<4x1024xf32>
    %select_n3A_1755 = arith.select %eq3A_1750, %roll3A_1752, %roll3A_1754 : vector<4x1024xi1>, vector<4x1024xf32>
    %roll3A_1756 = arith.constant 1022 : i32
    %roll3A_1757 = tpu.dynamic_rotate %select_n3A_1743 by %roll3A_1756 dim 1 : vector<4x1024xi32>, i32 -> vector<4x1024xi32>
    %roll3A_1758 = arith.constant 2 : i32
    %roll3A_1759 = tpu.dynamic_rotate %select_n3A_1743 by %roll3A_1758 dim 1 : vector<4x1024xi32>, i32 -> vector<4x1024xi32>
    %select_n3A_1760 = arith.select %eq3A_1750, %roll3A_1757, %roll3A_1759 : vector<4x1024xi1>, vector<4x1024xi32>
    %gt3A_1761 = arith.cmpf ogt, %select_n3A_1742, %select_n3A_1755 : vector<4x1024xf32>
    %eq3A_1762 = arith.cmpf oeq, %select_n3A_1742, %select_n3A_1755 : vector<4x1024xf32>
    %lt3A_1763 = arith.cmpi slt, %select_n3A_1743, %select_n3A_1760 : vector<4x1024xi32>
    %and3A_1764 = arith.andi %eq3A_1762, %lt3A_1763 : vector<4x1024xi1>
    %or3A_1765 = arith.ori %gt3A_1761, %and3A_1764 : vector<4x1024xi1>
    %xor3A_1766 = arith.xori %eq3A_1750, %or3A_1765 : vector<4x1024xi1>
    %xor3A_1767 = arith.xori %xor3A_1766, %eq3A_1535 : vector<4x1024xi1>
    %select_n3A_1768 = arith.select %xor3A_1767, %select_n3A_1742, %select_n3A_1755 : vector<4x1024xi1>, vector<4x1024xf32>
    %select_n3A_1769 = arith.select %xor3A_1767, %select_n3A_1743, %select_n3A_1760 : vector<4x1024xi1>, vector<4x1024xi32>
    %iota3A_1770 = tpu.iota {dimensions = array<i32: 1>} : vector<4x1024xi32>
    %and3A_1771 = arith.constant 1 : i32
    %and3A_1772 = vector.broadcast %and3A_1771 : i32 to vector<4x1024xi32>
    %and3A_1773 = arith.andi %iota3A_1770, %and3A_1772 : vector<4x1024xi32>
    %eq3A_1774 = arith.constant 0 : i32
    %eq3A_1775 = vector.broadcast %eq3A_1774 : i32 to vector<4x1024xi32>
    %eq3A_1776 = arith.cmpi eq, %and3A_1773, %eq3A_1775 : vector<4x1024xi32>
    %roll3A_1777 = arith.constant 1023 : i32
    %roll3A_1778 = tpu.dynamic_rotate %select_n3A_1768 by %roll3A_1777 dim 1 : vector<4x1024xf32>, i32 -> vector<4x1024xf32>
    %roll3A_1779 = arith.constant 1 : i32
    %roll3A_1780 = tpu.dynamic_rotate %select_n3A_1768 by %roll3A_1779 dim 1 : vector<4x1024xf32>, i32 -> vector<4x1024xf32>
    %select_n3A_1781 = arith.select %eq3A_1776, %roll3A_1778, %roll3A_1780 : vector<4x1024xi1>, vector<4x1024xf32>
    %roll3A_1782 = arith.constant 1023 : i32
    %roll3A_1783 = tpu.dynamic_rotate %select_n3A_1769 by %roll3A_1782 dim 1 : vector<4x1024xi32>, i32 -> vector<4x1024xi32>
    %roll3A_1784 = arith.constant 1 : i32
    %roll3A_1785 = tpu.dynamic_rotate %select_n3A_1769 by %roll3A_1784 dim 1 : vector<4x1024xi32>, i32 -> vector<4x1024xi32>
    %select_n3A_1786 = arith.select %eq3A_1776, %roll3A_1783, %roll3A_1785 : vector<4x1024xi1>, vector<4x1024xi32>
    %gt3A_1787 = arith.cmpf ogt, %select_n3A_1768, %select_n3A_1781 : vector<4x1024xf32>
    %eq3A_1788 = arith.cmpf oeq, %select_n3A_1768, %select_n3A_1781 : vector<4x1024xf32>
    %lt3A_1789 = arith.cmpi slt, %select_n3A_1769, %select_n3A_1786 : vector<4x1024xi32>
    %and3A_1790 = arith.andi %eq3A_1788, %lt3A_1789 : vector<4x1024xi1>
    %or3A_1791 = arith.ori %gt3A_1787, %and3A_1790 : vector<4x1024xi1>
    %xor3A_1792 = arith.xori %eq3A_1776, %or3A_1791 : vector<4x1024xi1>
    %xor3A_1793 = arith.xori %xor3A_1792, %eq3A_1535 : vector<4x1024xi1>
    %select_n3A_1794 = arith.select %xor3A_1793, %select_n3A_1768, %select_n3A_1781 : vector<4x1024xi1>, vector<4x1024xf32>
    %select_n3A_1795 = arith.select %xor3A_1793, %select_n3A_1769, %select_n3A_1786 : vector<4x1024xi1>, vector<4x1024xi32>
    %slice3A_1796 = vector.extract_strided_slice %select_n3A_1794 {offsets = [0, 0], sizes = [2, 1024], strides = [1, 1]} : vector<4x1024xf32> to vector<2x1024xf32>
    %slice3A_1797 = vector.extract_strided_slice %select_n3A_1794 {offsets = [2, 0], sizes = [2, 1024], strides = [1, 1]} : vector<4x1024xf32> to vector<2x1024xf32>
    %slice3A_1798 = vector.extract_strided_slice %select_n3A_1795 {offsets = [0, 0], sizes = [2, 1024], strides = [1, 1]} : vector<4x1024xi32> to vector<2x1024xi32>
    %slice3A_1799 = vector.extract_strided_slice %select_n3A_1795 {offsets = [2, 0], sizes = [2, 1024], strides = [1, 1]} : vector<4x1024xi32> to vector<2x1024xi32>
    %gt3A_1800 = arith.cmpf ogt, %slice3A_1796, %slice3A_1797 : vector<2x1024xf32>
    %eq3A_1801 = arith.cmpf oeq, %slice3A_1796, %slice3A_1797 : vector<2x1024xf32>
    %lt3A_1802 = arith.cmpi slt, %slice3A_1798, %slice3A_1799 : vector<2x1024xi32>
    %and3A_1803 = arith.andi %eq3A_1801, %lt3A_1802 : vector<2x1024xi1>
    %or3A_1804 = arith.ori %gt3A_1800, %and3A_1803 : vector<2x1024xi1>
    %select_n3A_1805 = arith.select %or3A_1804, %slice3A_1796, %slice3A_1797 : vector<2x1024xi1>, vector<2x1024xf32>
    %select_n3A_1806 = arith.select %or3A_1804, %slice3A_1798, %slice3A_1799 : vector<2x1024xi1>, vector<2x1024xi32>
    %iota3A_1807 = tpu.iota {dimensions = array<i32: 0>} : vector<2x1024xi32>
    %and3A_1808 = arith.constant 1 : i32
    %and3A_1809 = vector.broadcast %and3A_1808 : i32 to vector<2x1024xi32>
    %and3A_1810 = arith.andi %iota3A_1807, %and3A_1809 : vector<2x1024xi32>
    %eq3A_1811 = arith.constant 0 : i32
    %eq3A_1812 = vector.broadcast %eq3A_1811 : i32 to vector<2x1024xi32>
    %eq3A_1813 = arith.cmpi eq, %and3A_1810, %eq3A_1812 : vector<2x1024xi32>
    %iota3A_1814 = tpu.iota {dimensions = array<i32: 1>} : vector<2x1024xi32>
    %and3A_1815 = arith.constant 512 : i32
    %and3A_1816 = vector.broadcast %and3A_1815 : i32 to vector<2x1024xi32>
    %and3A_1817 = arith.andi %iota3A_1814, %and3A_1816 : vector<2x1024xi32>
    %eq3A_1818 = arith.constant 0 : i32
    %eq3A_1819 = vector.broadcast %eq3A_1818 : i32 to vector<2x1024xi32>
    %eq3A_1820 = arith.cmpi eq, %and3A_1817, %eq3A_1819 : vector<2x1024xi32>
    %roll3A_1821 = arith.constant 512 : i32
    %roll3A_1822 = tpu.dynamic_rotate %select_n3A_1805 by %roll3A_1821 dim 1 : vector<2x1024xf32>, i32 -> vector<2x1024xf32>
    %roll3A_1823 = arith.constant 512 : i32
    %roll3A_1824 = tpu.dynamic_rotate %select_n3A_1805 by %roll3A_1823 dim 1 : vector<2x1024xf32>, i32 -> vector<2x1024xf32>
    %select_n3A_1825 = arith.select %eq3A_1820, %roll3A_1822, %roll3A_1824 : vector<2x1024xi1>, vector<2x1024xf32>
    %roll3A_1826 = arith.constant 512 : i32
    %roll3A_1827 = tpu.dynamic_rotate %select_n3A_1806 by %roll3A_1826 dim 1 : vector<2x1024xi32>, i32 -> vector<2x1024xi32>
    %roll3A_1828 = arith.constant 512 : i32
    %roll3A_1829 = tpu.dynamic_rotate %select_n3A_1806 by %roll3A_1828 dim 1 : vector<2x1024xi32>, i32 -> vector<2x1024xi32>
    %select_n3A_1830 = arith.select %eq3A_1820, %roll3A_1827, %roll3A_1829 : vector<2x1024xi1>, vector<2x1024xi32>
    %gt3A_1831 = arith.cmpf ogt, %select_n3A_1805, %select_n3A_1825 : vector<2x1024xf32>
    %eq3A_1832 = arith.cmpf oeq, %select_n3A_1805, %select_n3A_1825 : vector<2x1024xf32>
    %lt3A_1833 = arith.cmpi slt, %select_n3A_1806, %select_n3A_1830 : vector<2x1024xi32>
    %and3A_1834 = arith.andi %eq3A_1832, %lt3A_1833 : vector<2x1024xi1>
    %or3A_1835 = arith.ori %gt3A_1831, %and3A_1834 : vector<2x1024xi1>
    %xor3A_1836 = arith.xori %eq3A_1820, %or3A_1835 : vector<2x1024xi1>
    %xor3A_1837 = arith.xori %xor3A_1836, %eq3A_1813 : vector<2x1024xi1>
    %select_n3A_1838 = arith.select %xor3A_1837, %select_n3A_1805, %select_n3A_1825 : vector<2x1024xi1>, vector<2x1024xf32>
    %select_n3A_1839 = arith.select %xor3A_1837, %select_n3A_1806, %select_n3A_1830 : vector<2x1024xi1>, vector<2x1024xi32>
    %iota3A_1840 = tpu.iota {dimensions = array<i32: 1>} : vector<2x1024xi32>
    %and3A_1841 = arith.constant 256 : i32
    %and3A_1842 = vector.broadcast %and3A_1841 : i32 to vector<2x1024xi32>
    %and3A_1843 = arith.andi %iota3A_1840, %and3A_1842 : vector<2x1024xi32>
    %eq3A_1844 = arith.constant 0 : i32
    %eq3A_1845 = vector.broadcast %eq3A_1844 : i32 to vector<2x1024xi32>
    %eq3A_1846 = arith.cmpi eq, %and3A_1843, %eq3A_1845 : vector<2x1024xi32>
    %roll3A_1847 = arith.constant 768 : i32
    %roll3A_1848 = tpu.dynamic_rotate %select_n3A_1838 by %roll3A_1847 dim 1 : vector<2x1024xf32>, i32 -> vector<2x1024xf32>
    %roll3A_1849 = arith.constant 256 : i32
    %roll3A_1850 = tpu.dynamic_rotate %select_n3A_1838 by %roll3A_1849 dim 1 : vector<2x1024xf32>, i32 -> vector<2x1024xf32>
    %select_n3A_1851 = arith.select %eq3A_1846, %roll3A_1848, %roll3A_1850 : vector<2x1024xi1>, vector<2x1024xf32>
    %roll3A_1852 = arith.constant 768 : i32
    %roll3A_1853 = tpu.dynamic_rotate %select_n3A_1839 by %roll3A_1852 dim 1 : vector<2x1024xi32>, i32 -> vector<2x1024xi32>
    %roll3A_1854 = arith.constant 256 : i32
    %roll3A_1855 = tpu.dynamic_rotate %select_n3A_1839 by %roll3A_1854 dim 1 : vector<2x1024xi32>, i32 -> vector<2x1024xi32>
    %select_n3A_1856 = arith.select %eq3A_1846, %roll3A_1853, %roll3A_1855 : vector<2x1024xi1>, vector<2x1024xi32>
    %gt3A_1857 = arith.cmpf ogt, %select_n3A_1838, %select_n3A_1851 : vector<2x1024xf32>
    %eq3A_1858 = arith.cmpf oeq, %select_n3A_1838, %select_n3A_1851 : vector<2x1024xf32>
    %lt3A_1859 = arith.cmpi slt, %select_n3A_1839, %select_n3A_1856 : vector<2x1024xi32>
    %and3A_1860 = arith.andi %eq3A_1858, %lt3A_1859 : vector<2x1024xi1>
    %or3A_1861 = arith.ori %gt3A_1857, %and3A_1860 : vector<2x1024xi1>
    %xor3A_1862 = arith.xori %eq3A_1846, %or3A_1861 : vector<2x1024xi1>
    %xor3A_1863 = arith.xori %xor3A_1862, %eq3A_1813 : vector<2x1024xi1>
    %select_n3A_1864 = arith.select %xor3A_1863, %select_n3A_1838, %select_n3A_1851 : vector<2x1024xi1>, vector<2x1024xf32>
    %select_n3A_1865 = arith.select %xor3A_1863, %select_n3A_1839, %select_n3A_1856 : vector<2x1024xi1>, vector<2x1024xi32>
    %iota3A_1866 = tpu.iota {dimensions = array<i32: 1>} : vector<2x1024xi32>
    %and3A_1867 = arith.constant 128 : i32
    %and3A_1868 = vector.broadcast %and3A_1867 : i32 to vector<2x1024xi32>
    %and3A_1869 = arith.andi %iota3A_1866, %and3A_1868 : vector<2x1024xi32>
    %eq3A_1870 = arith.constant 0 : i32
    %eq3A_1871 = vector.broadcast %eq3A_1870 : i32 to vector<2x1024xi32>
    %eq3A_1872 = arith.cmpi eq, %and3A_1869, %eq3A_1871 : vector<2x1024xi32>
    %roll3A_1873 = arith.constant 896 : i32
    %roll3A_1874 = tpu.dynamic_rotate %select_n3A_1864 by %roll3A_1873 dim 1 : vector<2x1024xf32>, i32 -> vector<2x1024xf32>
    %roll3A_1875 = arith.constant 128 : i32
    %roll3A_1876 = tpu.dynamic_rotate %select_n3A_1864 by %roll3A_1875 dim 1 : vector<2x1024xf32>, i32 -> vector<2x1024xf32>
    %select_n3A_1877 = arith.select %eq3A_1872, %roll3A_1874, %roll3A_1876 : vector<2x1024xi1>, vector<2x1024xf32>
    %roll3A_1878 = arith.constant 896 : i32
    %roll3A_1879 = tpu.dynamic_rotate %select_n3A_1865 by %roll3A_1878 dim 1 : vector<2x1024xi32>, i32 -> vector<2x1024xi32>
    %roll3A_1880 = arith.constant 128 : i32
    %roll3A_1881 = tpu.dynamic_rotate %select_n3A_1865 by %roll3A_1880 dim 1 : vector<2x1024xi32>, i32 -> vector<2x1024xi32>
    %select_n3A_1882 = arith.select %eq3A_1872, %roll3A_1879, %roll3A_1881 : vector<2x1024xi1>, vector<2x1024xi32>
    %gt3A_1883 = arith.cmpf ogt, %select_n3A_1864, %select_n3A_1877 : vector<2x1024xf32>
    %eq3A_1884 = arith.cmpf oeq, %select_n3A_1864, %select_n3A_1877 : vector<2x1024xf32>
    %lt3A_1885 = arith.cmpi slt, %select_n3A_1865, %select_n3A_1882 : vector<2x1024xi32>
    %and3A_1886 = arith.andi %eq3A_1884, %lt3A_1885 : vector<2x1024xi1>
    %or3A_1887 = arith.ori %gt3A_1883, %and3A_1886 : vector<2x1024xi1>
    %xor3A_1888 = arith.xori %eq3A_1872, %or3A_1887 : vector<2x1024xi1>
    %xor3A_1889 = arith.xori %xor3A_1888, %eq3A_1813 : vector<2x1024xi1>
    %select_n3A_1890 = arith.select %xor3A_1889, %select_n3A_1864, %select_n3A_1877 : vector<2x1024xi1>, vector<2x1024xf32>
    %select_n3A_1891 = arith.select %xor3A_1889, %select_n3A_1865, %select_n3A_1882 : vector<2x1024xi1>, vector<2x1024xi32>
    %iota3A_1892 = tpu.iota {dimensions = array<i32: 1>} : vector<2x1024xi32>
    %and3A_1893 = arith.constant 64 : i32
    %and3A_1894 = vector.broadcast %and3A_1893 : i32 to vector<2x1024xi32>
    %and3A_1895 = arith.andi %iota3A_1892, %and3A_1894 : vector<2x1024xi32>
    %eq3A_1896 = arith.constant 0 : i32
    %eq3A_1897 = vector.broadcast %eq3A_1896 : i32 to vector<2x1024xi32>
    %eq3A_1898 = arith.cmpi eq, %and3A_1895, %eq3A_1897 : vector<2x1024xi32>
    %roll3A_1899 = arith.constant 960 : i32
    %roll3A_1900 = tpu.dynamic_rotate %select_n3A_1890 by %roll3A_1899 dim 1 : vector<2x1024xf32>, i32 -> vector<2x1024xf32>
    %roll3A_1901 = arith.constant 64 : i32
    %roll3A_1902 = tpu.dynamic_rotate %select_n3A_1890 by %roll3A_1901 dim 1 : vector<2x1024xf32>, i32 -> vector<2x1024xf32>
    %select_n3A_1903 = arith.select %eq3A_1898, %roll3A_1900, %roll3A_1902 : vector<2x1024xi1>, vector<2x1024xf32>
    %roll3A_1904 = arith.constant 960 : i32
    %roll3A_1905 = tpu.dynamic_rotate %select_n3A_1891 by %roll3A_1904 dim 1 : vector<2x1024xi32>, i32 -> vector<2x1024xi32>
    %roll3A_1906 = arith.constant 64 : i32
    %roll3A_1907 = tpu.dynamic_rotate %select_n3A_1891 by %roll3A_1906 dim 1 : vector<2x1024xi32>, i32 -> vector<2x1024xi32>
    %select_n3A_1908 = arith.select %eq3A_1898, %roll3A_1905, %roll3A_1907 : vector<2x1024xi1>, vector<2x1024xi32>
    %gt3A_1909 = arith.cmpf ogt, %select_n3A_1890, %select_n3A_1903 : vector<2x1024xf32>
    %eq3A_1910 = arith.cmpf oeq, %select_n3A_1890, %select_n3A_1903 : vector<2x1024xf32>
    %lt3A_1911 = arith.cmpi slt, %select_n3A_1891, %select_n3A_1908 : vector<2x1024xi32>
    %and3A_1912 = arith.andi %eq3A_1910, %lt3A_1911 : vector<2x1024xi1>
    %or3A_1913 = arith.ori %gt3A_1909, %and3A_1912 : vector<2x1024xi1>
    %xor3A_1914 = arith.xori %eq3A_1898, %or3A_1913 : vector<2x1024xi1>
    %xor3A_1915 = arith.xori %xor3A_1914, %eq3A_1813 : vector<2x1024xi1>
    %select_n3A_1916 = arith.select %xor3A_1915, %select_n3A_1890, %select_n3A_1903 : vector<2x1024xi1>, vector<2x1024xf32>
    %select_n3A_1917 = arith.select %xor3A_1915, %select_n3A_1891, %select_n3A_1908 : vector<2x1024xi1>, vector<2x1024xi32>
    %iota3A_1918 = tpu.iota {dimensions = array<i32: 1>} : vector<2x1024xi32>
    %and3A_1919 = arith.constant 32 : i32
    %and3A_1920 = vector.broadcast %and3A_1919 : i32 to vector<2x1024xi32>
    %and3A_1921 = arith.andi %iota3A_1918, %and3A_1920 : vector<2x1024xi32>
    %eq3A_1922 = arith.constant 0 : i32
    %eq3A_1923 = vector.broadcast %eq3A_1922 : i32 to vector<2x1024xi32>
    %eq3A_1924 = arith.cmpi eq, %and3A_1921, %eq3A_1923 : vector<2x1024xi32>
    %roll3A_1925 = arith.constant 992 : i32
    %roll3A_1926 = tpu.dynamic_rotate %select_n3A_1916 by %roll3A_1925 dim 1 : vector<2x1024xf32>, i32 -> vector<2x1024xf32>
    %roll3A_1927 = arith.constant 32 : i32
    %roll3A_1928 = tpu.dynamic_rotate %select_n3A_1916 by %roll3A_1927 dim 1 : vector<2x1024xf32>, i32 -> vector<2x1024xf32>
    %select_n3A_1929 = arith.select %eq3A_1924, %roll3A_1926, %roll3A_1928 : vector<2x1024xi1>, vector<2x1024xf32>
    %roll3A_1930 = arith.constant 992 : i32
    %roll3A_1931 = tpu.dynamic_rotate %select_n3A_1917 by %roll3A_1930 dim 1 : vector<2x1024xi32>, i32 -> vector<2x1024xi32>
    %roll3A_1932 = arith.constant 32 : i32
    %roll3A_1933 = tpu.dynamic_rotate %select_n3A_1917 by %roll3A_1932 dim 1 : vector<2x1024xi32>, i32 -> vector<2x1024xi32>
    %select_n3A_1934 = arith.select %eq3A_1924, %roll3A_1931, %roll3A_1933 : vector<2x1024xi1>, vector<2x1024xi32>
    %gt3A_1935 = arith.cmpf ogt, %select_n3A_1916, %select_n3A_1929 : vector<2x1024xf32>
    %eq3A_1936 = arith.cmpf oeq, %select_n3A_1916, %select_n3A_1929 : vector<2x1024xf32>
    %lt3A_1937 = arith.cmpi slt, %select_n3A_1917, %select_n3A_1934 : vector<2x1024xi32>
    %and3A_1938 = arith.andi %eq3A_1936, %lt3A_1937 : vector<2x1024xi1>
    %or3A_1939 = arith.ori %gt3A_1935, %and3A_1938 : vector<2x1024xi1>
    %xor3A_1940 = arith.xori %eq3A_1924, %or3A_1939 : vector<2x1024xi1>
    %xor3A_1941 = arith.xori %xor3A_1940, %eq3A_1813 : vector<2x1024xi1>
    %select_n3A_1942 = arith.select %xor3A_1941, %select_n3A_1916, %select_n3A_1929 : vector<2x1024xi1>, vector<2x1024xf32>
    %select_n3A_1943 = arith.select %xor3A_1941, %select_n3A_1917, %select_n3A_1934 : vector<2x1024xi1>, vector<2x1024xi32>
    %iota3A_1944 = tpu.iota {dimensions = array<i32: 1>} : vector<2x1024xi32>
    %and3A_1945 = arith.constant 16 : i32
    %and3A_1946 = vector.broadcast %and3A_1945 : i32 to vector<2x1024xi32>
    %and3A_1947 = arith.andi %iota3A_1944, %and3A_1946 : vector<2x1024xi32>
    %eq3A_1948 = arith.constant 0 : i32
    %eq3A_1949 = vector.broadcast %eq3A_1948 : i32 to vector<2x1024xi32>
    %eq3A_1950 = arith.cmpi eq, %and3A_1947, %eq3A_1949 : vector<2x1024xi32>
    %roll3A_1951 = arith.constant 1008 : i32
    %roll3A_1952 = tpu.dynamic_rotate %select_n3A_1942 by %roll3A_1951 dim 1 : vector<2x1024xf32>, i32 -> vector<2x1024xf32>
    %roll3A_1953 = arith.constant 16 : i32
    %roll3A_1954 = tpu.dynamic_rotate %select_n3A_1942 by %roll3A_1953 dim 1 : vector<2x1024xf32>, i32 -> vector<2x1024xf32>
    %select_n3A_1955 = arith.select %eq3A_1950, %roll3A_1952, %roll3A_1954 : vector<2x1024xi1>, vector<2x1024xf32>
    %roll3A_1956 = arith.constant 1008 : i32
    %roll3A_1957 = tpu.dynamic_rotate %select_n3A_1943 by %roll3A_1956 dim 1 : vector<2x1024xi32>, i32 -> vector<2x1024xi32>
    %roll3A_1958 = arith.constant 16 : i32
    %roll3A_1959 = tpu.dynamic_rotate %select_n3A_1943 by %roll3A_1958 dim 1 : vector<2x1024xi32>, i32 -> vector<2x1024xi32>
    %select_n3A_1960 = arith.select %eq3A_1950, %roll3A_1957, %roll3A_1959 : vector<2x1024xi1>, vector<2x1024xi32>
    %gt3A_1961 = arith.cmpf ogt, %select_n3A_1942, %select_n3A_1955 : vector<2x1024xf32>
    %eq3A_1962 = arith.cmpf oeq, %select_n3A_1942, %select_n3A_1955 : vector<2x1024xf32>
    %lt3A_1963 = arith.cmpi slt, %select_n3A_1943, %select_n3A_1960 : vector<2x1024xi32>
    %and3A_1964 = arith.andi %eq3A_1962, %lt3A_1963 : vector<2x1024xi1>
    %or3A_1965 = arith.ori %gt3A_1961, %and3A_1964 : vector<2x1024xi1>
    %xor3A_1966 = arith.xori %eq3A_1950, %or3A_1965 : vector<2x1024xi1>
    %xor3A_1967 = arith.xori %xor3A_1966, %eq3A_1813 : vector<2x1024xi1>
    %select_n3A_1968 = arith.select %xor3A_1967, %select_n3A_1942, %select_n3A_1955 : vector<2x1024xi1>, vector<2x1024xf32>
    %select_n3A_1969 = arith.select %xor3A_1967, %select_n3A_1943, %select_n3A_1960 : vector<2x1024xi1>, vector<2x1024xi32>
    %iota3A_1970 = tpu.iota {dimensions = array<i32: 1>} : vector<2x1024xi32>
    %and3A_1971 = arith.constant 8 : i32
    %and3A_1972 = vector.broadcast %and3A_1971 : i32 to vector<2x1024xi32>
    %and3A_1973 = arith.andi %iota3A_1970, %and3A_1972 : vector<2x1024xi32>
    %eq3A_1974 = arith.constant 0 : i32
    %eq3A_1975 = vector.broadcast %eq3A_1974 : i32 to vector<2x1024xi32>
    %eq3A_1976 = arith.cmpi eq, %and3A_1973, %eq3A_1975 : vector<2x1024xi32>
    %roll3A_1977 = arith.constant 1016 : i32
    %roll3A_1978 = tpu.dynamic_rotate %select_n3A_1968 by %roll3A_1977 dim 1 : vector<2x1024xf32>, i32 -> vector<2x1024xf32>
    %roll3A_1979 = arith.constant 8 : i32
    %roll3A_1980 = tpu.dynamic_rotate %select_n3A_1968 by %roll3A_1979 dim 1 : vector<2x1024xf32>, i32 -> vector<2x1024xf32>
    %select_n3A_1981 = arith.select %eq3A_1976, %roll3A_1978, %roll3A_1980 : vector<2x1024xi1>, vector<2x1024xf32>
    %roll3A_1982 = arith.constant 1016 : i32
    %roll3A_1983 = tpu.dynamic_rotate %select_n3A_1969 by %roll3A_1982 dim 1 : vector<2x1024xi32>, i32 -> vector<2x1024xi32>
    %roll3A_1984 = arith.constant 8 : i32
    %roll3A_1985 = tpu.dynamic_rotate %select_n3A_1969 by %roll3A_1984 dim 1 : vector<2x1024xi32>, i32 -> vector<2x1024xi32>
    %select_n3A_1986 = arith.select %eq3A_1976, %roll3A_1983, %roll3A_1985 : vector<2x1024xi1>, vector<2x1024xi32>
    %gt3A_1987 = arith.cmpf ogt, %select_n3A_1968, %select_n3A_1981 : vector<2x1024xf32>
    %eq3A_1988 = arith.cmpf oeq, %select_n3A_1968, %select_n3A_1981 : vector<2x1024xf32>
    %lt3A_1989 = arith.cmpi slt, %select_n3A_1969, %select_n3A_1986 : vector<2x1024xi32>
    %and3A_1990 = arith.andi %eq3A_1988, %lt3A_1989 : vector<2x1024xi1>
    %or3A_1991 = arith.ori %gt3A_1987, %and3A_1990 : vector<2x1024xi1>
    %xor3A_1992 = arith.xori %eq3A_1976, %or3A_1991 : vector<2x1024xi1>
    %xor3A_1993 = arith.xori %xor3A_1992, %eq3A_1813 : vector<2x1024xi1>
    %select_n3A_1994 = arith.select %xor3A_1993, %select_n3A_1968, %select_n3A_1981 : vector<2x1024xi1>, vector<2x1024xf32>
    %select_n3A_1995 = arith.select %xor3A_1993, %select_n3A_1969, %select_n3A_1986 : vector<2x1024xi1>, vector<2x1024xi32>
    %iota3A_1996 = tpu.iota {dimensions = array<i32: 1>} : vector<2x1024xi32>
    %and3A_1997 = arith.constant 4 : i32
    %and3A_1998 = vector.broadcast %and3A_1997 : i32 to vector<2x1024xi32>
    %and3A_1999 = arith.andi %iota3A_1996, %and3A_1998 : vector<2x1024xi32>
    %eq3A_2000 = arith.constant 0 : i32
    %eq3A_2001 = vector.broadcast %eq3A_2000 : i32 to vector<2x1024xi32>
    %eq3A_2002 = arith.cmpi eq, %and3A_1999, %eq3A_2001 : vector<2x1024xi32>
    %roll3A_2003 = arith.constant 1020 : i32
    %roll3A_2004 = tpu.dynamic_rotate %select_n3A_1994 by %roll3A_2003 dim 1 : vector<2x1024xf32>, i32 -> vector<2x1024xf32>
    %roll3A_2005 = arith.constant 4 : i32
    %roll3A_2006 = tpu.dynamic_rotate %select_n3A_1994 by %roll3A_2005 dim 1 : vector<2x1024xf32>, i32 -> vector<2x1024xf32>
    %select_n3A_2007 = arith.select %eq3A_2002, %roll3A_2004, %roll3A_2006 : vector<2x1024xi1>, vector<2x1024xf32>
    %roll3A_2008 = arith.constant 1020 : i32
    %roll3A_2009 = tpu.dynamic_rotate %select_n3A_1995 by %roll3A_2008 dim 1 : vector<2x1024xi32>, i32 -> vector<2x1024xi32>
    %roll3A_2010 = arith.constant 4 : i32
    %roll3A_2011 = tpu.dynamic_rotate %select_n3A_1995 by %roll3A_2010 dim 1 : vector<2x1024xi32>, i32 -> vector<2x1024xi32>
    %select_n3A_2012 = arith.select %eq3A_2002, %roll3A_2009, %roll3A_2011 : vector<2x1024xi1>, vector<2x1024xi32>
    %gt3A_2013 = arith.cmpf ogt, %select_n3A_1994, %select_n3A_2007 : vector<2x1024xf32>
    %eq3A_2014 = arith.cmpf oeq, %select_n3A_1994, %select_n3A_2007 : vector<2x1024xf32>
    %lt3A_2015 = arith.cmpi slt, %select_n3A_1995, %select_n3A_2012 : vector<2x1024xi32>
    %and3A_2016 = arith.andi %eq3A_2014, %lt3A_2015 : vector<2x1024xi1>
    %or3A_2017 = arith.ori %gt3A_2013, %and3A_2016 : vector<2x1024xi1>
    %xor3A_2018 = arith.xori %eq3A_2002, %or3A_2017 : vector<2x1024xi1>
    %xor3A_2019 = arith.xori %xor3A_2018, %eq3A_1813 : vector<2x1024xi1>
    %select_n3A_2020 = arith.select %xor3A_2019, %select_n3A_1994, %select_n3A_2007 : vector<2x1024xi1>, vector<2x1024xf32>
    %select_n3A_2021 = arith.select %xor3A_2019, %select_n3A_1995, %select_n3A_2012 : vector<2x1024xi1>, vector<2x1024xi32>
    %iota3A_2022 = tpu.iota {dimensions = array<i32: 1>} : vector<2x1024xi32>
    %and3A_2023 = arith.constant 2 : i32
    %and3A_2024 = vector.broadcast %and3A_2023 : i32 to vector<2x1024xi32>
    %and3A_2025 = arith.andi %iota3A_2022, %and3A_2024 : vector<2x1024xi32>
    %eq3A_2026 = arith.constant 0 : i32
    %eq3A_2027 = vector.broadcast %eq3A_2026 : i32 to vector<2x1024xi32>
    %eq3A_2028 = arith.cmpi eq, %and3A_2025, %eq3A_2027 : vector<2x1024xi32>
    %roll3A_2029 = arith.constant 1022 : i32
    %roll3A_2030 = tpu.dynamic_rotate %select_n3A_2020 by %roll3A_2029 dim 1 : vector<2x1024xf32>, i32 -> vector<2x1024xf32>
    %roll3A_2031 = arith.constant 2 : i32
    %roll3A_2032 = tpu.dynamic_rotate %select_n3A_2020 by %roll3A_2031 dim 1 : vector<2x1024xf32>, i32 -> vector<2x1024xf32>
    %select_n3A_2033 = arith.select %eq3A_2028, %roll3A_2030, %roll3A_2032 : vector<2x1024xi1>, vector<2x1024xf32>
    %roll3A_2034 = arith.constant 1022 : i32
    %roll3A_2035 = tpu.dynamic_rotate %select_n3A_2021 by %roll3A_2034 dim 1 : vector<2x1024xi32>, i32 -> vector<2x1024xi32>
    %roll3A_2036 = arith.constant 2 : i32
    %roll3A_2037 = tpu.dynamic_rotate %select_n3A_2021 by %roll3A_2036 dim 1 : vector<2x1024xi32>, i32 -> vector<2x1024xi32>
    %select_n3A_2038 = arith.select %eq3A_2028, %roll3A_2035, %roll3A_2037 : vector<2x1024xi1>, vector<2x1024xi32>
    %gt3A_2039 = arith.cmpf ogt, %select_n3A_2020, %select_n3A_2033 : vector<2x1024xf32>
    %eq3A_2040 = arith.cmpf oeq, %select_n3A_2020, %select_n3A_2033 : vector<2x1024xf32>
    %lt3A_2041 = arith.cmpi slt, %select_n3A_2021, %select_n3A_2038 : vector<2x1024xi32>
    %and3A_2042 = arith.andi %eq3A_2040, %lt3A_2041 : vector<2x1024xi1>
    %or3A_2043 = arith.ori %gt3A_2039, %and3A_2042 : vector<2x1024xi1>
    %xor3A_2044 = arith.xori %eq3A_2028, %or3A_2043 : vector<2x1024xi1>
    %xor3A_2045 = arith.xori %xor3A_2044, %eq3A_1813 : vector<2x1024xi1>
    %select_n3A_2046 = arith.select %xor3A_2045, %select_n3A_2020, %select_n3A_2033 : vector<2x1024xi1>, vector<2x1024xf32>
    %select_n3A_2047 = arith.select %xor3A_2045, %select_n3A_2021, %select_n3A_2038 : vector<2x1024xi1>, vector<2x1024xi32>
    %iota3A_2048 = tpu.iota {dimensions = array<i32: 1>} : vector<2x1024xi32>
    %and3A_2049 = arith.constant 1 : i32
    %and3A_2050 = vector.broadcast %and3A_2049 : i32 to vector<2x1024xi32>
    %and3A_2051 = arith.andi %iota3A_2048, %and3A_2050 : vector<2x1024xi32>
    %eq3A_2052 = arith.constant 0 : i32
    %eq3A_2053 = vector.broadcast %eq3A_2052 : i32 to vector<2x1024xi32>
    %eq3A_2054 = arith.cmpi eq, %and3A_2051, %eq3A_2053 : vector<2x1024xi32>
    %roll3A_2055 = arith.constant 1023 : i32
    %roll3A_2056 = tpu.dynamic_rotate %select_n3A_2046 by %roll3A_2055 dim 1 : vector<2x1024xf32>, i32 -> vector<2x1024xf32>
    %roll3A_2057 = arith.constant 1 : i32
    %roll3A_2058 = tpu.dynamic_rotate %select_n3A_2046 by %roll3A_2057 dim 1 : vector<2x1024xf32>, i32 -> vector<2x1024xf32>
    %select_n3A_2059 = arith.select %eq3A_2054, %roll3A_2056, %roll3A_2058 : vector<2x1024xi1>, vector<2x1024xf32>
    %roll3A_2060 = arith.constant 1023 : i32
    %roll3A_2061 = tpu.dynamic_rotate %select_n3A_2047 by %roll3A_2060 dim 1 : vector<2x1024xi32>, i32 -> vector<2x1024xi32>
    %roll3A_2062 = arith.constant 1 : i32
    %roll3A_2063 = tpu.dynamic_rotate %select_n3A_2047 by %roll3A_2062 dim 1 : vector<2x1024xi32>, i32 -> vector<2x1024xi32>
    %select_n3A_2064 = arith.select %eq3A_2054, %roll3A_2061, %roll3A_2063 : vector<2x1024xi1>, vector<2x1024xi32>
    %gt3A_2065 = arith.cmpf ogt, %select_n3A_2046, %select_n3A_2059 : vector<2x1024xf32>
    %eq3A_2066 = arith.cmpf oeq, %select_n3A_2046, %select_n3A_2059 : vector<2x1024xf32>
    %lt3A_2067 = arith.cmpi slt, %select_n3A_2047, %select_n3A_2064 : vector<2x1024xi32>
    %and3A_2068 = arith.andi %eq3A_2066, %lt3A_2067 : vector<2x1024xi1>
    %or3A_2069 = arith.ori %gt3A_2065, %and3A_2068 : vector<2x1024xi1>
    %xor3A_2070 = arith.xori %eq3A_2054, %or3A_2069 : vector<2x1024xi1>
    %xor3A_2071 = arith.xori %xor3A_2070, %eq3A_1813 : vector<2x1024xi1>
    %select_n3A_2072 = arith.select %xor3A_2071, %select_n3A_2046, %select_n3A_2059 : vector<2x1024xi1>, vector<2x1024xf32>
    %select_n3A_2073 = arith.select %xor3A_2071, %select_n3A_2047, %select_n3A_2064 : vector<2x1024xi1>, vector<2x1024xi32>
    %slice3A_2074 = vector.extract_strided_slice %select_n3A_2072 {offsets = [0, 0], sizes = [1, 1024], strides = [1, 1]} : vector<2x1024xf32> to vector<1x1024xf32>
    %slice3A_2075 = vector.extract_strided_slice %select_n3A_2072 {offsets = [1, 0], sizes = [1, 1024], strides = [1, 1]} : vector<2x1024xf32> to vector<1x1024xf32>
    %slice3A_2076 = vector.extract_strided_slice %select_n3A_2073 {offsets = [0, 0], sizes = [1, 1024], strides = [1, 1]} : vector<2x1024xi32> to vector<1x1024xi32>
    %slice3A_2077 = vector.extract_strided_slice %select_n3A_2073 {offsets = [1, 0], sizes = [1, 1024], strides = [1, 1]} : vector<2x1024xi32> to vector<1x1024xi32>
    %gt3A_2078 = arith.cmpf ogt, %slice3A_2074, %slice3A_2075 : vector<1x1024xf32>
    %eq3A_2079 = arith.cmpf oeq, %slice3A_2074, %slice3A_2075 : vector<1x1024xf32>
    %lt3A_2080 = arith.cmpi slt, %slice3A_2076, %slice3A_2077 : vector<1x1024xi32>
    %and3A_2081 = arith.andi %eq3A_2079, %lt3A_2080 : vector<1x1024xi1>
    %or3A_2082 = arith.ori %gt3A_2078, %and3A_2081 : vector<1x1024xi1>
    %select_n3A_2083 = arith.select %or3A_2082, %slice3A_2074, %slice3A_2075 : vector<1x1024xi1>, vector<1x1024xf32>
    %select_n3A_2084 = arith.select %or3A_2082, %slice3A_2076, %slice3A_2077 : vector<1x1024xi1>, vector<1x1024xi32>
    %iota3A_2085 = tpu.iota {dimensions = array<i32: 0>} : vector<1x1024xi32>
    %ge3A_2086 = arith.constant 0 : i32
    %ge3A_2087 = vector.broadcast %ge3A_2086 : i32 to vector<1x1024xi32>
    %ge3A_2088 = arith.cmpi sge, %iota3A_2085, %ge3A_2087 : vector<1x1024xi32>
    %iota3A_2089 = tpu.iota {dimensions = array<i32: 1>} : vector<1x1024xi32>
    %and3A_2090 = arith.constant 512 : i32
    %and3A_2091 = vector.broadcast %and3A_2090 : i32 to vector<1x1024xi32>
    %and3A_2092 = arith.andi %iota3A_2089, %and3A_2091 : vector<1x1024xi32>
    %eq3A_2093 = arith.constant 0 : i32
    %eq3A_2094 = vector.broadcast %eq3A_2093 : i32 to vector<1x1024xi32>
    %eq3A_2095 = arith.cmpi eq, %and3A_2092, %eq3A_2094 : vector<1x1024xi32>
    %roll3A_2096 = arith.constant 512 : i32
    %roll3A_2097 = tpu.dynamic_rotate %select_n3A_2083 by %roll3A_2096 dim 1 : vector<1x1024xf32>, i32 -> vector<1x1024xf32>
    %roll3A_2098 = arith.constant 512 : i32
    %roll3A_2099 = tpu.dynamic_rotate %select_n3A_2083 by %roll3A_2098 dim 1 : vector<1x1024xf32>, i32 -> vector<1x1024xf32>
    %select_n3A_2100 = arith.select %eq3A_2095, %roll3A_2097, %roll3A_2099 : vector<1x1024xi1>, vector<1x1024xf32>
    %roll3A_2101 = arith.constant 512 : i32
    %roll3A_2102 = tpu.dynamic_rotate %select_n3A_2084 by %roll3A_2101 dim 1 : vector<1x1024xi32>, i32 -> vector<1x1024xi32>
    %roll3A_2103 = arith.constant 512 : i32
    %roll3A_2104 = tpu.dynamic_rotate %select_n3A_2084 by %roll3A_2103 dim 1 : vector<1x1024xi32>, i32 -> vector<1x1024xi32>
    %select_n3A_2105 = arith.select %eq3A_2095, %roll3A_2102, %roll3A_2104 : vector<1x1024xi1>, vector<1x1024xi32>
    %gt3A_2106 = arith.cmpf ogt, %select_n3A_2083, %select_n3A_2100 : vector<1x1024xf32>
    %eq3A_2107 = arith.cmpf oeq, %select_n3A_2083, %select_n3A_2100 : vector<1x1024xf32>
    %lt3A_2108 = arith.cmpi slt, %select_n3A_2084, %select_n3A_2105 : vector<1x1024xi32>
    %and3A_2109 = arith.andi %eq3A_2107, %lt3A_2108 : vector<1x1024xi1>
    %or3A_2110 = arith.ori %gt3A_2106, %and3A_2109 : vector<1x1024xi1>
    %xor3A_2111 = arith.xori %eq3A_2095, %or3A_2110 : vector<1x1024xi1>
    %xor3A_2112 = arith.xori %xor3A_2111, %ge3A_2088 : vector<1x1024xi1>
    %select_n3A_2113 = arith.select %xor3A_2112, %select_n3A_2083, %select_n3A_2100 : vector<1x1024xi1>, vector<1x1024xf32>
    %select_n3A_2114 = arith.select %xor3A_2112, %select_n3A_2084, %select_n3A_2105 : vector<1x1024xi1>, vector<1x1024xi32>
    %iota3A_2115 = tpu.iota {dimensions = array<i32: 1>} : vector<1x1024xi32>
    %and3A_2116 = arith.constant 256 : i32
    %and3A_2117 = vector.broadcast %and3A_2116 : i32 to vector<1x1024xi32>
    %and3A_2118 = arith.andi %iota3A_2115, %and3A_2117 : vector<1x1024xi32>
    %eq3A_2119 = arith.constant 0 : i32
    %eq3A_2120 = vector.broadcast %eq3A_2119 : i32 to vector<1x1024xi32>
    %eq3A_2121 = arith.cmpi eq, %and3A_2118, %eq3A_2120 : vector<1x1024xi32>
    %roll3A_2122 = arith.constant 768 : i32
    %roll3A_2123 = tpu.dynamic_rotate %select_n3A_2113 by %roll3A_2122 dim 1 : vector<1x1024xf32>, i32 -> vector<1x1024xf32>
    %roll3A_2124 = arith.constant 256 : i32
    %roll3A_2125 = tpu.dynamic_rotate %select_n3A_2113 by %roll3A_2124 dim 1 : vector<1x1024xf32>, i32 -> vector<1x1024xf32>
    %select_n3A_2126 = arith.select %eq3A_2121, %roll3A_2123, %roll3A_2125 : vector<1x1024xi1>, vector<1x1024xf32>
    %roll3A_2127 = arith.constant 768 : i32
    %roll3A_2128 = tpu.dynamic_rotate %select_n3A_2114 by %roll3A_2127 dim 1 : vector<1x1024xi32>, i32 -> vector<1x1024xi32>
    %roll3A_2129 = arith.constant 256 : i32
    %roll3A_2130 = tpu.dynamic_rotate %select_n3A_2114 by %roll3A_2129 dim 1 : vector<1x1024xi32>, i32 -> vector<1x1024xi32>
    %select_n3A_2131 = arith.select %eq3A_2121, %roll3A_2128, %roll3A_2130 : vector<1x1024xi1>, vector<1x1024xi32>
    %gt3A_2132 = arith.cmpf ogt, %select_n3A_2113, %select_n3A_2126 : vector<1x1024xf32>
    %eq3A_2133 = arith.cmpf oeq, %select_n3A_2113, %select_n3A_2126 : vector<1x1024xf32>
    %lt3A_2134 = arith.cmpi slt, %select_n3A_2114, %select_n3A_2131 : vector<1x1024xi32>
    %and3A_2135 = arith.andi %eq3A_2133, %lt3A_2134 : vector<1x1024xi1>
    %or3A_2136 = arith.ori %gt3A_2132, %and3A_2135 : vector<1x1024xi1>
    %xor3A_2137 = arith.xori %eq3A_2121, %or3A_2136 : vector<1x1024xi1>
    %xor3A_2138 = arith.xori %xor3A_2137, %ge3A_2088 : vector<1x1024xi1>
    %select_n3A_2139 = arith.select %xor3A_2138, %select_n3A_2113, %select_n3A_2126 : vector<1x1024xi1>, vector<1x1024xf32>
    %select_n3A_2140 = arith.select %xor3A_2138, %select_n3A_2114, %select_n3A_2131 : vector<1x1024xi1>, vector<1x1024xi32>
    %iota3A_2141 = tpu.iota {dimensions = array<i32: 1>} : vector<1x1024xi32>
    %and3A_2142 = arith.constant 128 : i32
    %and3A_2143 = vector.broadcast %and3A_2142 : i32 to vector<1x1024xi32>
    %and3A_2144 = arith.andi %iota3A_2141, %and3A_2143 : vector<1x1024xi32>
    %eq3A_2145 = arith.constant 0 : i32
    %eq3A_2146 = vector.broadcast %eq3A_2145 : i32 to vector<1x1024xi32>
    %eq3A_2147 = arith.cmpi eq, %and3A_2144, %eq3A_2146 : vector<1x1024xi32>
    %roll3A_2148 = arith.constant 896 : i32
    %roll3A_2149 = tpu.dynamic_rotate %select_n3A_2139 by %roll3A_2148 dim 1 : vector<1x1024xf32>, i32 -> vector<1x1024xf32>
    %roll3A_2150 = arith.constant 128 : i32
    %roll3A_2151 = tpu.dynamic_rotate %select_n3A_2139 by %roll3A_2150 dim 1 : vector<1x1024xf32>, i32 -> vector<1x1024xf32>
    %select_n3A_2152 = arith.select %eq3A_2147, %roll3A_2149, %roll3A_2151 : vector<1x1024xi1>, vector<1x1024xf32>
    %roll3A_2153 = arith.constant 896 : i32
    %roll3A_2154 = tpu.dynamic_rotate %select_n3A_2140 by %roll3A_2153 dim 1 : vector<1x1024xi32>, i32 -> vector<1x1024xi32>
    %roll3A_2155 = arith.constant 128 : i32
    %roll3A_2156 = tpu.dynamic_rotate %select_n3A_2140 by %roll3A_2155 dim 1 : vector<1x1024xi32>, i32 -> vector<1x1024xi32>
    %select_n3A_2157 = arith.select %eq3A_2147, %roll3A_2154, %roll3A_2156 : vector<1x1024xi1>, vector<1x1024xi32>
    %gt3A_2158 = arith.cmpf ogt, %select_n3A_2139, %select_n3A_2152 : vector<1x1024xf32>
    %eq3A_2159 = arith.cmpf oeq, %select_n3A_2139, %select_n3A_2152 : vector<1x1024xf32>
    %lt3A_2160 = arith.cmpi slt, %select_n3A_2140, %select_n3A_2157 : vector<1x1024xi32>
    %and3A_2161 = arith.andi %eq3A_2159, %lt3A_2160 : vector<1x1024xi1>
    %or3A_2162 = arith.ori %gt3A_2158, %and3A_2161 : vector<1x1024xi1>
    %xor3A_2163 = arith.xori %eq3A_2147, %or3A_2162 : vector<1x1024xi1>
    %xor3A_2164 = arith.xori %xor3A_2163, %ge3A_2088 : vector<1x1024xi1>
    %select_n3A_2165 = arith.select %xor3A_2164, %select_n3A_2139, %select_n3A_2152 : vector<1x1024xi1>, vector<1x1024xf32>
    %select_n3A_2166 = arith.select %xor3A_2164, %select_n3A_2140, %select_n3A_2157 : vector<1x1024xi1>, vector<1x1024xi32>
    %iota3A_2167 = tpu.iota {dimensions = array<i32: 1>} : vector<1x1024xi32>
    %and3A_2168 = arith.constant 64 : i32
    %and3A_2169 = vector.broadcast %and3A_2168 : i32 to vector<1x1024xi32>
    %and3A_2170 = arith.andi %iota3A_2167, %and3A_2169 : vector<1x1024xi32>
    %eq3A_2171 = arith.constant 0 : i32
    %eq3A_2172 = vector.broadcast %eq3A_2171 : i32 to vector<1x1024xi32>
    %eq3A_2173 = arith.cmpi eq, %and3A_2170, %eq3A_2172 : vector<1x1024xi32>
    %roll3A_2174 = arith.constant 960 : i32
    %roll3A_2175 = tpu.dynamic_rotate %select_n3A_2165 by %roll3A_2174 dim 1 : vector<1x1024xf32>, i32 -> vector<1x1024xf32>
    %roll3A_2176 = arith.constant 64 : i32
    %roll3A_2177 = tpu.dynamic_rotate %select_n3A_2165 by %roll3A_2176 dim 1 : vector<1x1024xf32>, i32 -> vector<1x1024xf32>
    %select_n3A_2178 = arith.select %eq3A_2173, %roll3A_2175, %roll3A_2177 : vector<1x1024xi1>, vector<1x1024xf32>
    %roll3A_2179 = arith.constant 960 : i32
    %roll3A_2180 = tpu.dynamic_rotate %select_n3A_2166 by %roll3A_2179 dim 1 : vector<1x1024xi32>, i32 -> vector<1x1024xi32>
    %roll3A_2181 = arith.constant 64 : i32
    %roll3A_2182 = tpu.dynamic_rotate %select_n3A_2166 by %roll3A_2181 dim 1 : vector<1x1024xi32>, i32 -> vector<1x1024xi32>
    %select_n3A_2183 = arith.select %eq3A_2173, %roll3A_2180, %roll3A_2182 : vector<1x1024xi1>, vector<1x1024xi32>
    %gt3A_2184 = arith.cmpf ogt, %select_n3A_2165, %select_n3A_2178 : vector<1x1024xf32>
    %eq3A_2185 = arith.cmpf oeq, %select_n3A_2165, %select_n3A_2178 : vector<1x1024xf32>
    %lt3A_2186 = arith.cmpi slt, %select_n3A_2166, %select_n3A_2183 : vector<1x1024xi32>
    %and3A_2187 = arith.andi %eq3A_2185, %lt3A_2186 : vector<1x1024xi1>
    %or3A_2188 = arith.ori %gt3A_2184, %and3A_2187 : vector<1x1024xi1>
    %xor3A_2189 = arith.xori %eq3A_2173, %or3A_2188 : vector<1x1024xi1>
    %xor3A_2190 = arith.xori %xor3A_2189, %ge3A_2088 : vector<1x1024xi1>
    %select_n3A_2191 = arith.select %xor3A_2190, %select_n3A_2165, %select_n3A_2178 : vector<1x1024xi1>, vector<1x1024xf32>
    %select_n3A_2192 = arith.select %xor3A_2190, %select_n3A_2166, %select_n3A_2183 : vector<1x1024xi1>, vector<1x1024xi32>
    %iota3A_2193 = tpu.iota {dimensions = array<i32: 1>} : vector<1x1024xi32>
    %and3A_2194 = arith.constant 32 : i32
    %and3A_2195 = vector.broadcast %and3A_2194 : i32 to vector<1x1024xi32>
    %and3A_2196 = arith.andi %iota3A_2193, %and3A_2195 : vector<1x1024xi32>
    %eq3A_2197 = arith.constant 0 : i32
    %eq3A_2198 = vector.broadcast %eq3A_2197 : i32 to vector<1x1024xi32>
    %eq3A_2199 = arith.cmpi eq, %and3A_2196, %eq3A_2198 : vector<1x1024xi32>
    %roll3A_2200 = arith.constant 992 : i32
    %roll3A_2201 = tpu.dynamic_rotate %select_n3A_2191 by %roll3A_2200 dim 1 : vector<1x1024xf32>, i32 -> vector<1x1024xf32>
    %roll3A_2202 = arith.constant 32 : i32
    %roll3A_2203 = tpu.dynamic_rotate %select_n3A_2191 by %roll3A_2202 dim 1 : vector<1x1024xf32>, i32 -> vector<1x1024xf32>
    %select_n3A_2204 = arith.select %eq3A_2199, %roll3A_2201, %roll3A_2203 : vector<1x1024xi1>, vector<1x1024xf32>
    %roll3A_2205 = arith.constant 992 : i32
    %roll3A_2206 = tpu.dynamic_rotate %select_n3A_2192 by %roll3A_2205 dim 1 : vector<1x1024xi32>, i32 -> vector<1x1024xi32>
    %roll3A_2207 = arith.constant 32 : i32
    %roll3A_2208 = tpu.dynamic_rotate %select_n3A_2192 by %roll3A_2207 dim 1 : vector<1x1024xi32>, i32 -> vector<1x1024xi32>
    %select_n3A_2209 = arith.select %eq3A_2199, %roll3A_2206, %roll3A_2208 : vector<1x1024xi1>, vector<1x1024xi32>
    %gt3A_2210 = arith.cmpf ogt, %select_n3A_2191, %select_n3A_2204 : vector<1x1024xf32>
    %eq3A_2211 = arith.cmpf oeq, %select_n3A_2191, %select_n3A_2204 : vector<1x1024xf32>
    %lt3A_2212 = arith.cmpi slt, %select_n3A_2192, %select_n3A_2209 : vector<1x1024xi32>
    %and3A_2213 = arith.andi %eq3A_2211, %lt3A_2212 : vector<1x1024xi1>
    %or3A_2214 = arith.ori %gt3A_2210, %and3A_2213 : vector<1x1024xi1>
    %xor3A_2215 = arith.xori %eq3A_2199, %or3A_2214 : vector<1x1024xi1>
    %xor3A_2216 = arith.xori %xor3A_2215, %ge3A_2088 : vector<1x1024xi1>
    %select_n3A_2217 = arith.select %xor3A_2216, %select_n3A_2191, %select_n3A_2204 : vector<1x1024xi1>, vector<1x1024xf32>
    %select_n3A_2218 = arith.select %xor3A_2216, %select_n3A_2192, %select_n3A_2209 : vector<1x1024xi1>, vector<1x1024xi32>
    %iota3A_2219 = tpu.iota {dimensions = array<i32: 1>} : vector<1x1024xi32>
    %and3A_2220 = arith.constant 16 : i32
    %and3A_2221 = vector.broadcast %and3A_2220 : i32 to vector<1x1024xi32>
    %and3A_2222 = arith.andi %iota3A_2219, %and3A_2221 : vector<1x1024xi32>
    %eq3A_2223 = arith.constant 0 : i32
    %eq3A_2224 = vector.broadcast %eq3A_2223 : i32 to vector<1x1024xi32>
    %eq3A_2225 = arith.cmpi eq, %and3A_2222, %eq3A_2224 : vector<1x1024xi32>
    %roll3A_2226 = arith.constant 1008 : i32
    %roll3A_2227 = tpu.dynamic_rotate %select_n3A_2217 by %roll3A_2226 dim 1 : vector<1x1024xf32>, i32 -> vector<1x1024xf32>
    %roll3A_2228 = arith.constant 16 : i32
    %roll3A_2229 = tpu.dynamic_rotate %select_n3A_2217 by %roll3A_2228 dim 1 : vector<1x1024xf32>, i32 -> vector<1x1024xf32>
    %select_n3A_2230 = arith.select %eq3A_2225, %roll3A_2227, %roll3A_2229 : vector<1x1024xi1>, vector<1x1024xf32>
    %roll3A_2231 = arith.constant 1008 : i32
    %roll3A_2232 = tpu.dynamic_rotate %select_n3A_2218 by %roll3A_2231 dim 1 : vector<1x1024xi32>, i32 -> vector<1x1024xi32>
    %roll3A_2233 = arith.constant 16 : i32
    %roll3A_2234 = tpu.dynamic_rotate %select_n3A_2218 by %roll3A_2233 dim 1 : vector<1x1024xi32>, i32 -> vector<1x1024xi32>
    %select_n3A_2235 = arith.select %eq3A_2225, %roll3A_2232, %roll3A_2234 : vector<1x1024xi1>, vector<1x1024xi32>
    %gt3A_2236 = arith.cmpf ogt, %select_n3A_2217, %select_n3A_2230 : vector<1x1024xf32>
    %eq3A_2237 = arith.cmpf oeq, %select_n3A_2217, %select_n3A_2230 : vector<1x1024xf32>
    %lt3A_2238 = arith.cmpi slt, %select_n3A_2218, %select_n3A_2235 : vector<1x1024xi32>
    %and3A_2239 = arith.andi %eq3A_2237, %lt3A_2238 : vector<1x1024xi1>
    %or3A_2240 = arith.ori %gt3A_2236, %and3A_2239 : vector<1x1024xi1>
    %xor3A_2241 = arith.xori %eq3A_2225, %or3A_2240 : vector<1x1024xi1>
    %xor3A_2242 = arith.xori %xor3A_2241, %ge3A_2088 : vector<1x1024xi1>
    %select_n3A_2243 = arith.select %xor3A_2242, %select_n3A_2217, %select_n3A_2230 : vector<1x1024xi1>, vector<1x1024xf32>
    %select_n3A_2244 = arith.select %xor3A_2242, %select_n3A_2218, %select_n3A_2235 : vector<1x1024xi1>, vector<1x1024xi32>
    %iota3A_2245 = tpu.iota {dimensions = array<i32: 1>} : vector<1x1024xi32>
    %and3A_2246 = arith.constant 8 : i32
    %and3A_2247 = vector.broadcast %and3A_2246 : i32 to vector<1x1024xi32>
    %and3A_2248 = arith.andi %iota3A_2245, %and3A_2247 : vector<1x1024xi32>
    %eq3A_2249 = arith.constant 0 : i32
    %eq3A_2250 = vector.broadcast %eq3A_2249 : i32 to vector<1x1024xi32>
    %eq3A_2251 = arith.cmpi eq, %and3A_2248, %eq3A_2250 : vector<1x1024xi32>
    %roll3A_2252 = arith.constant 1016 : i32
    %roll3A_2253 = tpu.dynamic_rotate %select_n3A_2243 by %roll3A_2252 dim 1 : vector<1x1024xf32>, i32 -> vector<1x1024xf32>
    %roll3A_2254 = arith.constant 8 : i32
    %roll3A_2255 = tpu.dynamic_rotate %select_n3A_2243 by %roll3A_2254 dim 1 : vector<1x1024xf32>, i32 -> vector<1x1024xf32>
    %select_n3A_2256 = arith.select %eq3A_2251, %roll3A_2253, %roll3A_2255 : vector<1x1024xi1>, vector<1x1024xf32>
    %roll3A_2257 = arith.constant 1016 : i32
    %roll3A_2258 = tpu.dynamic_rotate %select_n3A_2244 by %roll3A_2257 dim 1 : vector<1x1024xi32>, i32 -> vector<1x1024xi32>
    %roll3A_2259 = arith.constant 8 : i32
    %roll3A_2260 = tpu.dynamic_rotate %select_n3A_2244 by %roll3A_2259 dim 1 : vector<1x1024xi32>, i32 -> vector<1x1024xi32>
    %select_n3A_2261 = arith.select %eq3A_2251, %roll3A_2258, %roll3A_2260 : vector<1x1024xi1>, vector<1x1024xi32>
    %gt3A_2262 = arith.cmpf ogt, %select_n3A_2243, %select_n3A_2256 : vector<1x1024xf32>
    %eq3A_2263 = arith.cmpf oeq, %select_n3A_2243, %select_n3A_2256 : vector<1x1024xf32>
    %lt3A_2264 = arith.cmpi slt, %select_n3A_2244, %select_n3A_2261 : vector<1x1024xi32>
    %and3A_2265 = arith.andi %eq3A_2263, %lt3A_2264 : vector<1x1024xi1>
    %or3A_2266 = arith.ori %gt3A_2262, %and3A_2265 : vector<1x1024xi1>
    %xor3A_2267 = arith.xori %eq3A_2251, %or3A_2266 : vector<1x1024xi1>
    %xor3A_2268 = arith.xori %xor3A_2267, %ge3A_2088 : vector<1x1024xi1>
    %select_n3A_2269 = arith.select %xor3A_2268, %select_n3A_2243, %select_n3A_2256 : vector<1x1024xi1>, vector<1x1024xf32>
    %select_n3A_2270 = arith.select %xor3A_2268, %select_n3A_2244, %select_n3A_2261 : vector<1x1024xi1>, vector<1x1024xi32>
    %iota3A_2271 = tpu.iota {dimensions = array<i32: 1>} : vector<1x1024xi32>
    %and3A_2272 = arith.constant 4 : i32
    %and3A_2273 = vector.broadcast %and3A_2272 : i32 to vector<1x1024xi32>
    %and3A_2274 = arith.andi %iota3A_2271, %and3A_2273 : vector<1x1024xi32>
    %eq3A_2275 = arith.constant 0 : i32
    %eq3A_2276 = vector.broadcast %eq3A_2275 : i32 to vector<1x1024xi32>
    %eq3A_2277 = arith.cmpi eq, %and3A_2274, %eq3A_2276 : vector<1x1024xi32>
    %roll3A_2278 = arith.constant 1020 : i32
    %roll3A_2279 = tpu.dynamic_rotate %select_n3A_2269 by %roll3A_2278 dim 1 : vector<1x1024xf32>, i32 -> vector<1x1024xf32>
    %roll3A_2280 = arith.constant 4 : i32
    %roll3A_2281 = tpu.dynamic_rotate %select_n3A_2269 by %roll3A_2280 dim 1 : vector<1x1024xf32>, i32 -> vector<1x1024xf32>
    %select_n3A_2282 = arith.select %eq3A_2277, %roll3A_2279, %roll3A_2281 : vector<1x1024xi1>, vector<1x1024xf32>
    %roll3A_2283 = arith.constant 1020 : i32
    %roll3A_2284 = tpu.dynamic_rotate %select_n3A_2270 by %roll3A_2283 dim 1 : vector<1x1024xi32>, i32 -> vector<1x1024xi32>
    %roll3A_2285 = arith.constant 4 : i32
    %roll3A_2286 = tpu.dynamic_rotate %select_n3A_2270 by %roll3A_2285 dim 1 : vector<1x1024xi32>, i32 -> vector<1x1024xi32>
    %select_n3A_2287 = arith.select %eq3A_2277, %roll3A_2284, %roll3A_2286 : vector<1x1024xi1>, vector<1x1024xi32>
    %gt3A_2288 = arith.cmpf ogt, %select_n3A_2269, %select_n3A_2282 : vector<1x1024xf32>
    %eq3A_2289 = arith.cmpf oeq, %select_n3A_2269, %select_n3A_2282 : vector<1x1024xf32>
    %lt3A_2290 = arith.cmpi slt, %select_n3A_2270, %select_n3A_2287 : vector<1x1024xi32>
    %and3A_2291 = arith.andi %eq3A_2289, %lt3A_2290 : vector<1x1024xi1>
    %or3A_2292 = arith.ori %gt3A_2288, %and3A_2291 : vector<1x1024xi1>
    %xor3A_2293 = arith.xori %eq3A_2277, %or3A_2292 : vector<1x1024xi1>
    %xor3A_2294 = arith.xori %xor3A_2293, %ge3A_2088 : vector<1x1024xi1>
    %select_n3A_2295 = arith.select %xor3A_2294, %select_n3A_2269, %select_n3A_2282 : vector<1x1024xi1>, vector<1x1024xf32>
    %select_n3A_2296 = arith.select %xor3A_2294, %select_n3A_2270, %select_n3A_2287 : vector<1x1024xi1>, vector<1x1024xi32>
    %iota3A_2297 = tpu.iota {dimensions = array<i32: 1>} : vector<1x1024xi32>
    %and3A_2298 = arith.constant 2 : i32
    %and3A_2299 = vector.broadcast %and3A_2298 : i32 to vector<1x1024xi32>
    %and3A_2300 = arith.andi %iota3A_2297, %and3A_2299 : vector<1x1024xi32>
    %eq3A_2301 = arith.constant 0 : i32
    %eq3A_2302 = vector.broadcast %eq3A_2301 : i32 to vector<1x1024xi32>
    %eq3A_2303 = arith.cmpi eq, %and3A_2300, %eq3A_2302 : vector<1x1024xi32>
    %roll3A_2304 = arith.constant 1022 : i32
    %roll3A_2305 = tpu.dynamic_rotate %select_n3A_2295 by %roll3A_2304 dim 1 : vector<1x1024xf32>, i32 -> vector<1x1024xf32>
    %roll3A_2306 = arith.constant 2 : i32
    %roll3A_2307 = tpu.dynamic_rotate %select_n3A_2295 by %roll3A_2306 dim 1 : vector<1x1024xf32>, i32 -> vector<1x1024xf32>
    %select_n3A_2308 = arith.select %eq3A_2303, %roll3A_2305, %roll3A_2307 : vector<1x1024xi1>, vector<1x1024xf32>
    %roll3A_2309 = arith.constant 1022 : i32
    %roll3A_2310 = tpu.dynamic_rotate %select_n3A_2296 by %roll3A_2309 dim 1 : vector<1x1024xi32>, i32 -> vector<1x1024xi32>
    %roll3A_2311 = arith.constant 2 : i32
    %roll3A_2312 = tpu.dynamic_rotate %select_n3A_2296 by %roll3A_2311 dim 1 : vector<1x1024xi32>, i32 -> vector<1x1024xi32>
    %select_n3A_2313 = arith.select %eq3A_2303, %roll3A_2310, %roll3A_2312 : vector<1x1024xi1>, vector<1x1024xi32>
    %gt3A_2314 = arith.cmpf ogt, %select_n3A_2295, %select_n3A_2308 : vector<1x1024xf32>
    %eq3A_2315 = arith.cmpf oeq, %select_n3A_2295, %select_n3A_2308 : vector<1x1024xf32>
    %lt3A_2316 = arith.cmpi slt, %select_n3A_2296, %select_n3A_2313 : vector<1x1024xi32>
    %and3A_2317 = arith.andi %eq3A_2315, %lt3A_2316 : vector<1x1024xi1>
    %or3A_2318 = arith.ori %gt3A_2314, %and3A_2317 : vector<1x1024xi1>
    %xor3A_2319 = arith.xori %eq3A_2303, %or3A_2318 : vector<1x1024xi1>
    %xor3A_2320 = arith.xori %xor3A_2319, %ge3A_2088 : vector<1x1024xi1>
    %select_n3A_2321 = arith.select %xor3A_2320, %select_n3A_2295, %select_n3A_2308 : vector<1x1024xi1>, vector<1x1024xf32>
    %select_n3A_2322 = arith.select %xor3A_2320, %select_n3A_2296, %select_n3A_2313 : vector<1x1024xi1>, vector<1x1024xi32>
    %iota3A_2323 = tpu.iota {dimensions = array<i32: 1>} : vector<1x1024xi32>
    %and3A_2324 = arith.constant 1 : i32
    %and3A_2325 = vector.broadcast %and3A_2324 : i32 to vector<1x1024xi32>
    %and3A_2326 = arith.andi %iota3A_2323, %and3A_2325 : vector<1x1024xi32>
    %eq3A_2327 = arith.constant 0 : i32
    %eq3A_2328 = vector.broadcast %eq3A_2327 : i32 to vector<1x1024xi32>
    %eq3A_2329 = arith.cmpi eq, %and3A_2326, %eq3A_2328 : vector<1x1024xi32>
    %roll3A_2330 = arith.constant 1023 : i32
    %roll3A_2331 = tpu.dynamic_rotate %select_n3A_2321 by %roll3A_2330 dim 1 : vector<1x1024xf32>, i32 -> vector<1x1024xf32>
    %roll3A_2332 = arith.constant 1 : i32
    %roll3A_2333 = tpu.dynamic_rotate %select_n3A_2321 by %roll3A_2332 dim 1 : vector<1x1024xf32>, i32 -> vector<1x1024xf32>
    %select_n3A_2334 = arith.select %eq3A_2329, %roll3A_2331, %roll3A_2333 : vector<1x1024xi1>, vector<1x1024xf32>
    %roll3A_2335 = arith.constant 1023 : i32
    %roll3A_2336 = tpu.dynamic_rotate %select_n3A_2322 by %roll3A_2335 dim 1 : vector<1x1024xi32>, i32 -> vector<1x1024xi32>
    %roll3A_2337 = arith.constant 1 : i32
    %roll3A_2338 = tpu.dynamic_rotate %select_n3A_2322 by %roll3A_2337 dim 1 : vector<1x1024xi32>, i32 -> vector<1x1024xi32>
    %select_n3A_2339 = arith.select %eq3A_2329, %roll3A_2336, %roll3A_2338 : vector<1x1024xi1>, vector<1x1024xi32>
    %gt3A_2340 = arith.cmpf ogt, %select_n3A_2321, %select_n3A_2334 : vector<1x1024xf32>
    %eq3A_2341 = arith.cmpf oeq, %select_n3A_2321, %select_n3A_2334 : vector<1x1024xf32>
    %lt3A_2342 = arith.cmpi slt, %select_n3A_2322, %select_n3A_2339 : vector<1x1024xi32>
    %and3A_2343 = arith.andi %eq3A_2341, %lt3A_2342 : vector<1x1024xi1>
    %or3A_2344 = arith.ori %gt3A_2340, %and3A_2343 : vector<1x1024xi1>
    %xor3A_2345 = arith.xori %eq3A_2329, %or3A_2344 : vector<1x1024xi1>
    %xor3A_2346 = arith.xori %xor3A_2345, %ge3A_2088 : vector<1x1024xi1>
    %select_n3A_2347 = arith.select %xor3A_2346, %select_n3A_2321, %select_n3A_2334 : vector<1x1024xi1>, vector<1x1024xf32>
    %select_n3A_2348 = arith.select %xor3A_2346, %select_n3A_2322, %select_n3A_2339 : vector<1x1024xi1>, vector<1x1024xi32>
    %reshape3A_2349 = vector.shape_cast %select_n3A_2347 : vector<1x1024xf32> to vector<8x128xf32>
    %swap3A = arith.constant 0 : index
    %swap3A_2350 = arith.constant 0 : index
    %swap3A_2351 = arith.constant 0 : index
    %swap3A_2352 = vector.load %arg2[%swap3A, %swap3A_2350, %swap3A_2351] : memref<1x8x128xf32, #tpu.memory_space<vmem>>, vector<1x8x128xf32>
    %swap3A_2353 = vector.shape_cast %swap3A_2352 : vector<1x8x128xf32> to vector<8x128xf32>
    %swap3A_2354 = vector.shape_cast %reshape3A_2349 : vector<8x128xf32> to vector<1x8x128xf32>
    tpu.vector_store %arg2[%swap3A, %swap3A_2350, %swap3A_2351], %swap3A_2354 {strides = array<i32>} : memref<1x8x128xf32, #tpu.memory_space<vmem>>, vector<1x8x128xf32>,
    %reshape3A_2355 = vector.shape_cast %select_n3A_2348 : vector<1x1024xi32> to vector<8x128xi32>
    %swap3A_2356 = arith.constant 0 : index
    %swap3A_2357 = arith.constant 0 : index
    %swap3A_2358 = arith.constant 0 : index
    %swap3A_2359 = vector.load %arg3[%swap3A_2356, %swap3A_2357, %swap3A_2358] : memref<1x8x128xi32, #tpu.memory_space<vmem>>, vector<1x8x128xi32>
    %swap3A_2360 = vector.shape_cast %swap3A_2359 : vector<1x8x128xi32> to vector<8x128xi32>
    %swap3A_2361 = vector.shape_cast %reshape3A_2355 : vector<8x128xi32> to vector<1x8x128xi32>
    tpu.vector_store %arg3[%swap3A_2356, %swap3A_2357, %swap3A_2358], %swap3A_2361 {strides = array<i32>} : memref<1x8x128xi32, #tpu.memory_space<vmem>>, vector<1x8x128xi32>,
    return
  }
  func.func @transform_0(%arg0: i32) -> (i32, i32, i32, i32) {
    %c0_i32 = arith.constant 0 : i32
    %c0_i32_0 = arith.constant 0 : i32
    %c0_i32_1 = arith.constant 0 : i32
    %c0_i32_2 = arith.constant 0 : i32
    return %arg0, %c0_i32, %c0_i32_0, %c0_i32_1 : i32, i32, i32, i32
  }
  func.func @transform_1(%arg0: i32) -> (i32, i32, i32) {
    %c0_i32 = arith.constant 0 : i32
    %c0_i32_0 = arith.constant 0 : i32
    %c0_i32_1 = arith.constant 0 : i32
    return %arg0, %c0_i32, %c0_i32_0 : i32, i32, i32
  }
  func.func @transform_2(%arg0: i32) -> (i32, i32, i32) {
    %c0_i32 = arith.constant 0 : i32
    %c0_i32_0 = arith.constant 0 : i32
    %c0_i32_1 = arith.constant 0 : i32
    return %arg0, %c0_i32, %c0_i32_0 : i32, i32, i32
  }
}

</mosaic_0001>

<sc_bundles>
// kernel: kernel.4.cloned.1.call-start
scs
__scs_entry_jumppad:
0x0: {  	(pc) =	sbr.rel $0x88, $3  }
0x1: {  	(tag) =	ssettag $0x0;
	lr =	simm.s32 $0x1  }
0x2: {  	[smem:$0x3FA0] =	sst lr;
	_ =	strace $0xD0000000  }
0x3: {  	_ = 	snop  }
0x4: {  	_ = 	snop  }
0x5: {  	_ = 	snop  }
0x6: {  	_ = 	snop  }
0x7: {  	_ = 	snop  }
__scs_overlays_trampoline_lowered:
0x8: {  	[smem:$0x3FAF] =	sst s0  }
0x9: {  	[smem:$0x3FB0] =	sst s1  }
0xa: {  	[smem:$0x3FB1] =	sst s2  }
0xb: {  	[smem:$0x3FB2] =	sst s3  }
0xc: {  	[smem:$0x3FB3] =	sst s4  }
0xd: {  	[smem:$0x3FB4] =	sst s5  }
0xe: {  	[smem:$0x3FB5] =	sst s6  }
0xf: {  	[smem:$0x3FB6] =	sst s7  }
0x10: {  	[smem:$0x3FB7] =	sst s8  }
0x11: {  	[smem:$0x3FB8] =	sst s9;
	s0 =	simm.s32 @!p0 $0x0  }
0x12: {  	s1 =	sld [smem:$0x3F9E];
	s0 =	simm.s32 @p0 $0x1  }
0x13: {  	[smem:$0x3FB9] =	sst s0;
	s0 =	simm.s32 @!p1 $0x0  }
0x14: {  	s2 =	sld [smem:$0x3F9D];
	s0 =	simm.s32 @p1 $0x1  }
0x15: {  	[smem:$0x3FBA] =	sst s0;
	s0 =	simm.s32 @!p2 $0x0  }
0x16: {  	s3 =	sld [smem:$0x3FDB];
	s0 =	simm.s32 @p2 $0x1  }
0x17: {  	s4 =	simm.s32 $0x1BF5;
	[smem:$0x3FBC] =	sst s0  }
0x18: {  	s0 =	sld [smem:$0x3F9F];
	_ =	swait.ge [sflag:s4], $0x0  }
0x19: {  	s7 =	sld [smem:$0x3FA0]  }
0x1a: {  	s8 =	sadd.s32 $0xFFFFE003, lr  }
0x1b: {  	s9 =	sadd.s32 $0xFFFFFEF7, lr;
	s5 =	simm.s32 $0xFFFFFFFF;
	p2 =	slt.u32 s8, $0xFFFFF086  }
0x1c: {  	p1 =	slt.u32 s9, $0xF7A;
	s5 =	simm.s32 @!p2 $0x0  }
0x1d: {  	s5 =	simm.s32 @p1 $0x1;
	p0 =	seq.s32 s7, s2  }
0x1e: {  	s7 =	smul.u32 @!p0 $0xF7A, s2;
	p2 =	seq.s32 @!p0 s5, $0x0  }
0x1f: {  	s9 =	smul.u32 $0xF7A, s1;
	s8 =	simm.s32 @!p0 $0x1BF5;
	p2 =	por !p2, p0  }
0x20: {  	[sflag:s8] =	ssyncset.s32 @!p0 $0xFFFFF086;
	s6 =	sadd.s32 @!p0 s3, s7;
	s7 =	simm.s32 @!p0 $0x108  }
0x21: {  	s3 =	sadd.s32 s3, s9;
	s6 =	sadd.s32 @!p0 $0x88, s6;
	s7 =	simm.s32 @p2 $0x1082  }
0x22: {  	[simem:s7], [sflag:s8] =	dma.local @!p0 [hbm:s6], $0xF7A  }
0x23: {  	s9 =	sor.u32 $0xD0000000, s2;
	s6 =	simm.s32 $0x108;
	_ =	swait.ge @!p0 [sflag:s8], $0x0  }
0x24: {  	s3 =	sadd.s32 $0x88, s3;
	s6 =	simm.s32 @!p1 $0x1082;
	[sflag:s4] =	ssyncset.s32 $0xFFFFF086  }
0x25: {  	[simem:s6], [sflag:s4] =	dma.local [hbm:s3], $0xF7A  }
0x26: {  	[smem:$0x3FA0] =	sst s1;
	(tag) =	ssettag s2;
	_ =	strace s9  }
0x27: {  	s1 =	sld [smem:$0x3FB0]  }
0x28: {  	s2 =	sld [smem:$0x3FB1]  }
0x29: {  	s4 =	sld [smem:$0x3FB3]  }
0x2a: {  	p0 =	seq.s32 s5, $0x0;
	s5 =	sld [smem:$0x3FB4]  }
0x2b: {  	s6 =	sld [smem:$0x3FB5]  }
0x2c: {  	s7 =	sld [smem:$0x3FB6]  }
0x2d: {  	s3 =	simm.s32 $0x108;
	s8 =	sld [smem:$0x3FB7]  }
0x2e: {  	s3 =	simm.s32 @!p0 $0x1082;
	s9 =	sld [smem:$0x3FB8]  }
0x2f: {  	lr =	sadd.s32 s0, s3;
	s0 =	sld [smem:$0x3FAF]  }
0x30: {  	s3 =	sld [smem:$0x3FB2]  }
0x31: {  	[smem:$0x3FBB] =	sst s10  }
0x32: {  	s10 =	sld [smem:$0x3FB9];
	_ =	sdelay $0x3  }
0x33: {  	p0 =	seq.s32 s10, $0x1;
	s10 =	sld [smem:$0x3FBB];
	_ =	sdelay $0x3  }
0x34: {  	[smem:$0x3FBB] =	sst s10  }
0x35: {  	s10 =	sld [smem:$0x3FBA];
	_ =	sdelay $0x3  }
0x36: {  	p1 =	seq.s32 s10, $0x1;
	s10 =	sld [smem:$0x3FBB];
	_ =	sdelay $0x3  }
0x37: {  	[smem:$0x3FBB] =	sst s10  }
0x38: {  	s10 =	sld [smem:$0x3FBC]  }
0x39: {  	_ = 	snop;
	(pc) =	sbr.ind lr, $3  }
0x3a: {  	_ = 	snop  }
0x3b: {  	_ = 	snop  }
0x3c: {  	p2 =	seq.s32 s10, $0x1;
	s10 =	sld [smem:$0x3FBB]  }
0x3d: {  	_ =	shalt  }
0x3e: {  	_ =	shalt  }
0x3f: {  	_ =	shalt  }
0x40: {  	_ =	shalt  }
0x41: {  	_ =	shalt  }
0x42: {  	_ =	shalt  }
0x43: {  	_ =	shalt  }
0x44: {  	_ =	shalt  }
0x45: {  	_ =	shalt  }
0x46: {  	_ =	shalt  }
0x47: {  	_ =	shalt  }
0x48: {  	_ =	shalt  }
0x49: {  	_ =	shalt  }
0x4a: {  	_ =	shalt  }
0x4b: {  	_ =	shalt  }
0x4c: {  	_ =	shalt  }
0x4d: {  	_ =	shalt  }
0x4e: {  	_ =	shalt  }
0x4f: {  	_ =	shalt  }
0x50: {  	_ =	shalt  }
0x51: {  	_ =	shalt  }
0x52: {  	_ =	shalt  }
0x53: {  	_ =	shalt  }
0x54: {  	_ =	shalt  }
0x55: {  	_ =	shalt  }
0x56: {  	_ =	shalt  }
0x57: {  	_ =	shalt  }
0x58: {  	_ =	shalt  }
0x59: {  	_ =	shalt  }
0x5a: {  	_ =	shalt  }
0x5b: {  	_ =	shalt  }
0x5c: {  	_ =	shalt  }
0x5d: {  	_ =	shalt  }
0x5e: {  	_ =	shalt  }
0x5f: {  	_ =	shalt  }
0x60: {  	_ =	shalt  }
0x61: {  	_ =	shalt  }
0x62: {  	_ =	shalt  }
0x63: {  	_ =	shalt  }
0x64: {  	_ =	shalt  }
0x65: {  	_ =	shalt  }
0x66: {  	_ =	shalt  }
0x67: {  	_ =	shalt  }
0x68: {  	_ =	shalt  }
0x69: {  	_ =	shalt  }
0x6a: {  	_ =	shalt  }
0x6b: {  	_ =	shalt  }
0x6c: {  	_ =	shalt  }
0x6d: {  	_ =	shalt  }
0x6e: {  	_ =	shalt  }
0x6f: {  	_ =	shalt  }
0x70: {  	_ =	shalt  }
0x71: {  	_ =	shalt  }
0x72: {  	_ =	shalt  }
0x73: {  	_ =	shalt  }
0x74: {  	_ =	shalt  }
0x75: {  	_ =	shalt  }
0x76: {  	_ =	shalt  }
0x77: {  	_ =	shalt  }
0x78: {  	_ =	shalt  }
0x79: {  	_ =	shalt  }
0x7a: {  	_ =	shalt  }
0x7b: {  	_ =	shalt  }
0x7c: {  	_ =	shalt  }
0x7d: {  	_ =	shalt  }
0x7e: {  	_ =	shalt  }
0x7f: {  	_ =	shalt  }
0x80: {  	_ =	shalt  }
0x81: {  	_ =	shalt  }
0x82: {  	_ =	shalt  }
0x83: {  	_ =	shalt  }
0x84: {  	_ =	shalt  }
0x85: {  	_ =	shalt  }
0x86: {  	_ =	shalt  }
0x87: {  	_ =	shalt  }
.Lfunc_end0:
.L_simem_size_0:
called_computation_lowered:
.L_overlay_start_0:
0x88: {  	s2 =	sld [smem:$0x3FD9]  }
0x89: {  	s3 =	sld [smem:$0x3FFE];
	_ =	sdelay $0x1  }
0x8a: {  	s1 =	srdreg.scid  }
0x8b: {  	s0 =	sand.u32 $0x1, s1  }
0x8c: {  	s14 =	sshll.u32 s0, $0xA;
	s2 =	sadd.s32 s3, s2  }
0x8d: {  	s2 =	sadd.s32 s2, s14  }
0x8e: {  	[smem:$0x3FC7] =	sst s2  }
0x8f: {  	_ = 	snop  }
0x90: {  	s2 =	sld [smem:$0x3FD0];
	_ =	sdelay $0x2  }
0x91: {  	s15 =	simm.s32 $0xA;
	s4 =	simm.s32 $0x10  }
0x92: {  	[smem:s4], [sflag:s15] =	dma.local [hbm:s2], $0x1  }
0x93: {  	_ =	swait.eq [sflag:s15], $0x1  }
0x94: {  	[sflag:s15] =	ssyncset.done $0x0  }
0x95: {  	[sflag:s15] =	ssyncadd.s32 $0xFFFFFFFF  }
0x96: {  	s16 =	sld [smem:$0x10];
	(tm) =	ssettm $0x1  }
0x97: {  	s17 =	sld [smem:$0x3FFB];
	_ =	sdelay $0x3  }
0x98: {  	_ =	strace s17  }
0x99: {  	s3 =	sld [smem:$0x3FFC];
	_ =	sdelay $0x3  }
0x9a: {  	_ =	strace s3  }
0x9b: {  	s3 =	sld [smem:$0x3FFD];
	_ =	sdelay $0x3  }
0x9c: {  	_ =	strace s3  }
0x9d: {  	_ =	strace $0x8FFFFFFF  }
0x9e: {  	s18 =	sld [smem:$0x3FDB];
	_ =	sdelay $0x1  }
0x9f: {  	s19 =	simm.s32 $_scs_section_size  }
0xa0: {  	s5 =	simm.s32 $_size__tile_overlayer_lowered;
	s6 =	simm.s32 $_tile_overlayer_lowered  }
0xa1: {  	s22 =	simm.s32 $0x1BFF;
	s21 =	sshll.u32 s6, $0x1;
	s3 =	sadd.s32 s19, s18  }
0xa2: {  	s7 =	simm.s32 $0x0;
	s20 =	sshll.u32 s5, $0x1;
	s5 =	sadd.s32 s21, s3  }
0xa3: {  	[timem:s7], [sflag:s22] =	dma.local [hbm:s5], s20  }
0xa4: {  	_ =	swait.ge [sflag:s22], s20  }
0xa5: {  	s4 =	ssub.s32 $0x0, s20;
	[sflag:s22] =	ssyncset.done $0x0  }
0xa6: {  	[sflag:s22] =	ssyncadd.s32 s4;
	_ =	sdelay $0x1  }
0xa7: {  	s23 =	simm.s32 $0x1B8B  }
0xa8: {  	_ =	swait.ge [sflag:s23], $0x1  }
0xa9: {  	[sflag:s23] =	ssyncset.done $0x0  }
0xaa: {  	s25 =	simm.s32 $0x1B8E;
	s24 =	sld [smem:$0x3FFE];
	[sflag:s23] =	ssyncadd.s32 $0xFFFFFFFF  }
0xab: {  	s26 =	simm.s32 $execute0_lowered;
	[smem:$0x3FD2] =	sst s25  }
0xac: {  	s5 =	sshll.u32 s26, $0x1;
	_ =	strace $0x80000046;
	[dreg:$0x1] =	wrdreg $0xFFFFFFFF  }
0xad: {  	s28 =	simm.s32 $_size_execute0_lowered;
	s3 =	sadd.s32 s3, s5;
	[dreg:$0x0] =	wrdreg $0x0  }
0xae: {  	s5 =	sshll.u32 s28, $0x1;
	[dreg:$0x2] =	wrdreg s3  }
0xaf: {  	[dreg:$0x3] =	wrdreg s5  }
0xb0: {  	[dreg:$0x4] =	wrdreg $0xC0  }
0xb1: {  	_ =	task [dreg:s7], $0x5FFFF  }
0xb2: {  	[dreg:$0x1] =	wrdreg $0xFFFFFFFF  }
0xb3: {  	[dreg:$0x0] =	wrdreg $0x60  }
0xb4: {  	[dreg:$0x2] =	wrdreg s24  }
0xb5: {  	[dreg:$0x3] =	wrdreg s16  }
0xb6: {  	[dreg:$0x4] =	wrdreg $0x9  }
0xb7: {  	_ =	task.clear_ibuf [dreg:s7], $0x5FFFF;
	_ =	strace $0x90000046  }
0xb8: {  	s29 =	simm.s32 $0x9;
	_ =	strace $0x80000048  }
0xb9: {  	_ =	swait.ge [sflag:s29], $0x1  }
0xba: {  	[sflag:s29] =	ssyncadd.s32 $0xFFFFFFFF  }
0xbb: {  	_ =	strace $0x90000048  }
0xbc: {  	_ =	sfence  }
0xbd: {  	s30 =	sld [smem:$0x0];
	_ =	sdelay $0x2  }
0xbe: {  	s31 =	sshll.u32 s1, $0xD;
	s1 =	sshrl.u32 s1, $0x2  }
0xbf: {  	s3 =	sand.u32 $0x4000, s31;
	s1 =	sadd.s32 s1, s30  }
0xc0: {  	s0 =	sor.u32 s3, s0;
	s1 =	sshll.u32 s1, $0x11  }
0xc1: {  	s0 =	sor.u32 s1, s0  }
0xc2: {  	s0 =	sadd.s32 $0x8F2B, s0  }
0xc3: {  	[sflag:s0] =	ssyncadd.remote.s32 $0x1  }
0xc4: {  	_ =	sfence.sel $0xFFFF  }
0xc5: {  	[dreg:$0x0] =	wrdreg $0xFFFFFFFF;
	(pc) =	sbr.abs _section_cstart, $3  }
0xc6: {  	[dreg:$0x1] =	wrdreg $0xFFFFFFFF  }
0xc7: {  	_ =	task.clear_ibuf [dreg:s7], $0x2FFFF;
	_ =	strace $0x9FFFFFFF  }
0xc8: {  	(tm) =	ssettm $0x7FFFFFFF  }
0xc9: {  	_ =	shalt  }
tec
execute0_lowered:
.L_overlay_start_1:
0x0: {  	(tag) =	ssettag $0x1  }
0x1: {  	s4 =	rddreg [dreg:$0x0];
	s0 =	srdreg.scid  }
0x2: {  	s5 =	rddreg [dreg:$0x1];
	s1 =	stileid.u32;
	s2 =	simm.s32 $0x0  }
0x3: {  	s11 =	simm.s32 $0x80;
	s12 =	simm.s32 $0x100;
	s13 =	simm.s32 $0x300  }
0x4: {  	s14 =	simm.s32 $0x200;
	s15 =	simm.s32 $0x400;
	s16 =	simm.s32 $0x180  }
0x5: {  	s17 =	simm.s32 $0x380;
	s18 =	simm.s32 $0x280;
	s19 =	simm.s32 $0x480  }
0x6: {  	s20 =	simm.s32 $0x1;
	s21 =	simm.s32 $0x500;
	s24 =	simm.s32 $0x800  }
0x7: {  	s3 =	sand.u32 $0x1, s0;
	s0 =	rddreg [dreg:$0x2];
	s6 =	sshll.u32 s1, $0x6  }
0x8: {  	s8 =	sshrl.u32 s1, $0x1;
	[smem:$0x7FF] =	sst s2;
	s7 =	sshll.u32 s3, $0x5  }
0x9: {  	s29 =	sshll.u32 s8, $0x9;
	_ =	strace $0x80000047;
	s30 =	ssub.s32 $0x2, s3  }
0xa: {  	s3 =	sadd.s32 $0xC00, s4;
	s22 =	sshll.u32 s8, $0x13;
	s6 =	sor.u32 s7, s6  }
0xb: {  	s31 =	sshrl.u32 s30, $0x1;
	s23 =	sor.u32 $0x40000, s22;
	s9 =	sand.u32 $0x60, s6  }
0xc: {  	v0 =	vmov s22;
	s22 =	simm.s32 $0x600;
	v1 =	vmov s23;
	s23 =	simm.s32 $0x700;
	s7 =	sor.u32 s29, s9  }
0xd: {  	s9 =	ssub.s32 s30, s31;
	s10 =	sadd.s32 s7, s4;
	s4 =	sadd.s32 s5, s6  }
0xe: {  	s9 =	smax.u32 s9, $0x1;
	s5 =	sadd.s32 $0x80C00, s10;
	s6 =	sadd.s32 $0x80C80, s10  }
0xf: {  	s7 =	sadd.s32 $0x80D00, s10;
	s8 =	sadd.s32 $0x80D80, s10;
	s10 =	simm.s32 $0x2  }
.LBB2_1:
0x10: {  	[tilespmem:s2], [sflag:$0x2] =	stream.linear.gather [hbm4b:s4+s2], $0x100, $0x38;
	[tilespmem:$0x900] =	vst v63  }
0x11: {  	_ =	swait.ge [sflag:s10], $0x100  }
0x12: {  	[sflag:s10] =	ssyncset.done $0x0  }
0x13: {  	[sflag:s10] =	ssyncadd.s32 $0xFFFFFF00  }
0x14: {  	v2 =	vld [tilespmem:$0x0];
	_ =	sdelay $0x1  }
0x15: {  	v3 =	vld [tilespmem:$0x10];
	_ =	sdelay $0x1  }
0x16: {  	v4 =	vld [tilespmem:$0x20]  }
0x17: {  	v5 =	vadd.s32 v0, v2  }
0x18: {  	v20 =	vld [tilespmem:$0x30];
	v2 =	vadd.s32 v1, v2;
	[tilespmem:$0x100] =	vst v5  }
0x19: {  	[tilespmem:$0x200] =	vst v2;
	v2 =	vadd.s32 v0, v3  }
0x1a: {  	[tilespmem:$0x110] =	vst v2;
	v2 =	vadd.s32 v1, v3;
	v3 =	vld [tilespmem:$0x40]  }
0x1b: {  	[tilespmem:$0x210] =	vst v2;
	v2 =	vadd.s32 v0, v4  }
0x1c: {  	v21 =	vld [tilespmem:$0x50];
	[tilespmem:$0x120] =	vst v2;
	v2 =	vadd.s32 v1, v4  }
0x1d: {  	[tilespmem:$0x220] =	vst v2;
	v2 =	vadd.s32 v0, v20  }
0x1e: {  	v22 =	vld [tilespmem:$0x60];
	[tilespmem:$0x130] =	vst v2;
	v2 =	vadd.s32 v1, v20  }
0x1f: {  	[tilespmem:$0x230] =	vst v2;
	v2 =	vadd.s32 v0, v3  }
0x20: {  	[tilespmem:$0x140] =	vst v2;
	v2 =	vadd.s32 v1, v3;
	v3 =	vld [tilespmem:$0x70]  }
0x21: {  	[tilespmem:$0x240] =	vst v2;
	v2 =	vadd.s32 v0, v21  }
0x22: {  	v23 =	vld [tilespmem:$0x80];
	[tilespmem:$0x150] =	vst v2;
	v2 =	vadd.s32 v1, v21  }
0x23: {  	[tilespmem:$0x250] =	vst v2;
	v2 =	vadd.s32 v0, v22  }
0x24: {  	v24 =	vld [tilespmem:$0x90];
	[tilespmem:$0x160] =	vst v2;
	v2 =	vadd.s32 v1, v22  }
0x25: {  	[tilespmem:$0x260] =	vst v2;
	v2 =	vadd.s32 v0, v3  }
0x26: {  	[tilespmem:$0x170] =	vst v2;
	v2 =	vadd.s32 v1, v3;
	v3 =	vld [tilespmem:$0xA0]  }
0x27: {  	[tilespmem:$0x270] =	vst v2;
	v2 =	vadd.s32 v0, v23  }
0x28: {  	v25 =	vld [tilespmem:$0xB0];
	[tilespmem:$0x180] =	vst v2;
	v2 =	vadd.s32 v1, v23  }
0x29: {  	[tilespmem:$0x280] =	vst v2;
	v2 =	vadd.s32 v0, v24  }
0x2a: {  	v26 =	vld [tilespmem:$0xC0];
	[tilespmem:$0x190] =	vst v2;
	v2 =	vadd.s32 v1, v24  }
0x2b: {  	[tilespmem:$0x290] =	vst v2;
	v2 =	vadd.s32 v0, v3  }
0x2c: {  	[tilespmem:$0x1A0] =	vst v2;
	v2 =	vadd.s32 v1, v3;
	v3 =	vld [tilespmem:$0xD0]  }
0x2d: {  	[tilespmem:$0x2A0] =	vst v2;
	v2 =	vadd.s32 v0, v25  }
0x2e: {  	v27 =	vld [tilespmem:$0xE0];
	[tilespmem:$0x1B0] =	vst v2;
	v2 =	vadd.s32 v1, v25  }
0x2f: {  	[tilespmem:$0x2B0] =	vst v2;
	v2 =	vadd.s32 v0, v26  }
0x30: {  	v28 =	vld [tilespmem:$0xF0];
	[tilespmem:$0x1C0] =	vst v2;
	v2 =	vadd.s32 v1, v26  }
0x31: {  	[tilespmem:$0x2C0] =	vst v2;
	v2 =	vadd.s32 v0, v3  }
0x32: {  	[tilespmem:$0x1D0] =	vst v2;
	v2 =	vadd.s32 v1, v3  }
0x33: {  	[tilespmem:$0x2D0] =	vst v2;
	v2 =	vadd.s32 v0, v27  }
0x34: {  	[tilespmem:$0x1E0] =	vst v2;
	v2 =	vadd.s32 v1, v27  }
0x35: {  	[tilespmem:$0x2E0] =	vst v2;
	v2 =	vadd.s32 v0, v28  }
0x36: {  	[tilespmem:$0x1F0] =	vst v2;
	v2 =	vadd.s32 v1, v28  }
0x37: {  	[tilespmem:$0x2F0] =	vst v2  }
0x38: {  	[tilespmem:s13], [sflag:$0x1] =	stream.indirect.gather [hbm4b:s3+s11], $0x1, s12, s11, $0xb8;
	[tilespmem:$0x900] =	vst v63  }
0x39: {  	_ = 	snop  }
0x3a: {  	[tilespmem:s15], [sflag:$0x1] =	stream.indirect.gather [hbm4b:s3+s11], $0x1, s14, s11, $0xb8;
	[tilespmem:$0x900] =	vst v63  }
0x3b: {  	_ = 	snop  }
0x3c: {  	[tilespmem:s17], [sflag:$0x1] =	stream.indirect.gather [hbm4b:s3+s11], $0x1, s16, s11, $0xb8;
	[tilespmem:$0x900] =	vst v63  }
0x3d: {  	_ = 	snop  }
0x3e: {  	[tilespmem:s19], [sflag:$0x1] =	stream.indirect.gather [hbm4b:s3+s11], $0x1, s18, s11, $0xb8;
	[tilespmem:$0x900] =	vst v63  }
0x3f: {  	_ =	swait.ge [sflag:s20], $0x80  }
0x40: {  	[sflag:s20] =	ssyncset.done $0x0  }
0x41: {  	[sflag:s20] =	ssyncadd.s32 $0xFFFFFF80  }
0x42: {  	_ =	swait.ge [sflag:s20], $0x80  }
0x43: {  	[sflag:s20] =	ssyncset.done $0x0  }
0x44: {  	[sflag:s20] =	ssyncadd.s32 $0xFFFFFF80  }
0x45: {  	_ =	swait.ge [sflag:s20], $0x80  }
0x46: {  	[sflag:s20] =	ssyncset.done $0x0  }
0x47: {  	[sflag:s20] =	ssyncadd.s32 $0xFFFFFF80  }
0x48: {  	_ =	swait.ge [sflag:s20], $0x80  }
0x49: {  	[sflag:s20] =	ssyncset.done $0x0  }
0x4a: {  	[sflag:s20] =	ssyncadd.s32 $0xFFFFFF80  }
0x4b: {  	v2 =	vld [tilespmem:$0x400]  }
0x4c: {  	v3 =	vld [tilespmem:$0x300]  }
0x4d: {  	v29 =	vld [tilespmem:$0x0]  }
0x4e: {  	v30 =	vld [tilespmem:$0x410]  }
0x4f: {  	v6 =	vld [tilespmem:$0x310]  }
0x50: {  	v8 =	vld [tilespmem:$0x10]  }
0x51: {  	v9 =	vld [tilespmem:$0x420]  }
0x52: {  	v12 =	vld [tilespmem:$0x20]  }
0x53: {  	v13 =	vld [tilespmem:$0x320]  }
0x54: {  	v14 =	vld [tilespmem:$0x430]  }
0x55: {  	v15 =	vld [tilespmem:$0x30]  }
0x56: {  	v17 =	vld [tilespmem:$0x330]  }
0x57: {  	v19 =	vld [tilespmem:$0x340];
	v2 =	vmax.f32 v2, $9.999999970e-07;
	v3 =	vmax.f32 v3, $9.999999970e-07  }
0x58: {  	v21 =	vld [tilespmem:$0x440];
	v7 =	vand.u32 $0x1FF, v29;
	v4 =	vshra.s32 v29, $0x9;
	v5 =	vmax.f32 v30, $9.999999970e-07  }
0x59: {  	v38 =	vld [tilespmem:$0x50];
	v6 =	vmax.f32 v6, $9.999999970e-07;
	v31 =	vand.u32 $0x1FF, v8;
	v8 =	vshra.s32 v8, $0x9  }
0x5a: {  	v9 =	vmax.f32 v9, $9.999999970e-07;
	v33 =	vand.u32 $0x1FF, v12;
	v13 =	vmax.f32 v13, $9.999999970e-07  }
0x5b: {  	v49 =	vld [tilespmem:$0x460];
	v34 =	vshra.s32 v12, $0x9;
	v14 =	vmax.f32 v14, $9.999999970e-07;
	v20 =	vand.u32 $0x1FF, v15  }
0x5c: {  	v51 =	vld [tilespmem:$0x360];
	v17 =	vmax.f32 v17, $9.999999970e-07;
	v15 =	vshra.s32 v15, $0x9;
	v19 =	vmax.f32 v19, $9.999999970e-07  }
0x5d: {  	v53 =	vld [tilespmem:$0x60];
	v21 =	vmax.f32 v21, $9.999999970e-07;
	v2 =	vmul.f32 $5.120000000e+02, v2;
	v3 =	vmul.f32 $5.120000000e+02, v3  }
0x5e: {  	v48 =	vand.u32 $0x1FF, v38;
	v7 =	vcvt.s32.f32 v7;
	v4 =	vcvt.s32.f32 v4  }
0x5f: {  	v62 =	vld [tilespmem:$0x70];
	v50 =	vshra.s32 v38, $0x9;
	v5 =	vmul.f32 $5.120000000e+02, v5;
	v6 =	vmul.f32 $5.120000000e+02, v6  }
0x60: {  	v41 =	vld [tilespmem:$0x350];
	v58 =	vmax.f32 v49, $9.999999970e-07;
	v8 =	vcvt.s32.f32 v8;
	v9 =	vmul.f32 $5.120000000e+02, v9  }
0x61: {  	v60 =	vmax.f32 v51, $9.999999970e-07;
	v35 =	vmul.f32 $5.120000000e+02, v13;
	v14 =	vmul.f32 $5.120000000e+02, v14  }
0x62: {  	v24 =	vand.u32 $0x1FF, v53;
	v37 =	vcvt.s32.f32 v20;
	v17 =	vmul.f32 $5.120000000e+02, v17  }
0x63: {  	v25 =	vshra.s32 v53, $0x9;
	v40 =	vcvt.s32.f32 v15;
	v2 =	vmul.f32 $5.000000000e-01, v2  }
0x64: {  	v30 =	vand.u32 $0x1FF, v62;
	v44 =	vmul.f32 $5.120000000e+02, v19;
	v3 =	vmul.f32 $5.000000000e-01, v3  }
0x65: {  	v45 =	vmul.f32 $5.120000000e+02, v21;
	v15 =	vmax.f32 v41, $9.999999970e-07;
	v10 =	vsub.f32 v7, v2  }
0x66: {  	v61 =	vmul.f32 $5.120000000e+02, v58;
	v15 =	vmul.f32 $5.120000000e+02, v15;
	v11 =	vsub.f32 v4, v3  }
0x67: {  	v5 =	vmul.f32 $5.000000000e-01, v5;
	v6 =	vmul.f32 $5.000000000e-01, v6;
	v2 =	vadd.f32 v7, v2;
	[tilespmem:$0x500] =	vst v10  }
0x68: {  	v9 =	vmul.f32 $5.000000000e-01, v9;
	v12 =	vmul.f32 $5.000000000e-01, v35;
	v3 =	vadd.f32 v4, v3;
	[tilespmem:$0x600] =	vst v11  }
0x69: {  	v36 =	vld [tilespmem:$0x40];
	v14 =	vmul.f32 $5.000000000e-01, v14;
	v17 =	vmul.f32 $5.000000000e-01, v17;
	v16 =	vsub.f32 v8, v6;
	[tilespmem:$0x700] =	vst v2  }
0x6a: {  	v47 =	vmul.f32 $5.000000000e-01, v45;
	v7 =	vcvt.s32.f32 v31;
	v6 =	vadd.f32 v8, v6;
	[tilespmem:$0x800] =	vst v3  }
0x6b: {  	v59 =	vld [tilespmem:$0x370];
	v13 =	vmul.f32 $5.000000000e-01, v44;
	v8 =	vcvt.s32.f32 v34;
	v42 =	vsub.f32 v37, v14;
	[tilespmem:$0x610] =	vst v16  }
0x6c: {  	v22 =	vld [tilespmem:$0x3C0];
	v15 =	vmul.f32 $5.000000000e-01, v15;
	v46 =	vsub.f32 v40, v17;
	v32 =	vsub.f32 v7, v5;
	[tilespmem:$0x810] =	vst v6  }
0x6d: {  	v5 =	vadd.f32 v7, v5;
	v7 =	vcvt.s32.f32 v33;
	v39 =	vsub.f32 v8, v12;
	[tilespmem:$0x530] =	vst v42  }
0x6e: {  	v43 =	vld [tilespmem:$0x450];
	v8 =	vadd.f32 v8, v12;
	v2 =	vand.u32 $0x1FF, v36;
	v3 =	vshra.s32 v36, $0x9;
	[tilespmem:$0x630] =	vst v46  }
0x6f: {  	v12 =	vadd.f32 v40, v17;
	v6 =	vcvt.s32.f32 v50;
	v11 =	vmul.f32 $5.120000000e+02, v60;
	[tilespmem:$0x510] =	vst v32  }
0x70: {  	v26 =	vld [tilespmem:$0x480];
	v17 =	vmax.f32 v59, $9.999999970e-07;
	v16 =	vshra.s32 v62, $0x9;
	v2 =	vcvt.s32.f32 v2;
	[tilespmem:$0x710] =	vst v5  }
0x71: {  	v28 =	vld [tilespmem:$0x380];
	v10 =	vmax.f32 v22, $9.999999970e-07;
	v3 =	vcvt.s32.f32 v3;
	v17 =	vmul.f32 $5.120000000e+02, v17;
	[tilespmem:$0x620] =	vst v39  }
0x72: {  	v10 =	vmul.f32 $5.120000000e+02, v10;
	v18 =	vsub.f32 v7, v9;
	v7 =	vadd.f32 v7, v9;
	[tilespmem:$0x820] =	vst v8  }
0x73: {  	v31 =	vld [tilespmem:$0x80];
	v9 =	vadd.f32 v37, v14;
	v14 =	vmax.f32 v43, $9.999999970e-07;
	v5 =	vcvt.s32.f32 v48;
	[tilespmem:$0x830] =	vst v12  }
0x74: {  	v34 =	vld [tilespmem:$0x490];
	v57 =	vsub.f32 v6, v15;
	v63 =	vadd.f32 v6, v15;
	v6 =	vcvt.s32.f32 v24;
	[tilespmem:$0x520] =	vst v18  }
0x75: {  	v55 =	vld [tilespmem:$0x470];
	v11 =	vmul.f32 $5.000000000e-01, v11;
	v32 =	vcvt.s32.f32 v16;
	v37 =	vmax.f32 v26, $9.999999970e-07;
	[tilespmem:$0x720] =	vst v7  }
0x76: {  	v39 =	vmax.f32 v28, $9.999999970e-07;
	v52 =	vsub.f32 v2, v47;
	v54 =	vsub.f32 v3, v13;
	[tilespmem:$0x730] =	vst v9  }
0x77: {  	v14 =	vmul.f32 $5.120000000e+02, v14;
	v2 =	vadd.f32 v2, v47;
	v3 =	vadd.f32 v3, v13;
	[tilespmem:$0x650] =	vst v57  }
0x78: {  	v40 =	vld [tilespmem:$0x90];
	v33 =	vmul.f32 $5.000000000e-01, v17;
	v41 =	vand.u32 $0x1FF, v31;
	v42 =	vmul.f32 $5.120000000e+02, v39;
	[tilespmem:$0x850] =	vst v63  }
0x79: {  	v50 =	vld [tilespmem:$0xA0];
	v44 =	vshra.s32 v31, $0x9;
	v46 =	vmax.f32 v34, $9.999999970e-07;
	v10 =	vmul.f32 $5.000000000e-01, v10;
	[tilespmem:$0x540] =	vst v52  }
0x7a: {  	v60 =	vld [tilespmem:$0x3B0];
	v9 =	vcvt.s32.f32 v25;
	v7 =	vmax.f32 v55, $9.999999970e-07;
	v43 =	vcvt.s32.f32 v41;
	[tilespmem:$0x640] =	vst v54  }
0x7b: {  	v49 =	vmul.f32 $5.120000000e+02, v46;
	v14 =	vmul.f32 $5.000000000e-01, v14;
	[tilespmem:$0x740] =	vst v2;
	v38 =	vsub.f32 v32, v33  }
0x7c: {  	v7 =	vmul.f32 $5.120000000e+02, v7;
	v2 =	vcvt.s32.f32 v30;
	[tilespmem:$0x840] =	vst v3;
	v29 =	vsub.f32 v9, v11  }
0x7d: {  	v51 =	vand.u32 $0x1FF, v40;
	v54 =	vshra.s32 v40, $0x9;
	v35 =	vadd.f32 v9, v11;
	[tilespmem:$0x670] =	vst v38  }
0x7e: {  	v24 =	vld [tilespmem:$0x4C0];
	v56 =	vsub.f32 v5, v14;
	v5 =	vadd.f32 v5, v14;
	v14 =	vmul.f32 $5.000000000e-01, v61;
	[tilespmem:$0x660] =	vst v29  }
0x7f: {  	v47 =	vld [tilespmem:$0x4A0];
	v19 =	vshra.s32 v50, $0x9;
	v16 =	vmax.f32 v60, $9.999999970e-07;
	v11 =	vmul.f32 $5.120000000e+02, v37;
	[tilespmem:$0x860] =	vst v35  }
0x80: {  	v53 =	vcvt.s32.f32 v51;
	v7 =	vmul.f32 $5.000000000e-01, v7;
	v27 =	vsub.f32 v6, v14;
	[tilespmem:$0x550] =	vst v56  }
0x81: {  	v20 =	vld [tilespmem:$0xC0];
	v55 =	vcvt.s32.f32 v54;
	v21 =	vcvt.s32.f32 v19;
	v3 =	vadd.f32 v6, v14;
	[tilespmem:$0x750] =	vst v5  }
0x82: {  	v26 =	vmul.f32 $5.120000000e+02, v16;
	v61 =	vand.u32 $0x1FF, v50;
	v36 =	vsub.f32 v2, v7;
	[tilespmem:$0x560] =	vst v27  }
0x83: {  	v31 =	vld [tilespmem:$0x4D0];
	v30 =	vmax.f32 v24, $9.999999970e-07;
	v11 =	vmul.f32 $5.000000000e-01, v11;
	v2 =	vadd.f32 v2, v7;
	[tilespmem:$0x760] =	vst v3  }
0x84: {  	v45 =	vld [tilespmem:$0x390];
	v59 =	vmax.f32 v47, $9.999999970e-07;
	v8 =	vcvt.s32.f32 v61;
	v6 =	vadd.f32 v32, v33;
	[tilespmem:$0x570] =	vst v36  }
0x85: {  	v57 =	vld [tilespmem:$0xB0];
	v5 =	vcvt.s32.f32 v44;
	v7 =	vmul.f32 $5.000000000e-01, v42;
	v48 =	vsub.f32 v43, v11;
	[tilespmem:$0x770] =	vst v2  }
0x86: {  	v28 =	vmul.f32 $5.000000000e-01, v26;
	v29 =	vand.u32 $0x1FF, v20;
	v4 =	vadd.f32 v43, v11;
	[tilespmem:$0x870] =	vst v6  }
0x87: {  	v34 =	vld [tilespmem:$0xD0];
	v14 =	vmul.f32 $5.000000000e-01, v49;
	v13 =	vmul.f32 $5.120000000e+02, v59;
	v3 =	vsub.f32 v5, v7;
	[tilespmem:$0x580] =	vst v48  }
0x88: {  	v52 =	vld [tilespmem:$0x3A0];
	v12 =	vmul.f32 $5.120000000e+02, v30;
	v39 =	vmax.f32 v31, $9.999999970e-07;
	v5 =	vadd.f32 v5, v7;
	[tilespmem:$0x780] =	vst v4  }
0x89: {  	v56 =	vmax.f32 v45, $9.999999970e-07;
	v58 =	vsub.f32 v53, v14;
	v13 =	vmul.f32 $5.000000000e-01, v13;
	[tilespmem:$0x680] =	vst v3  }
0x8a: {  	v62 =	vld [tilespmem:$0x4B0];
	v25 =	vand.u32 $0x1FF, v57;
	v11 =	vshra.s32 v57, $0x9;
	v2 =	vadd.f32 v53, v14;
	[tilespmem:$0x880] =	vst v5  }
0x8b: {  	v9 =	vmul.f32 $5.120000000e+02, v56;
	v11 =	vcvt.s32.f32 v11;
	v23 =	vsub.f32 v8, v13;
	[tilespmem:$0x590] =	vst v58  }
0x8c: {  	v37 =	vld [tilespmem:$0x4E0];
	v32 =	vshra.s32 v20, $0x9;
	v44 =	vshra.s32 v34, $0x9;
	v8 =	vadd.f32 v8, v13;
	[tilespmem:$0x790] =	vst v2  }
0x8d: {  	v18 =	vmax.f32 v52, $9.999999970e-07;
	v63 =	vmul.f32 $5.000000000e-01, v9;
	v35 =	vsub.f32 v11, v28;
	[tilespmem:$0x5A0] =	vst v23  }
0x8e: {  	v40 =	vld [tilespmem:$0x3E0];
	v12 =	vmul.f32 $5.000000000e-01, v12;
	v9 =	vmul.f32 $5.120000000e+02, v18;
	v36 =	vadd.f32 v11, v28;
	[tilespmem:$0x7A0] =	vst v8  }
0x8f: {  	v50 =	vld [tilespmem:$0x3F0];
	v14 =	vmax.f32 v62, $9.999999970e-07;
	v4 =	vcvt.s32.f32 v32;
	v3 =	vsub.f32 v55, v63;
	[tilespmem:$0x6B0] =	vst v35  }
0x90: {  	v33 =	vld [tilespmem:$0x3D0];
	v14 =	vmul.f32 $5.120000000e+02, v14;
	v6 =	vadd.f32 v55, v63;
	v9 =	vmul.f32 $5.000000000e-01, v9;
	[tilespmem:$0x8B0] =	vst v36  }
0x91: {  	v43 =	vand.u32 $0x1FF, v34;
	v7 =	vmax.f32 v37, $9.999999970e-07;
	v38 =	vsub.f32 v4, v10;
	[tilespmem:$0x690] =	vst v3  }
0x92: {  	v47 =	vld [tilespmem:$0x4F0];
	v5 =	vcvt.s32.f32 v25;
	v27 =	vmul.f32 $5.000000000e-01, v14;
	v3 =	vsub.f32 v21, v9;
	[tilespmem:$0x890] =	vst v6  }
0x93: {  	v42 =	vld [tilespmem:$0xE0];
	v49 =	vmax.f32 v40, $9.999999970e-07;
	v7 =	vmul.f32 $5.120000000e+02, v7;
	v2 =	vadd.f32 v21, v9;
	[tilespmem:$0x6C0] =	vst v38  }
0x94: {  	v11 =	vmul.f32 $5.120000000e+02, v39;
	v6 =	vcvt.s32.f32 v29;
	[tilespmem:$0x6A0] =	vst v3;
	v3 =	vsub.f32 v5, v27  }
0x95: {  	v59 =	vmax.f32 v50, $9.999999970e-07;
	v41 =	vmax.f32 v33, $9.999999970e-07;
	[tilespmem:$0x8A0] =	vst v2;
	v2 =	vadd.f32 v5, v27  }
0x96: {  	v45 =	vmul.f32 $5.000000000e-01, v11;
	v11 =	vmul.f32 $5.120000000e+02, v49;
	[tilespmem:$0x5B0] =	vst v3;
	v3 =	vsub.f32 v6, v12  }
0x97: {  	v6 =	vadd.f32 v6, v12;
	[tilespmem:$0x7B0] =	vst v2;
	v2 =	vadd.f32 v4, v10;
	v4 =	vcvt.s32.f32 v43  }
0x98: {  	v57 =	vmax.f32 v47, $9.999999970e-07;
	v8 =	vmul.f32 $5.120000000e+02, v41;
	v12 =	vshra.s32 v42, $0x9;
	[tilespmem:$0x5C0] =	vst v3  }
0x99: {  	v53 =	vld [tilespmem:$0xF0];
	v55 =	vmul.f32 $5.000000000e-01, v11;
	v54 =	vcvt.s32.f32 v12;
	v48 =	vsub.f32 v4, v45;
	[tilespmem:$0x7C0] =	vst v6  }
0x9a: {  	v46 =	vmul.f32 $5.000000000e-01, v8;
	v3 =	vcvt.s32.f32 v44;
	[tilespmem:$0x8C0] =	vst v2;
	v4 =	vadd.f32 v4, v45  }
0x9b: {  	v52 =	vand.u32 $0x1FF, v42;
	v7 =	vmul.f32 $5.000000000e-01, v7;
	v58 =	vsub.f32 v54, v55;
	[tilespmem:$0x5D0] =	vst v48  }
0x9c: {  	v2 =	vcvt.s32.f32 v52;
	v51 =	vsub.f32 v3, v46;
	v3 =	vadd.f32 v3, v46;
	[tilespmem:$0x7D0] =	vst v4  }
0x9d: {  	v60 =	vmul.f32 $5.120000000e+02, v59;
	v6 =	vmul.f32 $5.120000000e+02, v57;
	v62 =	vadd.f32 v54, v55;
	[tilespmem:$0x6E0] =	vst v58  }
0x9e: {  	v61 =	vshra.s32 v53, $0x9;
	v56 =	vsub.f32 v2, v7;
	[tilespmem:$0x8D0] =	vst v3;
	v3 =	vand.u32 $0x1FF, v53  }
0x9f: {  	v2 =	vadd.f32 v2, v7;
	v6 =	vmul.f32 $5.000000000e-01, v6;
	[tilespmem:$0x8E0] =	vst v62;
	v3 =	vcvt.s32.f32 v3  }
0xa0: {  	v5 =	vcvt.s32.f32 v61;
	v7 =	vmul.f32 $5.000000000e-01, v60;
	[tilespmem:$0x6D0] =	vst v51  }
0xa1: {  	[tilespmem:$0x7E0] =	vst v2;
	v2 =	vsub.f32 v3, v6  }
0xa2: {  	[tilespmem:$0x5E0] =	vst v56;
	v63 =	vsub.f32 v5, v7  }
0xa3: {  	[tilespmem:$0x5F0] =	vst v2;
	v2 =	vadd.f32 v3, v6  }
0xa4: {  	[tilespmem:$0x6F0] =	vst v63;
	v3 =	vadd.f32 v5, v7  }
0xa5: {  	[tilespmem:$0x7F0] =	vst v2  }
0xa6: {  	[tilespmem:$0x8F0] =	vst v3  }
0xa7: {  	[hbm4b:s5+s2] =	stream.linear.scatter [tilespmem:s21], [sflag:$0x2], $0x100, $0x38;
	[tilespmem:$0x900] =	vst v63  }
0xa8: {  	_ =	swait.ge [sflag:s10], $0x100  }
0xa9: {  	[sflag:s10] =	ssyncset.done $0x0  }
0xaa: {  	[sflag:s10] =	ssyncadd.s32 $0xFFFFFF00  }
0xab: {  	[hbm4b:s6+s2] =	stream.linear.scatter [tilespmem:s22], [sflag:$0x2], $0x100, $0x38;
	[tilespmem:$0x900] =	vst v63  }
0xac: {  	_ =	swait.ge [sflag:s10], $0x100  }
0xad: {  	[sflag:s10] =	ssyncset.done $0x0  }
0xae: {  	[sflag:s10] =	ssyncadd.s32 $0xFFFFFF00  }
0xaf: {  	[hbm4b:s7+s2] =	stream.linear.scatter [tilespmem:s23], [sflag:$0x2], $0x100, $0x38;
	[tilespmem:$0x900] =	vst v63  }
0xb0: {  	_ =	swait.ge [sflag:s10], $0x100  }
0xb1: {  	p0 =	sne.s32 s9, $0x1;
	[sflag:s10] =	ssyncset.done $0x0  }
.Ltmp0:
0xb2: {  	[sflag:s10] =	ssyncadd.s32 $0xFFFFFF00;
	(pc) =	sbr.rel @p0 .LBB2_1-.Ltmp0, $4  }
0xb3: {  	[hbm4b:s8+s2] =	stream.linear.scatter [tilespmem:s24], [sflag:$0x2], $0x100, $0x38;
	[tilespmem:$0x900] =	vst v63  }
0xb4: {  	_ =	swait.ge [sflag:s10], $0x100  }
0xb5: {  	[sflag:s10] =	ssyncset.done $0x0  }
0xb6: {  	s9 =	sadd.s32 $0xFFFFFFFF, s9;
	[sflag:s10] =	ssyncadd.s32 $0xFFFFFF00  }
0xb7: {  	_ =	sfence.sel $0x180000  }
0xb8: {  	[bflag:$0x0] =	sbarrier.arrive $0xFFFF  }
0xb9: {  	p0 =	sne.s32 s1, $0x0;
	_ =	strace $0x90000047  }
0xba: {  	s0 =	sadd.s32 @!p0 $0x100000, s0;
	[bflag:$0x2] =	sbarrier.arrive $0xFFFF  }
0xbb: {  	[sflag:s0] =	ssyncadd.tile.s32 @!p0 $0x1;
	_ =	shalt  }
.Lfunc_end2:
_tile_overlayer_lowered:
.L_overlay_start_2:
0xbc: {  	(tag) =	ssettag $0x2  }
0xbd: {  	s0 =	rddreg [dreg:$0x0];
	s2 =	stileid.u32  }
0xbe: {  	s1 =	rddreg [dreg:$0x1];
	p0 =	sne.s32 s2, $0x0  }
0xbf: {  	s3 =	rddreg [dreg:$0x2];
	[bflag:$0x3] =	sbarrier.arrive $0xFFFF;
	s2 =	simm.s32 @!p0 $0x1C02  }
0xc0: {  	[timem:s3], [sflag:s2] =	dma.local @!p0 [hbm:s0], s1  }
0xc1: {  	s0 =	simm.s32 @!p0 $0x2  }
0xc2: {  	_ =	swait.ge @!p0 [sflag:s0], s1  }
0xc3: {  	s1 =	ssub.s32 @!p0 $0x0, s1;
	[sflag:s0] =	ssyncset.done @!p0 $0x0  }
0xc4: {  	[sflag:s0] =	ssyncadd.s32 @!p0 s1  }
0xc5: {  	[bflag:$0x3] =	sbarrier.arrive $0xFFFF  }
0xc6: {  	_ =	shalt  }

</sc_bundles>
